<compile_context>
chip_gen: v7x
topology: tpu7x:2x2x1
jax: 0.10.2.dev20260603
libtpu: 0.0.44.dev20260713+nightly
codegen_flags: <defaults>
</compile_context>

<pallas_src>
import functools

import jax
import jax.numpy as jnp
from jax import lax
from jax.experimental import pallas as pl
from jax.experimental.pallas import tpu as pltpu
from jax.experimental.pallas import tpu_sc as plsc

_N_PATCH = 4096
_N_GT = 524288
_N_Q = 16384
_N_TILES = 16
_MAP_SIZE = _N_PATCH * _N_PATCH
_PAD_HALF = 65536
_TABLE_SIZE = _MAP_SIZE + 2 * _PAD_HALF

_GT_PER_TILE = _N_GT // _N_TILES
_Q_PER_TILE = _N_Q // _N_TILES
_GT_CHUNK = 8192
_N_GT_CHUNKS = _GT_PER_TILE // _GT_CHUNK

_ACCEPTANCE_OVERLAP = 0.3
_RRE_THRESHOLD = 5.0
_RTE_THRESHOLD = 2.0


def _sc_body(gt_r, gt_s, gt_ov, q_r, q_s, partials,
             qrb, qsb, qkb, qvb, rb, sb, ovb, kba, kbb, ones_v, zeros_v,
             prow, table, sem):
    sid = lax.axis_index("s")

    for l in range(8):
        zeros_v[pl.ds(l * 16, 16)] = jnp.zeros((16,), jnp.float32)
        ones_v[pl.ds(l * 16, 16)] = jnp.ones((16,), jnp.float32)

    qbase = sid * _Q_PER_TILE
    pltpu.sync_copy(q_r.at[pl.ds(qbase, _Q_PER_TILE)], qrb)
    pltpu.sync_copy(q_s.at[pl.ds(qbase, _Q_PER_TILE)], qsb)
    for j in range(8):
        for l in range(8):
            o = j * 128 + l * 16
            qk = qrb[pl.ds(o, 16)] * _N_PATCH + qsb[pl.ds(o, 16)]
            qkb[j, pl.ds(l * 16, 16)] = qk
    for j in range(8):
        pltpu.async_copy(zeros_v, table.at[qkb.at[j]], sem)
    for j in range(8):
        pltpu.make_async_copy(zeros_v, table.at[qkb.at[j]], sem).wait()

    plsc.subcore_barrier()

    n_rows = _GT_CHUNK // 128

    def fire(kb):
        def body(j, _):
            pltpu.async_copy(
                ones_v, table.at[plsc.Indices(kb.at[j], ignored_value=-1)],
                sem)
            return ()
        lax.fori_loop(0, n_rows, body, (), unroll=False)

    def drain(kb):
        def body(j, _):
            pltpu.make_async_copy(
                ones_v, table.at[plsc.Indices(kb.at[j], ignored_value=-1)],
                sem).wait()
            return ()
        lax.fori_loop(0, n_rows, body, (), unroll=False)

    prev_kb = None
    for c in range(_N_GT_CHUNKS):
        kb = kba if c % 2 == 0 else kbb
        gbase = sid * _GT_PER_TILE + c * _GT_CHUNK
        pltpu.sync_copy(gt_r.at[pl.ds(gbase, _GT_CHUNK)], rb)
        pltpu.sync_copy(gt_s.at[pl.ds(gbase, _GT_CHUNK)], sb)
        pltpu.sync_copy(gt_ov.at[pl.ds(gbase, _GT_CHUNK)], ovb)

        def compute_body(j, _):
            for l in range(8):
                o = j * 128 + l * 16
                rv = rb[pl.ds(o, 16)]
                sv = sb[pl.ds(o, 16)]
                ov = ovb[pl.ds(o, 16)]
                key = rv * _N_PATCH + sv
                kb[j, pl.ds(l * 16, 16)] = jnp.where(
                    ov > _ACCEPTANCE_OVERLAP, key, -1)
            return ()

        lax.fori_loop(0, n_rows, compute_body, (), unroll=False)
        if prev_kb is not None:
            drain(prev_kb)
        fire(kb)
        prev_kb = kb
    drain(prev_kb)

    plsc.subcore_barrier()

    for j in range(8):
        pltpu.async_copy(table.at[qkb.at[j]], qvb.at[j], sem)
    for j in range(8):
        pltpu.make_async_copy(table.at[qkb.at[j]], qvb.at[j], sem).wait()

    acc = jnp.zeros((16,), jnp.float32)
    for j in range(8):
        for l in range(8):
            acc = acc + qvb[j, pl.ds(l * 16, 16)]
    prow[...] = acc
    pltpu.sync_copy(prow, partials.at[sid])


@jax.jit
def _sc_scatter_gather(gt_r, gt_s, gt_ov, q_r, q_s):
    mesh = plsc.VectorSubcoreMesh(
        core_axis_name="c", subcore_axis_name="s", num_cores=1)
    f = pl.kernel(
        _sc_body,
        out_type=jax.ShapeDtypeStruct((_N_TILES, 16), jnp.float32),
        mesh=mesh,
        scratch_types=[
            pltpu.VMEM((_Q_PER_TILE,), jnp.int32),
            pltpu.VMEM((_Q_PER_TILE,), jnp.int32),
            pltpu.VMEM((8, 128), jnp.int32),
            pltpu.VMEM((8, 128), jnp.float32),
            pltpu.VMEM((_GT_CHUNK,), jnp.int32),
            pltpu.VMEM((_GT_CHUNK,), jnp.int32),
            pltpu.VMEM((_GT_CHUNK,), jnp.float32),
            pltpu.VMEM((_GT_CHUNK // 128, 128), jnp.int32),
            pltpu.VMEM((_GT_CHUNK // 128, 128), jnp.int32),
            pltpu.VMEM((128,), jnp.float32),
            pltpu.VMEM((128,), jnp.float32),
            pltpu.VMEM((16,), jnp.float32),
            pltpu.HBM((_TABLE_SIZE,), jnp.float32),
            pltpu.SemaphoreType.DMA,
        ],
    )
    return f(gt_r, gt_s, gt_ov, q_r, q_s)


def _tc_metrics_body(part_ref, gt_ref, tf_ref, rtf_ref, out_ref):
    pir = jnp.sum(part_ref[...]) * (1.0 / _N_Q)
    pmr = (pir > 0.2).astype(jnp.float32)

    g33 = gt_ref[0:3, 0:3]
    gt3 = gt_ref[0:3, 3]

    def terr(t_ref):
        t33 = t_ref[0:3, 0:3]
        cosv = jnp.clip(0.5 * (jnp.sum(t33 * g33) - 1.0), -1.0, 1.0)
        acosv = 2.0 * jnp.arctan2(jnp.sqrt(1.0 - cosv), jnp.sqrt(1.0 + cosv))
        rre = 180.0 / jnp.pi * acosv
        d = gt3 - t_ref[0:3, 3]
        rte = jnp.sqrt(jnp.sum(d * d))
        return rte, rre

    te, re = terr(tf_ref)
    rte, rre = terr(rtf_ref)
    rr = jnp.logical_and(rre < _RRE_THRESHOLD,
                         rte < _RTE_THRESHOLD).astype(jnp.float32)
    lane = lax.broadcasted_iota(jnp.int32, (8,), 0)
    out = jnp.where(lane == 0, pir, 0.0)
    out = jnp.where(lane == 1, pmr, out)
    out = jnp.where(lane == 2, re, out)
    out = jnp.where(lane == 3, te, out)
    out = jnp.where(lane == 4, rre, out)
    out = jnp.where(lane == 5, rte, out)
    out = jnp.where(lane == 6, rr, out)
    out_ref[...] = out


@jax.jit
def _tc_metrics(partials, gt_transform, transform, refined_transform):
    return pl.pallas_call(
        _tc_metrics_body,
        out_shape=jax.ShapeDtypeStruct((8,), jnp.float32),
    )(partials, gt_transform, transform, refined_transform)


def kernel(ref_feats_c, src_feats_c, gt_patch_corr_overlaps,
           gt_patch_corr_indices, ref_patch_corr_indices,
           src_patch_corr_indices, gt_transform, transform,
           refined_transform):
    gt_r = gt_patch_corr_indices[:, 0].astype(jnp.int32)
    gt_s = gt_patch_corr_indices[:, 1].astype(jnp.int32)
    q_r = ref_patch_corr_indices.astype(jnp.int32)
    q_s = src_patch_corr_indices.astype(jnp.int32)
    partials = _sc_scatter_gather(gt_r, gt_s, gt_patch_corr_overlaps,
                                  q_r, q_s)
    out = _tc_metrics(partials, gt_transform, transform, refined_transform)
    return out[:7]

# --- scband reference (transcript-rebuilt; emitter-appended) ---
"""Pipeline reference for scband-evaluator-77214922047572 (READ-ONLY COPY).

The authoritative reference and input builder live on the scoring server;
editing this copy changes nothing except your own understanding.
"""

import jax, jax.numpy as jnp
import numpy as np

HIT_THRESHOLD = 0.1
ACCEPTANCE_OVERLAP = 0.3
RRE_THRESHOLD = 5.0
RTE_THRESHOLD = 2.0

N_PATCH = 4096
N_GT_CORR = 524288
N_CORR = 16384


def setup_inputs(seed: int = 0) -> dict:
    key = jax.random.key(seed)
    ks = jax.random.split(key, 9)
    return {
        'ref_feats_c': jax.random.normal(ks[0], (N_PATCH, 256), dtype=jnp.float32),
        'src_feats_c': jax.random.normal(ks[1], (N_PATCH, 256), dtype=jnp.float32),
        'gt_patch_corr_overlaps': jax.random.uniform(ks[2], (N_GT_CORR,), dtype=jnp.float32),
        'gt_patch_corr_indices': jax.random.randint(ks[3], (N_GT_CORR, 2), 0, N_PATCH, dtype=jnp.int64) if jax.config.jax_enable_x64 else jax.random.randint(ks[3], (N_GT_CORR, 2), 0, N_PATCH),
        'ref_patch_corr_indices': jax.random.randint(ks[4], (N_CORR,), 0, N_PATCH),
        'src_patch_corr_indices': jax.random.randint(ks[5], (N_CORR,), 0, N_PATCH),
        'gt_transform': 0.1 * jax.random.normal(ks[6], (4, 4), dtype=jnp.float32),
        'transform': 0.1 * jax.random.normal(ks[7], (4, 4), dtype=jnp.float32),
        'refined_transform': 0.1 * jax.random.normal(ks[8], (4, 4), dtype=jnp.float32),
    }


def _transform_error(gt_transform, transform):
    rre = 0.5 * (jnp.trace(transform[:3, :3].T @ gt_transform[:3, :3]) - 1.0)
    rre = 180.0 * jnp.arccos(jnp.clip(rre, -1.0, 1.0)) / np.pi
    rte = jnp.linalg.norm(gt_transform[:3, 3] - transform[:3, 3])
    return rte, rre


def reference(ref_feats_c, src_feats_c, gt_patch_corr_overlaps, gt_patch_corr_indices,
              ref_patch_corr_indices, src_patch_corr_indices, gt_transform, transform,
              refined_transform):
    ref_length_c = ref_feats_c.shape[0]
    src_length_c = src_feats_c.shape[0]
    # masked scatter-overwrite of 1.0: equivalent to map[idx[mask,0], idx[mask,1]] = 1.0
    mask_f = (gt_patch_corr_overlaps > ACCEPTANCE_OVERLAP).astype(jnp.float32)
    gt_node_corr_map = jnp.zeros((ref_length_c, src_length_c), dtype=jnp.float32)
    gt_node_corr_map = gt_node_corr_map.at[gt_patch_corr_indices[:, 0], gt_patch_corr_indices[:, 1]].max(mask_f)
    PIR = gt_node_corr_map[ref_patch_corr_indices, src_patch_corr_indices].mean()
    PMR = (PIR > 0.2).astype(jnp.float32)
    te, re = _transform_error(gt_transform, transform)
    rte, rre = _transform_error(gt_transform, refined_transform)
    RR = jnp.logical_and(rre < RRE_THRESHOLD, rte < RTE_THRESHOLD).astype(jnp.float32)
    # outdoor scene, eval mode: {PIR, PMR, RE, TE, RRE, RTE, RR}
    return jnp.stack([PIR, PMR, re, te, rre, rte, RR])

if __name__ == "__main__":
    import jax
    _d = setup_inputs()
    print(jax.jit(kernel)(*tuple(_d.values())))

</pallas_src>

<mosaic_0001>
#map = affine_map<(d0, d1) -> (0)>
#map1 = affine_map<(d0, d1) -> (0, 0)>
module attributes {stable_mosaic.version = 14 : i64} {
  func.func @_sc_body(%arg0: i32, %arg1: i32, %arg2: memref<524288xi32, #tpu.memory_space<hbm>>, %arg3: memref<524288xi32, #tpu.memory_space<hbm>>, %arg4: memref<524288xf32, #tpu.memory_space<hbm>>, %arg5: memref<16384xi32, #tpu.memory_space<hbm>>, %arg6: memref<16384xi32, #tpu.memory_space<hbm>>, %arg7: memref<16x16xf32, #tpu.memory_space<hbm>>, %arg8: memref<1024xi32, #tpu.memory_space<vmem>>, %arg9: memref<1024xi32, #tpu.memory_space<vmem>>, %arg10: memref<8x128xi32, #tpu.memory_space<vmem>>, %arg11: memref<8x128xf32, #tpu.memory_space<vmem>>, %arg12: memref<8192xi32, #tpu.memory_space<vmem>>, %arg13: memref<8192xi32, #tpu.memory_space<vmem>>, %arg14: memref<8192xf32, #tpu.memory_space<vmem>>, %arg15: memref<64x128xi32, #tpu.memory_space<vmem>>, %arg16: memref<64x128xi32, #tpu.memory_space<vmem>>, %arg17: memref<128xf32, #tpu.memory_space<vmem>>, %arg18: memref<128xf32, #tpu.memory_space<vmem>>, %arg19: memref<16xf32, #tpu.memory_space<vmem>>, %arg20: memref<16908288xf32, #tpu.memory_space<hbm>>, %arg21: memref<!tpu.dma_semaphore, #tpu.memory_space<semaphore_mem>>) attributes {dimension_semantics = [#tpu.dimension_semantics<core_parallel>, #tpu.dimension_semantics<subcore_parallel>], iteration_bounds = array<i64: 1, 16>, scalar_prefetch = 0 : i64, scratch_operands = 14 : i64, tpu.core_type = #tpu.core_type<sc_vector_subcore>, window_params = [{transform_indices = #map}, {transform_indices = #map}, {transform_indices = #map}, {transform_indices = #map}, {transform_indices = #map}, {transform_indices = #map1}]} {
    %broadcast_in_dim3A = arith.constant 0.000000e+00 : f32
    %broadcast_in_dim3A_0 = vector.broadcast %broadcast_in_dim3A : f32 to vector<16xf32>
    %swap3A = arith.constant 0 : index
    %swap3A_1 = tpu.vector_load %arg18[%swap3A] {strides = array<i32>} : memref<128xf32, #tpu.memory_space<vmem>>, vector<16xf32>,
    %swap3A_2 = vector.shape_cast %swap3A_1 : vector<16xf32> to vector<16xf32>
    %swap3A_3 = vector.shape_cast %broadcast_in_dim3A_0 : vector<16xf32> to vector<16xf32>
    tpu.vector_store %arg18[%swap3A], %swap3A_3 {strides = array<i32>} : memref<128xf32, #tpu.memory_space<vmem>>, vector<16xf32>,
    %broadcast_in_dim3A_4 = arith.constant 1.000000e+00 : f32
    %broadcast_in_dim3A_5 = vector.broadcast %broadcast_in_dim3A_4 : f32 to vector<16xf32>
    %swap3A_6 = arith.constant 0 : index
    %swap3A_7 = tpu.vector_load %arg17[%swap3A_6] {strides = array<i32>} : memref<128xf32, #tpu.memory_space<vmem>>, vector<16xf32>,
    %swap3A_8 = vector.shape_cast %swap3A_7 : vector<16xf32> to vector<16xf32>
    %swap3A_9 = vector.shape_cast %broadcast_in_dim3A_5 : vector<16xf32> to vector<16xf32>
    tpu.vector_store %arg17[%swap3A_6], %swap3A_9 {strides = array<i32>} : memref<128xf32, #tpu.memory_space<vmem>>, vector<16xf32>,
    %broadcast_in_dim3A_10 = arith.constant 0.000000e+00 : f32
    %broadcast_in_dim3A_11 = vector.broadcast %broadcast_in_dim3A_10 : f32 to vector<16xf32>
    %swap3A_12 = arith.constant 16 : index
    %swap3A_13 = tpu.vector_load %arg18[%swap3A_12] {strides = array<i32>} : memref<128xf32, #tpu.memory_space<vmem>>, vector<16xf32>,
    %swap3A_14 = vector.shape_cast %swap3A_13 : vector<16xf32> to vector<16xf32>
    %swap3A_15 = vector.shape_cast %broadcast_in_dim3A_11 : vector<16xf32> to vector<16xf32>
    tpu.vector_store %arg18[%swap3A_12], %swap3A_15 {strides = array<i32>} : memref<128xf32, #tpu.memory_space<vmem>>, vector<16xf32>,
    %broadcast_in_dim3A_16 = arith.constant 1.000000e+00 : f32
    %broadcast_in_dim3A_17 = vector.broadcast %broadcast_in_dim3A_16 : f32 to vector<16xf32>
    %swap3A_18 = arith.constant 16 : index
    %swap3A_19 = tpu.vector_load %arg17[%swap3A_18] {strides = array<i32>} : memref<128xf32, #tpu.memory_space<vmem>>, vector<16xf32>,
    %swap3A_20 = vector.shape_cast %swap3A_19 : vector<16xf32> to vector<16xf32>
    %swap3A_21 = vector.shape_cast %broadcast_in_dim3A_17 : vector<16xf32> to vector<16xf32>
    tpu.vector_store %arg17[%swap3A_18], %swap3A_21 {strides = array<i32>} : memref<128xf32, #tpu.memory_space<vmem>>, vector<16xf32>,
    %broadcast_in_dim3A_22 = arith.constant 0.000000e+00 : f32
    %broadcast_in_dim3A_23 = vector.broadcast %broadcast_in_dim3A_22 : f32 to vector<16xf32>
    %swap3A_24 = arith.constant 32 : index
    %swap3A_25 = tpu.vector_load %arg18[%swap3A_24] {strides = array<i32>} : memref<128xf32, #tpu.memory_space<vmem>>, vector<16xf32>,
    %swap3A_26 = vector.shape_cast %swap3A_25 : vector<16xf32> to vector<16xf32>
    %swap3A_27 = vector.shape_cast %broadcast_in_dim3A_23 : vector<16xf32> to vector<16xf32>
    tpu.vector_store %arg18[%swap3A_24], %swap3A_27 {strides = array<i32>} : memref<128xf32, #tpu.memory_space<vmem>>, vector<16xf32>,
    %broadcast_in_dim3A_28 = arith.constant 1.000000e+00 : f32
    %broadcast_in_dim3A_29 = vector.broadcast %broadcast_in_dim3A_28 : f32 to vector<16xf32>
    %swap3A_30 = arith.constant 32 : index
    %swap3A_31 = tpu.vector_load %arg17[%swap3A_30] {strides = array<i32>} : memref<128xf32, #tpu.memory_space<vmem>>, vector<16xf32>,
    %swap3A_32 = vector.shape_cast %swap3A_31 : vector<16xf32> to vector<16xf32>
    %swap3A_33 = vector.shape_cast %broadcast_in_dim3A_29 : vector<16xf32> to vector<16xf32>
    tpu.vector_store %arg17[%swap3A_30], %swap3A_33 {strides = array<i32>} : memref<128xf32, #tpu.memory_space<vmem>>, vector<16xf32>,
    %broadcast_in_dim3A_34 = arith.constant 0.000000e+00 : f32
    %broadcast_in_dim3A_35 = vector.broadcast %broadcast_in_dim3A_34 : f32 to vector<16xf32>
    %swap3A_36 = arith.constant 48 : index
    %swap3A_37 = tpu.vector_load %arg18[%swap3A_36] {strides = array<i32>} : memref<128xf32, #tpu.memory_space<vmem>>, vector<16xf32>,
    %swap3A_38 = vector.shape_cast %swap3A_37 : vector<16xf32> to vector<16xf32>
    %swap3A_39 = vector.shape_cast %broadcast_in_dim3A_35 : vector<16xf32> to vector<16xf32>
    tpu.vector_store %arg18[%swap3A_36], %swap3A_39 {strides = array<i32>} : memref<128xf32, #tpu.memory_space<vmem>>, vector<16xf32>,
    %broadcast_in_dim3A_40 = arith.constant 1.000000e+00 : f32
    %broadcast_in_dim3A_41 = vector.broadcast %broadcast_in_dim3A_40 : f32 to vector<16xf32>
    %swap3A_42 = arith.constant 48 : index
    %swap3A_43 = tpu.vector_load %arg17[%swap3A_42] {strides = array<i32>} : memref<128xf32, #tpu.memory_space<vmem>>, vector<16xf32>,
    %swap3A_44 = vector.shape_cast %swap3A_43 : vector<16xf32> to vector<16xf32>
    %swap3A_45 = vector.shape_cast %broadcast_in_dim3A_41 : vector<16xf32> to vector<16xf32>
    tpu.vector_store %arg17[%swap3A_42], %swap3A_45 {strides = array<i32>} : memref<128xf32, #tpu.memory_space<vmem>>, vector<16xf32>,
    %broadcast_in_dim3A_46 = arith.constant 0.000000e+00 : f32
    %broadcast_in_dim3A_47 = vector.broadcast %broadcast_in_dim3A_46 : f32 to vector<16xf32>
    %swap3A_48 = arith.constant 64 : index
    %swap3A_49 = tpu.vector_load %arg18[%swap3A_48] {strides = array<i32>} : memref<128xf32, #tpu.memory_space<vmem>>, vector<16xf32>,
    %swap3A_50 = vector.shape_cast %swap3A_49 : vector<16xf32> to vector<16xf32>
    %swap3A_51 = vector.shape_cast %broadcast_in_dim3A_47 : vector<16xf32> to vector<16xf32>
    tpu.vector_store %arg18[%swap3A_48], %swap3A_51 {strides = array<i32>} : memref<128xf32, #tpu.memory_space<vmem>>, vector<16xf32>,
    %broadcast_in_dim3A_52 = arith.constant 1.000000e+00 : f32
    %broadcast_in_dim3A_53 = vector.broadcast %broadcast_in_dim3A_52 : f32 to vector<16xf32>
    %swap3A_54 = arith.constant 64 : index
    %swap3A_55 = tpu.vector_load %arg17[%swap3A_54] {strides = array<i32>} : memref<128xf32, #tpu.memory_space<vmem>>, vector<16xf32>,
    %swap3A_56 = vector.shape_cast %swap3A_55 : vector<16xf32> to vector<16xf32>
    %swap3A_57 = vector.shape_cast %broadcast_in_dim3A_53 : vector<16xf32> to vector<16xf32>
    tpu.vector_store %arg17[%swap3A_54], %swap3A_57 {strides = array<i32>} : memref<128xf32, #tpu.memory_space<vmem>>, vector<16xf32>,
    %broadcast_in_dim3A_58 = arith.constant 0.000000e+00 : f32
    %broadcast_in_dim3A_59 = vector.broadcast %broadcast_in_dim3A_58 : f32 to vector<16xf32>
    %swap3A_60 = arith.constant 80 : index
    %swap3A_61 = tpu.vector_load %arg18[%swap3A_60] {strides = array<i32>} : memref<128xf32, #tpu.memory_space<vmem>>, vector<16xf32>,
    %swap3A_62 = vector.shape_cast %swap3A_61 : vector<16xf32> to vector<16xf32>
    %swap3A_63 = vector.shape_cast %broadcast_in_dim3A_59 : vector<16xf32> to vector<16xf32>
    tpu.vector_store %arg18[%swap3A_60], %swap3A_63 {strides = array<i32>} : memref<128xf32, #tpu.memory_space<vmem>>, vector<16xf32>,
    %broadcast_in_dim3A_64 = arith.constant 1.000000e+00 : f32
    %broadcast_in_dim3A_65 = vector.broadcast %broadcast_in_dim3A_64 : f32 to vector<16xf32>
    %swap3A_66 = arith.constant 80 : index
    %swap3A_67 = tpu.vector_load %arg17[%swap3A_66] {strides = array<i32>} : memref<128xf32, #tpu.memory_space<vmem>>, vector<16xf32>,
    %swap3A_68 = vector.shape_cast %swap3A_67 : vector<16xf32> to vector<16xf32>
    %swap3A_69 = vector.shape_cast %broadcast_in_dim3A_65 : vector<16xf32> to vector<16xf32>
    tpu.vector_store %arg17[%swap3A_66], %swap3A_69 {strides = array<i32>} : memref<128xf32, #tpu.memory_space<vmem>>, vector<16xf32>,
    %broadcast_in_dim3A_70 = arith.constant 0.000000e+00 : f32
    %broadcast_in_dim3A_71 = vector.broadcast %broadcast_in_dim3A_70 : f32 to vector<16xf32>
    %swap3A_72 = arith.constant 96 : index
    %swap3A_73 = tpu.vector_load %arg18[%swap3A_72] {strides = array<i32>} : memref<128xf32, #tpu.memory_space<vmem>>, vector<16xf32>,
    %swap3A_74 = vector.shape_cast %swap3A_73 : vector<16xf32> to vector<16xf32>
    %swap3A_75 = vector.shape_cast %broadcast_in_dim3A_71 : vector<16xf32> to vector<16xf32>
    tpu.vector_store %arg18[%swap3A_72], %swap3A_75 {strides = array<i32>} : memref<128xf32, #tpu.memory_space<vmem>>, vector<16xf32>,
    %broadcast_in_dim3A_76 = arith.constant 1.000000e+00 : f32
    %broadcast_in_dim3A_77 = vector.broadcast %broadcast_in_dim3A_76 : f32 to vector<16xf32>
    %swap3A_78 = arith.constant 96 : index
    %swap3A_79 = tpu.vector_load %arg17[%swap3A_78] {strides = array<i32>} : memref<128xf32, #tpu.memory_space<vmem>>, vector<16xf32>,
    %swap3A_80 = vector.shape_cast %swap3A_79 : vector<16xf32> to vector<16xf32>
    %swap3A_81 = vector.shape_cast %broadcast_in_dim3A_77 : vector<16xf32> to vector<16xf32>
    tpu.vector_store %arg17[%swap3A_78], %swap3A_81 {strides = array<i32>} : memref<128xf32, #tpu.memory_space<vmem>>, vector<16xf32>,
    %broadcast_in_dim3A_82 = arith.constant 0.000000e+00 : f32
    %broadcast_in_dim3A_83 = vector.broadcast %broadcast_in_dim3A_82 : f32 to vector<16xf32>
    %swap3A_84 = arith.constant 112 : index
    %swap3A_85 = tpu.vector_load %arg18[%swap3A_84] {strides = array<i32>} : memref<128xf32, #tpu.memory_space<vmem>>, vector<16xf32>,
    %swap3A_86 = vector.shape_cast %swap3A_85 : vector<16xf32> to vector<16xf32>
    %swap3A_87 = vector.shape_cast %broadcast_in_dim3A_83 : vector<16xf32> to vector<16xf32>
    tpu.vector_store %arg18[%swap3A_84], %swap3A_87 {strides = array<i32>} : memref<128xf32, #tpu.memory_space<vmem>>, vector<16xf32>,
    %broadcast_in_dim3A_88 = arith.constant 1.000000e+00 : f32
    %broadcast_in_dim3A_89 = vector.broadcast %broadcast_in_dim3A_88 : f32 to vector<16xf32>
    %swap3A_90 = arith.constant 112 : index
    %swap3A_91 = tpu.vector_load %arg17[%swap3A_90] {strides = array<i32>} : memref<128xf32, #tpu.memory_space<vmem>>, vector<16xf32>,
    %swap3A_92 = vector.shape_cast %swap3A_91 : vector<16xf32> to vector<16xf32>
    %swap3A_93 = vector.shape_cast %broadcast_in_dim3A_89 : vector<16xf32> to vector<16xf32>
    tpu.vector_store %arg17[%swap3A_90], %swap3A_93 {strides = array<i32>} : memref<128xf32, #tpu.memory_space<vmem>>, vector<16xf32>,
    %mul3A = arith.constant 1024 : i32
    %mul3A_94 = arith.muli %arg1, %mul3A : i32
    "tpu.region"() ({
      %run_scoped3A = tpu.sem_alloc : memref<!tpu.dma_semaphore, #tpu.memory_space<semaphore_mem>>
      %dma_start3A_1837 = tpu.memref_slice %arg5[%mul3A_94] : memref<16384xi32, #tpu.memory_space<hbm>> -> memref<1024xi32, #tpu.memory_space<hbm>>
      %dma_start3A_1838 = tpu.memref_slice %arg5[%mul3A_94] : memref<16384xi32, #tpu.memory_space<hbm>> -> memref<1024xi32, #tpu.memory_space<hbm>>
      tpu.enqueue_dma source(%dma_start3A_1838 : memref<1024xi32, #tpu.memory_space<hbm>>) target(%arg8 : memref<1024xi32, #tpu.memory_space<vmem>>) target_semaphore(%run_scoped3A : memref<!tpu.dma_semaphore, #tpu.memory_space<semaphore_mem>>)
      %dma_wait3A_1839 = tpu.memref_slice %arg5[%mul3A_94] : memref<16384xi32, #tpu.memory_space<hbm>> -> memref<1024xi32, #tpu.memory_space<hbm>>
      %dma_wait3A_1840 = tpu.memref_slice %arg5[%mul3A_94] : memref<16384xi32, #tpu.memory_space<hbm>> -> memref<1024xi32, #tpu.memory_space<hbm>>
      tpu.wait_dma2 semaphore(%run_scoped3A : memref<!tpu.dma_semaphore, #tpu.memory_space<semaphore_mem>>) src(%dma_wait3A_1840 : memref<1024xi32, #tpu.memory_space<hbm>>) dst(%arg8 : memref<1024xi32, #tpu.memory_space<vmem>>)
      tpu.yield
    }) : () -> ()
    "tpu.region"() ({
      %run_scoped3A = tpu.sem_alloc : memref<!tpu.dma_semaphore, #tpu.memory_space<semaphore_mem>>
      %dma_start3A_1837 = tpu.memref_slice %arg6[%mul3A_94] : memref<16384xi32, #tpu.memory_space<hbm>> -> memref<1024xi32, #tpu.memory_space<hbm>>
      %dma_start3A_1838 = tpu.memref_slice %arg6[%mul3A_94] : memref<16384xi32, #tpu.memory_space<hbm>> -> memref<1024xi32, #tpu.memory_space<hbm>>
      tpu.enqueue_dma source(%dma_start3A_1838 : memref<1024xi32, #tpu.memory_space<hbm>>) target(%arg9 : memref<1024xi32, #tpu.memory_space<vmem>>) target_semaphore(%run_scoped3A : memref<!tpu.dma_semaphore, #tpu.memory_space<semaphore_mem>>)
      %dma_wait3A_1839 = tpu.memref_slice %arg6[%mul3A_94] : memref<16384xi32, #tpu.memory_space<hbm>> -> memref<1024xi32, #tpu.memory_space<hbm>>
      %dma_wait3A_1840 = tpu.memref_slice %arg6[%mul3A_94] : memref<16384xi32, #tpu.memory_space<hbm>> -> memref<1024xi32, #tpu.memory_space<hbm>>
      tpu.wait_dma2 semaphore(%run_scoped3A : memref<!tpu.dma_semaphore, #tpu.memory_space<semaphore_mem>>) src(%dma_wait3A_1840 : memref<1024xi32, #tpu.memory_space<hbm>>) dst(%arg9 : memref<1024xi32, #tpu.memory_space<vmem>>)
      tpu.yield
    }) : () -> ()
    %get3A = arith.constant 0 : index
    %get3A_95 = tpu.vector_load %arg8[%get3A] {strides = array<i32>} : memref<1024xi32, #tpu.memory_space<vmem>>, vector<16xi32>,
    %get3A_96 = vector.shape_cast %get3A_95 : vector<16xi32> to vector<16xi32>
    %mul3A_97 = arith.constant 4096 : i32
    %mul3A_98 = vector.broadcast %mul3A_97 : i32 to vector<16xi32>
    %mul3A_99 = arith.muli %get3A_96, %mul3A_98 : vector<16xi32>
    %get3A_100 = arith.constant 0 : index
    %get3A_101 = tpu.vector_load %arg9[%get3A_100] {strides = array<i32>} : memref<1024xi32, #tpu.memory_space<vmem>>, vector<16xi32>,
    %get3A_102 = vector.shape_cast %get3A_101 : vector<16xi32> to vector<16xi32>
    %add3A = arith.addi %mul3A_99, %get3A_102 : vector<16xi32>
    %swap3A_103 = arith.constant 0 : i32
    %swap3A_104 = arith.index_cast %swap3A_103 : i32 to index
    %swap3A_105 = arith.constant 0 : index
    %swap3A_106 = tpu.vector_load %arg10[%swap3A_104, %swap3A_105] {strides = array<i32>} : memref<8x128xi32, #tpu.memory_space<vmem>>, vector<1x16xi32>,
    %swap3A_107 = vector.shape_cast %swap3A_106 : vector<1x16xi32> to vector<16xi32>
    %swap3A_108 = vector.shape_cast %add3A : vector<16xi32> to vector<1x16xi32>
    tpu.vector_store %arg10[%swap3A_104, %swap3A_105], %swap3A_108 {strides = array<i32>} : memref<8x128xi32, #tpu.memory_space<vmem>>, vector<1x16xi32>,
    %get3A_109 = arith.constant 16 : index
    %get3A_110 = tpu.vector_load %arg8[%get3A_109] {strides = array<i32>} : memref<1024xi32, #tpu.memory_space<vmem>>, vector<16xi32>,
    %get3A_111 = vector.shape_cast %get3A_110 : vector<16xi32> to vector<16xi32>
    %mul3A_112 = arith.constant 4096 : i32
    %mul3A_113 = vector.broadcast %mul3A_112 : i32 to vector<16xi32>
    %mul3A_114 = arith.muli %get3A_111, %mul3A_113 : vector<16xi32>
    %get3A_115 = arith.constant 16 : index
    %get3A_116 = tpu.vector_load %arg9[%get3A_115] {strides = array<i32>} : memref<1024xi32, #tpu.memory_space<vmem>>, vector<16xi32>,
    %get3A_117 = vector.shape_cast %get3A_116 : vector<16xi32> to vector<16xi32>
    %add3A_118 = arith.addi %mul3A_114, %get3A_117 : vector<16xi32>
    %swap3A_119 = arith.constant 0 : i32
    %swap3A_120 = arith.index_cast %swap3A_119 : i32 to index
    %swap3A_121 = arith.constant 16 : index
    %swap3A_122 = tpu.vector_load %arg10[%swap3A_120, %swap3A_121] {strides = array<i32>} : memref<8x128xi32, #tpu.memory_space<vmem>>, vector<1x16xi32>,
    %swap3A_123 = vector.shape_cast %swap3A_122 : vector<1x16xi32> to vector<16xi32>
    %swap3A_124 = vector.shape_cast %add3A_118 : vector<16xi32> to vector<1x16xi32>
    tpu.vector_store %arg10[%swap3A_120, %swap3A_121], %swap3A_124 {strides = array<i32>} : memref<8x128xi32, #tpu.memory_space<vmem>>, vector<1x16xi32>,
    %get3A_125 = arith.constant 32 : index
    %get3A_126 = tpu.vector_load %arg8[%get3A_125] {strides = array<i32>} : memref<1024xi32, #tpu.memory_space<vmem>>, vector<16xi32>,
    %get3A_127 = vector.shape_cast %get3A_126 : vector<16xi32> to vector<16xi32>
    %mul3A_128 = arith.constant 4096 : i32
    %mul3A_129 = vector.broadcast %mul3A_128 : i32 to vector<16xi32>
    %mul3A_130 = arith.muli %get3A_127, %mul3A_129 : vector<16xi32>
    %get3A_131 = arith.constant 32 : index
    %get3A_132 = tpu.vector_load %arg9[%get3A_131] {strides = array<i32>} : memref<1024xi32, #tpu.memory_space<vmem>>, vector<16xi32>,
    %get3A_133 = vector.shape_cast %get3A_132 : vector<16xi32> to vector<16xi32>
    %add3A_134 = arith.addi %mul3A_130, %get3A_133 : vector<16xi32>
    %swap3A_135 = arith.constant 0 : i32
    %swap3A_136 = arith.index_cast %swap3A_135 : i32 to index
    %swap3A_137 = arith.constant 32 : index
    %swap3A_138 = tpu.vector_load %arg10[%swap3A_136, %swap3A_137] {strides = array<i32>} : memref<8x128xi32, #tpu.memory_space<vmem>>, vector<1x16xi32>,
    %swap3A_139 = vector.shape_cast %swap3A_138 : vector<1x16xi32> to vector<16xi32>
    %swap3A_140 = vector.shape_cast %add3A_134 : vector<16xi32> to vector<1x16xi32>
    tpu.vector_store %arg10[%swap3A_136, %swap3A_137], %swap3A_140 {strides = array<i32>} : memref<8x128xi32, #tpu.memory_space<vmem>>, vector<1x16xi32>,
    %get3A_141 = arith.constant 48 : index
    %get3A_142 = tpu.vector_load %arg8[%get3A_141] {strides = array<i32>} : memref<1024xi32, #tpu.memory_space<vmem>>, vector<16xi32>,
    %get3A_143 = vector.shape_cast %get3A_142 : vector<16xi32> to vector<16xi32>
    %mul3A_144 = arith.constant 4096 : i32
    %mul3A_145 = vector.broadcast %mul3A_144 : i32 to vector<16xi32>
    %mul3A_146 = arith.muli %get3A_143, %mul3A_145 : vector<16xi32>
    %get3A_147 = arith.constant 48 : index
    %get3A_148 = tpu.vector_load %arg9[%get3A_147] {strides = array<i32>} : memref<1024xi32, #tpu.memory_space<vmem>>, vector<16xi32>,
    %get3A_149 = vector.shape_cast %get3A_148 : vector<16xi32> to vector<16xi32>
    %add3A_150 = arith.addi %mul3A_146, %get3A_149 : vector<16xi32>
    %swap3A_151 = arith.constant 0 : i32
    %swap3A_152 = arith.index_cast %swap3A_151 : i32 to index
    %swap3A_153 = arith.constant 48 : index
    %swap3A_154 = tpu.vector_load %arg10[%swap3A_152, %swap3A_153] {strides = array<i32>} : memref<8x128xi32, #tpu.memory_space<vmem>>, vector<1x16xi32>,
    %swap3A_155 = vector.shape_cast %swap3A_154 : vector<1x16xi32> to vector<16xi32>
    %swap3A_156 = vector.shape_cast %add3A_150 : vector<16xi32> to vector<1x16xi32>
    tpu.vector_store %arg10[%swap3A_152, %swap3A_153], %swap3A_156 {strides = array<i32>} : memref<8x128xi32, #tpu.memory_space<vmem>>, vector<1x16xi32>,
    %get3A_157 = arith.constant 64 : index
    %get3A_158 = tpu.vector_load %arg8[%get3A_157] {strides = array<i32>} : memref<1024xi32, #tpu.memory_space<vmem>>, vector<16xi32>,
    %get3A_159 = vector.shape_cast %get3A_158 : vector<16xi32> to vector<16xi32>
    %mul3A_160 = arith.constant 4096 : i32
    %mul3A_161 = vector.broadcast %mul3A_160 : i32 to vector<16xi32>
    %mul3A_162 = arith.muli %get3A_159, %mul3A_161 : vector<16xi32>
    %get3A_163 = arith.constant 64 : index
    %get3A_164 = tpu.vector_load %arg9[%get3A_163] {strides = array<i32>} : memref<1024xi32, #tpu.memory_space<vmem>>, vector<16xi32>,
    %get3A_165 = vector.shape_cast %get3A_164 : vector<16xi32> to vector<16xi32>
    %add3A_166 = arith.addi %mul3A_162, %get3A_165 : vector<16xi32>
    %swap3A_167 = arith.constant 0 : i32
    %swap3A_168 = arith.index_cast %swap3A_167 : i32 to index
    %swap3A_169 = arith.constant 64 : index
    %swap3A_170 = tpu.vector_load %arg10[%swap3A_168, %swap3A_169] {strides = array<i32>} : memref<8x128xi32, #tpu.memory_space<vmem>>, vector<1x16xi32>,
    %swap3A_171 = vector.shape_cast %swap3A_170 : vector<1x16xi32> to vector<16xi32>
    %swap3A_172 = vector.shape_cast %add3A_166 : vector<16xi32> to vector<1x16xi32>
    tpu.vector_store %arg10[%swap3A_168, %swap3A_169], %swap3A_172 {strides = array<i32>} : memref<8x128xi32, #tpu.memory_space<vmem>>, vector<1x16xi32>,
    %get3A_173 = arith.constant 80 : index
    %get3A_174 = tpu.vector_load %arg8[%get3A_173] {strides = array<i32>} : memref<1024xi32, #tpu.memory_space<vmem>>, vector<16xi32>,
    %get3A_175 = vector.shape_cast %get3A_174 : vector<16xi32> to vector<16xi32>
    %mul3A_176 = arith.constant 4096 : i32
    %mul3A_177 = vector.broadcast %mul3A_176 : i32 to vector<16xi32>
    %mul3A_178 = arith.muli %get3A_175, %mul3A_177 : vector<16xi32>
    %get3A_179 = arith.constant 80 : index
    %get3A_180 = tpu.vector_load %arg9[%get3A_179] {strides = array<i32>} : memref<1024xi32, #tpu.memory_space<vmem>>, vector<16xi32>,
    %get3A_181 = vector.shape_cast %get3A_180 : vector<16xi32> to vector<16xi32>
    %add3A_182 = arith.addi %mul3A_178, %get3A_181 : vector<16xi32>
    %swap3A_183 = arith.constant 0 : i32
    %swap3A_184 = arith.index_cast %swap3A_183 : i32 to index
    %swap3A_185 = arith.constant 80 : index
    %swap3A_186 = tpu.vector_load %arg10[%swap3A_184, %swap3A_185] {strides = array<i32>} : memref<8x128xi32, #tpu.memory_space<vmem>>, vector<1x16xi32>,
    %swap3A_187 = vector.shape_cast %swap3A_186 : vector<1x16xi32> to vector<16xi32>
    %swap3A_188 = vector.shape_cast %add3A_182 : vector<16xi32> to vector<1x16xi32>
    tpu.vector_store %arg10[%swap3A_184, %swap3A_185], %swap3A_188 {strides = array<i32>} : memref<8x128xi32, #tpu.memory_space<vmem>>, vector<1x16xi32>,
    %get3A_189 = arith.constant 96 : index
    %get3A_190 = tpu.vector_load %arg8[%get3A_189] {strides = array<i32>} : memref<1024xi32, #tpu.memory_space<vmem>>, vector<16xi32>,
    %get3A_191 = vector.shape_cast %get3A_190 : vector<16xi32> to vector<16xi32>
    %mul3A_192 = arith.constant 4096 : i32
    %mul3A_193 = vector.broadcast %mul3A_192 : i32 to vector<16xi32>
    %mul3A_194 = arith.muli %get3A_191, %mul3A_193 : vector<16xi32>
    %get3A_195 = arith.constant 96 : index
    %get3A_196 = tpu.vector_load %arg9[%get3A_195] {strides = array<i32>} : memref<1024xi32, #tpu.memory_space<vmem>>, vector<16xi32>,
    %get3A_197 = vector.shape_cast %get3A_196 : vector<16xi32> to vector<16xi32>
    %add3A_198 = arith.addi %mul3A_194, %get3A_197 : vector<16xi32>
    %swap3A_199 = arith.constant 0 : i32
    %swap3A_200 = arith.index_cast %swap3A_199 : i32 to index
    %swap3A_201 = arith.constant 96 : index
    %swap3A_202 = tpu.vector_load %arg10[%swap3A_200, %swap3A_201] {strides = array<i32>} : memref<8x128xi32, #tpu.memory_space<vmem>>, vector<1x16xi32>,
    %swap3A_203 = vector.shape_cast %swap3A_202 : vector<1x16xi32> to vector<16xi32>
    %swap3A_204 = vector.shape_cast %add3A_198 : vector<16xi32> to vector<1x16xi32>
    tpu.vector_store %arg10[%swap3A_200, %swap3A_201], %swap3A_204 {strides = array<i32>} : memref<8x128xi32, #tpu.memory_space<vmem>>, vector<1x16xi32>,
    %get3A_205 = arith.constant 112 : index
    %get3A_206 = tpu.vector_load %arg8[%get3A_205] {strides = array<i32>} : memref<1024xi32, #tpu.memory_space<vmem>>, vector<16xi32>,
    %get3A_207 = vector.shape_cast %get3A_206 : vector<16xi32> to vector<16xi32>
    %mul3A_208 = arith.constant 4096 : i32
    %mul3A_209 = vector.broadcast %mul3A_208 : i32 to vector<16xi32>
    %mul3A_210 = arith.muli %get3A_207, %mul3A_209 : vector<16xi32>
    %get3A_211 = arith.constant 112 : index
    %get3A_212 = tpu.vector_load %arg9[%get3A_211] {strides = array<i32>} : memref<1024xi32, #tpu.memory_space<vmem>>, vector<16xi32>,
    %get3A_213 = vector.shape_cast %get3A_212 : vector<16xi32> to vector<16xi32>
    %add3A_214 = arith.addi %mul3A_210, %get3A_213 : vector<16xi32>
    %swap3A_215 = arith.constant 0 : i32
    %swap3A_216 = arith.index_cast %swap3A_215 : i32 to index
    %swap3A_217 = arith.constant 112 : index
    %swap3A_218 = tpu.vector_load %arg10[%swap3A_216, %swap3A_217] {strides = array<i32>} : memref<8x128xi32, #tpu.memory_space<vmem>>, vector<1x16xi32>,
    %swap3A_219 = vector.shape_cast %swap3A_218 : vector<1x16xi32> to vector<16xi32>
    %swap3A_220 = vector.shape_cast %add3A_214 : vector<16xi32> to vector<1x16xi32>
    tpu.vector_store %arg10[%swap3A_216, %swap3A_217], %swap3A_220 {strides = array<i32>} : memref<8x128xi32, #tpu.memory_space<vmem>>, vector<1x16xi32>,
    %get3A_221 = arith.constant 128 : index
    %get3A_222 = tpu.vector_load %arg8[%get3A_221] {strides = array<i32>} : memref<1024xi32, #tpu.memory_space<vmem>>, vector<16xi32>,
    %get3A_223 = vector.shape_cast %get3A_222 : vector<16xi32> to vector<16xi32>
    %mul3A_224 = arith.constant 4096 : i32
    %mul3A_225 = vector.broadcast %mul3A_224 : i32 to vector<16xi32>
    %mul3A_226 = arith.muli %get3A_223, %mul3A_225 : vector<16xi32>
    %get3A_227 = arith.constant 128 : index
    %get3A_228 = tpu.vector_load %arg9[%get3A_227] {strides = array<i32>} : memref<1024xi32, #tpu.memory_space<vmem>>, vector<16xi32>,
    %get3A_229 = vector.shape_cast %get3A_228 : vector<16xi32> to vector<16xi32>
    %add3A_230 = arith.addi %mul3A_226, %get3A_229 : vector<16xi32>
    %swap3A_231 = arith.constant 1 : i32
    %swap3A_232 = arith.index_cast %swap3A_231 : i32 to index
    %swap3A_233 = arith.constant 0 : index
    %swap3A_234 = tpu.vector_load %arg10[%swap3A_232, %swap3A_233] {strides = array<i32>} : memref<8x128xi32, #tpu.memory_space<vmem>>, vector<1x16xi32>,
    %swap3A_235 = vector.shape_cast %swap3A_234 : vector<1x16xi32> to vector<16xi32>
    %swap3A_236 = vector.shape_cast %add3A_230 : vector<16xi32> to vector<1x16xi32>
    tpu.vector_store %arg10[%swap3A_232, %swap3A_233], %swap3A_236 {strides = array<i32>} : memref<8x128xi32, #tpu.memory_space<vmem>>, vector<1x16xi32>,
    %get3A_237 = arith.constant 144 : index
    %get3A_238 = tpu.vector_load %arg8[%get3A_237] {strides = array<i32>} : memref<1024xi32, #tpu.memory_space<vmem>>, vector<16xi32>,
    %get3A_239 = vector.shape_cast %get3A_238 : vector<16xi32> to vector<16xi32>
    %mul3A_240 = arith.constant 4096 : i32
    %mul3A_241 = vector.broadcast %mul3A_240 : i32 to vector<16xi32>
    %mul3A_242 = arith.muli %get3A_239, %mul3A_241 : vector<16xi32>
    %get3A_243 = arith.constant 144 : index
    %get3A_244 = tpu.vector_load %arg9[%get3A_243] {strides = array<i32>} : memref<1024xi32, #tpu.memory_space<vmem>>, vector<16xi32>,
    %get3A_245 = vector.shape_cast %get3A_244 : vector<16xi32> to vector<16xi32>
    %add3A_246 = arith.addi %mul3A_242, %get3A_245 : vector<16xi32>
    %swap3A_247 = arith.constant 1 : i32
    %swap3A_248 = arith.index_cast %swap3A_247 : i32 to index
    %swap3A_249 = arith.constant 16 : index
    %swap3A_250 = tpu.vector_load %arg10[%swap3A_248, %swap3A_249] {strides = array<i32>} : memref<8x128xi32, #tpu.memory_space<vmem>>, vector<1x16xi32>,
    %swap3A_251 = vector.shape_cast %swap3A_250 : vector<1x16xi32> to vector<16xi32>
    %swap3A_252 = vector.shape_cast %add3A_246 : vector<16xi32> to vector<1x16xi32>
    tpu.vector_store %arg10[%swap3A_248, %swap3A_249], %swap3A_252 {strides = array<i32>} : memref<8x128xi32, #tpu.memory_space<vmem>>, vector<1x16xi32>,
    %get3A_253 = arith.constant 160 : index
    %get3A_254 = tpu.vector_load %arg8[%get3A_253] {strides = array<i32>} : memref<1024xi32, #tpu.memory_space<vmem>>, vector<16xi32>,
    %get3A_255 = vector.shape_cast %get3A_254 : vector<16xi32> to vector<16xi32>
    %mul3A_256 = arith.constant 4096 : i32
    %mul3A_257 = vector.broadcast %mul3A_256 : i32 to vector<16xi32>
    %mul3A_258 = arith.muli %get3A_255, %mul3A_257 : vector<16xi32>
    %get3A_259 = arith.constant 160 : index
    %get3A_260 = tpu.vector_load %arg9[%get3A_259] {strides = array<i32>} : memref<1024xi32, #tpu.memory_space<vmem>>, vector<16xi32>,
    %get3A_261 = vector.shape_cast %get3A_260 : vector<16xi32> to vector<16xi32>
    %add3A_262 = arith.addi %mul3A_258, %get3A_261 : vector<16xi32>
    %swap3A_263 = arith.constant 1 : i32
    %swap3A_264 = arith.index_cast %swap3A_263 : i32 to index
    %swap3A_265 = arith.constant 32 : index
    %swap3A_266 = tpu.vector_load %arg10[%swap3A_264, %swap3A_265] {strides = array<i32>} : memref<8x128xi32, #tpu.memory_space<vmem>>, vector<1x16xi32>,
    %swap3A_267 = vector.shape_cast %swap3A_266 : vector<1x16xi32> to vector<16xi32>
    %swap3A_268 = vector.shape_cast %add3A_262 : vector<16xi32> to vector<1x16xi32>
    tpu.vector_store %arg10[%swap3A_264, %swap3A_265], %swap3A_268 {strides = array<i32>} : memref<8x128xi32, #tpu.memory_space<vmem>>, vector<1x16xi32>,
    %get3A_269 = arith.constant 176 : index
    %get3A_270 = tpu.vector_load %arg8[%get3A_269] {strides = array<i32>} : memref<1024xi32, #tpu.memory_space<vmem>>, vector<16xi32>,
    %get3A_271 = vector.shape_cast %get3A_270 : vector<16xi32> to vector<16xi32>
    %mul3A_272 = arith.constant 4096 : i32
    %mul3A_273 = vector.broadcast %mul3A_272 : i32 to vector<16xi32>
    %mul3A_274 = arith.muli %get3A_271, %mul3A_273 : vector<16xi32>
    %get3A_275 = arith.constant 176 : index
    %get3A_276 = tpu.vector_load %arg9[%get3A_275] {strides = array<i32>} : memref<1024xi32, #tpu.memory_space<vmem>>, vector<16xi32>,
    %get3A_277 = vector.shape_cast %get3A_276 : vector<16xi32> to vector<16xi32>
    %add3A_278 = arith.addi %mul3A_274, %get3A_277 : vector<16xi32>
    %swap3A_279 = arith.constant 1 : i32
    %swap3A_280 = arith.index_cast %swap3A_279 : i32 to index
    %swap3A_281 = arith.constant 48 : index
    %swap3A_282 = tpu.vector_load %arg10[%swap3A_280, %swap3A_281] {strides = array<i32>} : memref<8x128xi32, #tpu.memory_space<vmem>>, vector<1x16xi32>,
    %swap3A_283 = vector.shape_cast %swap3A_282 : vector<1x16xi32> to vector<16xi32>
    %swap3A_284 = vector.shape_cast %add3A_278 : vector<16xi32> to vector<1x16xi32>
    tpu.vector_store %arg10[%swap3A_280, %swap3A_281], %swap3A_284 {strides = array<i32>} : memref<8x128xi32, #tpu.memory_space<vmem>>, vector<1x16xi32>,
    %get3A_285 = arith.constant 192 : index
    %get3A_286 = tpu.vector_load %arg8[%get3A_285] {strides = array<i32>} : memref<1024xi32, #tpu.memory_space<vmem>>, vector<16xi32>,
    %get3A_287 = vector.shape_cast %get3A_286 : vector<16xi32> to vector<16xi32>
    %mul3A_288 = arith.constant 4096 : i32
    %mul3A_289 = vector.broadcast %mul3A_288 : i32 to vector<16xi32>
    %mul3A_290 = arith.muli %get3A_287, %mul3A_289 : vector<16xi32>
    %get3A_291 = arith.constant 192 : index
    %get3A_292 = tpu.vector_load %arg9[%get3A_291] {strides = array<i32>} : memref<1024xi32, #tpu.memory_space<vmem>>, vector<16xi32>,
    %get3A_293 = vector.shape_cast %get3A_292 : vector<16xi32> to vector<16xi32>
    %add3A_294 = arith.addi %mul3A_290, %get3A_293 : vector<16xi32>
    %swap3A_295 = arith.constant 1 : i32
    %swap3A_296 = arith.index_cast %swap3A_295 : i32 to index
    %swap3A_297 = arith.constant 64 : index
    %swap3A_298 = tpu.vector_load %arg10[%swap3A_296, %swap3A_297] {strides = array<i32>} : memref<8x128xi32, #tpu.memory_space<vmem>>, vector<1x16xi32>,
    %swap3A_299 = vector.shape_cast %swap3A_298 : vector<1x16xi32> to vector<16xi32>
    %swap3A_300 = vector.shape_cast %add3A_294 : vector<16xi32> to vector<1x16xi32>
    tpu.vector_store %arg10[%swap3A_296, %swap3A_297], %swap3A_300 {strides = array<i32>} : memref<8x128xi32, #tpu.memory_space<vmem>>, vector<1x16xi32>,
    %get3A_301 = arith.constant 208 : index
    %get3A_302 = tpu.vector_load %arg8[%get3A_301] {strides = array<i32>} : memref<1024xi32, #tpu.memory_space<vmem>>, vector<16xi32>,
    %get3A_303 = vector.shape_cast %get3A_302 : vector<16xi32> to vector<16xi32>
    %mul3A_304 = arith.constant 4096 : i32
    %mul3A_305 = vector.broadcast %mul3A_304 : i32 to vector<16xi32>
    %mul3A_306 = arith.muli %get3A_303, %mul3A_305 : vector<16xi32>
    %get3A_307 = arith.constant 208 : index
    %get3A_308 = tpu.vector_load %arg9[%get3A_307] {strides = array<i32>} : memref<1024xi32, #tpu.memory_space<vmem>>, vector<16xi32>,
    %get3A_309 = vector.shape_cast %get3A_308 : vector<16xi32> to vector<16xi32>
    %add3A_310 = arith.addi %mul3A_306, %get3A_309 : vector<16xi32>
    %swap3A_311 = arith.constant 1 : i32
    %swap3A_312 = arith.index_cast %swap3A_311 : i32 to index
    %swap3A_313 = arith.constant 80 : index
    %swap3A_314 = tpu.vector_load %arg10[%swap3A_312, %swap3A_313] {strides = array<i32>} : memref<8x128xi32, #tpu.memory_space<vmem>>, vector<1x16xi32>,
    %swap3A_315 = vector.shape_cast %swap3A_314 : vector<1x16xi32> to vector<16xi32>
    %swap3A_316 = vector.shape_cast %add3A_310 : vector<16xi32> to vector<1x16xi32>
    tpu.vector_store %arg10[%swap3A_312, %swap3A_313], %swap3A_316 {strides = array<i32>} : memref<8x128xi32, #tpu.memory_space<vmem>>, vector<1x16xi32>,
    %get3A_317 = arith.constant 224 : index
    %get3A_318 = tpu.vector_load %arg8[%get3A_317] {strides = array<i32>} : memref<1024xi32, #tpu.memory_space<vmem>>, vector<16xi32>,
    %get3A_319 = vector.shape_cast %get3A_318 : vector<16xi32> to vector<16xi32>
    %mul3A_320 = arith.constant 4096 : i32
    %mul3A_321 = vector.broadcast %mul3A_320 : i32 to vector<16xi32>
    %mul3A_322 = arith.muli %get3A_319, %mul3A_321 : vector<16xi32>
    %get3A_323 = arith.constant 224 : index
    %get3A_324 = tpu.vector_load %arg9[%get3A_323] {strides = array<i32>} : memref<1024xi32, #tpu.memory_space<vmem>>, vector<16xi32>,
    %get3A_325 = vector.shape_cast %get3A_324 : vector<16xi32> to vector<16xi32>
    %add3A_326 = arith.addi %mul3A_322, %get3A_325 : vector<16xi32>
    %swap3A_327 = arith.constant 1 : i32
    %swap3A_328 = arith.index_cast %swap3A_327 : i32 to index
    %swap3A_329 = arith.constant 96 : index
    %swap3A_330 = tpu.vector_load %arg10[%swap3A_328, %swap3A_329] {strides = array<i32>} : memref<8x128xi32, #tpu.memory_space<vmem>>, vector<1x16xi32>,
    %swap3A_331 = vector.shape_cast %swap3A_330 : vector<1x16xi32> to vector<16xi32>
    %swap3A_332 = vector.shape_cast %add3A_326 : vector<16xi32> to vector<1x16xi32>
    tpu.vector_store %arg10[%swap3A_328, %swap3A_329], %swap3A_332 {strides = array<i32>} : memref<8x128xi32, #tpu.memory_space<vmem>>, vector<1x16xi32>,
    %get3A_333 = arith.constant 240 : index
    %get3A_334 = tpu.vector_load %arg8[%get3A_333] {strides = array<i32>} : memref<1024xi32, #tpu.memory_space<vmem>>, vector<16xi32>,
    %get3A_335 = vector.shape_cast %get3A_334 : vector<16xi32> to vector<16xi32>
    %mul3A_336 = arith.constant 4096 : i32
    %mul3A_337 = vector.broadcast %mul3A_336 : i32 to vector<16xi32>
    %mul3A_338 = arith.muli %get3A_335, %mul3A_337 : vector<16xi32>
    %get3A_339 = arith.constant 240 : index
    %get3A_340 = tpu.vector_load %arg9[%get3A_339] {strides = array<i32>} : memref<1024xi32, #tpu.memory_space<vmem>>, vector<16xi32>,
    %get3A_341 = vector.shape_cast %get3A_340 : vector<16xi32> to vector<16xi32>
    %add3A_342 = arith.addi %mul3A_338, %get3A_341 : vector<16xi32>
    %swap3A_343 = arith.constant 1 : i32
    %swap3A_344 = arith.index_cast %swap3A_343 : i32 to index
    %swap3A_345 = arith.constant 112 : index
    %swap3A_346 = tpu.vector_load %arg10[%swap3A_344, %swap3A_345] {strides = array<i32>} : memref<8x128xi32, #tpu.memory_space<vmem>>, vector<1x16xi32>,
    %swap3A_347 = vector.shape_cast %swap3A_346 : vector<1x16xi32> to vector<16xi32>
    %swap3A_348 = vector.shape_cast %add3A_342 : vector<16xi32> to vector<1x16xi32>
    tpu.vector_store %arg10[%swap3A_344, %swap3A_345], %swap3A_348 {strides = array<i32>} : memref<8x128xi32, #tpu.memory_space<vmem>>, vector<1x16xi32>,
    %get3A_349 = arith.constant 256 : index
    %get3A_350 = tpu.vector_load %arg8[%get3A_349] {strides = array<i32>} : memref<1024xi32, #tpu.memory_space<vmem>>, vector<16xi32>,
    %get3A_351 = vector.shape_cast %get3A_350 : vector<16xi32> to vector<16xi32>
    %mul3A_352 = arith.constant 4096 : i32
    %mul3A_353 = vector.broadcast %mul3A_352 : i32 to vector<16xi32>
    %mul3A_354 = arith.muli %get3A_351, %mul3A_353 : vector<16xi32>
    %get3A_355 = arith.constant 256 : index
    %get3A_356 = tpu.vector_load %arg9[%get3A_355] {strides = array<i32>} : memref<1024xi32, #tpu.memory_space<vmem>>, vector<16xi32>,
    %get3A_357 = vector.shape_cast %get3A_356 : vector<16xi32> to vector<16xi32>
    %add3A_358 = arith.addi %mul3A_354, %get3A_357 : vector<16xi32>
    %swap3A_359 = arith.constant 2 : i32
    %swap3A_360 = arith.index_cast %swap3A_359 : i32 to index
    %swap3A_361 = arith.constant 0 : index
    %swap3A_362 = tpu.vector_load %arg10[%swap3A_360, %swap3A_361] {strides = array<i32>} : memref<8x128xi32, #tpu.memory_space<vmem>>, vector<1x16xi32>,
    %swap3A_363 = vector.shape_cast %swap3A_362 : vector<1x16xi32> to vector<16xi32>
    %swap3A_364 = vector.shape_cast %add3A_358 : vector<16xi32> to vector<1x16xi32>
    tpu.vector_store %arg10[%swap3A_360, %swap3A_361], %swap3A_364 {strides = array<i32>} : memref<8x128xi32, #tpu.memory_space<vmem>>, vector<1x16xi32>,
    %get3A_365 = arith.constant 272 : index
    %get3A_366 = tpu.vector_load %arg8[%get3A_365] {strides = array<i32>} : memref<1024xi32, #tpu.memory_space<vmem>>, vector<16xi32>,
    %get3A_367 = vector.shape_cast %get3A_366 : vector<16xi32> to vector<16xi32>
    %mul3A_368 = arith.constant 4096 : i32
    %mul3A_369 = vector.broadcast %mul3A_368 : i32 to vector<16xi32>
    %mul3A_370 = arith.muli %get3A_367, %mul3A_369 : vector<16xi32>
    %get3A_371 = arith.constant 272 : index
    %get3A_372 = tpu.vector_load %arg9[%get3A_371] {strides = array<i32>} : memref<1024xi32, #tpu.memory_space<vmem>>, vector<16xi32>,
    %get3A_373 = vector.shape_cast %get3A_372 : vector<16xi32> to vector<16xi32>
    %add3A_374 = arith.addi %mul3A_370, %get3A_373 : vector<16xi32>
    %swap3A_375 = arith.constant 2 : i32
    %swap3A_376 = arith.index_cast %swap3A_375 : i32 to index
    %swap3A_377 = arith.constant 16 : index
    %swap3A_378 = tpu.vector_load %arg10[%swap3A_376, %swap3A_377] {strides = array<i32>} : memref<8x128xi32, #tpu.memory_space<vmem>>, vector<1x16xi32>,
    %swap3A_379 = vector.shape_cast %swap3A_378 : vector<1x16xi32> to vector<16xi32>
    %swap3A_380 = vector.shape_cast %add3A_374 : vector<16xi32> to vector<1x16xi32>
    tpu.vector_store %arg10[%swap3A_376, %swap3A_377], %swap3A_380 {strides = array<i32>} : memref<8x128xi32, #tpu.memory_space<vmem>>, vector<1x16xi32>,
    %get3A_381 = arith.constant 288 : index
    %get3A_382 = tpu.vector_load %arg8[%get3A_381] {strides = array<i32>} : memref<1024xi32, #tpu.memory_space<vmem>>, vector<16xi32>,
    %get3A_383 = vector.shape_cast %get3A_382 : vector<16xi32> to vector<16xi32>
    %mul3A_384 = arith.constant 4096 : i32
    %mul3A_385 = vector.broadcast %mul3A_384 : i32 to vector<16xi32>
    %mul3A_386 = arith.muli %get3A_383, %mul3A_385 : vector<16xi32>
    %get3A_387 = arith.constant 288 : index
    %get3A_388 = tpu.vector_load %arg9[%get3A_387] {strides = array<i32>} : memref<1024xi32, #tpu.memory_space<vmem>>, vector<16xi32>,
    %get3A_389 = vector.shape_cast %get3A_388 : vector<16xi32> to vector<16xi32>
    %add3A_390 = arith.addi %mul3A_386, %get3A_389 : vector<16xi32>
    %swap3A_391 = arith.constant 2 : i32
    %swap3A_392 = arith.index_cast %swap3A_391 : i32 to index
    %swap3A_393 = arith.constant 32 : index
    %swap3A_394 = tpu.vector_load %arg10[%swap3A_392, %swap3A_393] {strides = array<i32>} : memref<8x128xi32, #tpu.memory_space<vmem>>, vector<1x16xi32>,
    %swap3A_395 = vector.shape_cast %swap3A_394 : vector<1x16xi32> to vector<16xi32>
    %swap3A_396 = vector.shape_cast %add3A_390 : vector<16xi32> to vector<1x16xi32>
    tpu.vector_store %arg10[%swap3A_392, %swap3A_393], %swap3A_396 {strides = array<i32>} : memref<8x128xi32, #tpu.memory_space<vmem>>, vector<1x16xi32>,
    %get3A_397 = arith.constant 304 : index
    %get3A_398 = tpu.vector_load %arg8[%get3A_397] {strides = array<i32>} : memref<1024xi32, #tpu.memory_space<vmem>>, vector<16xi32>,
    %get3A_399 = vector.shape_cast %get3A_398 : vector<16xi32> to vector<16xi32>
    %mul3A_400 = arith.constant 4096 : i32
    %mul3A_401 = vector.broadcast %mul3A_400 : i32 to vector<16xi32>
    %mul3A_402 = arith.muli %get3A_399, %mul3A_401 : vector<16xi32>
    %get3A_403 = arith.constant 304 : index
    %get3A_404 = tpu.vector_load %arg9[%get3A_403] {strides = array<i32>} : memref<1024xi32, #tpu.memory_space<vmem>>, vector<16xi32>,
    %get3A_405 = vector.shape_cast %get3A_404 : vector<16xi32> to vector<16xi32>
    %add3A_406 = arith.addi %mul3A_402, %get3A_405 : vector<16xi32>
    %swap3A_407 = arith.constant 2 : i32
    %swap3A_408 = arith.index_cast %swap3A_407 : i32 to index
    %swap3A_409 = arith.constant 48 : index
    %swap3A_410 = tpu.vector_load %arg10[%swap3A_408, %swap3A_409] {strides = array<i32>} : memref<8x128xi32, #tpu.memory_space<vmem>>, vector<1x16xi32>,
    %swap3A_411 = vector.shape_cast %swap3A_410 : vector<1x16xi32> to vector<16xi32>
    %swap3A_412 = vector.shape_cast %add3A_406 : vector<16xi32> to vector<1x16xi32>
    tpu.vector_store %arg10[%swap3A_408, %swap3A_409], %swap3A_412 {strides = array<i32>} : memref<8x128xi32, #tpu.memory_space<vmem>>, vector<1x16xi32>,
    %get3A_413 = arith.constant 320 : index
    %get3A_414 = tpu.vector_load %arg8[%get3A_413] {strides = array<i32>} : memref<1024xi32, #tpu.memory_space<vmem>>, vector<16xi32>,
    %get3A_415 = vector.shape_cast %get3A_414 : vector<16xi32> to vector<16xi32>
    %mul3A_416 = arith.constant 4096 : i32
    %mul3A_417 = vector.broadcast %mul3A_416 : i32 to vector<16xi32>
    %mul3A_418 = arith.muli %get3A_415, %mul3A_417 : vector<16xi32>
    %get3A_419 = arith.constant 320 : index
    %get3A_420 = tpu.vector_load %arg9[%get3A_419] {strides = array<i32>} : memref<1024xi32, #tpu.memory_space<vmem>>, vector<16xi32>,
    %get3A_421 = vector.shape_cast %get3A_420 : vector<16xi32> to vector<16xi32>
    %add3A_422 = arith.addi %mul3A_418, %get3A_421 : vector<16xi32>
    %swap3A_423 = arith.constant 2 : i32
    %swap3A_424 = arith.index_cast %swap3A_423 : i32 to index
    %swap3A_425 = arith.constant 64 : index
    %swap3A_426 = tpu.vector_load %arg10[%swap3A_424, %swap3A_425] {strides = array<i32>} : memref<8x128xi32, #tpu.memory_space<vmem>>, vector<1x16xi32>,
    %swap3A_427 = vector.shape_cast %swap3A_426 : vector<1x16xi32> to vector<16xi32>
    %swap3A_428 = vector.shape_cast %add3A_422 : vector<16xi32> to vector<1x16xi32>
    tpu.vector_store %arg10[%swap3A_424, %swap3A_425], %swap3A_428 {strides = array<i32>} : memref<8x128xi32, #tpu.memory_space<vmem>>, vector<1x16xi32>,
    %get3A_429 = arith.constant 336 : index
    %get3A_430 = tpu.vector_load %arg8[%get3A_429] {strides = array<i32>} : memref<1024xi32, #tpu.memory_space<vmem>>, vector<16xi32>,
    %get3A_431 = vector.shape_cast %get3A_430 : vector<16xi32> to vector<16xi32>
    %mul3A_432 = arith.constant 4096 : i32
    %mul3A_433 = vector.broadcast %mul3A_432 : i32 to vector<16xi32>
    %mul3A_434 = arith.muli %get3A_431, %mul3A_433 : vector<16xi32>
    %get3A_435 = arith.constant 336 : index
    %get3A_436 = tpu.vector_load %arg9[%get3A_435] {strides = array<i32>} : memref<1024xi32, #tpu.memory_space<vmem>>, vector<16xi32>,
    %get3A_437 = vector.shape_cast %get3A_436 : vector<16xi32> to vector<16xi32>
    %add3A_438 = arith.addi %mul3A_434, %get3A_437 : vector<16xi32>
    %swap3A_439 = arith.constant 2 : i32
    %swap3A_440 = arith.index_cast %swap3A_439 : i32 to index
    %swap3A_441 = arith.constant 80 : index
    %swap3A_442 = tpu.vector_load %arg10[%swap3A_440, %swap3A_441] {strides = array<i32>} : memref<8x128xi32, #tpu.memory_space<vmem>>, vector<1x16xi32>,
    %swap3A_443 = vector.shape_cast %swap3A_442 : vector<1x16xi32> to vector<16xi32>
    %swap3A_444 = vector.shape_cast %add3A_438 : vector<16xi32> to vector<1x16xi32>
    tpu.vector_store %arg10[%swap3A_440, %swap3A_441], %swap3A_444 {strides = array<i32>} : memref<8x128xi32, #tpu.memory_space<vmem>>, vector<1x16xi32>,
    %get3A_445 = arith.constant 352 : index
    %get3A_446 = tpu.vector_load %arg8[%get3A_445] {strides = array<i32>} : memref<1024xi32, #tpu.memory_space<vmem>>, vector<16xi32>,
    %get3A_447 = vector.shape_cast %get3A_446 : vector<16xi32> to vector<16xi32>
    %mul3A_448 = arith.constant 4096 : i32
    %mul3A_449 = vector.broadcast %mul3A_448 : i32 to vector<16xi32>
    %mul3A_450 = arith.muli %get3A_447, %mul3A_449 : vector<16xi32>
    %get3A_451 = arith.constant 352 : index
    %get3A_452 = tpu.vector_load %arg9[%get3A_451] {strides = array<i32>} : memref<1024xi32, #tpu.memory_space<vmem>>, vector<16xi32>,
    %get3A_453 = vector.shape_cast %get3A_452 : vector<16xi32> to vector<16xi32>
    %add3A_454 = arith.addi %mul3A_450, %get3A_453 : vector<16xi32>
    %swap3A_455 = arith.constant 2 : i32
    %swap3A_456 = arith.index_cast %swap3A_455 : i32 to index
    %swap3A_457 = arith.constant 96 : index
    %swap3A_458 = tpu.vector_load %arg10[%swap3A_456, %swap3A_457] {strides = array<i32>} : memref<8x128xi32, #tpu.memory_space<vmem>>, vector<1x16xi32>,
    %swap3A_459 = vector.shape_cast %swap3A_458 : vector<1x16xi32> to vector<16xi32>
    %swap3A_460 = vector.shape_cast %add3A_454 : vector<16xi32> to vector<1x16xi32>
    tpu.vector_store %arg10[%swap3A_456, %swap3A_457], %swap3A_460 {strides = array<i32>} : memref<8x128xi32, #tpu.memory_space<vmem>>, vector<1x16xi32>,
    %get3A_461 = arith.constant 368 : index
    %get3A_462 = tpu.vector_load %arg8[%get3A_461] {strides = array<i32>} : memref<1024xi32, #tpu.memory_space<vmem>>, vector<16xi32>,
    %get3A_463 = vector.shape_cast %get3A_462 : vector<16xi32> to vector<16xi32>
    %mul3A_464 = arith.constant 4096 : i32
    %mul3A_465 = vector.broadcast %mul3A_464 : i32 to vector<16xi32>
    %mul3A_466 = arith.muli %get3A_463, %mul3A_465 : vector<16xi32>
    %get3A_467 = arith.constant 368 : index
    %get3A_468 = tpu.vector_load %arg9[%get3A_467] {strides = array<i32>} : memref<1024xi32, #tpu.memory_space<vmem>>, vector<16xi32>,
    %get3A_469 = vector.shape_cast %get3A_468 : vector<16xi32> to vector<16xi32>
    %add3A_470 = arith.addi %mul3A_466, %get3A_469 : vector<16xi32>
    %swap3A_471 = arith.constant 2 : i32
    %swap3A_472 = arith.index_cast %swap3A_471 : i32 to index
    %swap3A_473 = arith.constant 112 : index
    %swap3A_474 = tpu.vector_load %arg10[%swap3A_472, %swap3A_473] {strides = array<i32>} : memref<8x128xi32, #tpu.memory_space<vmem>>, vector<1x16xi32>,
    %swap3A_475 = vector.shape_cast %swap3A_474 : vector<1x16xi32> to vector<16xi32>
    %swap3A_476 = vector.shape_cast %add3A_470 : vector<16xi32> to vector<1x16xi32>
    tpu.vector_store %arg10[%swap3A_472, %swap3A_473], %swap3A_476 {strides = array<i32>} : memref<8x128xi32, #tpu.memory_space<vmem>>, vector<1x16xi32>,
    %get3A_477 = arith.constant 384 : index
    %get3A_478 = tpu.vector_load %arg8[%get3A_477] {strides = array<i32>} : memref<1024xi32, #tpu.memory_space<vmem>>, vector<16xi32>,
    %get3A_479 = vector.shape_cast %get3A_478 : vector<16xi32> to vector<16xi32>
    %mul3A_480 = arith.constant 4096 : i32
    %mul3A_481 = vector.broadcast %mul3A_480 : i32 to vector<16xi32>
    %mul3A_482 = arith.muli %get3A_479, %mul3A_481 : vector<16xi32>
    %get3A_483 = arith.constant 384 : index
    %get3A_484 = tpu.vector_load %arg9[%get3A_483] {strides = array<i32>} : memref<1024xi32, #tpu.memory_space<vmem>>, vector<16xi32>,
    %get3A_485 = vector.shape_cast %get3A_484 : vector<16xi32> to vector<16xi32>
    %add3A_486 = arith.addi %mul3A_482, %get3A_485 : vector<16xi32>
    %swap3A_487 = arith.constant 3 : i32
    %swap3A_488 = arith.index_cast %swap3A_487 : i32 to index
    %swap3A_489 = arith.constant 0 : index
    %swap3A_490 = tpu.vector_load %arg10[%swap3A_488, %swap3A_489] {strides = array<i32>} : memref<8x128xi32, #tpu.memory_space<vmem>>, vector<1x16xi32>,
    %swap3A_491 = vector.shape_cast %swap3A_490 : vector<1x16xi32> to vector<16xi32>
    %swap3A_492 = vector.shape_cast %add3A_486 : vector<16xi32> to vector<1x16xi32>
    tpu.vector_store %arg10[%swap3A_488, %swap3A_489], %swap3A_492 {strides = array<i32>} : memref<8x128xi32, #tpu.memory_space<vmem>>, vector<1x16xi32>,
    %get3A_493 = arith.constant 400 : index
    %get3A_494 = tpu.vector_load %arg8[%get3A_493] {strides = array<i32>} : memref<1024xi32, #tpu.memory_space<vmem>>, vector<16xi32>,
    %get3A_495 = vector.shape_cast %get3A_494 : vector<16xi32> to vector<16xi32>
    %mul3A_496 = arith.constant 4096 : i32
    %mul3A_497 = vector.broadcast %mul3A_496 : i32 to vector<16xi32>
    %mul3A_498 = arith.muli %get3A_495, %mul3A_497 : vector<16xi32>
    %get3A_499 = arith.constant 400 : index
    %get3A_500 = tpu.vector_load %arg9[%get3A_499] {strides = array<i32>} : memref<1024xi32, #tpu.memory_space<vmem>>, vector<16xi32>,
    %get3A_501 = vector.shape_cast %get3A_500 : vector<16xi32> to vector<16xi32>
    %add3A_502 = arith.addi %mul3A_498, %get3A_501 : vector<16xi32>
    %swap3A_503 = arith.constant 3 : i32
    %swap3A_504 = arith.index_cast %swap3A_503 : i32 to index
    %swap3A_505 = arith.constant 16 : index
    %swap3A_506 = tpu.vector_load %arg10[%swap3A_504, %swap3A_505] {strides = array<i32>} : memref<8x128xi32, #tpu.memory_space<vmem>>, vector<1x16xi32>,
    %swap3A_507 = vector.shape_cast %swap3A_506 : vector<1x16xi32> to vector<16xi32>
    %swap3A_508 = vector.shape_cast %add3A_502 : vector<16xi32> to vector<1x16xi32>
    tpu.vector_store %arg10[%swap3A_504, %swap3A_505], %swap3A_508 {strides = array<i32>} : memref<8x128xi32, #tpu.memory_space<vmem>>, vector<1x16xi32>,
    %get3A_509 = arith.constant 416 : index
    %get3A_510 = tpu.vector_load %arg8[%get3A_509] {strides = array<i32>} : memref<1024xi32, #tpu.memory_space<vmem>>, vector<16xi32>,
    %get3A_511 = vector.shape_cast %get3A_510 : vector<16xi32> to vector<16xi32>
    %mul3A_512 = arith.constant 4096 : i32
    %mul3A_513 = vector.broadcast %mul3A_512 : i32 to vector<16xi32>
    %mul3A_514 = arith.muli %get3A_511, %mul3A_513 : vector<16xi32>
    %get3A_515 = arith.constant 416 : index
    %get3A_516 = tpu.vector_load %arg9[%get3A_515] {strides = array<i32>} : memref<1024xi32, #tpu.memory_space<vmem>>, vector<16xi32>,
    %get3A_517 = vector.shape_cast %get3A_516 : vector<16xi32> to vector<16xi32>
    %add3A_518 = arith.addi %mul3A_514, %get3A_517 : vector<16xi32>
    %swap3A_519 = arith.constant 3 : i32
    %swap3A_520 = arith.index_cast %swap3A_519 : i32 to index
    %swap3A_521 = arith.constant 32 : index
    %swap3A_522 = tpu.vector_load %arg10[%swap3A_520, %swap3A_521] {strides = array<i32>} : memref<8x128xi32, #tpu.memory_space<vmem>>, vector<1x16xi32>,
    %swap3A_523 = vector.shape_cast %swap3A_522 : vector<1x16xi32> to vector<16xi32>
    %swap3A_524 = vector.shape_cast %add3A_518 : vector<16xi32> to vector<1x16xi32>
    tpu.vector_store %arg10[%swap3A_520, %swap3A_521], %swap3A_524 {strides = array<i32>} : memref<8x128xi32, #tpu.memory_space<vmem>>, vector<1x16xi32>,
    %get3A_525 = arith.constant 432 : index
    %get3A_526 = tpu.vector_load %arg8[%get3A_525] {strides = array<i32>} : memref<1024xi32, #tpu.memory_space<vmem>>, vector<16xi32>,
    %get3A_527 = vector.shape_cast %get3A_526 : vector<16xi32> to vector<16xi32>
    %mul3A_528 = arith.constant 4096 : i32
    %mul3A_529 = vector.broadcast %mul3A_528 : i32 to vector<16xi32>
    %mul3A_530 = arith.muli %get3A_527, %mul3A_529 : vector<16xi32>
    %get3A_531 = arith.constant 432 : index
    %get3A_532 = tpu.vector_load %arg9[%get3A_531] {strides = array<i32>} : memref<1024xi32, #tpu.memory_space<vmem>>, vector<16xi32>,
    %get3A_533 = vector.shape_cast %get3A_532 : vector<16xi32> to vector<16xi32>
    %add3A_534 = arith.addi %mul3A_530, %get3A_533 : vector<16xi32>
    %swap3A_535 = arith.constant 3 : i32
    %swap3A_536 = arith.index_cast %swap3A_535 : i32 to index
    %swap3A_537 = arith.constant 48 : index
    %swap3A_538 = tpu.vector_load %arg10[%swap3A_536, %swap3A_537] {strides = array<i32>} : memref<8x128xi32, #tpu.memory_space<vmem>>, vector<1x16xi32>,
    %swap3A_539 = vector.shape_cast %swap3A_538 : vector<1x16xi32> to vector<16xi32>
    %swap3A_540 = vector.shape_cast %add3A_534 : vector<16xi32> to vector<1x16xi32>
    tpu.vector_store %arg10[%swap3A_536, %swap3A_537], %swap3A_540 {strides = array<i32>} : memref<8x128xi32, #tpu.memory_space<vmem>>, vector<1x16xi32>,
    %get3A_541 = arith.constant 448 : index
    %get3A_542 = tpu.vector_load %arg8[%get3A_541] {strides = array<i32>} : memref<1024xi32, #tpu.memory_space<vmem>>, vector<16xi32>,
    %get3A_543 = vector.shape_cast %get3A_542 : vector<16xi32> to vector<16xi32>
    %mul3A_544 = arith.constant 4096 : i32
    %mul3A_545 = vector.broadcast %mul3A_544 : i32 to vector<16xi32>
    %mul3A_546 = arith.muli %get3A_543, %mul3A_545 : vector<16xi32>
    %get3A_547 = arith.constant 448 : index
    %get3A_548 = tpu.vector_load %arg9[%get3A_547] {strides = array<i32>} : memref<1024xi32, #tpu.memory_space<vmem>>, vector<16xi32>,
    %get3A_549 = vector.shape_cast %get3A_548 : vector<16xi32> to vector<16xi32>
    %add3A_550 = arith.addi %mul3A_546, %get3A_549 : vector<16xi32>
    %swap3A_551 = arith.constant 3 : i32
    %swap3A_552 = arith.index_cast %swap3A_551 : i32 to index
    %swap3A_553 = arith.constant 64 : index
    %swap3A_554 = tpu.vector_load %arg10[%swap3A_552, %swap3A_553] {strides = array<i32>} : memref<8x128xi32, #tpu.memory_space<vmem>>, vector<1x16xi32>,
    %swap3A_555 = vector.shape_cast %swap3A_554 : vector<1x16xi32> to vector<16xi32>
    %swap3A_556 = vector.shape_cast %add3A_550 : vector<16xi32> to vector<1x16xi32>
    tpu.vector_store %arg10[%swap3A_552, %swap3A_553], %swap3A_556 {strides = array<i32>} : memref<8x128xi32, #tpu.memory_space<vmem>>, vector<1x16xi32>,
    %get3A_557 = arith.constant 464 : index
    %get3A_558 = tpu.vector_load %arg8[%get3A_557] {strides = array<i32>} : memref<1024xi32, #tpu.memory_space<vmem>>, vector<16xi32>,
    %get3A_559 = vector.shape_cast %get3A_558 : vector<16xi32> to vector<16xi32>
    %mul3A_560 = arith.constant 4096 : i32
    %mul3A_561 = vector.broadcast %mul3A_560 : i32 to vector<16xi32>
    %mul3A_562 = arith.muli %get3A_559, %mul3A_561 : vector<16xi32>
    %get3A_563 = arith.constant 464 : index
    %get3A_564 = tpu.vector_load %arg9[%get3A_563] {strides = array<i32>} : memref<1024xi32, #tpu.memory_space<vmem>>, vector<16xi32>,
    %get3A_565 = vector.shape_cast %get3A_564 : vector<16xi32> to vector<16xi32>
    %add3A_566 = arith.addi %mul3A_562, %get3A_565 : vector<16xi32>
    %swap3A_567 = arith.constant 3 : i32
    %swap3A_568 = arith.index_cast %swap3A_567 : i32 to index
    %swap3A_569 = arith.constant 80 : index
    %swap3A_570 = tpu.vector_load %arg10[%swap3A_568, %swap3A_569] {strides = array<i32>} : memref<8x128xi32, #tpu.memory_space<vmem>>, vector<1x16xi32>,
    %swap3A_571 = vector.shape_cast %swap3A_570 : vector<1x16xi32> to vector<16xi32>
    %swap3A_572 = vector.shape_cast %add3A_566 : vector<16xi32> to vector<1x16xi32>
    tpu.vector_store %arg10[%swap3A_568, %swap3A_569], %swap3A_572 {strides = array<i32>} : memref<8x128xi32, #tpu.memory_space<vmem>>, vector<1x16xi32>,
    %get3A_573 = arith.constant 480 : index
    %get3A_574 = tpu.vector_load %arg8[%get3A_573] {strides = array<i32>} : memref<1024xi32, #tpu.memory_space<vmem>>, vector<16xi32>,
    %get3A_575 = vector.shape_cast %get3A_574 : vector<16xi32> to vector<16xi32>
    %mul3A_576 = arith.constant 4096 : i32
    %mul3A_577 = vector.broadcast %mul3A_576 : i32 to vector<16xi32>
    %mul3A_578 = arith.muli %get3A_575, %mul3A_577 : vector<16xi32>
    %get3A_579 = arith.constant 480 : index
    %get3A_580 = tpu.vector_load %arg9[%get3A_579] {strides = array<i32>} : memref<1024xi32, #tpu.memory_space<vmem>>, vector<16xi32>,
    %get3A_581 = vector.shape_cast %get3A_580 : vector<16xi32> to vector<16xi32>
    %add3A_582 = arith.addi %mul3A_578, %get3A_581 : vector<16xi32>
    %swap3A_583 = arith.constant 3 : i32
    %swap3A_584 = arith.index_cast %swap3A_583 : i32 to index
    %swap3A_585 = arith.constant 96 : index
    %swap3A_586 = tpu.vector_load %arg10[%swap3A_584, %swap3A_585] {strides = array<i32>} : memref<8x128xi32, #tpu.memory_space<vmem>>, vector<1x16xi32>,
    %swap3A_587 = vector.shape_cast %swap3A_586 : vector<1x16xi32> to vector<16xi32>
    %swap3A_588 = vector.shape_cast %add3A_582 : vector<16xi32> to vector<1x16xi32>
    tpu.vector_store %arg10[%swap3A_584, %swap3A_585], %swap3A_588 {strides = array<i32>} : memref<8x128xi32, #tpu.memory_space<vmem>>, vector<1x16xi32>,
    %get3A_589 = arith.constant 496 : index
    %get3A_590 = tpu.vector_load %arg8[%get3A_589] {strides = array<i32>} : memref<1024xi32, #tpu.memory_space<vmem>>, vector<16xi32>,
    %get3A_591 = vector.shape_cast %get3A_590 : vector<16xi32> to vector<16xi32>
    %mul3A_592 = arith.constant 4096 : i32
    %mul3A_593 = vector.broadcast %mul3A_592 : i32 to vector<16xi32>
    %mul3A_594 = arith.muli %get3A_591, %mul3A_593 : vector<16xi32>
    %get3A_595 = arith.constant 496 : index
    %get3A_596 = tpu.vector_load %arg9[%get3A_595] {strides = array<i32>} : memref<1024xi32, #tpu.memory_space<vmem>>, vector<16xi32>,
    %get3A_597 = vector.shape_cast %get3A_596 : vector<16xi32> to vector<16xi32>
    %add3A_598 = arith.addi %mul3A_594, %get3A_597 : vector<16xi32>
    %swap3A_599 = arith.constant 3 : i32
    %swap3A_600 = arith.index_cast %swap3A_599 : i32 to index
    %swap3A_601 = arith.constant 112 : index
    %swap3A_602 = tpu.vector_load %arg10[%swap3A_600, %swap3A_601] {strides = array<i32>} : memref<8x128xi32, #tpu.memory_space<vmem>>, vector<1x16xi32>,
    %swap3A_603 = vector.shape_cast %swap3A_602 : vector<1x16xi32> to vector<16xi32>
    %swap3A_604 = vector.shape_cast %add3A_598 : vector<16xi32> to vector<1x16xi32>
    tpu.vector_store %arg10[%swap3A_600, %swap3A_601], %swap3A_604 {strides = array<i32>} : memref<8x128xi32, #tpu.memory_space<vmem>>, vector<1x16xi32>,
    %get3A_605 = arith.constant 512 : index
    %get3A_606 = tpu.vector_load %arg8[%get3A_605] {strides = array<i32>} : memref<1024xi32, #tpu.memory_space<vmem>>, vector<16xi32>,
    %get3A_607 = vector.shape_cast %get3A_606 : vector<16xi32> to vector<16xi32>
    %mul3A_608 = arith.constant 4096 : i32
    %mul3A_609 = vector.broadcast %mul3A_608 : i32 to vector<16xi32>
    %mul3A_610 = arith.muli %get3A_607, %mul3A_609 : vector<16xi32>
    %get3A_611 = arith.constant 512 : index
    %get3A_612 = tpu.vector_load %arg9[%get3A_611] {strides = array<i32>} : memref<1024xi32, #tpu.memory_space<vmem>>, vector<16xi32>,
    %get3A_613 = vector.shape_cast %get3A_612 : vector<16xi32> to vector<16xi32>
    %add3A_614 = arith.addi %mul3A_610, %get3A_613 : vector<16xi32>
    %swap3A_615 = arith.constant 4 : i32
    %swap3A_616 = arith.index_cast %swap3A_615 : i32 to index
    %swap3A_617 = arith.constant 0 : index
    %swap3A_618 = tpu.vector_load %arg10[%swap3A_616, %swap3A_617] {strides = array<i32>} : memref<8x128xi32, #tpu.memory_space<vmem>>, vector<1x16xi32>,
    %swap3A_619 = vector.shape_cast %swap3A_618 : vector<1x16xi32> to vector<16xi32>
    %swap3A_620 = vector.shape_cast %add3A_614 : vector<16xi32> to vector<1x16xi32>
    tpu.vector_store %arg10[%swap3A_616, %swap3A_617], %swap3A_620 {strides = array<i32>} : memref<8x128xi32, #tpu.memory_space<vmem>>, vector<1x16xi32>,
    %get3A_621 = arith.constant 528 : index
    %get3A_622 = tpu.vector_load %arg8[%get3A_621] {strides = array<i32>} : memref<1024xi32, #tpu.memory_space<vmem>>, vector<16xi32>,
    %get3A_623 = vector.shape_cast %get3A_622 : vector<16xi32> to vector<16xi32>
    %mul3A_624 = arith.constant 4096 : i32
    %mul3A_625 = vector.broadcast %mul3A_624 : i32 to vector<16xi32>
    %mul3A_626 = arith.muli %get3A_623, %mul3A_625 : vector<16xi32>
    %get3A_627 = arith.constant 528 : index
    %get3A_628 = tpu.vector_load %arg9[%get3A_627] {strides = array<i32>} : memref<1024xi32, #tpu.memory_space<vmem>>, vector<16xi32>,
    %get3A_629 = vector.shape_cast %get3A_628 : vector<16xi32> to vector<16xi32>
    %add3A_630 = arith.addi %mul3A_626, %get3A_629 : vector<16xi32>
    %swap3A_631 = arith.constant 4 : i32
    %swap3A_632 = arith.index_cast %swap3A_631 : i32 to index
    %swap3A_633 = arith.constant 16 : index
    %swap3A_634 = tpu.vector_load %arg10[%swap3A_632, %swap3A_633] {strides = array<i32>} : memref<8x128xi32, #tpu.memory_space<vmem>>, vector<1x16xi32>,
    %swap3A_635 = vector.shape_cast %swap3A_634 : vector<1x16xi32> to vector<16xi32>
    %swap3A_636 = vector.shape_cast %add3A_630 : vector<16xi32> to vector<1x16xi32>
    tpu.vector_store %arg10[%swap3A_632, %swap3A_633], %swap3A_636 {strides = array<i32>} : memref<8x128xi32, #tpu.memory_space<vmem>>, vector<1x16xi32>,
    %get3A_637 = arith.constant 544 : index
    %get3A_638 = tpu.vector_load %arg8[%get3A_637] {strides = array<i32>} : memref<1024xi32, #tpu.memory_space<vmem>>, vector<16xi32>,
    %get3A_639 = vector.shape_cast %get3A_638 : vector<16xi32> to vector<16xi32>
    %mul3A_640 = arith.constant 4096 : i32
    %mul3A_641 = vector.broadcast %mul3A_640 : i32 to vector<16xi32>
    %mul3A_642 = arith.muli %get3A_639, %mul3A_641 : vector<16xi32>
    %get3A_643 = arith.constant 544 : index
    %get3A_644 = tpu.vector_load %arg9[%get3A_643] {strides = array<i32>} : memref<1024xi32, #tpu.memory_space<vmem>>, vector<16xi32>,
    %get3A_645 = vector.shape_cast %get3A_644 : vector<16xi32> to vector<16xi32>
    %add3A_646 = arith.addi %mul3A_642, %get3A_645 : vector<16xi32>
    %swap3A_647 = arith.constant 4 : i32
    %swap3A_648 = arith.index_cast %swap3A_647 : i32 to index
    %swap3A_649 = arith.constant 32 : index
    %swap3A_650 = tpu.vector_load %arg10[%swap3A_648, %swap3A_649] {strides = array<i32>} : memref<8x128xi32, #tpu.memory_space<vmem>>, vector<1x16xi32>,
    %swap3A_651 = vector.shape_cast %swap3A_650 : vector<1x16xi32> to vector<16xi32>
    %swap3A_652 = vector.shape_cast %add3A_646 : vector<16xi32> to vector<1x16xi32>
    tpu.vector_store %arg10[%swap3A_648, %swap3A_649], %swap3A_652 {strides = array<i32>} : memref<8x128xi32, #tpu.memory_space<vmem>>, vector<1x16xi32>,
    %get3A_653 = arith.constant 560 : index
    %get3A_654 = tpu.vector_load %arg8[%get3A_653] {strides = array<i32>} : memref<1024xi32, #tpu.memory_space<vmem>>, vector<16xi32>,
    %get3A_655 = vector.shape_cast %get3A_654 : vector<16xi32> to vector<16xi32>
    %mul3A_656 = arith.constant 4096 : i32
    %mul3A_657 = vector.broadcast %mul3A_656 : i32 to vector<16xi32>
    %mul3A_658 = arith.muli %get3A_655, %mul3A_657 : vector<16xi32>
    %get3A_659 = arith.constant 560 : index
    %get3A_660 = tpu.vector_load %arg9[%get3A_659] {strides = array<i32>} : memref<1024xi32, #tpu.memory_space<vmem>>, vector<16xi32>,
    %get3A_661 = vector.shape_cast %get3A_660 : vector<16xi32> to vector<16xi32>
    %add3A_662 = arith.addi %mul3A_658, %get3A_661 : vector<16xi32>
    %swap3A_663 = arith.constant 4 : i32
    %swap3A_664 = arith.index_cast %swap3A_663 : i32 to index
    %swap3A_665 = arith.constant 48 : index
    %swap3A_666 = tpu.vector_load %arg10[%swap3A_664, %swap3A_665] {strides = array<i32>} : memref<8x128xi32, #tpu.memory_space<vmem>>, vector<1x16xi32>,
    %swap3A_667 = vector.shape_cast %swap3A_666 : vector<1x16xi32> to vector<16xi32>
    %swap3A_668 = vector.shape_cast %add3A_662 : vector<16xi32> to vector<1x16xi32>
    tpu.vector_store %arg10[%swap3A_664, %swap3A_665], %swap3A_668 {strides = array<i32>} : memref<8x128xi32, #tpu.memory_space<vmem>>, vector<1x16xi32>,
    %get3A_669 = arith.constant 576 : index
    %get3A_670 = tpu.vector_load %arg8[%get3A_669] {strides = array<i32>} : memref<1024xi32, #tpu.memory_space<vmem>>, vector<16xi32>,
    %get3A_671 = vector.shape_cast %get3A_670 : vector<16xi32> to vector<16xi32>
    %mul3A_672 = arith.constant 4096 : i32
    %mul3A_673 = vector.broadcast %mul3A_672 : i32 to vector<16xi32>
    %mul3A_674 = arith.muli %get3A_671, %mul3A_673 : vector<16xi32>
    %get3A_675 = arith.constant 576 : index
    %get3A_676 = tpu.vector_load %arg9[%get3A_675] {strides = array<i32>} : memref<1024xi32, #tpu.memory_space<vmem>>, vector<16xi32>,
    %get3A_677 = vector.shape_cast %get3A_676 : vector<16xi32> to vector<16xi32>
    %add3A_678 = arith.addi %mul3A_674, %get3A_677 : vector<16xi32>
    %swap3A_679 = arith.constant 4 : i32
    %swap3A_680 = arith.index_cast %swap3A_679 : i32 to index
    %swap3A_681 = arith.constant 64 : index
    %swap3A_682 = tpu.vector_load %arg10[%swap3A_680, %swap3A_681] {strides = array<i32>} : memref<8x128xi32, #tpu.memory_space<vmem>>, vector<1x16xi32>,
    %swap3A_683 = vector.shape_cast %swap3A_682 : vector<1x16xi32> to vector<16xi32>
    %swap3A_684 = vector.shape_cast %add3A_678 : vector<16xi32> to vector<1x16xi32>
    tpu.vector_store %arg10[%swap3A_680, %swap3A_681], %swap3A_684 {strides = array<i32>} : memref<8x128xi32, #tpu.memory_space<vmem>>, vector<1x16xi32>,
    %get3A_685 = arith.constant 592 : index
    %get3A_686 = tpu.vector_load %arg8[%get3A_685] {strides = array<i32>} : memref<1024xi32, #tpu.memory_space<vmem>>, vector<16xi32>,
    %get3A_687 = vector.shape_cast %get3A_686 : vector<16xi32> to vector<16xi32>
    %mul3A_688 = arith.constant 4096 : i32
    %mul3A_689 = vector.broadcast %mul3A_688 : i32 to vector<16xi32>
    %mul3A_690 = arith.muli %get3A_687, %mul3A_689 : vector<16xi32>
    %get3A_691 = arith.constant 592 : index
    %get3A_692 = tpu.vector_load %arg9[%get3A_691] {strides = array<i32>} : memref<1024xi32, #tpu.memory_space<vmem>>, vector<16xi32>,
    %get3A_693 = vector.shape_cast %get3A_692 : vector<16xi32> to vector<16xi32>
    %add3A_694 = arith.addi %mul3A_690, %get3A_693 : vector<16xi32>
    %swap3A_695 = arith.constant 4 : i32
    %swap3A_696 = arith.index_cast %swap3A_695 : i32 to index
    %swap3A_697 = arith.constant 80 : index
    %swap3A_698 = tpu.vector_load %arg10[%swap3A_696, %swap3A_697] {strides = array<i32>} : memref<8x128xi32, #tpu.memory_space<vmem>>, vector<1x16xi32>,
    %swap3A_699 = vector.shape_cast %swap3A_698 : vector<1x16xi32> to vector<16xi32>
    %swap3A_700 = vector.shape_cast %add3A_694 : vector<16xi32> to vector<1x16xi32>
    tpu.vector_store %arg10[%swap3A_696, %swap3A_697], %swap3A_700 {strides = array<i32>} : memref<8x128xi32, #tpu.memory_space<vmem>>, vector<1x16xi32>,
    %get3A_701 = arith.constant 608 : index
    %get3A_702 = tpu.vector_load %arg8[%get3A_701] {strides = array<i32>} : memref<1024xi32, #tpu.memory_space<vmem>>, vector<16xi32>,
    %get3A_703 = vector.shape_cast %get3A_702 : vector<16xi32> to vector<16xi32>
    %mul3A_704 = arith.constant 4096 : i32
    %mul3A_705 = vector.broadcast %mul3A_704 : i32 to vector<16xi32>
    %mul3A_706 = arith.muli %get3A_703, %mul3A_705 : vector<16xi32>
    %get3A_707 = arith.constant 608 : index
    %get3A_708 = tpu.vector_load %arg9[%get3A_707] {strides = array<i32>} : memref<1024xi32, #tpu.memory_space<vmem>>, vector<16xi32>,
    %get3A_709 = vector.shape_cast %get3A_708 : vector<16xi32> to vector<16xi32>
    %add3A_710 = arith.addi %mul3A_706, %get3A_709 : vector<16xi32>
    %swap3A_711 = arith.constant 4 : i32
    %swap3A_712 = arith.index_cast %swap3A_711 : i32 to index
    %swap3A_713 = arith.constant 96 : index
    %swap3A_714 = tpu.vector_load %arg10[%swap3A_712, %swap3A_713] {strides = array<i32>} : memref<8x128xi32, #tpu.memory_space<vmem>>, vector<1x16xi32>,
    %swap3A_715 = vector.shape_cast %swap3A_714 : vector<1x16xi32> to vector<16xi32>
    %swap3A_716 = vector.shape_cast %add3A_710 : vector<16xi32> to vector<1x16xi32>
    tpu.vector_store %arg10[%swap3A_712, %swap3A_713], %swap3A_716 {strides = array<i32>} : memref<8x128xi32, #tpu.memory_space<vmem>>, vector<1x16xi32>,
    %get3A_717 = arith.constant 624 : index
    %get3A_718 = tpu.vector_load %arg8[%get3A_717] {strides = array<i32>} : memref<1024xi32, #tpu.memory_space<vmem>>, vector<16xi32>,
    %get3A_719 = vector.shape_cast %get3A_718 : vector<16xi32> to vector<16xi32>
    %mul3A_720 = arith.constant 4096 : i32
    %mul3A_721 = vector.broadcast %mul3A_720 : i32 to vector<16xi32>
    %mul3A_722 = arith.muli %get3A_719, %mul3A_721 : vector<16xi32>
    %get3A_723 = arith.constant 624 : index
    %get3A_724 = tpu.vector_load %arg9[%get3A_723] {strides = array<i32>} : memref<1024xi32, #tpu.memory_space<vmem>>, vector<16xi32>,
    %get3A_725 = vector.shape_cast %get3A_724 : vector<16xi32> to vector<16xi32>
    %add3A_726 = arith.addi %mul3A_722, %get3A_725 : vector<16xi32>
    %swap3A_727 = arith.constant 4 : i32
    %swap3A_728 = arith.index_cast %swap3A_727 : i32 to index
    %swap3A_729 = arith.constant 112 : index
    %swap3A_730 = tpu.vector_load %arg10[%swap3A_728, %swap3A_729] {strides = array<i32>} : memref<8x128xi32, #tpu.memory_space<vmem>>, vector<1x16xi32>,
    %swap3A_731 = vector.shape_cast %swap3A_730 : vector<1x16xi32> to vector<16xi32>
    %swap3A_732 = vector.shape_cast %add3A_726 : vector<16xi32> to vector<1x16xi32>
    tpu.vector_store %arg10[%swap3A_728, %swap3A_729], %swap3A_732 {strides = array<i32>} : memref<8x128xi32, #tpu.memory_space<vmem>>, vector<1x16xi32>,
    %get3A_733 = arith.constant 640 : index
    %get3A_734 = tpu.vector_load %arg8[%get3A_733] {strides = array<i32>} : memref<1024xi32, #tpu.memory_space<vmem>>, vector<16xi32>,
    %get3A_735 = vector.shape_cast %get3A_734 : vector<16xi32> to vector<16xi32>
    %mul3A_736 = arith.constant 4096 : i32
    %mul3A_737 = vector.broadcast %mul3A_736 : i32 to vector<16xi32>
    %mul3A_738 = arith.muli %get3A_735, %mul3A_737 : vector<16xi32>
    %get3A_739 = arith.constant 640 : index
    %get3A_740 = tpu.vector_load %arg9[%get3A_739] {strides = array<i32>} : memref<1024xi32, #tpu.memory_space<vmem>>, vector<16xi32>,
    %get3A_741 = vector.shape_cast %get3A_740 : vector<16xi32> to vector<16xi32>
    %add3A_742 = arith.addi %mul3A_738, %get3A_741 : vector<16xi32>
    %swap3A_743 = arith.constant 5 : i32
    %swap3A_744 = arith.index_cast %swap3A_743 : i32 to index
    %swap3A_745 = arith.constant 0 : index
    %swap3A_746 = tpu.vector_load %arg10[%swap3A_744, %swap3A_745] {strides = array<i32>} : memref<8x128xi32, #tpu.memory_space<vmem>>, vector<1x16xi32>,
    %swap3A_747 = vector.shape_cast %swap3A_746 : vector<1x16xi32> to vector<16xi32>
    %swap3A_748 = vector.shape_cast %add3A_742 : vector<16xi32> to vector<1x16xi32>
    tpu.vector_store %arg10[%swap3A_744, %swap3A_745], %swap3A_748 {strides = array<i32>} : memref<8x128xi32, #tpu.memory_space<vmem>>, vector<1x16xi32>,
    %get3A_749 = arith.constant 656 : index
    %get3A_750 = tpu.vector_load %arg8[%get3A_749] {strides = array<i32>} : memref<1024xi32, #tpu.memory_space<vmem>>, vector<16xi32>,
    %get3A_751 = vector.shape_cast %get3A_750 : vector<16xi32> to vector<16xi32>
    %mul3A_752 = arith.constant 4096 : i32
    %mul3A_753 = vector.broadcast %mul3A_752 : i32 to vector<16xi32>
    %mul3A_754 = arith.muli %get3A_751, %mul3A_753 : vector<16xi32>
    %get3A_755 = arith.constant 656 : index
    %get3A_756 = tpu.vector_load %arg9[%get3A_755] {strides = array<i32>} : memref<1024xi32, #tpu.memory_space<vmem>>, vector<16xi32>,
    %get3A_757 = vector.shape_cast %get3A_756 : vector<16xi32> to vector<16xi32>
    %add3A_758 = arith.addi %mul3A_754, %get3A_757 : vector<16xi32>
    %swap3A_759 = arith.constant 5 : i32
    %swap3A_760 = arith.index_cast %swap3A_759 : i32 to index
    %swap3A_761 = arith.constant 16 : index
    %swap3A_762 = tpu.vector_load %arg10[%swap3A_760, %swap3A_761] {strides = array<i32>} : memref<8x128xi32, #tpu.memory_space<vmem>>, vector<1x16xi32>,
    %swap3A_763 = vector.shape_cast %swap3A_762 : vector<1x16xi32> to vector<16xi32>
    %swap3A_764 = vector.shape_cast %add3A_758 : vector<16xi32> to vector<1x16xi32>
    tpu.vector_store %arg10[%swap3A_760, %swap3A_761], %swap3A_764 {strides = array<i32>} : memref<8x128xi32, #tpu.memory_space<vmem>>, vector<1x16xi32>,
    %get3A_765 = arith.constant 672 : index
    %get3A_766 = tpu.vector_load %arg8[%get3A_765] {strides = array<i32>} : memref<1024xi32, #tpu.memory_space<vmem>>, vector<16xi32>,
    %get3A_767 = vector.shape_cast %get3A_766 : vector<16xi32> to vector<16xi32>
    %mul3A_768 = arith.constant 4096 : i32
    %mul3A_769 = vector.broadcast %mul3A_768 : i32 to vector<16xi32>
    %mul3A_770 = arith.muli %get3A_767, %mul3A_769 : vector<16xi32>
    %get3A_771 = arith.constant 672 : index
    %get3A_772 = tpu.vector_load %arg9[%get3A_771] {strides = array<i32>} : memref<1024xi32, #tpu.memory_space<vmem>>, vector<16xi32>,
    %get3A_773 = vector.shape_cast %get3A_772 : vector<16xi32> to vector<16xi32>
    %add3A_774 = arith.addi %mul3A_770, %get3A_773 : vector<16xi32>
    %swap3A_775 = arith.constant 5 : i32
    %swap3A_776 = arith.index_cast %swap3A_775 : i32 to index
    %swap3A_777 = arith.constant 32 : index
    %swap3A_778 = tpu.vector_load %arg10[%swap3A_776, %swap3A_777] {strides = array<i32>} : memref<8x128xi32, #tpu.memory_space<vmem>>, vector<1x16xi32>,
    %swap3A_779 = vector.shape_cast %swap3A_778 : vector<1x16xi32> to vector<16xi32>
    %swap3A_780 = vector.shape_cast %add3A_774 : vector<16xi32> to vector<1x16xi32>
    tpu.vector_store %arg10[%swap3A_776, %swap3A_777], %swap3A_780 {strides = array<i32>} : memref<8x128xi32, #tpu.memory_space<vmem>>, vector<1x16xi32>,
    %get3A_781 = arith.constant 688 : index
    %get3A_782 = tpu.vector_load %arg8[%get3A_781] {strides = array<i32>} : memref<1024xi32, #tpu.memory_space<vmem>>, vector<16xi32>,
    %get3A_783 = vector.shape_cast %get3A_782 : vector<16xi32> to vector<16xi32>
    %mul3A_784 = arith.constant 4096 : i32
    %mul3A_785 = vector.broadcast %mul3A_784 : i32 to vector<16xi32>
    %mul3A_786 = arith.muli %get3A_783, %mul3A_785 : vector<16xi32>
    %get3A_787 = arith.constant 688 : index
    %get3A_788 = tpu.vector_load %arg9[%get3A_787] {strides = array<i32>} : memref<1024xi32, #tpu.memory_space<vmem>>, vector<16xi32>,
    %get3A_789 = vector.shape_cast %get3A_788 : vector<16xi32> to vector<16xi32>
    %add3A_790 = arith.addi %mul3A_786, %get3A_789 : vector<16xi32>
    %swap3A_791 = arith.constant 5 : i32
    %swap3A_792 = arith.index_cast %swap3A_791 : i32 to index
    %swap3A_793 = arith.constant 48 : index
    %swap3A_794 = tpu.vector_load %arg10[%swap3A_792, %swap3A_793] {strides = array<i32>} : memref<8x128xi32, #tpu.memory_space<vmem>>, vector<1x16xi32>,
    %swap3A_795 = vector.shape_cast %swap3A_794 : vector<1x16xi32> to vector<16xi32>
    %swap3A_796 = vector.shape_cast %add3A_790 : vector<16xi32> to vector<1x16xi32>
    tpu.vector_store %arg10[%swap3A_792, %swap3A_793], %swap3A_796 {strides = array<i32>} : memref<8x128xi32, #tpu.memory_space<vmem>>, vector<1x16xi32>,
    %get3A_797 = arith.constant 704 : index
    %get3A_798 = tpu.vector_load %arg8[%get3A_797] {strides = array<i32>} : memref<1024xi32, #tpu.memory_space<vmem>>, vector<16xi32>,
    %get3A_799 = vector.shape_cast %get3A_798 : vector<16xi32> to vector<16xi32>
    %mul3A_800 = arith.constant 4096 : i32
    %mul3A_801 = vector.broadcast %mul3A_800 : i32 to vector<16xi32>
    %mul3A_802 = arith.muli %get3A_799, %mul3A_801 : vector<16xi32>
    %get3A_803 = arith.constant 704 : index
    %get3A_804 = tpu.vector_load %arg9[%get3A_803] {strides = array<i32>} : memref<1024xi32, #tpu.memory_space<vmem>>, vector<16xi32>,
    %get3A_805 = vector.shape_cast %get3A_804 : vector<16xi32> to vector<16xi32>
    %add3A_806 = arith.addi %mul3A_802, %get3A_805 : vector<16xi32>
    %swap3A_807 = arith.constant 5 : i32
    %swap3A_808 = arith.index_cast %swap3A_807 : i32 to index
    %swap3A_809 = arith.constant 64 : index
    %swap3A_810 = tpu.vector_load %arg10[%swap3A_808, %swap3A_809] {strides = array<i32>} : memref<8x128xi32, #tpu.memory_space<vmem>>, vector<1x16xi32>,
    %swap3A_811 = vector.shape_cast %swap3A_810 : vector<1x16xi32> to vector<16xi32>
    %swap3A_812 = vector.shape_cast %add3A_806 : vector<16xi32> to vector<1x16xi32>
    tpu.vector_store %arg10[%swap3A_808, %swap3A_809], %swap3A_812 {strides = array<i32>} : memref<8x128xi32, #tpu.memory_space<vmem>>, vector<1x16xi32>,
    %get3A_813 = arith.constant 720 : index
    %get3A_814 = tpu.vector_load %arg8[%get3A_813] {strides = array<i32>} : memref<1024xi32, #tpu.memory_space<vmem>>, vector<16xi32>,
    %get3A_815 = vector.shape_cast %get3A_814 : vector<16xi32> to vector<16xi32>
    %mul3A_816 = arith.constant 4096 : i32
    %mul3A_817 = vector.broadcast %mul3A_816 : i32 to vector<16xi32>
    %mul3A_818 = arith.muli %get3A_815, %mul3A_817 : vector<16xi32>
    %get3A_819 = arith.constant 720 : index
    %get3A_820 = tpu.vector_load %arg9[%get3A_819] {strides = array<i32>} : memref<1024xi32, #tpu.memory_space<vmem>>, vector<16xi32>,
    %get3A_821 = vector.shape_cast %get3A_820 : vector<16xi32> to vector<16xi32>
    %add3A_822 = arith.addi %mul3A_818, %get3A_821 : vector<16xi32>
    %swap3A_823 = arith.constant 5 : i32
    %swap3A_824 = arith.index_cast %swap3A_823 : i32 to index
    %swap3A_825 = arith.constant 80 : index
    %swap3A_826 = tpu.vector_load %arg10[%swap3A_824, %swap3A_825] {strides = array<i32>} : memref<8x128xi32, #tpu.memory_space<vmem>>, vector<1x16xi32>,
    %swap3A_827 = vector.shape_cast %swap3A_826 : vector<1x16xi32> to vector<16xi32>
    %swap3A_828 = vector.shape_cast %add3A_822 : vector<16xi32> to vector<1x16xi32>
    tpu.vector_store %arg10[%swap3A_824, %swap3A_825], %swap3A_828 {strides = array<i32>} : memref<8x128xi32, #tpu.memory_space<vmem>>, vector<1x16xi32>,
    %get3A_829 = arith.constant 736 : index
    %get3A_830 = tpu.vector_load %arg8[%get3A_829] {strides = array<i32>} : memref<1024xi32, #tpu.memory_space<vmem>>, vector<16xi32>,
    %get3A_831 = vector.shape_cast %get3A_830 : vector<16xi32> to vector<16xi32>
    %mul3A_832 = arith.constant 4096 : i32
    %mul3A_833 = vector.broadcast %mul3A_832 : i32 to vector<16xi32>
    %mul3A_834 = arith.muli %get3A_831, %mul3A_833 : vector<16xi32>
    %get3A_835 = arith.constant 736 : index
    %get3A_836 = tpu.vector_load %arg9[%get3A_835] {strides = array<i32>} : memref<1024xi32, #tpu.memory_space<vmem>>, vector<16xi32>,
    %get3A_837 = vector.shape_cast %get3A_836 : vector<16xi32> to vector<16xi32>
    %add3A_838 = arith.addi %mul3A_834, %get3A_837 : vector<16xi32>
    %swap3A_839 = arith.constant 5 : i32
    %swap3A_840 = arith.index_cast %swap3A_839 : i32 to index
    %swap3A_841 = arith.constant 96 : index
    %swap3A_842 = tpu.vector_load %arg10[%swap3A_840, %swap3A_841] {strides = array<i32>} : memref<8x128xi32, #tpu.memory_space<vmem>>, vector<1x16xi32>,
    %swap3A_843 = vector.shape_cast %swap3A_842 : vector<1x16xi32> to vector<16xi32>
    %swap3A_844 = vector.shape_cast %add3A_838 : vector<16xi32> to vector<1x16xi32>
    tpu.vector_store %arg10[%swap3A_840, %swap3A_841], %swap3A_844 {strides = array<i32>} : memref<8x128xi32, #tpu.memory_space<vmem>>, vector<1x16xi32>,
    %get3A_845 = arith.constant 752 : index
    %get3A_846 = tpu.vector_load %arg8[%get3A_845] {strides = array<i32>} : memref<1024xi32, #tpu.memory_space<vmem>>, vector<16xi32>,
    %get3A_847 = vector.shape_cast %get3A_846 : vector<16xi32> to vector<16xi32>
    %mul3A_848 = arith.constant 4096 : i32
    %mul3A_849 = vector.broadcast %mul3A_848 : i32 to vector<16xi32>
    %mul3A_850 = arith.muli %get3A_847, %mul3A_849 : vector<16xi32>
    %get3A_851 = arith.constant 752 : index
    %get3A_852 = tpu.vector_load %arg9[%get3A_851] {strides = array<i32>} : memref<1024xi32, #tpu.memory_space<vmem>>, vector<16xi32>,
    %get3A_853 = vector.shape_cast %get3A_852 : vector<16xi32> to vector<16xi32>
    %add3A_854 = arith.addi %mul3A_850, %get3A_853 : vector<16xi32>
    %swap3A_855 = arith.constant 5 : i32
    %swap3A_856 = arith.index_cast %swap3A_855 : i32 to index
    %swap3A_857 = arith.constant 112 : index
    %swap3A_858 = tpu.vector_load %arg10[%swap3A_856, %swap3A_857] {strides = array<i32>} : memref<8x128xi32, #tpu.memory_space<vmem>>, vector<1x16xi32>,
    %swap3A_859 = vector.shape_cast %swap3A_858 : vector<1x16xi32> to vector<16xi32>
    %swap3A_860 = vector.shape_cast %add3A_854 : vector<16xi32> to vector<1x16xi32>
    tpu.vector_store %arg10[%swap3A_856, %swap3A_857], %swap3A_860 {strides = array<i32>} : memref<8x128xi32, #tpu.memory_space<vmem>>, vector<1x16xi32>,
    %get3A_861 = arith.constant 768 : index
    %get3A_862 = tpu.vector_load %arg8[%get3A_861] {strides = array<i32>} : memref<1024xi32, #tpu.memory_space<vmem>>, vector<16xi32>,
    %get3A_863 = vector.shape_cast %get3A_862 : vector<16xi32> to vector<16xi32>
    %mul3A_864 = arith.constant 4096 : i32
    %mul3A_865 = vector.broadcast %mul3A_864 : i32 to vector<16xi32>
    %mul3A_866 = arith.muli %get3A_863, %mul3A_865 : vector<16xi32>
    %get3A_867 = arith.constant 768 : index
    %get3A_868 = tpu.vector_load %arg9[%get3A_867] {strides = array<i32>} : memref<1024xi32, #tpu.memory_space<vmem>>, vector<16xi32>,
    %get3A_869 = vector.shape_cast %get3A_868 : vector<16xi32> to vector<16xi32>
    %add3A_870 = arith.addi %mul3A_866, %get3A_869 : vector<16xi32>
    %swap3A_871 = arith.constant 6 : i32
    %swap3A_872 = arith.index_cast %swap3A_871 : i32 to index
    %swap3A_873 = arith.constant 0 : index
    %swap3A_874 = tpu.vector_load %arg10[%swap3A_872, %swap3A_873] {strides = array<i32>} : memref<8x128xi32, #tpu.memory_space<vmem>>, vector<1x16xi32>,
    %swap3A_875 = vector.shape_cast %swap3A_874 : vector<1x16xi32> to vector<16xi32>
    %swap3A_876 = vector.shape_cast %add3A_870 : vector<16xi32> to vector<1x16xi32>
    tpu.vector_store %arg10[%swap3A_872, %swap3A_873], %swap3A_876 {strides = array<i32>} : memref<8x128xi32, #tpu.memory_space<vmem>>, vector<1x16xi32>,
    %get3A_877 = arith.constant 784 : index
    %get3A_878 = tpu.vector_load %arg8[%get3A_877] {strides = array<i32>} : memref<1024xi32, #tpu.memory_space<vmem>>, vector<16xi32>,
    %get3A_879 = vector.shape_cast %get3A_878 : vector<16xi32> to vector<16xi32>
    %mul3A_880 = arith.constant 4096 : i32
    %mul3A_881 = vector.broadcast %mul3A_880 : i32 to vector<16xi32>
    %mul3A_882 = arith.muli %get3A_879, %mul3A_881 : vector<16xi32>
    %get3A_883 = arith.constant 784 : index
    %get3A_884 = tpu.vector_load %arg9[%get3A_883] {strides = array<i32>} : memref<1024xi32, #tpu.memory_space<vmem>>, vector<16xi32>,
    %get3A_885 = vector.shape_cast %get3A_884 : vector<16xi32> to vector<16xi32>
    %add3A_886 = arith.addi %mul3A_882, %get3A_885 : vector<16xi32>
    %swap3A_887 = arith.constant 6 : i32
    %swap3A_888 = arith.index_cast %swap3A_887 : i32 to index
    %swap3A_889 = arith.constant 16 : index
    %swap3A_890 = tpu.vector_load %arg10[%swap3A_888, %swap3A_889] {strides = array<i32>} : memref<8x128xi32, #tpu.memory_space<vmem>>, vector<1x16xi32>,
    %swap3A_891 = vector.shape_cast %swap3A_890 : vector<1x16xi32> to vector<16xi32>
    %swap3A_892 = vector.shape_cast %add3A_886 : vector<16xi32> to vector<1x16xi32>
    tpu.vector_store %arg10[%swap3A_888, %swap3A_889], %swap3A_892 {strides = array<i32>} : memref<8x128xi32, #tpu.memory_space<vmem>>, vector<1x16xi32>,
    %get3A_893 = arith.constant 800 : index
    %get3A_894 = tpu.vector_load %arg8[%get3A_893] {strides = array<i32>} : memref<1024xi32, #tpu.memory_space<vmem>>, vector<16xi32>,
    %get3A_895 = vector.shape_cast %get3A_894 : vector<16xi32> to vector<16xi32>
    %mul3A_896 = arith.constant 4096 : i32
    %mul3A_897 = vector.broadcast %mul3A_896 : i32 to vector<16xi32>
    %mul3A_898 = arith.muli %get3A_895, %mul3A_897 : vector<16xi32>
    %get3A_899 = arith.constant 800 : index
    %get3A_900 = tpu.vector_load %arg9[%get3A_899] {strides = array<i32>} : memref<1024xi32, #tpu.memory_space<vmem>>, vector<16xi32>,
    %get3A_901 = vector.shape_cast %get3A_900 : vector<16xi32> to vector<16xi32>
    %add3A_902 = arith.addi %mul3A_898, %get3A_901 : vector<16xi32>
    %swap3A_903 = arith.constant 6 : i32
    %swap3A_904 = arith.index_cast %swap3A_903 : i32 to index
    %swap3A_905 = arith.constant 32 : index
    %swap3A_906 = tpu.vector_load %arg10[%swap3A_904, %swap3A_905] {strides = array<i32>} : memref<8x128xi32, #tpu.memory_space<vmem>>, vector<1x16xi32>,
    %swap3A_907 = vector.shape_cast %swap3A_906 : vector<1x16xi32> to vector<16xi32>
    %swap3A_908 = vector.shape_cast %add3A_902 : vector<16xi32> to vector<1x16xi32>
    tpu.vector_store %arg10[%swap3A_904, %swap3A_905], %swap3A_908 {strides = array<i32>} : memref<8x128xi32, #tpu.memory_space<vmem>>, vector<1x16xi32>,
    %get3A_909 = arith.constant 816 : index
    %get3A_910 = tpu.vector_load %arg8[%get3A_909] {strides = array<i32>} : memref<1024xi32, #tpu.memory_space<vmem>>, vector<16xi32>,
    %get3A_911 = vector.shape_cast %get3A_910 : vector<16xi32> to vector<16xi32>
    %mul3A_912 = arith.constant 4096 : i32
    %mul3A_913 = vector.broadcast %mul3A_912 : i32 to vector<16xi32>
    %mul3A_914 = arith.muli %get3A_911, %mul3A_913 : vector<16xi32>
    %get3A_915 = arith.constant 816 : index
    %get3A_916 = tpu.vector_load %arg9[%get3A_915] {strides = array<i32>} : memref<1024xi32, #tpu.memory_space<vmem>>, vector<16xi32>,
    %get3A_917 = vector.shape_cast %get3A_916 : vector<16xi32> to vector<16xi32>
    %add3A_918 = arith.addi %mul3A_914, %get3A_917 : vector<16xi32>
    %swap3A_919 = arith.constant 6 : i32
    %swap3A_920 = arith.index_cast %swap3A_919 : i32 to index
    %swap3A_921 = arith.constant 48 : index
    %swap3A_922 = tpu.vector_load %arg10[%swap3A_920, %swap3A_921] {strides = array<i32>} : memref<8x128xi32, #tpu.memory_space<vmem>>, vector<1x16xi32>,
    %swap3A_923 = vector.shape_cast %swap3A_922 : vector<1x16xi32> to vector<16xi32>
    %swap3A_924 = vector.shape_cast %add3A_918 : vector<16xi32> to vector<1x16xi32>
    tpu.vector_store %arg10[%swap3A_920, %swap3A_921], %swap3A_924 {strides = array<i32>} : memref<8x128xi32, #tpu.memory_space<vmem>>, vector<1x16xi32>,
    %get3A_925 = arith.constant 832 : index
    %get3A_926 = tpu.vector_load %arg8[%get3A_925] {strides = array<i32>} : memref<1024xi32, #tpu.memory_space<vmem>>, vector<16xi32>,
    %get3A_927 = vector.shape_cast %get3A_926 : vector<16xi32> to vector<16xi32>
    %mul3A_928 = arith.constant 4096 : i32
    %mul3A_929 = vector.broadcast %mul3A_928 : i32 to vector<16xi32>
    %mul3A_930 = arith.muli %get3A_927, %mul3A_929 : vector<16xi32>
    %get3A_931 = arith.constant 832 : index
    %get3A_932 = tpu.vector_load %arg9[%get3A_931] {strides = array<i32>} : memref<1024xi32, #tpu.memory_space<vmem>>, vector<16xi32>,
    %get3A_933 = vector.shape_cast %get3A_932 : vector<16xi32> to vector<16xi32>
    %add3A_934 = arith.addi %mul3A_930, %get3A_933 : vector<16xi32>
    %swap3A_935 = arith.constant 6 : i32
    %swap3A_936 = arith.index_cast %swap3A_935 : i32 to index
    %swap3A_937 = arith.constant 64 : index
    %swap3A_938 = tpu.vector_load %arg10[%swap3A_936, %swap3A_937] {strides = array<i32>} : memref<8x128xi32, #tpu.memory_space<vmem>>, vector<1x16xi32>,
    %swap3A_939 = vector.shape_cast %swap3A_938 : vector<1x16xi32> to vector<16xi32>
    %swap3A_940 = vector.shape_cast %add3A_934 : vector<16xi32> to vector<1x16xi32>
    tpu.vector_store %arg10[%swap3A_936, %swap3A_937], %swap3A_940 {strides = array<i32>} : memref<8x128xi32, #tpu.memory_space<vmem>>, vector<1x16xi32>,
    %get3A_941 = arith.constant 848 : index
    %get3A_942 = tpu.vector_load %arg8[%get3A_941] {strides = array<i32>} : memref<1024xi32, #tpu.memory_space<vmem>>, vector<16xi32>,
    %get3A_943 = vector.shape_cast %get3A_942 : vector<16xi32> to vector<16xi32>
    %mul3A_944 = arith.constant 4096 : i32
    %mul3A_945 = vector.broadcast %mul3A_944 : i32 to vector<16xi32>
    %mul3A_946 = arith.muli %get3A_943, %mul3A_945 : vector<16xi32>
    %get3A_947 = arith.constant 848 : index
    %get3A_948 = tpu.vector_load %arg9[%get3A_947] {strides = array<i32>} : memref<1024xi32, #tpu.memory_space<vmem>>, vector<16xi32>,
    %get3A_949 = vector.shape_cast %get3A_948 : vector<16xi32> to vector<16xi32>
    %add3A_950 = arith.addi %mul3A_946, %get3A_949 : vector<16xi32>
    %swap3A_951 = arith.constant 6 : i32
    %swap3A_952 = arith.index_cast %swap3A_951 : i32 to index
    %swap3A_953 = arith.constant 80 : index
    %swap3A_954 = tpu.vector_load %arg10[%swap3A_952, %swap3A_953] {strides = array<i32>} : memref<8x128xi32, #tpu.memory_space<vmem>>, vector<1x16xi32>,
    %swap3A_955 = vector.shape_cast %swap3A_954 : vector<1x16xi32> to vector<16xi32>
    %swap3A_956 = vector.shape_cast %add3A_950 : vector<16xi32> to vector<1x16xi32>
    tpu.vector_store %arg10[%swap3A_952, %swap3A_953], %swap3A_956 {strides = array<i32>} : memref<8x128xi32, #tpu.memory_space<vmem>>, vector<1x16xi32>,
    %get3A_957 = arith.constant 864 : index
    %get3A_958 = tpu.vector_load %arg8[%get3A_957] {strides = array<i32>} : memref<1024xi32, #tpu.memory_space<vmem>>, vector<16xi32>,
    %get3A_959 = vector.shape_cast %get3A_958 : vector<16xi32> to vector<16xi32>
    %mul3A_960 = arith.constant 4096 : i32
    %mul3A_961 = vector.broadcast %mul3A_960 : i32 to vector<16xi32>
    %mul3A_962 = arith.muli %get3A_959, %mul3A_961 : vector<16xi32>
    %get3A_963 = arith.constant 864 : index
    %get3A_964 = tpu.vector_load %arg9[%get3A_963] {strides = array<i32>} : memref<1024xi32, #tpu.memory_space<vmem>>, vector<16xi32>,
    %get3A_965 = vector.shape_cast %get3A_964 : vector<16xi32> to vector<16xi32>
    %add3A_966 = arith.addi %mul3A_962, %get3A_965 : vector<16xi32>
    %swap3A_967 = arith.constant 6 : i32
    %swap3A_968 = arith.index_cast %swap3A_967 : i32 to index
    %swap3A_969 = arith.constant 96 : index
    %swap3A_970 = tpu.vector_load %arg10[%swap3A_968, %swap3A_969] {strides = array<i32>} : memref<8x128xi32, #tpu.memory_space<vmem>>, vector<1x16xi32>,
    %swap3A_971 = vector.shape_cast %swap3A_970 : vector<1x16xi32> to vector<16xi32>
    %swap3A_972 = vector.shape_cast %add3A_966 : vector<16xi32> to vector<1x16xi32>
    tpu.vector_store %arg10[%swap3A_968, %swap3A_969], %swap3A_972 {strides = array<i32>} : memref<8x128xi32, #tpu.memory_space<vmem>>, vector<1x16xi32>,
    %get3A_973 = arith.constant 880 : index
    %get3A_974 = tpu.vector_load %arg8[%get3A_973] {strides = array<i32>} : memref<1024xi32, #tpu.memory_space<vmem>>, vector<16xi32>,
    %get3A_975 = vector.shape_cast %get3A_974 : vector<16xi32> to vector<16xi32>
    %mul3A_976 = arith.constant 4096 : i32
    %mul3A_977 = vector.broadcast %mul3A_976 : i32 to vector<16xi32>
    %mul3A_978 = arith.muli %get3A_975, %mul3A_977 : vector<16xi32>
    %get3A_979 = arith.constant 880 : index
    %get3A_980 = tpu.vector_load %arg9[%get3A_979] {strides = array<i32>} : memref<1024xi32, #tpu.memory_space<vmem>>, vector<16xi32>,
    %get3A_981 = vector.shape_cast %get3A_980 : vector<16xi32> to vector<16xi32>
    %add3A_982 = arith.addi %mul3A_978, %get3A_981 : vector<16xi32>
    %swap3A_983 = arith.constant 6 : i32
    %swap3A_984 = arith.index_cast %swap3A_983 : i32 to index
    %swap3A_985 = arith.constant 112 : index
    %swap3A_986 = tpu.vector_load %arg10[%swap3A_984, %swap3A_985] {strides = array<i32>} : memref<8x128xi32, #tpu.memory_space<vmem>>, vector<1x16xi32>,
    %swap3A_987 = vector.shape_cast %swap3A_986 : vector<1x16xi32> to vector<16xi32>
    %swap3A_988 = vector.shape_cast %add3A_982 : vector<16xi32> to vector<1x16xi32>
    tpu.vector_store %arg10[%swap3A_984, %swap3A_985], %swap3A_988 {strides = array<i32>} : memref<8x128xi32, #tpu.memory_space<vmem>>, vector<1x16xi32>,
    %get3A_989 = arith.constant 896 : index
    %get3A_990 = tpu.vector_load %arg8[%get3A_989] {strides = array<i32>} : memref<1024xi32, #tpu.memory_space<vmem>>, vector<16xi32>,
    %get3A_991 = vector.shape_cast %get3A_990 : vector<16xi32> to vector<16xi32>
    %mul3A_992 = arith.constant 4096 : i32
    %mul3A_993 = vector.broadcast %mul3A_992 : i32 to vector<16xi32>
    %mul3A_994 = arith.muli %get3A_991, %mul3A_993 : vector<16xi32>
    %get3A_995 = arith.constant 896 : index
    %get3A_996 = tpu.vector_load %arg9[%get3A_995] {strides = array<i32>} : memref<1024xi32, #tpu.memory_space<vmem>>, vector<16xi32>,
    %get3A_997 = vector.shape_cast %get3A_996 : vector<16xi32> to vector<16xi32>
    %add3A_998 = arith.addi %mul3A_994, %get3A_997 : vector<16xi32>
    %swap3A_999 = arith.constant 7 : i32
    %swap3A_1000 = arith.index_cast %swap3A_999 : i32 to index
    %swap3A_1001 = arith.constant 0 : index
    %swap3A_1002 = tpu.vector_load %arg10[%swap3A_1000, %swap3A_1001] {strides = array<i32>} : memref<8x128xi32, #tpu.memory_space<vmem>>, vector<1x16xi32>,
    %swap3A_1003 = vector.shape_cast %swap3A_1002 : vector<1x16xi32> to vector<16xi32>
    %swap3A_1004 = vector.shape_cast %add3A_998 : vector<16xi32> to vector<1x16xi32>
    tpu.vector_store %arg10[%swap3A_1000, %swap3A_1001], %swap3A_1004 {strides = array<i32>} : memref<8x128xi32, #tpu.memory_space<vmem>>, vector<1x16xi32>,
    %get3A_1005 = arith.constant 912 : index
    %get3A_1006 = tpu.vector_load %arg8[%get3A_1005] {strides = array<i32>} : memref<1024xi32, #tpu.memory_space<vmem>>, vector<16xi32>,
    %get3A_1007 = vector.shape_cast %get3A_1006 : vector<16xi32> to vector<16xi32>
    %mul3A_1008 = arith.constant 4096 : i32
    %mul3A_1009 = vector.broadcast %mul3A_1008 : i32 to vector<16xi32>
    %mul3A_1010 = arith.muli %get3A_1007, %mul3A_1009 : vector<16xi32>
    %get3A_1011 = arith.constant 912 : index
    %get3A_1012 = tpu.vector_load %arg9[%get3A_1011] {strides = array<i32>} : memref<1024xi32, #tpu.memory_space<vmem>>, vector<16xi32>,
    %get3A_1013 = vector.shape_cast %get3A_1012 : vector<16xi32> to vector<16xi32>
    %add3A_1014 = arith.addi %mul3A_1010, %get3A_1013 : vector<16xi32>
    %swap3A_1015 = arith.constant 7 : i32
    %swap3A_1016 = arith.index_cast %swap3A_1015 : i32 to index
    %swap3A_1017 = arith.constant 16 : index
    %swap3A_1018 = tpu.vector_load %arg10[%swap3A_1016, %swap3A_1017] {strides = array<i32>} : memref<8x128xi32, #tpu.memory_space<vmem>>, vector<1x16xi32>,
    %swap3A_1019 = vector.shape_cast %swap3A_1018 : vector<1x16xi32> to vector<16xi32>
    %swap3A_1020 = vector.shape_cast %add3A_1014 : vector<16xi32> to vector<1x16xi32>
    tpu.vector_store %arg10[%swap3A_1016, %swap3A_1017], %swap3A_1020 {strides = array<i32>} : memref<8x128xi32, #tpu.memory_space<vmem>>, vector<1x16xi32>,
    %get3A_1021 = arith.constant 928 : index
    %get3A_1022 = tpu.vector_load %arg8[%get3A_1021] {strides = array<i32>} : memref<1024xi32, #tpu.memory_space<vmem>>, vector<16xi32>,
    %get3A_1023 = vector.shape_cast %get3A_1022 : vector<16xi32> to vector<16xi32>
    %mul3A_1024 = arith.constant 4096 : i32
    %mul3A_1025 = vector.broadcast %mul3A_1024 : i32 to vector<16xi32>
    %mul3A_1026 = arith.muli %get3A_1023, %mul3A_1025 : vector<16xi32>
    %get3A_1027 = arith.constant 928 : index
    %get3A_1028 = tpu.vector_load %arg9[%get3A_1027] {strides = array<i32>} : memref<1024xi32, #tpu.memory_space<vmem>>, vector<16xi32>,
    %get3A_1029 = vector.shape_cast %get3A_1028 : vector<16xi32> to vector<16xi32>
    %add3A_1030 = arith.addi %mul3A_1026, %get3A_1029 : vector<16xi32>
    %swap3A_1031 = arith.constant 7 : i32
    %swap3A_1032 = arith.index_cast %swap3A_1031 : i32 to index
    %swap3A_1033 = arith.constant 32 : index
    %swap3A_1034 = tpu.vector_load %arg10[%swap3A_1032, %swap3A_1033] {strides = array<i32>} : memref<8x128xi32, #tpu.memory_space<vmem>>, vector<1x16xi32>,
    %swap3A_1035 = vector.shape_cast %swap3A_1034 : vector<1x16xi32> to vector<16xi32>
    %swap3A_1036 = vector.shape_cast %add3A_1030 : vector<16xi32> to vector<1x16xi32>
    tpu.vector_store %arg10[%swap3A_1032, %swap3A_1033], %swap3A_1036 {strides = array<i32>} : memref<8x128xi32, #tpu.memory_space<vmem>>, vector<1x16xi32>,
    %get3A_1037 = arith.constant 944 : index
    %get3A_1038 = tpu.vector_load %arg8[%get3A_1037] {strides = array<i32>} : memref<1024xi32, #tpu.memory_space<vmem>>, vector<16xi32>,
    %get3A_1039 = vector.shape_cast %get3A_1038 : vector<16xi32> to vector<16xi32>
    %mul3A_1040 = arith.constant 4096 : i32
    %mul3A_1041 = vector.broadcast %mul3A_1040 : i32 to vector<16xi32>
    %mul3A_1042 = arith.muli %get3A_1039, %mul3A_1041 : vector<16xi32>
    %get3A_1043 = arith.constant 944 : index
    %get3A_1044 = tpu.vector_load %arg9[%get3A_1043] {strides = array<i32>} : memref<1024xi32, #tpu.memory_space<vmem>>, vector<16xi32>,
    %get3A_1045 = vector.shape_cast %get3A_1044 : vector<16xi32> to vector<16xi32>
    %add3A_1046 = arith.addi %mul3A_1042, %get3A_1045 : vector<16xi32>
    %swap3A_1047 = arith.constant 7 : i32
    %swap3A_1048 = arith.index_cast %swap3A_1047 : i32 to index
    %swap3A_1049 = arith.constant 48 : index
    %swap3A_1050 = tpu.vector_load %arg10[%swap3A_1048, %swap3A_1049] {strides = array<i32>} : memref<8x128xi32, #tpu.memory_space<vmem>>, vector<1x16xi32>,
    %swap3A_1051 = vector.shape_cast %swap3A_1050 : vector<1x16xi32> to vector<16xi32>
    %swap3A_1052 = vector.shape_cast %add3A_1046 : vector<16xi32> to vector<1x16xi32>
    tpu.vector_store %arg10[%swap3A_1048, %swap3A_1049], %swap3A_1052 {strides = array<i32>} : memref<8x128xi32, #tpu.memory_space<vmem>>, vector<1x16xi32>,
    %get3A_1053 = arith.constant 960 : index
    %get3A_1054 = tpu.vector_load %arg8[%get3A_1053] {strides = array<i32>} : memref<1024xi32, #tpu.memory_space<vmem>>, vector<16xi32>,
    %get3A_1055 = vector.shape_cast %get3A_1054 : vector<16xi32> to vector<16xi32>
    %mul3A_1056 = arith.constant 4096 : i32
    %mul3A_1057 = vector.broadcast %mul3A_1056 : i32 to vector<16xi32>
    %mul3A_1058 = arith.muli %get3A_1055, %mul3A_1057 : vector<16xi32>
    %get3A_1059 = arith.constant 960 : index
    %get3A_1060 = tpu.vector_load %arg9[%get3A_1059] {strides = array<i32>} : memref<1024xi32, #tpu.memory_space<vmem>>, vector<16xi32>,
    %get3A_1061 = vector.shape_cast %get3A_1060 : vector<16xi32> to vector<16xi32>
    %add3A_1062 = arith.addi %mul3A_1058, %get3A_1061 : vector<16xi32>
    %swap3A_1063 = arith.constant 7 : i32
    %swap3A_1064 = arith.index_cast %swap3A_1063 : i32 to index
    %swap3A_1065 = arith.constant 64 : index
    %swap3A_1066 = tpu.vector_load %arg10[%swap3A_1064, %swap3A_1065] {strides = array<i32>} : memref<8x128xi32, #tpu.memory_space<vmem>>, vector<1x16xi32>,
    %swap3A_1067 = vector.shape_cast %swap3A_1066 : vector<1x16xi32> to vector<16xi32>
    %swap3A_1068 = vector.shape_cast %add3A_1062 : vector<16xi32> to vector<1x16xi32>
    tpu.vector_store %arg10[%swap3A_1064, %swap3A_1065], %swap3A_1068 {strides = array<i32>} : memref<8x128xi32, #tpu.memory_space<vmem>>, vector<1x16xi32>,
    %get3A_1069 = arith.constant 976 : index
    %get3A_1070 = tpu.vector_load %arg8[%get3A_1069] {strides = array<i32>} : memref<1024xi32, #tpu.memory_space<vmem>>, vector<16xi32>,
    %get3A_1071 = vector.shape_cast %get3A_1070 : vector<16xi32> to vector<16xi32>
    %mul3A_1072 = arith.constant 4096 : i32
    %mul3A_1073 = vector.broadcast %mul3A_1072 : i32 to vector<16xi32>
    %mul3A_1074 = arith.muli %get3A_1071, %mul3A_1073 : vector<16xi32>
    %get3A_1075 = arith.constant 976 : index
    %get3A_1076 = tpu.vector_load %arg9[%get3A_1075] {strides = array<i32>} : memref<1024xi32, #tpu.memory_space<vmem>>, vector<16xi32>,
    %get3A_1077 = vector.shape_cast %get3A_1076 : vector<16xi32> to vector<16xi32>
    %add3A_1078 = arith.addi %mul3A_1074, %get3A_1077 : vector<16xi32>
    %swap3A_1079 = arith.constant 7 : i32
    %swap3A_1080 = arith.index_cast %swap3A_1079 : i32 to index
    %swap3A_1081 = arith.constant 80 : index
    %swap3A_1082 = tpu.vector_load %arg10[%swap3A_1080, %swap3A_1081] {strides = array<i32>} : memref<8x128xi32, #tpu.memory_space<vmem>>, vector<1x16xi32>,
    %swap3A_1083 = vector.shape_cast %swap3A_1082 : vector<1x16xi32> to vector<16xi32>
    %swap3A_1084 = vector.shape_cast %add3A_1078 : vector<16xi32> to vector<1x16xi32>
    tpu.vector_store %arg10[%swap3A_1080, %swap3A_1081], %swap3A_1084 {strides = array<i32>} : memref<8x128xi32, #tpu.memory_space<vmem>>, vector<1x16xi32>,
    %get3A_1085 = arith.constant 992 : index
    %get3A_1086 = tpu.vector_load %arg8[%get3A_1085] {strides = array<i32>} : memref<1024xi32, #tpu.memory_space<vmem>>, vector<16xi32>,
    %get3A_1087 = vector.shape_cast %get3A_1086 : vector<16xi32> to vector<16xi32>
    %mul3A_1088 = arith.constant 4096 : i32
    %mul3A_1089 = vector.broadcast %mul3A_1088 : i32 to vector<16xi32>
    %mul3A_1090 = arith.muli %get3A_1087, %mul3A_1089 : vector<16xi32>
    %get3A_1091 = arith.constant 992 : index
    %get3A_1092 = tpu.vector_load %arg9[%get3A_1091] {strides = array<i32>} : memref<1024xi32, #tpu.memory_space<vmem>>, vector<16xi32>,
    %get3A_1093 = vector.shape_cast %get3A_1092 : vector<16xi32> to vector<16xi32>
    %add3A_1094 = arith.addi %mul3A_1090, %get3A_1093 : vector<16xi32>
    %swap3A_1095 = arith.constant 7 : i32
    %swap3A_1096 = arith.index_cast %swap3A_1095 : i32 to index
    %swap3A_1097 = arith.constant 96 : index
    %swap3A_1098 = tpu.vector_load %arg10[%swap3A_1096, %swap3A_1097] {strides = array<i32>} : memref<8x128xi32, #tpu.memory_space<vmem>>, vector<1x16xi32>,
    %swap3A_1099 = vector.shape_cast %swap3A_1098 : vector<1x16xi32> to vector<16xi32>
    %swap3A_1100 = vector.shape_cast %add3A_1094 : vector<16xi32> to vector<1x16xi32>
    tpu.vector_store %arg10[%swap3A_1096, %swap3A_1097], %swap3A_1100 {strides = array<i32>} : memref<8x128xi32, #tpu.memory_space<vmem>>, vector<1x16xi32>,
    %get3A_1101 = arith.constant 1008 : index
    %get3A_1102 = tpu.vector_load %arg8[%get3A_1101] {strides = array<i32>} : memref<1024xi32, #tpu.memory_space<vmem>>, vector<16xi32>,
    %get3A_1103 = vector.shape_cast %get3A_1102 : vector<16xi32> to vector<16xi32>
    %mul3A_1104 = arith.constant 4096 : i32
    %mul3A_1105 = vector.broadcast %mul3A_1104 : i32 to vector<16xi32>
    %mul3A_1106 = arith.muli %get3A_1103, %mul3A_1105 : vector<16xi32>
    %get3A_1107 = arith.constant 1008 : index
    %get3A_1108 = tpu.vector_load %arg9[%get3A_1107] {strides = array<i32>} : memref<1024xi32, #tpu.memory_space<vmem>>, vector<16xi32>,
    %get3A_1109 = vector.shape_cast %get3A_1108 : vector<16xi32> to vector<16xi32>
    %add3A_1110 = arith.addi %mul3A_1106, %get3A_1109 : vector<16xi32>
    %swap3A_1111 = arith.constant 7 : i32
    %swap3A_1112 = arith.index_cast %swap3A_1111 : i32 to index
    %swap3A_1113 = arith.constant 112 : index
    %swap3A_1114 = tpu.vector_load %arg10[%swap3A_1112, %swap3A_1113] {strides = array<i32>} : memref<8x128xi32, #tpu.memory_space<vmem>>, vector<1x16xi32>,
    %swap3A_1115 = vector.shape_cast %swap3A_1114 : vector<1x16xi32> to vector<16xi32>
    %swap3A_1116 = vector.shape_cast %add3A_1110 : vector<16xi32> to vector<1x16xi32>
    tpu.vector_store %arg10[%swap3A_1112, %swap3A_1113], %swap3A_1116 {strides = array<i32>} : memref<8x128xi32, #tpu.memory_space<vmem>>, vector<1x16xi32>,
    %dma_start3A = arith.constant 0 : i32
    %dma_start3A_1117 = arith.constant 0 : i32
    %dma_start3A_1118 = tpu.memref_slice %arg10[%dma_start3A, %dma_start3A_1117] : memref<8x128xi32, #tpu.memory_space<vmem>> -> memref<1x128xi32, #tpu.memory_space<vmem>>
    %dma_start3A_1119 = tpu.memref_squeeze %dma_start3A_1118 : memref<1x128xi32, #tpu.memory_space<vmem>> -> memref<128xi32, #tpu.memory_space<vmem>>
    %dma_start3A_1120 = arith.constant 0 : i32
    %dma_start3A_1121 = tpu.memref_slice %arg20[%dma_start3A_1120] : memref<16908288xf32, #tpu.memory_space<hbm>> -> memref<16908288xf32, #tpu.memory_space<hbm>>
    tpu.enqueue_indirect_dma source(%arg18 : memref<128xf32, #tpu.memory_space<vmem>>) target(%dma_start3A_1121 : memref<16908288xf32, #tpu.memory_space<hbm>>) offsets(%dma_start3A_1119 : memref<128xi32, #tpu.memory_space<vmem>>) semaphore(%arg21 : memref<!tpu.dma_semaphore, #tpu.memory_space<semaphore_mem>>)
    %dma_start3A_1122 = arith.constant 1 : i32
    %dma_start3A_1123 = arith.constant 0 : i32
    %dma_start3A_1124 = tpu.memref_slice %arg10[%dma_start3A_1122, %dma_start3A_1123] : memref<8x128xi32, #tpu.memory_space<vmem>> -> memref<1x128xi32, #tpu.memory_space<vmem>>
    %dma_start3A_1125 = tpu.memref_squeeze %dma_start3A_1124 : memref<1x128xi32, #tpu.memory_space<vmem>> -> memref<128xi32, #tpu.memory_space<vmem>>
    %dma_start3A_1126 = arith.constant 0 : i32
    %dma_start3A_1127 = tpu.memref_slice %arg20[%dma_start3A_1126] : memref<16908288xf32, #tpu.memory_space<hbm>> -> memref<16908288xf32, #tpu.memory_space<hbm>>
    tpu.enqueue_indirect_dma source(%arg18 : memref<128xf32, #tpu.memory_space<vmem>>) target(%dma_start3A_1127 : memref<16908288xf32, #tpu.memory_space<hbm>>) offsets(%dma_start3A_1125 : memref<128xi32, #tpu.memory_space<vmem>>) semaphore(%arg21 : memref<!tpu.dma_semaphore, #tpu.memory_space<semaphore_mem>>)
    %dma_start3A_1128 = arith.constant 2 : i32
    %dma_start3A_1129 = arith.constant 0 : i32
    %dma_start3A_1130 = tpu.memref_slice %arg10[%dma_start3A_1128, %dma_start3A_1129] : memref<8x128xi32, #tpu.memory_space<vmem>> -> memref<1x128xi32, #tpu.memory_space<vmem>>
    %dma_start3A_1131 = tpu.memref_squeeze %dma_start3A_1130 : memref<1x128xi32, #tpu.memory_space<vmem>> -> memref<128xi32, #tpu.memory_space<vmem>>
    %dma_start3A_1132 = arith.constant 0 : i32
    %dma_start3A_1133 = tpu.memref_slice %arg20[%dma_start3A_1132] : memref<16908288xf32, #tpu.memory_space<hbm>> -> memref<16908288xf32, #tpu.memory_space<hbm>>
    tpu.enqueue_indirect_dma source(%arg18 : memref<128xf32, #tpu.memory_space<vmem>>) target(%dma_start3A_1133 : memref<16908288xf32, #tpu.memory_space<hbm>>) offsets(%dma_start3A_1131 : memref<128xi32, #tpu.memory_space<vmem>>) semaphore(%arg21 : memref<!tpu.dma_semaphore, #tpu.memory_space<semaphore_mem>>)
    %dma_start3A_1134 = arith.constant 3 : i32
    %dma_start3A_1135 = arith.constant 0 : i32
    %dma_start3A_1136 = tpu.memref_slice %arg10[%dma_start3A_1134, %dma_start3A_1135] : memref<8x128xi32, #tpu.memory_space<vmem>> -> memref<1x128xi32, #tpu.memory_space<vmem>>
    %dma_start3A_1137 = tpu.memref_squeeze %dma_start3A_1136 : memref<1x128xi32, #tpu.memory_space<vmem>> -> memref<128xi32, #tpu.memory_space<vmem>>
    %dma_start3A_1138 = arith.constant 0 : i32
    %dma_start3A_1139 = tpu.memref_slice %arg20[%dma_start3A_1138] : memref<16908288xf32, #tpu.memory_space<hbm>> -> memref<16908288xf32, #tpu.memory_space<hbm>>
    tpu.enqueue_indirect_dma source(%arg18 : memref<128xf32, #tpu.memory_space<vmem>>) target(%dma_start3A_1139 : memref<16908288xf32, #tpu.memory_space<hbm>>) offsets(%dma_start3A_1137 : memref<128xi32, #tpu.memory_space<vmem>>) semaphore(%arg21 : memref<!tpu.dma_semaphore, #tpu.memory_space<semaphore_mem>>)
    %dma_start3A_1140 = arith.constant 4 : i32
    %dma_start3A_1141 = arith.constant 0 : i32
    %dma_start3A_1142 = tpu.memref_slice %arg10[%dma_start3A_1140, %dma_start3A_1141] : memref<8x128xi32, #tpu.memory_space<vmem>> -> memref<1x128xi32, #tpu.memory_space<vmem>>
    %dma_start3A_1143 = tpu.memref_squeeze %dma_start3A_1142 : memref<1x128xi32, #tpu.memory_space<vmem>> -> memref<128xi32, #tpu.memory_space<vmem>>
    %dma_start3A_1144 = arith.constant 0 : i32
    %dma_start3A_1145 = tpu.memref_slice %arg20[%dma_start3A_1144] : memref<16908288xf32, #tpu.memory_space<hbm>> -> memref<16908288xf32, #tpu.memory_space<hbm>>
    tpu.enqueue_indirect_dma source(%arg18 : memref<128xf32, #tpu.memory_space<vmem>>) target(%dma_start3A_1145 : memref<16908288xf32, #tpu.memory_space<hbm>>) offsets(%dma_start3A_1143 : memref<128xi32, #tpu.memory_space<vmem>>) semaphore(%arg21 : memref<!tpu.dma_semaphore, #tpu.memory_space<semaphore_mem>>)
    %dma_start3A_1146 = arith.constant 5 : i32
    %dma_start3A_1147 = arith.constant 0 : i32
    %dma_start3A_1148 = tpu.memref_slice %arg10[%dma_start3A_1146, %dma_start3A_1147] : memref<8x128xi32, #tpu.memory_space<vmem>> -> memref<1x128xi32, #tpu.memory_space<vmem>>
    %dma_start3A_1149 = tpu.memref_squeeze %dma_start3A_1148 : memref<1x128xi32, #tpu.memory_space<vmem>> -> memref<128xi32, #tpu.memory_space<vmem>>
    %dma_start3A_1150 = arith.constant 0 : i32
    %dma_start3A_1151 = tpu.memref_slice %arg20[%dma_start3A_1150] : memref<16908288xf32, #tpu.memory_space<hbm>> -> memref<16908288xf32, #tpu.memory_space<hbm>>
    tpu.enqueue_indirect_dma source(%arg18 : memref<128xf32, #tpu.memory_space<vmem>>) target(%dma_start3A_1151 : memref<16908288xf32, #tpu.memory_space<hbm>>) offsets(%dma_start3A_1149 : memref<128xi32, #tpu.memory_space<vmem>>) semaphore(%arg21 : memref<!tpu.dma_semaphore, #tpu.memory_space<semaphore_mem>>)
    %dma_start3A_1152 = arith.constant 6 : i32
    %dma_start3A_1153 = arith.constant 0 : i32
    %dma_start3A_1154 = tpu.memref_slice %arg10[%dma_start3A_1152, %dma_start3A_1153] : memref<8x128xi32, #tpu.memory_space<vmem>> -> memref<1x128xi32, #tpu.memory_space<vmem>>
    %dma_start3A_1155 = tpu.memref_squeeze %dma_start3A_1154 : memref<1x128xi32, #tpu.memory_space<vmem>> -> memref<128xi32, #tpu.memory_space<vmem>>
    %dma_start3A_1156 = arith.constant 0 : i32
    %dma_start3A_1157 = tpu.memref_slice %arg20[%dma_start3A_1156] : memref<16908288xf32, #tpu.memory_space<hbm>> -> memref<16908288xf32, #tpu.memory_space<hbm>>
    tpu.enqueue_indirect_dma source(%arg18 : memref<128xf32, #tpu.memory_space<vmem>>) target(%dma_start3A_1157 : memref<16908288xf32, #tpu.memory_space<hbm>>) offsets(%dma_start3A_1155 : memref<128xi32, #tpu.memory_space<vmem>>) semaphore(%arg21 : memref<!tpu.dma_semaphore, #tpu.memory_space<semaphore_mem>>)
    %dma_start3A_1158 = arith.constant 7 : i32
    %dma_start3A_1159 = arith.constant 0 : i32
    %dma_start3A_1160 = tpu.memref_slice %arg10[%dma_start3A_1158, %dma_start3A_1159] : memref<8x128xi32, #tpu.memory_space<vmem>> -> memref<1x128xi32, #tpu.memory_space<vmem>>
    %dma_start3A_1161 = tpu.memref_squeeze %dma_start3A_1160 : memref<1x128xi32, #tpu.memory_space<vmem>> -> memref<128xi32, #tpu.memory_space<vmem>>
    %dma_start3A_1162 = arith.constant 0 : i32
    %dma_start3A_1163 = tpu.memref_slice %arg20[%dma_start3A_1162] : memref<16908288xf32, #tpu.memory_space<hbm>> -> memref<16908288xf32, #tpu.memory_space<hbm>>
    tpu.enqueue_indirect_dma source(%arg18 : memref<128xf32, #tpu.memory_space<vmem>>) target(%dma_start3A_1163 : memref<16908288xf32, #tpu.memory_space<hbm>>) offsets(%dma_start3A_1161 : memref<128xi32, #tpu.memory_space<vmem>>) semaphore(%arg21 : memref<!tpu.dma_semaphore, #tpu.memory_space<semaphore_mem>>)
    %dma_wait3A = arith.constant 0 : i32
    %dma_wait3A_1164 = arith.constant 0 : i32
    %dma_wait3A_1165 = tpu.memref_slice %arg10[%dma_wait3A, %dma_wait3A_1164] : memref<8x128xi32, #tpu.memory_space<vmem>> -> memref<1x128xi32, #tpu.memory_space<vmem>>
    %dma_wait3A_1166 = tpu.memref_squeeze %dma_wait3A_1165 : memref<1x128xi32, #tpu.memory_space<vmem>> -> memref<128xi32, #tpu.memory_space<vmem>>
    %dma_wait3A_1167 = arith.constant 0 : i32
    %dma_wait3A_1168 = tpu.memref_slice %arg20[%dma_wait3A_1167] : memref<16908288xf32, #tpu.memory_space<hbm>> -> memref<16908288xf32, #tpu.memory_space<hbm>>
    tpu.wait_indirect_dma semaphore(%arg21 : memref<!tpu.dma_semaphore, #tpu.memory_space<semaphore_mem>>) src(%arg18 : memref<128xf32, #tpu.memory_space<vmem>>) dst(%dma_wait3A_1168 : memref<16908288xf32, #tpu.memory_space<hbm>>)
    %dma_wait3A_1169 = arith.constant 1 : i32
    %dma_wait3A_1170 = arith.constant 0 : i32
    %dma_wait3A_1171 = tpu.memref_slice %arg10[%dma_wait3A_1169, %dma_wait3A_1170] : memref<8x128xi32, #tpu.memory_space<vmem>> -> memref<1x128xi32, #tpu.memory_space<vmem>>
    %dma_wait3A_1172 = tpu.memref_squeeze %dma_wait3A_1171 : memref<1x128xi32, #tpu.memory_space<vmem>> -> memref<128xi32, #tpu.memory_space<vmem>>
    %dma_wait3A_1173 = arith.constant 0 : i32
    %dma_wait3A_1174 = tpu.memref_slice %arg20[%dma_wait3A_1173] : memref<16908288xf32, #tpu.memory_space<hbm>> -> memref<16908288xf32, #tpu.memory_space<hbm>>
    tpu.wait_indirect_dma semaphore(%arg21 : memref<!tpu.dma_semaphore, #tpu.memory_space<semaphore_mem>>) src(%arg18 : memref<128xf32, #tpu.memory_space<vmem>>) dst(%dma_wait3A_1174 : memref<16908288xf32, #tpu.memory_space<hbm>>)
    %dma_wait3A_1175 = arith.constant 2 : i32
    %dma_wait3A_1176 = arith.constant 0 : i32
    %dma_wait3A_1177 = tpu.memref_slice %arg10[%dma_wait3A_1175, %dma_wait3A_1176] : memref<8x128xi32, #tpu.memory_space<vmem>> -> memref<1x128xi32, #tpu.memory_space<vmem>>
    %dma_wait3A_1178 = tpu.memref_squeeze %dma_wait3A_1177 : memref<1x128xi32, #tpu.memory_space<vmem>> -> memref<128xi32, #tpu.memory_space<vmem>>
    %dma_wait3A_1179 = arith.constant 0 : i32
    %dma_wait3A_1180 = tpu.memref_slice %arg20[%dma_wait3A_1179] : memref<16908288xf32, #tpu.memory_space<hbm>> -> memref<16908288xf32, #tpu.memory_space<hbm>>
    tpu.wait_indirect_dma semaphore(%arg21 : memref<!tpu.dma_semaphore, #tpu.memory_space<semaphore_mem>>) src(%arg18 : memref<128xf32, #tpu.memory_space<vmem>>) dst(%dma_wait3A_1180 : memref<16908288xf32, #tpu.memory_space<hbm>>)
    %dma_wait3A_1181 = arith.constant 3 : i32
    %dma_wait3A_1182 = arith.constant 0 : i32
    %dma_wait3A_1183 = tpu.memref_slice %arg10[%dma_wait3A_1181, %dma_wait3A_1182] : memref<8x128xi32, #tpu.memory_space<vmem>> -> memref<1x128xi32, #tpu.memory_space<vmem>>
    %dma_wait3A_1184 = tpu.memref_squeeze %dma_wait3A_1183 : memref<1x128xi32, #tpu.memory_space<vmem>> -> memref<128xi32, #tpu.memory_space<vmem>>
    %dma_wait3A_1185 = arith.constant 0 : i32
    %dma_wait3A_1186 = tpu.memref_slice %arg20[%dma_wait3A_1185] : memref<16908288xf32, #tpu.memory_space<hbm>> -> memref<16908288xf32, #tpu.memory_space<hbm>>
    tpu.wait_indirect_dma semaphore(%arg21 : memref<!tpu.dma_semaphore, #tpu.memory_space<semaphore_mem>>) src(%arg18 : memref<128xf32, #tpu.memory_space<vmem>>) dst(%dma_wait3A_1186 : memref<16908288xf32, #tpu.memory_space<hbm>>)
    %dma_wait3A_1187 = arith.constant 4 : i32
    %dma_wait3A_1188 = arith.constant 0 : i32
    %dma_wait3A_1189 = tpu.memref_slice %arg10[%dma_wait3A_1187, %dma_wait3A_1188] : memref<8x128xi32, #tpu.memory_space<vmem>> -> memref<1x128xi32, #tpu.memory_space<vmem>>
    %dma_wait3A_1190 = tpu.memref_squeeze %dma_wait3A_1189 : memref<1x128xi32, #tpu.memory_space<vmem>> -> memref<128xi32, #tpu.memory_space<vmem>>
    %dma_wait3A_1191 = arith.constant 0 : i32
    %dma_wait3A_1192 = tpu.memref_slice %arg20[%dma_wait3A_1191] : memref<16908288xf32, #tpu.memory_space<hbm>> -> memref<16908288xf32, #tpu.memory_space<hbm>>
    tpu.wait_indirect_dma semaphore(%arg21 : memref<!tpu.dma_semaphore, #tpu.memory_space<semaphore_mem>>) src(%arg18 : memref<128xf32, #tpu.memory_space<vmem>>) dst(%dma_wait3A_1192 : memref<16908288xf32, #tpu.memory_space<hbm>>)
    %dma_wait3A_1193 = arith.constant 5 : i32
    %dma_wait3A_1194 = arith.constant 0 : i32
    %dma_wait3A_1195 = tpu.memref_slice %arg10[%dma_wait3A_1193, %dma_wait3A_1194] : memref<8x128xi32, #tpu.memory_space<vmem>> -> memref<1x128xi32, #tpu.memory_space<vmem>>
    %dma_wait3A_1196 = tpu.memref_squeeze %dma_wait3A_1195 : memref<1x128xi32, #tpu.memory_space<vmem>> -> memref<128xi32, #tpu.memory_space<vmem>>
    %dma_wait3A_1197 = arith.constant 0 : i32
    %dma_wait3A_1198 = tpu.memref_slice %arg20[%dma_wait3A_1197] : memref<16908288xf32, #tpu.memory_space<hbm>> -> memref<16908288xf32, #tpu.memory_space<hbm>>
    tpu.wait_indirect_dma semaphore(%arg21 : memref<!tpu.dma_semaphore, #tpu.memory_space<semaphore_mem>>) src(%arg18 : memref<128xf32, #tpu.memory_space<vmem>>) dst(%dma_wait3A_1198 : memref<16908288xf32, #tpu.memory_space<hbm>>)
    %dma_wait3A_1199 = arith.constant 6 : i32
    %dma_wait3A_1200 = arith.constant 0 : i32
    %dma_wait3A_1201 = tpu.memref_slice %arg10[%dma_wait3A_1199, %dma_wait3A_1200] : memref<8x128xi32, #tpu.memory_space<vmem>> -> memref<1x128xi32, #tpu.memory_space<vmem>>
    %dma_wait3A_1202 = tpu.memref_squeeze %dma_wait3A_1201 : memref<1x128xi32, #tpu.memory_space<vmem>> -> memref<128xi32, #tpu.memory_space<vmem>>
    %dma_wait3A_1203 = arith.constant 0 : i32
    %dma_wait3A_1204 = tpu.memref_slice %arg20[%dma_wait3A_1203] : memref<16908288xf32, #tpu.memory_space<hbm>> -> memref<16908288xf32, #tpu.memory_space<hbm>>
    tpu.wait_indirect_dma semaphore(%arg21 : memref<!tpu.dma_semaphore, #tpu.memory_space<semaphore_mem>>) src(%arg18 : memref<128xf32, #tpu.memory_space<vmem>>) dst(%dma_wait3A_1204 : memref<16908288xf32, #tpu.memory_space<hbm>>)
    %dma_wait3A_1205 = arith.constant 7 : i32
    %dma_wait3A_1206 = arith.constant 0 : i32
    %dma_wait3A_1207 = tpu.memref_slice %arg10[%dma_wait3A_1205, %dma_wait3A_1206] : memref<8x128xi32, #tpu.memory_space<vmem>> -> memref<1x128xi32, #tpu.memory_space<vmem>>
    %dma_wait3A_1208 = tpu.memref_squeeze %dma_wait3A_1207 : memref<1x128xi32, #tpu.memory_space<vmem>> -> memref<128xi32, #tpu.memory_space<vmem>>
    %dma_wait3A_1209 = arith.constant 0 : i32
    %dma_wait3A_1210 = tpu.memref_slice %arg20[%dma_wait3A_1209] : memref<16908288xf32, #tpu.memory_space<hbm>> -> memref<16908288xf32, #tpu.memory_space<hbm>>
    tpu.wait_indirect_dma semaphore(%arg21 : memref<!tpu.dma_semaphore, #tpu.memory_space<semaphore_mem>>) src(%arg18 : memref<128xf32, #tpu.memory_space<vmem>>) dst(%dma_wait3A_1210 : memref<16908288xf32, #tpu.memory_space<hbm>>)
    %barrier3A = arith.constant 0 : index
    tpu.barrier barrier_id(%barrier3A)
    %mul3A_1211 = arith.constant 32768 : i32
    %mul3A_1212 = arith.muli %arg1, %mul3A_1211 : i32
    %add3A_1213 = arith.constant 0 : i32
    %add3A_1214 = arith.addi %mul3A_1212, %add3A_1213 : i32
    "tpu.region"() ({
      %run_scoped3A = tpu.sem_alloc : memref<!tpu.dma_semaphore, #tpu.memory_space<semaphore_mem>>
      %dma_start3A_1837 = tpu.memref_slice %arg2[%add3A_1214] : memref<524288xi32, #tpu.memory_space<hbm>> -> memref<8192xi32, #tpu.memory_space<hbm>>
      %dma_start3A_1838 = tpu.memref_slice %arg2[%add3A_1214] : memref<524288xi32, #tpu.memory_space<hbm>> -> memref<8192xi32, #tpu.memory_space<hbm>>
      tpu.enqueue_dma source(%dma_start3A_1838 : memref<8192xi32, #tpu.memory_space<hbm>>) target(%arg12 : memref<8192xi32, #tpu.memory_space<vmem>>) target_semaphore(%run_scoped3A : memref<!tpu.dma_semaphore, #tpu.memory_space<semaphore_mem>>)
      %dma_wait3A_1839 = tpu.memref_slice %arg2[%add3A_1214] : memref<524288xi32, #tpu.memory_space<hbm>> -> memref<8192xi32, #tpu.memory_space<hbm>>
      %dma_wait3A_1840 = tpu.memref_slice %arg2[%add3A_1214] : memref<524288xi32, #tpu.memory_space<hbm>> -> memref<8192xi32, #tpu.memory_space<hbm>>
      tpu.wait_dma2 semaphore(%run_scoped3A : memref<!tpu.dma_semaphore, #tpu.memory_space<semaphore_mem>>) src(%dma_wait3A_1840 : memref<8192xi32, #tpu.memory_space<hbm>>) dst(%arg12 : memref<8192xi32, #tpu.memory_space<vmem>>)
      tpu.yield
    }) : () -> ()
    "tpu.region"() ({
      %run_scoped3A = tpu.sem_alloc : memref<!tpu.dma_semaphore, #tpu.memory_space<semaphore_mem>>
      %dma_start3A_1837 = tpu.memref_slice %arg3[%add3A_1214] : memref<524288xi32, #tpu.memory_space<hbm>> -> memref<8192xi32, #tpu.memory_space<hbm>>
      %dma_start3A_1838 = tpu.memref_slice %arg3[%add3A_1214] : memref<524288xi32, #tpu.memory_space<hbm>> -> memref<8192xi32, #tpu.memory_space<hbm>>
      tpu.enqueue_dma source(%dma_start3A_1838 : memref<8192xi32, #tpu.memory_space<hbm>>) target(%arg13 : memref<8192xi32, #tpu.memory_space<vmem>>) target_semaphore(%run_scoped3A : memref<!tpu.dma_semaphore, #tpu.memory_space<semaphore_mem>>)
      %dma_wait3A_1839 = tpu.memref_slice %arg3[%add3A_1214] : memref<524288xi32, #tpu.memory_space<hbm>> -> memref<8192xi32, #tpu.memory_space<hbm>>
      %dma_wait3A_1840 = tpu.memref_slice %arg3[%add3A_1214] : memref<524288xi32, #tpu.memory_space<hbm>> -> memref<8192xi32, #tpu.memory_space<hbm>>
      tpu.wait_dma2 semaphore(%run_scoped3A : memref<!tpu.dma_semaphore, #tpu.memory_space<semaphore_mem>>) src(%dma_wait3A_1840 : memref<8192xi32, #tpu.memory_space<hbm>>) dst(%arg13 : memref<8192xi32, #tpu.memory_space<vmem>>)
      tpu.yield
    }) : () -> ()
    "tpu.region"() ({
      %run_scoped3A = tpu.sem_alloc : memref<!tpu.dma_semaphore, #tpu.memory_space<semaphore_mem>>
      %dma_start3A_1837 = tpu.memref_slice %arg4[%add3A_1214] : memref<524288xf32, #tpu.memory_space<hbm>> -> memref<8192xf32, #tpu.memory_space<hbm>>
      %dma_start3A_1838 = tpu.memref_slice %arg4[%add3A_1214] : memref<524288xf32, #tpu.memory_space<hbm>> -> memref<8192xf32, #tpu.memory_space<hbm>>
      tpu.enqueue_dma source(%dma_start3A_1838 : memref<8192xf32, #tpu.memory_space<hbm>>) target(%arg14 : memref<8192xf32, #tpu.memory_space<vmem>>) target_semaphore(%run_scoped3A : memref<!tpu.dma_semaphore, #tpu.memory_space<semaphore_mem>>)
      %dma_wait3A_1839 = tpu.memref_slice %arg4[%add3A_1214] : memref<524288xf32, #tpu.memory_space<hbm>> -> memref<8192xf32, #tpu.memory_space<hbm>>
      %dma_wait3A_1840 = tpu.memref_slice %arg4[%add3A_1214] : memref<524288xf32, #tpu.memory_space<hbm>> -> memref<8192xf32, #tpu.memory_space<hbm>>
      tpu.wait_dma2 semaphore(%run_scoped3A : memref<!tpu.dma_semaphore, #tpu.memory_space<semaphore_mem>>) src(%dma_wait3A_1840 : memref<8192xf32, #tpu.memory_space<hbm>>) dst(%arg14 : memref<8192xf32, #tpu.memory_space<vmem>>)
      tpu.yield
    }) : () -> ()
    %scan3A = arith.constant 0 : i32
    %scan3A_1215 = arith.constant 64 : i32
    %scan3A_1216 = arith.addi %scan3A, %scan3A_1215 : i32
    %scan3A_1217 = arith.constant 1 : i32
    scf.for %scan3A_1837 = %scan3A to %scan3A_1216 step %scan3A_1217  : i32 {
      %mul3A_1838 = arith.constant 128 : i32
      %mul3A_1839 = arith.muli %scan3A_1837, %mul3A_1838 : i32
      %add3A_1840 = arith.constant 0 : i32
      %add3A_1841 = arith.addi %mul3A_1839, %add3A_1840 : i32
      %get3A_1842 = arith.index_cast %add3A_1841 : i32 to index
      %get3A_1843 = tpu.vector_load %arg12[%get3A_1842] {strides = array<i32>} : memref<8192xi32, #tpu.memory_space<vmem>>, vector<16xi32>,
      %get3A_1844 = vector.shape_cast %get3A_1843 : vector<16xi32> to vector<16xi32>
      %get3A_1845 = arith.index_cast %add3A_1841 : i32 to index
      %get3A_1846 = tpu.vector_load %arg13[%get3A_1845] {strides = array<i32>} : memref<8192xi32, #tpu.memory_space<vmem>>, vector<16xi32>,
      %get3A_1847 = vector.shape_cast %get3A_1846 : vector<16xi32> to vector<16xi32>
      %get3A_1848 = arith.index_cast %add3A_1841 : i32 to index
      %get3A_1849 = tpu.vector_load %arg14[%get3A_1848] {strides = array<i32>} : memref<8192xf32, #tpu.memory_space<vmem>>, vector<16xf32>,
      %get3A_1850 = vector.shape_cast %get3A_1849 : vector<16xf32> to vector<16xf32>
      %mul3A_1851 = arith.constant 4096 : i32
      %mul3A_1852 = vector.broadcast %mul3A_1851 : i32 to vector<16xi32>
      %mul3A_1853 = arith.muli %get3A_1844, %mul3A_1852 : vector<16xi32>
      %add3A_1854 = arith.addi %mul3A_1853, %get3A_1847 : vector<16xi32>
      %gt3A = arith.constant 3.000000e-01 : f32
      %gt3A_1855 = vector.broadcast %gt3A : f32 to vector<16xf32>
      %gt3A_1856 = arith.cmpf ogt, %get3A_1850, %gt3A_1855 : vector<16xf32>
      %jit3A = arith.constant -1 : i32
      %broadcast_in_dim3A_1857 = vector.broadcast %jit3A : i32 to vector<16xi32>
      %select_n3A = arith.select %gt3A_1856, %add3A_1854, %broadcast_in_dim3A_1857 : vector<16xi1>, vector<16xi32>
      %swap3A_1858 = arith.index_cast %scan3A_1837 : i32 to index
      %swap3A_1859 = arith.constant 0 : index
      %swap3A_1860 = tpu.vector_load %arg15[%swap3A_1858, %swap3A_1859] {strides = array<i32>} : memref<64x128xi32, #tpu.memory_space<vmem>>, vector<1x16xi32>,
      %swap3A_1861 = vector.shape_cast %swap3A_1860 : vector<1x16xi32> to vector<16xi32>
      %swap3A_1862 = vector.shape_cast %select_n3A : vector<16xi32> to vector<1x16xi32>
      tpu.vector_store %arg15[%swap3A_1858, %swap3A_1859], %swap3A_1862 {strides = array<i32>} : memref<64x128xi32, #tpu.memory_space<vmem>>, vector<1x16xi32>,
      %mul3A_1863 = arith.constant 128 : i32
      %mul3A_1864 = arith.muli %scan3A_1837, %mul3A_1863 : i32
      %add3A_1865 = arith.constant 16 : i32
      %add3A_1866 = arith.addi %mul3A_1864, %add3A_1865 : i32
      %get3A_1867 = arith.index_cast %add3A_1866 : i32 to index
      %get3A_1868 = tpu.vector_load %arg12[%get3A_1867] {strides = array<i32>} : memref<8192xi32, #tpu.memory_space<vmem>>, vector<16xi32>,
      %get3A_1869 = vector.shape_cast %get3A_1868 : vector<16xi32> to vector<16xi32>
      %get3A_1870 = arith.index_cast %add3A_1866 : i32 to index
      %get3A_1871 = tpu.vector_load %arg13[%get3A_1870] {strides = array<i32>} : memref<8192xi32, #tpu.memory_space<vmem>>, vector<16xi32>,
      %get3A_1872 = vector.shape_cast %get3A_1871 : vector<16xi32> to vector<16xi32>
      %get3A_1873 = arith.index_cast %add3A_1866 : i32 to index
      %get3A_1874 = tpu.vector_load %arg14[%get3A_1873] {strides = array<i32>} : memref<8192xf32, #tpu.memory_space<vmem>>, vector<16xf32>,
      %get3A_1875 = vector.shape_cast %get3A_1874 : vector<16xf32> to vector<16xf32>
      %mul3A_1876 = arith.constant 4096 : i32
      %mul3A_1877 = vector.broadcast %mul3A_1876 : i32 to vector<16xi32>
      %mul3A_1878 = arith.muli %get3A_1869, %mul3A_1877 : vector<16xi32>
      %add3A_1879 = arith.addi %mul3A_1878, %get3A_1872 : vector<16xi32>
      %gt3A_1880 = arith.constant 3.000000e-01 : f32
      %gt3A_1881 = vector.broadcast %gt3A_1880 : f32 to vector<16xf32>
      %gt3A_1882 = arith.cmpf ogt, %get3A_1875, %gt3A_1881 : vector<16xf32>
      %jit3A_1883 = arith.constant -1 : i32
      %broadcast_in_dim3A_1884 = vector.broadcast %jit3A_1883 : i32 to vector<16xi32>
      %select_n3A_1885 = arith.select %gt3A_1882, %add3A_1879, %broadcast_in_dim3A_1884 : vector<16xi1>, vector<16xi32>
      %swap3A_1886 = arith.index_cast %scan3A_1837 : i32 to index
      %swap3A_1887 = arith.constant 16 : index
      %swap3A_1888 = tpu.vector_load %arg15[%swap3A_1886, %swap3A_1887] {strides = array<i32>} : memref<64x128xi32, #tpu.memory_space<vmem>>, vector<1x16xi32>,
      %swap3A_1889 = vector.shape_cast %swap3A_1888 : vector<1x16xi32> to vector<16xi32>
      %swap3A_1890 = vector.shape_cast %select_n3A_1885 : vector<16xi32> to vector<1x16xi32>
      tpu.vector_store %arg15[%swap3A_1886, %swap3A_1887], %swap3A_1890 {strides = array<i32>} : memref<64x128xi32, #tpu.memory_space<vmem>>, vector<1x16xi32>,
      %mul3A_1891 = arith.constant 128 : i32
      %mul3A_1892 = arith.muli %scan3A_1837, %mul3A_1891 : i32
      %add3A_1893 = arith.constant 32 : i32
      %add3A_1894 = arith.addi %mul3A_1892, %add3A_1893 : i32
      %get3A_1895 = arith.index_cast %add3A_1894 : i32 to index
      %get3A_1896 = tpu.vector_load %arg12[%get3A_1895] {strides = array<i32>} : memref<8192xi32, #tpu.memory_space<vmem>>, vector<16xi32>,
      %get3A_1897 = vector.shape_cast %get3A_1896 : vector<16xi32> to vector<16xi32>
      %get3A_1898 = arith.index_cast %add3A_1894 : i32 to index
      %get3A_1899 = tpu.vector_load %arg13[%get3A_1898] {strides = array<i32>} : memref<8192xi32, #tpu.memory_space<vmem>>, vector<16xi32>,
      %get3A_1900 = vector.shape_cast %get3A_1899 : vector<16xi32> to vector<16xi32>
      %get3A_1901 = arith.index_cast %add3A_1894 : i32 to index
      %get3A_1902 = tpu.vector_load %arg14[%get3A_1901] {strides = array<i32>} : memref<8192xf32, #tpu.memory_space<vmem>>, vector<16xf32>,
      %get3A_1903 = vector.shape_cast %get3A_1902 : vector<16xf32> to vector<16xf32>
      %mul3A_1904 = arith.constant 4096 : i32
      %mul3A_1905 = vector.broadcast %mul3A_1904 : i32 to vector<16xi32>
      %mul3A_1906 = arith.muli %get3A_1897, %mul3A_1905 : vector<16xi32>
      %add3A_1907 = arith.addi %mul3A_1906, %get3A_1900 : vector<16xi32>
      %gt3A_1908 = arith.constant 3.000000e-01 : f32
      %gt3A_1909 = vector.broadcast %gt3A_1908 : f32 to vector<16xf32>
      %gt3A_1910 = arith.cmpf ogt, %get3A_1903, %gt3A_1909 : vector<16xf32>
      %jit3A_1911 = arith.constant -1 : i32
      %broadcast_in_dim3A_1912 = vector.broadcast %jit3A_1911 : i32 to vector<16xi32>
      %select_n3A_1913 = arith.select %gt3A_1910, %add3A_1907, %broadcast_in_dim3A_1912 : vector<16xi1>, vector<16xi32>
      %swap3A_1914 = arith.index_cast %scan3A_1837 : i32 to index
      %swap3A_1915 = arith.constant 32 : index
      %swap3A_1916 = tpu.vector_load %arg15[%swap3A_1914, %swap3A_1915] {strides = array<i32>} : memref<64x128xi32, #tpu.memory_space<vmem>>, vector<1x16xi32>,
      %swap3A_1917 = vector.shape_cast %swap3A_1916 : vector<1x16xi32> to vector<16xi32>
      %swap3A_1918 = vector.shape_cast %select_n3A_1913 : vector<16xi32> to vector<1x16xi32>
      tpu.vector_store %arg15[%swap3A_1914, %swap3A_1915], %swap3A_1918 {strides = array<i32>} : memref<64x128xi32, #tpu.memory_space<vmem>>, vector<1x16xi32>,
      %mul3A_1919 = arith.constant 128 : i32
      %mul3A_1920 = arith.muli %scan3A_1837, %mul3A_1919 : i32
      %add3A_1921 = arith.constant 48 : i32
      %add3A_1922 = arith.addi %mul3A_1920, %add3A_1921 : i32
      %get3A_1923 = arith.index_cast %add3A_1922 : i32 to index
      %get3A_1924 = tpu.vector_load %arg12[%get3A_1923] {strides = array<i32>} : memref<8192xi32, #tpu.memory_space<vmem>>, vector<16xi32>,
      %get3A_1925 = vector.shape_cast %get3A_1924 : vector<16xi32> to vector<16xi32>
      %get3A_1926 = arith.index_cast %add3A_1922 : i32 to index
      %get3A_1927 = tpu.vector_load %arg13[%get3A_1926] {strides = array<i32>} : memref<8192xi32, #tpu.memory_space<vmem>>, vector<16xi32>,
      %get3A_1928 = vector.shape_cast %get3A_1927 : vector<16xi32> to vector<16xi32>
      %get3A_1929 = arith.index_cast %add3A_1922 : i32 to index
      %get3A_1930 = tpu.vector_load %arg14[%get3A_1929] {strides = array<i32>} : memref<8192xf32, #tpu.memory_space<vmem>>, vector<16xf32>,
      %get3A_1931 = vector.shape_cast %get3A_1930 : vector<16xf32> to vector<16xf32>
      %mul3A_1932 = arith.constant 4096 : i32
      %mul3A_1933 = vector.broadcast %mul3A_1932 : i32 to vector<16xi32>
      %mul3A_1934 = arith.muli %get3A_1925, %mul3A_1933 : vector<16xi32>
      %add3A_1935 = arith.addi %mul3A_1934, %get3A_1928 : vector<16xi32>
      %gt3A_1936 = arith.constant 3.000000e-01 : f32
      %gt3A_1937 = vector.broadcast %gt3A_1936 : f32 to vector<16xf32>
      %gt3A_1938 = arith.cmpf ogt, %get3A_1931, %gt3A_1937 : vector<16xf32>
      %jit3A_1939 = arith.constant -1 : i32
      %broadcast_in_dim3A_1940 = vector.broadcast %jit3A_1939 : i32 to vector<16xi32>
      %select_n3A_1941 = arith.select %gt3A_1938, %add3A_1935, %broadcast_in_dim3A_1940 : vector<16xi1>, vector<16xi32>
      %swap3A_1942 = arith.index_cast %scan3A_1837 : i32 to index
      %swap3A_1943 = arith.constant 48 : index
      %swap3A_1944 = tpu.vector_load %arg15[%swap3A_1942, %swap3A_1943] {strides = array<i32>} : memref<64x128xi32, #tpu.memory_space<vmem>>, vector<1x16xi32>,
      %swap3A_1945 = vector.shape_cast %swap3A_1944 : vector<1x16xi32> to vector<16xi32>
      %swap3A_1946 = vector.shape_cast %select_n3A_1941 : vector<16xi32> to vector<1x16xi32>
      tpu.vector_store %arg15[%swap3A_1942, %swap3A_1943], %swap3A_1946 {strides = array<i32>} : memref<64x128xi32, #tpu.memory_space<vmem>>, vector<1x16xi32>,
      %mul3A_1947 = arith.constant 128 : i32
      %mul3A_1948 = arith.muli %scan3A_1837, %mul3A_1947 : i32
      %add3A_1949 = arith.constant 64 : i32
      %add3A_1950 = arith.addi %mul3A_1948, %add3A_1949 : i32
      %get3A_1951 = arith.index_cast %add3A_1950 : i32 to index
      %get3A_1952 = tpu.vector_load %arg12[%get3A_1951] {strides = array<i32>} : memref<8192xi32, #tpu.memory_space<vmem>>, vector<16xi32>,
      %get3A_1953 = vector.shape_cast %get3A_1952 : vector<16xi32> to vector<16xi32>
      %get3A_1954 = arith.index_cast %add3A_1950 : i32 to index
      %get3A_1955 = tpu.vector_load %arg13[%get3A_1954] {strides = array<i32>} : memref<8192xi32, #tpu.memory_space<vmem>>, vector<16xi32>,
      %get3A_1956 = vector.shape_cast %get3A_1955 : vector<16xi32> to vector<16xi32>
      %get3A_1957 = arith.index_cast %add3A_1950 : i32 to index
      %get3A_1958 = tpu.vector_load %arg14[%get3A_1957] {strides = array<i32>} : memref<8192xf32, #tpu.memory_space<vmem>>, vector<16xf32>,
      %get3A_1959 = vector.shape_cast %get3A_1958 : vector<16xf32> to vector<16xf32>
      %mul3A_1960 = arith.constant 4096 : i32
      %mul3A_1961 = vector.broadcast %mul3A_1960 : i32 to vector<16xi32>
      %mul3A_1962 = arith.muli %get3A_1953, %mul3A_1961 : vector<16xi32>
      %add3A_1963 = arith.addi %mul3A_1962, %get3A_1956 : vector<16xi32>
      %gt3A_1964 = arith.constant 3.000000e-01 : f32
      %gt3A_1965 = vector.broadcast %gt3A_1964 : f32 to vector<16xf32>
      %gt3A_1966 = arith.cmpf ogt, %get3A_1959, %gt3A_1965 : vector<16xf32>
      %jit3A_1967 = arith.constant -1 : i32
      %broadcast_in_dim3A_1968 = vector.broadcast %jit3A_1967 : i32 to vector<16xi32>
      %select_n3A_1969 = arith.select %gt3A_1966, %add3A_1963, %broadcast_in_dim3A_1968 : vector<16xi1>, vector<16xi32>
      %swap3A_1970 = arith.index_cast %scan3A_1837 : i32 to index
      %swap3A_1971 = arith.constant 64 : index
      %swap3A_1972 = tpu.vector_load %arg15[%swap3A_1970, %swap3A_1971] {strides = array<i32>} : memref<64x128xi32, #tpu.memory_space<vmem>>, vector<1x16xi32>,
      %swap3A_1973 = vector.shape_cast %swap3A_1972 : vector<1x16xi32> to vector<16xi32>
      %swap3A_1974 = vector.shape_cast %select_n3A_1969 : vector<16xi32> to vector<1x16xi32>
      tpu.vector_store %arg15[%swap3A_1970, %swap3A_1971], %swap3A_1974 {strides = array<i32>} : memref<64x128xi32, #tpu.memory_space<vmem>>, vector<1x16xi32>,
      %mul3A_1975 = arith.constant 128 : i32
      %mul3A_1976 = arith.muli %scan3A_1837, %mul3A_1975 : i32
      %add3A_1977 = arith.constant 80 : i32
      %add3A_1978 = arith.addi %mul3A_1976, %add3A_1977 : i32
      %get3A_1979 = arith.index_cast %add3A_1978 : i32 to index
      %get3A_1980 = tpu.vector_load %arg12[%get3A_1979] {strides = array<i32>} : memref<8192xi32, #tpu.memory_space<vmem>>, vector<16xi32>,
      %get3A_1981 = vector.shape_cast %get3A_1980 : vector<16xi32> to vector<16xi32>
      %get3A_1982 = arith.index_cast %add3A_1978 : i32 to index
      %get3A_1983 = tpu.vector_load %arg13[%get3A_1982] {strides = array<i32>} : memref<8192xi32, #tpu.memory_space<vmem>>, vector<16xi32>,
      %get3A_1984 = vector.shape_cast %get3A_1983 : vector<16xi32> to vector<16xi32>
      %get3A_1985 = arith.index_cast %add3A_1978 : i32 to index
      %get3A_1986 = tpu.vector_load %arg14[%get3A_1985] {strides = array<i32>} : memref<8192xf32, #tpu.memory_space<vmem>>, vector<16xf32>,
      %get3A_1987 = vector.shape_cast %get3A_1986 : vector<16xf32> to vector<16xf32>
      %mul3A_1988 = arith.constant 4096 : i32
      %mul3A_1989 = vector.broadcast %mul3A_1988 : i32 to vector<16xi32>
      %mul3A_1990 = arith.muli %get3A_1981, %mul3A_1989 : vector<16xi32>
      %add3A_1991 = arith.addi %mul3A_1990, %get3A_1984 : vector<16xi32>
      %gt3A_1992 = arith.constant 3.000000e-01 : f32
      %gt3A_1993 = vector.broadcast %gt3A_1992 : f32 to vector<16xf32>
      %gt3A_1994 = arith.cmpf ogt, %get3A_1987, %gt3A_1993 : vector<16xf32>
      %jit3A_1995 = arith.constant -1 : i32
      %broadcast_in_dim3A_1996 = vector.broadcast %jit3A_1995 : i32 to vector<16xi32>
      %select_n3A_1997 = arith.select %gt3A_1994, %add3A_1991, %broadcast_in_dim3A_1996 : vector<16xi1>, vector<16xi32>
      %swap3A_1998 = arith.index_cast %scan3A_1837 : i32 to index
      %swap3A_1999 = arith.constant 80 : index
      %swap3A_2000 = tpu.vector_load %arg15[%swap3A_1998, %swap3A_1999] {strides = array<i32>} : memref<64x128xi32, #tpu.memory_space<vmem>>, vector<1x16xi32>,
      %swap3A_2001 = vector.shape_cast %swap3A_2000 : vector<1x16xi32> to vector<16xi32>
      %swap3A_2002 = vector.shape_cast %select_n3A_1997 : vector<16xi32> to vector<1x16xi32>
      tpu.vector_store %arg15[%swap3A_1998, %swap3A_1999], %swap3A_2002 {strides = array<i32>} : memref<64x128xi32, #tpu.memory_space<vmem>>, vector<1x16xi32>,
      %mul3A_2003 = arith.constant 128 : i32
      %mul3A_2004 = arith.muli %scan3A_1837, %mul3A_2003 : i32
      %add3A_2005 = arith.constant 96 : i32
      %add3A_2006 = arith.addi %mul3A_2004, %add3A_2005 : i32
      %get3A_2007 = arith.index_cast %add3A_2006 : i32 to index
      %get3A_2008 = tpu.vector_load %arg12[%get3A_2007] {strides = array<i32>} : memref<8192xi32, #tpu.memory_space<vmem>>, vector<16xi32>,
      %get3A_2009 = vector.shape_cast %get3A_2008 : vector<16xi32> to vector<16xi32>
      %get3A_2010 = arith.index_cast %add3A_2006 : i32 to index
      %get3A_2011 = tpu.vector_load %arg13[%get3A_2010] {strides = array<i32>} : memref<8192xi32, #tpu.memory_space<vmem>>, vector<16xi32>,
      %get3A_2012 = vector.shape_cast %get3A_2011 : vector<16xi32> to vector<16xi32>
      %get3A_2013 = arith.index_cast %add3A_2006 : i32 to index
      %get3A_2014 = tpu.vector_load %arg14[%get3A_2013] {strides = array<i32>} : memref<8192xf32, #tpu.memory_space<vmem>>, vector<16xf32>,
      %get3A_2015 = vector.shape_cast %get3A_2014 : vector<16xf32> to vector<16xf32>
      %mul3A_2016 = arith.constant 4096 : i32
      %mul3A_2017 = vector.broadcast %mul3A_2016 : i32 to vector<16xi32>
      %mul3A_2018 = arith.muli %get3A_2009, %mul3A_2017 : vector<16xi32>
      %add3A_2019 = arith.addi %mul3A_2018, %get3A_2012 : vector<16xi32>
      %gt3A_2020 = arith.constant 3.000000e-01 : f32
      %gt3A_2021 = vector.broadcast %gt3A_2020 : f32 to vector<16xf32>
      %gt3A_2022 = arith.cmpf ogt, %get3A_2015, %gt3A_2021 : vector<16xf32>
      %jit3A_2023 = arith.constant -1 : i32
      %broadcast_in_dim3A_2024 = vector.broadcast %jit3A_2023 : i32 to vector<16xi32>
      %select_n3A_2025 = arith.select %gt3A_2022, %add3A_2019, %broadcast_in_dim3A_2024 : vector<16xi1>, vector<16xi32>
      %swap3A_2026 = arith.index_cast %scan3A_1837 : i32 to index
      %swap3A_2027 = arith.constant 96 : index
      %swap3A_2028 = tpu.vector_load %arg15[%swap3A_2026, %swap3A_2027] {strides = array<i32>} : memref<64x128xi32, #tpu.memory_space<vmem>>, vector<1x16xi32>,
      %swap3A_2029 = vector.shape_cast %swap3A_2028 : vector<1x16xi32> to vector<16xi32>
      %swap3A_2030 = vector.shape_cast %select_n3A_2025 : vector<16xi32> to vector<1x16xi32>
      tpu.vector_store %arg15[%swap3A_2026, %swap3A_2027], %swap3A_2030 {strides = array<i32>} : memref<64x128xi32, #tpu.memory_space<vmem>>, vector<1x16xi32>,
      %mul3A_2031 = arith.constant 128 : i32
      %mul3A_2032 = arith.muli %scan3A_1837, %mul3A_2031 : i32
      %add3A_2033 = arith.constant 112 : i32
      %add3A_2034 = arith.addi %mul3A_2032, %add3A_2033 : i32
      %get3A_2035 = arith.index_cast %add3A_2034 : i32 to index
      %get3A_2036 = tpu.vector_load %arg12[%get3A_2035] {strides = array<i32>} : memref<8192xi32, #tpu.memory_space<vmem>>, vector<16xi32>,
      %get3A_2037 = vector.shape_cast %get3A_2036 : vector<16xi32> to vector<16xi32>
      %get3A_2038 = arith.index_cast %add3A_2034 : i32 to index
      %get3A_2039 = tpu.vector_load %arg13[%get3A_2038] {strides = array<i32>} : memref<8192xi32, #tpu.memory_space<vmem>>, vector<16xi32>,
      %get3A_2040 = vector.shape_cast %get3A_2039 : vector<16xi32> to vector<16xi32>
      %get3A_2041 = arith.index_cast %add3A_2034 : i32 to index
      %get3A_2042 = tpu.vector_load %arg14[%get3A_2041] {strides = array<i32>} : memref<8192xf32, #tpu.memory_space<vmem>>, vector<16xf32>,
      %get3A_2043 = vector.shape_cast %get3A_2042 : vector<16xf32> to vector<16xf32>
      %mul3A_2044 = arith.constant 4096 : i32
      %mul3A_2045 = vector.broadcast %mul3A_2044 : i32 to vector<16xi32>
      %mul3A_2046 = arith.muli %get3A_2037, %mul3A_2045 : vector<16xi32>
      %add3A_2047 = arith.addi %mul3A_2046, %get3A_2040 : vector<16xi32>
      %gt3A_2048 = arith.constant 3.000000e-01 : f32
      %gt3A_2049 = vector.broadcast %gt3A_2048 : f32 to vector<16xf32>
      %gt3A_2050 = arith.cmpf ogt, %get3A_2043, %gt3A_2049 : vector<16xf32>
      %jit3A_2051 = arith.constant -1 : i32
      %broadcast_in_dim3A_2052 = vector.broadcast %jit3A_2051 : i32 to vector<16xi32>
      %select_n3A_2053 = arith.select %gt3A_2050, %add3A_2047, %broadcast_in_dim3A_2052 : vector<16xi1>, vector<16xi32>
      %swap3A_2054 = arith.index_cast %scan3A_1837 : i32 to index
      %swap3A_2055 = arith.constant 112 : index
      %swap3A_2056 = tpu.vector_load %arg15[%swap3A_2054, %swap3A_2055] {strides = array<i32>} : memref<64x128xi32, #tpu.memory_space<vmem>>, vector<1x16xi32>,
      %swap3A_2057 = vector.shape_cast %swap3A_2056 : vector<1x16xi32> to vector<16xi32>
      %swap3A_2058 = vector.shape_cast %select_n3A_2053 : vector<16xi32> to vector<1x16xi32>
      tpu.vector_store %arg15[%swap3A_2054, %swap3A_2055], %swap3A_2058 {strides = array<i32>} : memref<64x128xi32, #tpu.memory_space<vmem>>, vector<1x16xi32>,
    }
    %scan3A_1218 = arith.constant 64 : i32
    %scan3A_1219 = arith.constant 0 : i32
    %scan3A_1220 = arith.constant 64 : i32
    %scan3A_1221 = arith.addi %scan3A_1219, %scan3A_1220 : i32
    %scan3A_1222 = arith.constant 1 : i32
    scf.for %scan3A_1837 = %scan3A_1219 to %scan3A_1221 step %scan3A_1222  : i32 {
      %dma_start3A_1838 = arith.constant 0 : i32
      %dma_start3A_1839 = tpu.memref_slice %arg15[%scan3A_1837, %dma_start3A_1838] : memref<64x128xi32, #tpu.memory_space<vmem>> -> memref<1x128xi32, #tpu.memory_space<vmem>>
      %dma_start3A_1840 = tpu.memref_squeeze %dma_start3A_1839 : memref<1x128xi32, #tpu.memory_space<vmem>> -> memref<128xi32, #tpu.memory_space<vmem>>
      %dma_start3A_1841 = arith.constant 0 : i32
      %dma_start3A_1842 = tpu.memref_slice %arg20[%dma_start3A_1841] : memref<16908288xf32, #tpu.memory_space<hbm>> -> memref<16908288xf32, #tpu.memory_space<hbm>>
      %dma_start3A_1843 = arith.constant -1 : i32
      tpu.enqueue_indirect_dma source(%arg17 : memref<128xf32, #tpu.memory_space<vmem>>) target(%dma_start3A_1842 : memref<16908288xf32, #tpu.memory_space<hbm>>) offsets(%dma_start3A_1840 : memref<128xi32, #tpu.memory_space<vmem>>) offset_filter(%dma_start3A_1843) semaphore(%arg21 : memref<!tpu.dma_semaphore, #tpu.memory_space<semaphore_mem>>)
    }
    %scan3A_1223 = arith.constant 64 : i32
    %mul3A_1224 = arith.constant 32768 : i32
    %mul3A_1225 = arith.muli %arg1, %mul3A_1224 : i32
    %add3A_1226 = arith.constant 8192 : i32
    %add3A_1227 = arith.addi %mul3A_1225, %add3A_1226 : i32
    "tpu.region"() ({
      %run_scoped3A = tpu.sem_alloc : memref<!tpu.dma_semaphore, #tpu.memory_space<semaphore_mem>>
      %dma_start3A_1837 = tpu.memref_slice %arg2[%add3A_1227] : memref<524288xi32, #tpu.memory_space<hbm>> -> memref<8192xi32, #tpu.memory_space<hbm>>
      %dma_start3A_1838 = tpu.memref_slice %arg2[%add3A_1227] : memref<524288xi32, #tpu.memory_space<hbm>> -> memref<8192xi32, #tpu.memory_space<hbm>>
      tpu.enqueue_dma source(%dma_start3A_1838 : memref<8192xi32, #tpu.memory_space<hbm>>) target(%arg12 : memref<8192xi32, #tpu.memory_space<vmem>>) target_semaphore(%run_scoped3A : memref<!tpu.dma_semaphore, #tpu.memory_space<semaphore_mem>>)
      %dma_wait3A_1839 = tpu.memref_slice %arg2[%add3A_1227] : memref<524288xi32, #tpu.memory_space<hbm>> -> memref<8192xi32, #tpu.memory_space<hbm>>
      %dma_wait3A_1840 = tpu.memref_slice %arg2[%add3A_1227] : memref<524288xi32, #tpu.memory_space<hbm>> -> memref<8192xi32, #tpu.memory_space<hbm>>
      tpu.wait_dma2 semaphore(%run_scoped3A : memref<!tpu.dma_semaphore, #tpu.memory_space<semaphore_mem>>) src(%dma_wait3A_1840 : memref<8192xi32, #tpu.memory_space<hbm>>) dst(%arg12 : memref<8192xi32, #tpu.memory_space<vmem>>)
      tpu.yield
    }) : () -> ()
    "tpu.region"() ({
      %run_scoped3A = tpu.sem_alloc : memref<!tpu.dma_semaphore, #tpu.memory_space<semaphore_mem>>
      %dma_start3A_1837 = tpu.memref_slice %arg3[%add3A_1227] : memref<524288xi32, #tpu.memory_space<hbm>> -> memref<8192xi32, #tpu.memory_space<hbm>>
      %dma_start3A_1838 = tpu.memref_slice %arg3[%add3A_1227] : memref<524288xi32, #tpu.memory_space<hbm>> -> memref<8192xi32, #tpu.memory_space<hbm>>
      tpu.enqueue_dma source(%dma_start3A_1838 : memref<8192xi32, #tpu.memory_space<hbm>>) target(%arg13 : memref<8192xi32, #tpu.memory_space<vmem>>) target_semaphore(%run_scoped3A : memref<!tpu.dma_semaphore, #tpu.memory_space<semaphore_mem>>)
      %dma_wait3A_1839 = tpu.memref_slice %arg3[%add3A_1227] : memref<524288xi32, #tpu.memory_space<hbm>> -> memref<8192xi32, #tpu.memory_space<hbm>>
      %dma_wait3A_1840 = tpu.memref_slice %arg3[%add3A_1227] : memref<524288xi32, #tpu.memory_space<hbm>> -> memref<8192xi32, #tpu.memory_space<hbm>>
      tpu.wait_dma2 semaphore(%run_scoped3A : memref<!tpu.dma_semaphore, #tpu.memory_space<semaphore_mem>>) src(%dma_wait3A_1840 : memref<8192xi32, #tpu.memory_space<hbm>>) dst(%arg13 : memref<8192xi32, #tpu.memory_space<vmem>>)
      tpu.yield
    }) : () -> ()
    "tpu.region"() ({
      %run_scoped3A = tpu.sem_alloc : memref<!tpu.dma_semaphore, #tpu.memory_space<semaphore_mem>>
      %dma_start3A_1837 = tpu.memref_slice %arg4[%add3A_1227] : memref<524288xf32, #tpu.memory_space<hbm>> -> memref<8192xf32, #tpu.memory_space<hbm>>
      %dma_start3A_1838 = tpu.memref_slice %arg4[%add3A_1227] : memref<524288xf32, #tpu.memory_space<hbm>> -> memref<8192xf32, #tpu.memory_space<hbm>>
      tpu.enqueue_dma source(%dma_start3A_1838 : memref<8192xf32, #tpu.memory_space<hbm>>) target(%arg14 : memref<8192xf32, #tpu.memory_space<vmem>>) target_semaphore(%run_scoped3A : memref<!tpu.dma_semaphore, #tpu.memory_space<semaphore_mem>>)
      %dma_wait3A_1839 = tpu.memref_slice %arg4[%add3A_1227] : memref<524288xf32, #tpu.memory_space<hbm>> -> memref<8192xf32, #tpu.memory_space<hbm>>
      %dma_wait3A_1840 = tpu.memref_slice %arg4[%add3A_1227] : memref<524288xf32, #tpu.memory_space<hbm>> -> memref<8192xf32, #tpu.memory_space<hbm>>
      tpu.wait_dma2 semaphore(%run_scoped3A : memref<!tpu.dma_semaphore, #tpu.memory_space<semaphore_mem>>) src(%dma_wait3A_1840 : memref<8192xf32, #tpu.memory_space<hbm>>) dst(%arg14 : memref<8192xf32, #tpu.memory_space<vmem>>)
      tpu.yield
    }) : () -> ()
    %scan3A_1228 = arith.constant 0 : i32
    %scan3A_1229 = arith.constant 64 : i32
    %scan3A_1230 = arith.addi %scan3A_1228, %scan3A_1229 : i32
    %scan3A_1231 = arith.constant 1 : i32
    scf.for %scan3A_1837 = %scan3A_1228 to %scan3A_1230 step %scan3A_1231  : i32 {
      %mul3A_1838 = arith.constant 128 : i32
      %mul3A_1839 = arith.muli %scan3A_1837, %mul3A_1838 : i32
      %add3A_1840 = arith.constant 0 : i32
      %add3A_1841 = arith.addi %mul3A_1839, %add3A_1840 : i32
      %get3A_1842 = arith.index_cast %add3A_1841 : i32 to index
      %get3A_1843 = tpu.vector_load %arg12[%get3A_1842] {strides = array<i32>} : memref<8192xi32, #tpu.memory_space<vmem>>, vector<16xi32>,
      %get3A_1844 = vector.shape_cast %get3A_1843 : vector<16xi32> to vector<16xi32>
      %get3A_1845 = arith.index_cast %add3A_1841 : i32 to index
      %get3A_1846 = tpu.vector_load %arg13[%get3A_1845] {strides = array<i32>} : memref<8192xi32, #tpu.memory_space<vmem>>, vector<16xi32>,
      %get3A_1847 = vector.shape_cast %get3A_1846 : vector<16xi32> to vector<16xi32>
      %get3A_1848 = arith.index_cast %add3A_1841 : i32 to index
      %get3A_1849 = tpu.vector_load %arg14[%get3A_1848] {strides = array<i32>} : memref<8192xf32, #tpu.memory_space<vmem>>, vector<16xf32>,
      %get3A_1850 = vector.shape_cast %get3A_1849 : vector<16xf32> to vector<16xf32>
      %mul3A_1851 = arith.constant 4096 : i32
      %mul3A_1852 = vector.broadcast %mul3A_1851 : i32 to vector<16xi32>
      %mul3A_1853 = arith.muli %get3A_1844, %mul3A_1852 : vector<16xi32>
      %add3A_1854 = arith.addi %mul3A_1853, %get3A_1847 : vector<16xi32>
      %gt3A = arith.constant 3.000000e-01 : f32
      %gt3A_1855 = vector.broadcast %gt3A : f32 to vector<16xf32>
      %gt3A_1856 = arith.cmpf ogt, %get3A_1850, %gt3A_1855 : vector<16xf32>
      %jit3A = arith.constant -1 : i32
      %broadcast_in_dim3A_1857 = vector.broadcast %jit3A : i32 to vector<16xi32>
      %select_n3A = arith.select %gt3A_1856, %add3A_1854, %broadcast_in_dim3A_1857 : vector<16xi1>, vector<16xi32>
      %swap3A_1858 = arith.index_cast %scan3A_1837 : i32 to index
      %swap3A_1859 = arith.constant 0 : index
      %swap3A_1860 = tpu.vector_load %arg16[%swap3A_1858, %swap3A_1859] {strides = array<i32>} : memref<64x128xi32, #tpu.memory_space<vmem>>, vector<1x16xi32>,
      %swap3A_1861 = vector.shape_cast %swap3A_1860 : vector<1x16xi32> to vector<16xi32>
      %swap3A_1862 = vector.shape_cast %select_n3A : vector<16xi32> to vector<1x16xi32>
      tpu.vector_store %arg16[%swap3A_1858, %swap3A_1859], %swap3A_1862 {strides = array<i32>} : memref<64x128xi32, #tpu.memory_space<vmem>>, vector<1x16xi32>,
      %mul3A_1863 = arith.constant 128 : i32
      %mul3A_1864 = arith.muli %scan3A_1837, %mul3A_1863 : i32
      %add3A_1865 = arith.constant 16 : i32
      %add3A_1866 = arith.addi %mul3A_1864, %add3A_1865 : i32
      %get3A_1867 = arith.index_cast %add3A_1866 : i32 to index
      %get3A_1868 = tpu.vector_load %arg12[%get3A_1867] {strides = array<i32>} : memref<8192xi32, #tpu.memory_space<vmem>>, vector<16xi32>,
      %get3A_1869 = vector.shape_cast %get3A_1868 : vector<16xi32> to vector<16xi32>
      %get3A_1870 = arith.index_cast %add3A_1866 : i32 to index
      %get3A_1871 = tpu.vector_load %arg13[%get3A_1870] {strides = array<i32>} : memref<8192xi32, #tpu.memory_space<vmem>>, vector<16xi32>,
      %get3A_1872 = vector.shape_cast %get3A_1871 : vector<16xi32> to vector<16xi32>
      %get3A_1873 = arith.index_cast %add3A_1866 : i32 to index
      %get3A_1874 = tpu.vector_load %arg14[%get3A_1873] {strides = array<i32>} : memref<8192xf32, #tpu.memory_space<vmem>>, vector<16xf32>,
      %get3A_1875 = vector.shape_cast %get3A_1874 : vector<16xf32> to vector<16xf32>
      %mul3A_1876 = arith.constant 4096 : i32
      %mul3A_1877 = vector.broadcast %mul3A_1876 : i32 to vector<16xi32>
      %mul3A_1878 = arith.muli %get3A_1869, %mul3A_1877 : vector<16xi32>
      %add3A_1879 = arith.addi %mul3A_1878, %get3A_1872 : vector<16xi32>
      %gt3A_1880 = arith.constant 3.000000e-01 : f32
      %gt3A_1881 = vector.broadcast %gt3A_1880 : f32 to vector<16xf32>
      %gt3A_1882 = arith.cmpf ogt, %get3A_1875, %gt3A_1881 : vector<16xf32>
      %jit3A_1883 = arith.constant -1 : i32
      %broadcast_in_dim3A_1884 = vector.broadcast %jit3A_1883 : i32 to vector<16xi32>
      %select_n3A_1885 = arith.select %gt3A_1882, %add3A_1879, %broadcast_in_dim3A_1884 : vector<16xi1>, vector<16xi32>
      %swap3A_1886 = arith.index_cast %scan3A_1837 : i32 to index
      %swap3A_1887 = arith.constant 16 : index
      %swap3A_1888 = tpu.vector_load %arg16[%swap3A_1886, %swap3A_1887] {strides = array<i32>} : memref<64x128xi32, #tpu.memory_space<vmem>>, vector<1x16xi32>,
      %swap3A_1889 = vector.shape_cast %swap3A_1888 : vector<1x16xi32> to vector<16xi32>
      %swap3A_1890 = vector.shape_cast %select_n3A_1885 : vector<16xi32> to vector<1x16xi32>
      tpu.vector_store %arg16[%swap3A_1886, %swap3A_1887], %swap3A_1890 {strides = array<i32>} : memref<64x128xi32, #tpu.memory_space<vmem>>, vector<1x16xi32>,
      %mul3A_1891 = arith.constant 128 : i32
      %mul3A_1892 = arith.muli %scan3A_1837, %mul3A_1891 : i32
      %add3A_1893 = arith.constant 32 : i32
      %add3A_1894 = arith.addi %mul3A_1892, %add3A_1893 : i32
      %get3A_1895 = arith.index_cast %add3A_1894 : i32 to index
      %get3A_1896 = tpu.vector_load %arg12[%get3A_1895] {strides = array<i32>} : memref<8192xi32, #tpu.memory_space<vmem>>, vector<16xi32>,
      %get3A_1897 = vector.shape_cast %get3A_1896 : vector<16xi32> to vector<16xi32>
      %get3A_1898 = arith.index_cast %add3A_1894 : i32 to index
      %get3A_1899 = tpu.vector_load %arg13[%get3A_1898] {strides = array<i32>} : memref<8192xi32, #tpu.memory_space<vmem>>, vector<16xi32>,
      %get3A_1900 = vector.shape_cast %get3A_1899 : vector<16xi32> to vector<16xi32>
      %get3A_1901 = arith.index_cast %add3A_1894 : i32 to index
      %get3A_1902 = tpu.vector_load %arg14[%get3A_1901] {strides = array<i32>} : memref<8192xf32, #tpu.memory_space<vmem>>, vector<16xf32>,
      %get3A_1903 = vector.shape_cast %get3A_1902 : vector<16xf32> to vector<16xf32>
      %mul3A_1904 = arith.constant 4096 : i32
      %mul3A_1905 = vector.broadcast %mul3A_1904 : i32 to vector<16xi32>
      %mul3A_1906 = arith.muli %get3A_1897, %mul3A_1905 : vector<16xi32>
      %add3A_1907 = arith.addi %mul3A_1906, %get3A_1900 : vector<16xi32>
      %gt3A_1908 = arith.constant 3.000000e-01 : f32
      %gt3A_1909 = vector.broadcast %gt3A_1908 : f32 to vector<16xf32>
      %gt3A_1910 = arith.cmpf ogt, %get3A_1903, %gt3A_1909 : vector<16xf32>
      %jit3A_1911 = arith.constant -1 : i32
      %broadcast_in_dim3A_1912 = vector.broadcast %jit3A_1911 : i32 to vector<16xi32>
      %select_n3A_1913 = arith.select %gt3A_1910, %add3A_1907, %broadcast_in_dim3A_1912 : vector<16xi1>, vector<16xi32>
      %swap3A_1914 = arith.index_cast %scan3A_1837 : i32 to index
      %swap3A_1915 = arith.constant 32 : index
      %swap3A_1916 = tpu.vector_load %arg16[%swap3A_1914, %swap3A_1915] {strides = array<i32>} : memref<64x128xi32, #tpu.memory_space<vmem>>, vector<1x16xi32>,
      %swap3A_1917 = vector.shape_cast %swap3A_1916 : vector<1x16xi32> to vector<16xi32>
      %swap3A_1918 = vector.shape_cast %select_n3A_1913 : vector<16xi32> to vector<1x16xi32>
      tpu.vector_store %arg16[%swap3A_1914, %swap3A_1915], %swap3A_1918 {strides = array<i32>} : memref<64x128xi32, #tpu.memory_space<vmem>>, vector<1x16xi32>,
      %mul3A_1919 = arith.constant 128 : i32
      %mul3A_1920 = arith.muli %scan3A_1837, %mul3A_1919 : i32
      %add3A_1921 = arith.constant 48 : i32
      %add3A_1922 = arith.addi %mul3A_1920, %add3A_1921 : i32
      %get3A_1923 = arith.index_cast %add3A_1922 : i32 to index
      %get3A_1924 = tpu.vector_load %arg12[%get3A_1923] {strides = array<i32>} : memref<8192xi32, #tpu.memory_space<vmem>>, vector<16xi32>,
      %get3A_1925 = vector.shape_cast %get3A_1924 : vector<16xi32> to vector<16xi32>
      %get3A_1926 = arith.index_cast %add3A_1922 : i32 to index
      %get3A_1927 = tpu.vector_load %arg13[%get3A_1926] {strides = array<i32>} : memref<8192xi32, #tpu.memory_space<vmem>>, vector<16xi32>,
      %get3A_1928 = vector.shape_cast %get3A_1927 : vector<16xi32> to vector<16xi32>
      %get3A_1929 = arith.index_cast %add3A_1922 : i32 to index
      %get3A_1930 = tpu.vector_load %arg14[%get3A_1929] {strides = array<i32>} : memref<8192xf32, #tpu.memory_space<vmem>>, vector<16xf32>,
      %get3A_1931 = vector.shape_cast %get3A_1930 : vector<16xf32> to vector<16xf32>
      %mul3A_1932 = arith.constant 4096 : i32
      %mul3A_1933 = vector.broadcast %mul3A_1932 : i32 to vector<16xi32>
      %mul3A_1934 = arith.muli %get3A_1925, %mul3A_1933 : vector<16xi32>
      %add3A_1935 = arith.addi %mul3A_1934, %get3A_1928 : vector<16xi32>
      %gt3A_1936 = arith.constant 3.000000e-01 : f32
      %gt3A_1937 = vector.broadcast %gt3A_1936 : f32 to vector<16xf32>
      %gt3A_1938 = arith.cmpf ogt, %get3A_1931, %gt3A_1937 : vector<16xf32>
      %jit3A_1939 = arith.constant -1 : i32
      %broadcast_in_dim3A_1940 = vector.broadcast %jit3A_1939 : i32 to vector<16xi32>
      %select_n3A_1941 = arith.select %gt3A_1938, %add3A_1935, %broadcast_in_dim3A_1940 : vector<16xi1>, vector<16xi32>
      %swap3A_1942 = arith.index_cast %scan3A_1837 : i32 to index
      %swap3A_1943 = arith.constant 48 : index
      %swap3A_1944 = tpu.vector_load %arg16[%swap3A_1942, %swap3A_1943] {strides = array<i32>} : memref<64x128xi32, #tpu.memory_space<vmem>>, vector<1x16xi32>,
      %swap3A_1945 = vector.shape_cast %swap3A_1944 : vector<1x16xi32> to vector<16xi32>
      %swap3A_1946 = vector.shape_cast %select_n3A_1941 : vector<16xi32> to vector<1x16xi32>
      tpu.vector_store %arg16[%swap3A_1942, %swap3A_1943], %swap3A_1946 {strides = array<i32>} : memref<64x128xi32, #tpu.memory_space<vmem>>, vector<1x16xi32>,
      %mul3A_1947 = arith.constant 128 : i32
      %mul3A_1948 = arith.muli %scan3A_1837, %mul3A_1947 : i32
      %add3A_1949 = arith.constant 64 : i32
      %add3A_1950 = arith.addi %mul3A_1948, %add3A_1949 : i32
      %get3A_1951 = arith.index_cast %add3A_1950 : i32 to index
      %get3A_1952 = tpu.vector_load %arg12[%get3A_1951] {strides = array<i32>} : memref<8192xi32, #tpu.memory_space<vmem>>, vector<16xi32>,
      %get3A_1953 = vector.shape_cast %get3A_1952 : vector<16xi32> to vector<16xi32>
      %get3A_1954 = arith.index_cast %add3A_1950 : i32 to index
      %get3A_1955 = tpu.vector_load %arg13[%get3A_1954] {strides = array<i32>} : memref<8192xi32, #tpu.memory_space<vmem>>, vector<16xi32>,
      %get3A_1956 = vector.shape_cast %get3A_1955 : vector<16xi32> to vector<16xi32>
      %get3A_1957 = arith.index_cast %add3A_1950 : i32 to index
      %get3A_1958 = tpu.vector_load %arg14[%get3A_1957] {strides = array<i32>} : memref<8192xf32, #tpu.memory_space<vmem>>, vector<16xf32>,
      %get3A_1959 = vector.shape_cast %get3A_1958 : vector<16xf32> to vector<16xf32>
      %mul3A_1960 = arith.constant 4096 : i32
      %mul3A_1961 = vector.broadcast %mul3A_1960 : i32 to vector<16xi32>
      %mul3A_1962 = arith.muli %get3A_1953, %mul3A_1961 : vector<16xi32>
      %add3A_1963 = arith.addi %mul3A_1962, %get3A_1956 : vector<16xi32>
      %gt3A_1964 = arith.constant 3.000000e-01 : f32
      %gt3A_1965 = vector.broadcast %gt3A_1964 : f32 to vector<16xf32>
      %gt3A_1966 = arith.cmpf ogt, %get3A_1959, %gt3A_1965 : vector<16xf32>
      %jit3A_1967 = arith.constant -1 : i32
      %broadcast_in_dim3A_1968 = vector.broadcast %jit3A_1967 : i32 to vector<16xi32>
      %select_n3A_1969 = arith.select %gt3A_1966, %add3A_1963, %broadcast_in_dim3A_1968 : vector<16xi1>, vector<16xi32>
      %swap3A_1970 = arith.index_cast %scan3A_1837 : i32 to index
      %swap3A_1971 = arith.constant 64 : index
      %swap3A_1972 = tpu.vector_load %arg16[%swap3A_1970, %swap3A_1971] {strides = array<i32>} : memref<64x128xi32, #tpu.memory_space<vmem>>, vector<1x16xi32>,
      %swap3A_1973 = vector.shape_cast %swap3A_1972 : vector<1x16xi32> to vector<16xi32>
      %swap3A_1974 = vector.shape_cast %select_n3A_1969 : vector<16xi32> to vector<1x16xi32>
      tpu.vector_store %arg16[%swap3A_1970, %swap3A_1971], %swap3A_1974 {strides = array<i32>} : memref<64x128xi32, #tpu.memory_space<vmem>>, vector<1x16xi32>,
      %mul3A_1975 = arith.constant 128 : i32
      %mul3A_1976 = arith.muli %scan3A_1837, %mul3A_1975 : i32
      %add3A_1977 = arith.constant 80 : i32
      %add3A_1978 = arith.addi %mul3A_1976, %add3A_1977 : i32
      %get3A_1979 = arith.index_cast %add3A_1978 : i32 to index
      %get3A_1980 = tpu.vector_load %arg12[%get3A_1979] {strides = array<i32>} : memref<8192xi32, #tpu.memory_space<vmem>>, vector<16xi32>,
      %get3A_1981 = vector.shape_cast %get3A_1980 : vector<16xi32> to vector<16xi32>
      %get3A_1982 = arith.index_cast %add3A_1978 : i32 to index
      %get3A_1983 = tpu.vector_load %arg13[%get3A_1982] {strides = array<i32>} : memref<8192xi32, #tpu.memory_space<vmem>>, vector<16xi32>,
      %get3A_1984 = vector.shape_cast %get3A_1983 : vector<16xi32> to vector<16xi32>
      %get3A_1985 = arith.index_cast %add3A_1978 : i32 to index
      %get3A_1986 = tpu.vector_load %arg14[%get3A_1985] {strides = array<i32>} : memref<8192xf32, #tpu.memory_space<vmem>>, vector<16xf32>,
      %get3A_1987 = vector.shape_cast %get3A_1986 : vector<16xf32> to vector<16xf32>
      %mul3A_1988 = arith.constant 4096 : i32
      %mul3A_1989 = vector.broadcast %mul3A_1988 : i32 to vector<16xi32>
      %mul3A_1990 = arith.muli %get3A_1981, %mul3A_1989 : vector<16xi32>
      %add3A_1991 = arith.addi %mul3A_1990, %get3A_1984 : vector<16xi32>
      %gt3A_1992 = arith.constant 3.000000e-01 : f32
      %gt3A_1993 = vector.broadcast %gt3A_1992 : f32 to vector<16xf32>
      %gt3A_1994 = arith.cmpf ogt, %get3A_1987, %gt3A_1993 : vector<16xf32>
      %jit3A_1995 = arith.constant -1 : i32
      %broadcast_in_dim3A_1996 = vector.broadcast %jit3A_1995 : i32 to vector<16xi32>
      %select_n3A_1997 = arith.select %gt3A_1994, %add3A_1991, %broadcast_in_dim3A_1996 : vector<16xi1>, vector<16xi32>
      %swap3A_1998 = arith.index_cast %scan3A_1837 : i32 to index
      %swap3A_1999 = arith.constant 80 : index
      %swap3A_2000 = tpu.vector_load %arg16[%swap3A_1998, %swap3A_1999] {strides = array<i32>} : memref<64x128xi32, #tpu.memory_space<vmem>>, vector<1x16xi32>,
      %swap3A_2001 = vector.shape_cast %swap3A_2000 : vector<1x16xi32> to vector<16xi32>
      %swap3A_2002 = vector.shape_cast %select_n3A_1997 : vector<16xi32> to vector<1x16xi32>
      tpu.vector_store %arg16[%swap3A_1998, %swap3A_1999], %swap3A_2002 {strides = array<i32>} : memref<64x128xi32, #tpu.memory_space<vmem>>, vector<1x16xi32>,
      %mul3A_2003 = arith.constant 128 : i32
      %mul3A_2004 = arith.muli %scan3A_1837, %mul3A_2003 : i32
      %add3A_2005 = arith.constant 96 : i32
      %add3A_2006 = arith.addi %mul3A_2004, %add3A_2005 : i32
      %get3A_2007 = arith.index_cast %add3A_2006 : i32 to index
      %get3A_2008 = tpu.vector_load %arg12[%get3A_2007] {strides = array<i32>} : memref<8192xi32, #tpu.memory_space<vmem>>, vector<16xi32>,
      %get3A_2009 = vector.shape_cast %get3A_2008 : vector<16xi32> to vector<16xi32>
      %get3A_2010 = arith.index_cast %add3A_2006 : i32 to index
      %get3A_2011 = tpu.vector_load %arg13[%get3A_2010] {strides = array<i32>} : memref<8192xi32, #tpu.memory_space<vmem>>, vector<16xi32>,
      %get3A_2012 = vector.shape_cast %get3A_2011 : vector<16xi32> to vector<16xi32>
      %get3A_2013 = arith.index_cast %add3A_2006 : i32 to index
      %get3A_2014 = tpu.vector_load %arg14[%get3A_2013] {strides = array<i32>} : memref<8192xf32, #tpu.memory_space<vmem>>, vector<16xf32>,
      %get3A_2015 = vector.shape_cast %get3A_2014 : vector<16xf32> to vector<16xf32>
      %mul3A_2016 = arith.constant 4096 : i32
      %mul3A_2017 = vector.broadcast %mul3A_2016 : i32 to vector<16xi32>
      %mul3A_2018 = arith.muli %get3A_2009, %mul3A_2017 : vector<16xi32>
      %add3A_2019 = arith.addi %mul3A_2018, %get3A_2012 : vector<16xi32>
      %gt3A_2020 = arith.constant 3.000000e-01 : f32
      %gt3A_2021 = vector.broadcast %gt3A_2020 : f32 to vector<16xf32>
      %gt3A_2022 = arith.cmpf ogt, %get3A_2015, %gt3A_2021 : vector<16xf32>
      %jit3A_2023 = arith.constant -1 : i32
      %broadcast_in_dim3A_2024 = vector.broadcast %jit3A_2023 : i32 to vector<16xi32>
      %select_n3A_2025 = arith.select %gt3A_2022, %add3A_2019, %broadcast_in_dim3A_2024 : vector<16xi1>, vector<16xi32>
      %swap3A_2026 = arith.index_cast %scan3A_1837 : i32 to index
      %swap3A_2027 = arith.constant 96 : index
      %swap3A_2028 = tpu.vector_load %arg16[%swap3A_2026, %swap3A_2027] {strides = array<i32>} : memref<64x128xi32, #tpu.memory_space<vmem>>, vector<1x16xi32>,
      %swap3A_2029 = vector.shape_cast %swap3A_2028 : vector<1x16xi32> to vector<16xi32>
      %swap3A_2030 = vector.shape_cast %select_n3A_2025 : vector<16xi32> to vector<1x16xi32>
      tpu.vector_store %arg16[%swap3A_2026, %swap3A_2027], %swap3A_2030 {strides = array<i32>} : memref<64x128xi32, #tpu.memory_space<vmem>>, vector<1x16xi32>,
      %mul3A_2031 = arith.constant 128 : i32
      %mul3A_2032 = arith.muli %scan3A_1837, %mul3A_2031 : i32
      %add3A_2033 = arith.constant 112 : i32
      %add3A_2034 = arith.addi %mul3A_2032, %add3A_2033 : i32
      %get3A_2035 = arith.index_cast %add3A_2034 : i32 to index
      %get3A_2036 = tpu.vector_load %arg12[%get3A_2035] {strides = array<i32>} : memref<8192xi32, #tpu.memory_space<vmem>>, vector<16xi32>,
      %get3A_2037 = vector.shape_cast %get3A_2036 : vector<16xi32> to vector<16xi32>
      %get3A_2038 = arith.index_cast %add3A_2034 : i32 to index
      %get3A_2039 = tpu.vector_load %arg13[%get3A_2038] {strides = array<i32>} : memref<8192xi32, #tpu.memory_space<vmem>>, vector<16xi32>,
      %get3A_2040 = vector.shape_cast %get3A_2039 : vector<16xi32> to vector<16xi32>
      %get3A_2041 = arith.index_cast %add3A_2034 : i32 to index
      %get3A_2042 = tpu.vector_load %arg14[%get3A_2041] {strides = array<i32>} : memref<8192xf32, #tpu.memory_space<vmem>>, vector<16xf32>,
      %get3A_2043 = vector.shape_cast %get3A_2042 : vector<16xf32> to vector<16xf32>
      %mul3A_2044 = arith.constant 4096 : i32
      %mul3A_2045 = vector.broadcast %mul3A_2044 : i32 to vector<16xi32>
      %mul3A_2046 = arith.muli %get3A_2037, %mul3A_2045 : vector<16xi32>
      %add3A_2047 = arith.addi %mul3A_2046, %get3A_2040 : vector<16xi32>
      %gt3A_2048 = arith.constant 3.000000e-01 : f32
      %gt3A_2049 = vector.broadcast %gt3A_2048 : f32 to vector<16xf32>
      %gt3A_2050 = arith.cmpf ogt, %get3A_2043, %gt3A_2049 : vector<16xf32>
      %jit3A_2051 = arith.constant -1 : i32
      %broadcast_in_dim3A_2052 = vector.broadcast %jit3A_2051 : i32 to vector<16xi32>
      %select_n3A_2053 = arith.select %gt3A_2050, %add3A_2047, %broadcast_in_dim3A_2052 : vector<16xi1>, vector<16xi32>
      %swap3A_2054 = arith.index_cast %scan3A_1837 : i32 to index
      %swap3A_2055 = arith.constant 112 : index
      %swap3A_2056 = tpu.vector_load %arg16[%swap3A_2054, %swap3A_2055] {strides = array<i32>} : memref<64x128xi32, #tpu.memory_space<vmem>>, vector<1x16xi32>,
      %swap3A_2057 = vector.shape_cast %swap3A_2056 : vector<1x16xi32> to vector<16xi32>
      %swap3A_2058 = vector.shape_cast %select_n3A_2053 : vector<16xi32> to vector<1x16xi32>
      tpu.vector_store %arg16[%swap3A_2054, %swap3A_2055], %swap3A_2058 {strides = array<i32>} : memref<64x128xi32, #tpu.memory_space<vmem>>, vector<1x16xi32>,
    }
    %scan3A_1232 = arith.constant 64 : i32
    %scan3A_1233 = arith.constant 0 : i32
    %scan3A_1234 = arith.constant 64 : i32
    %scan3A_1235 = arith.addi %scan3A_1233, %scan3A_1234 : i32
    %scan3A_1236 = arith.constant 1 : i32
    scf.for %scan3A_1837 = %scan3A_1233 to %scan3A_1235 step %scan3A_1236  : i32 {
      %dma_wait3A_1838 = arith.constant 0 : i32
      %dma_wait3A_1839 = tpu.memref_slice %arg15[%scan3A_1837, %dma_wait3A_1838] : memref<64x128xi32, #tpu.memory_space<vmem>> -> memref<1x128xi32, #tpu.memory_space<vmem>>
      %dma_wait3A_1840 = tpu.memref_squeeze %dma_wait3A_1839 : memref<1x128xi32, #tpu.memory_space<vmem>> -> memref<128xi32, #tpu.memory_space<vmem>>
      %dma_wait3A_1841 = arith.constant 0 : i32
      %dma_wait3A_1842 = tpu.memref_slice %arg20[%dma_wait3A_1841] : memref<16908288xf32, #tpu.memory_space<hbm>> -> memref<16908288xf32, #tpu.memory_space<hbm>>
      tpu.wait_indirect_dma semaphore(%arg21 : memref<!tpu.dma_semaphore, #tpu.memory_space<semaphore_mem>>) src(%arg17 : memref<128xf32, #tpu.memory_space<vmem>>) dst(%dma_wait3A_1842 : memref<16908288xf32, #tpu.memory_space<hbm>>)
    }
    %scan3A_1237 = arith.constant 64 : i32
    %scan3A_1238 = arith.constant 0 : i32
    %scan3A_1239 = arith.constant 64 : i32
    %scan3A_1240 = arith.addi %scan3A_1238, %scan3A_1239 : i32
    %scan3A_1241 = arith.constant 1 : i32
    scf.for %scan3A_1837 = %scan3A_1238 to %scan3A_1240 step %scan3A_1241  : i32 {
      %dma_start3A_1838 = arith.constant 0 : i32
      %dma_start3A_1839 = tpu.memref_slice %arg16[%scan3A_1837, %dma_start3A_1838] : memref<64x128xi32, #tpu.memory_space<vmem>> -> memref<1x128xi32, #tpu.memory_space<vmem>>
      %dma_start3A_1840 = tpu.memref_squeeze %dma_start3A_1839 : memref<1x128xi32, #tpu.memory_space<vmem>> -> memref<128xi32, #tpu.memory_space<vmem>>
      %dma_start3A_1841 = arith.constant 0 : i32
      %dma_start3A_1842 = tpu.memref_slice %arg20[%dma_start3A_1841] : memref<16908288xf32, #tpu.memory_space<hbm>> -> memref<16908288xf32, #tpu.memory_space<hbm>>
      %dma_start3A_1843 = arith.constant -1 : i32
      tpu.enqueue_indirect_dma source(%arg17 : memref<128xf32, #tpu.memory_space<vmem>>) target(%dma_start3A_1842 : memref<16908288xf32, #tpu.memory_space<hbm>>) offsets(%dma_start3A_1840 : memref<128xi32, #tpu.memory_space<vmem>>) offset_filter(%dma_start3A_1843) semaphore(%arg21 : memref<!tpu.dma_semaphore, #tpu.memory_space<semaphore_mem>>)
    }
    %scan3A_1242 = arith.constant 64 : i32
    %mul3A_1243 = arith.constant 32768 : i32
    %mul3A_1244 = arith.muli %arg1, %mul3A_1243 : i32
    %add3A_1245 = arith.constant 16384 : i32
    %add3A_1246 = arith.addi %mul3A_1244, %add3A_1245 : i32
    "tpu.region"() ({
      %run_scoped3A = tpu.sem_alloc : memref<!tpu.dma_semaphore, #tpu.memory_space<semaphore_mem>>
      %dma_start3A_1837 = tpu.memref_slice %arg2[%add3A_1246] : memref<524288xi32, #tpu.memory_space<hbm>> -> memref<8192xi32, #tpu.memory_space<hbm>>
      %dma_start3A_1838 = tpu.memref_slice %arg2[%add3A_1246] : memref<524288xi32, #tpu.memory_space<hbm>> -> memref<8192xi32, #tpu.memory_space<hbm>>
      tpu.enqueue_dma source(%dma_start3A_1838 : memref<8192xi32, #tpu.memory_space<hbm>>) target(%arg12 : memref<8192xi32, #tpu.memory_space<vmem>>) target_semaphore(%run_scoped3A : memref<!tpu.dma_semaphore, #tpu.memory_space<semaphore_mem>>)
      %dma_wait3A_1839 = tpu.memref_slice %arg2[%add3A_1246] : memref<524288xi32, #tpu.memory_space<hbm>> -> memref<8192xi32, #tpu.memory_space<hbm>>
      %dma_wait3A_1840 = tpu.memref_slice %arg2[%add3A_1246] : memref<524288xi32, #tpu.memory_space<hbm>> -> memref<8192xi32, #tpu.memory_space<hbm>>
      tpu.wait_dma2 semaphore(%run_scoped3A : memref<!tpu.dma_semaphore, #tpu.memory_space<semaphore_mem>>) src(%dma_wait3A_1840 : memref<8192xi32, #tpu.memory_space<hbm>>) dst(%arg12 : memref<8192xi32, #tpu.memory_space<vmem>>)
      tpu.yield
    }) : () -> ()
    "tpu.region"() ({
      %run_scoped3A = tpu.sem_alloc : memref<!tpu.dma_semaphore, #tpu.memory_space<semaphore_mem>>
      %dma_start3A_1837 = tpu.memref_slice %arg3[%add3A_1246] : memref<524288xi32, #tpu.memory_space<hbm>> -> memref<8192xi32, #tpu.memory_space<hbm>>
      %dma_start3A_1838 = tpu.memref_slice %arg3[%add3A_1246] : memref<524288xi32, #tpu.memory_space<hbm>> -> memref<8192xi32, #tpu.memory_space<hbm>>
      tpu.enqueue_dma source(%dma_start3A_1838 : memref<8192xi32, #tpu.memory_space<hbm>>) target(%arg13 : memref<8192xi32, #tpu.memory_space<vmem>>) target_semaphore(%run_scoped3A : memref<!tpu.dma_semaphore, #tpu.memory_space<semaphore_mem>>)
      %dma_wait3A_1839 = tpu.memref_slice %arg3[%add3A_1246] : memref<524288xi32, #tpu.memory_space<hbm>> -> memref<8192xi32, #tpu.memory_space<hbm>>
      %dma_wait3A_1840 = tpu.memref_slice %arg3[%add3A_1246] : memref<524288xi32, #tpu.memory_space<hbm>> -> memref<8192xi32, #tpu.memory_space<hbm>>
      tpu.wait_dma2 semaphore(%run_scoped3A : memref<!tpu.dma_semaphore, #tpu.memory_space<semaphore_mem>>) src(%dma_wait3A_1840 : memref<8192xi32, #tpu.memory_space<hbm>>) dst(%arg13 : memref<8192xi32, #tpu.memory_space<vmem>>)
      tpu.yield
    }) : () -> ()
    "tpu.region"() ({
      %run_scoped3A = tpu.sem_alloc : memref<!tpu.dma_semaphore, #tpu.memory_space<semaphore_mem>>
      %dma_start3A_1837 = tpu.memref_slice %arg4[%add3A_1246] : memref<524288xf32, #tpu.memory_space<hbm>> -> memref<8192xf32, #tpu.memory_space<hbm>>
      %dma_start3A_1838 = tpu.memref_slice %arg4[%add3A_1246] : memref<524288xf32, #tpu.memory_space<hbm>> -> memref<8192xf32, #tpu.memory_space<hbm>>
      tpu.enqueue_dma source(%dma_start3A_1838 : memref<8192xf32, #tpu.memory_space<hbm>>) target(%arg14 : memref<8192xf32, #tpu.memory_space<vmem>>) target_semaphore(%run_scoped3A : memref<!tpu.dma_semaphore, #tpu.memory_space<semaphore_mem>>)
      %dma_wait3A_1839 = tpu.memref_slice %arg4[%add3A_1246] : memref<524288xf32, #tpu.memory_space<hbm>> -> memref<8192xf32, #tpu.memory_space<hbm>>
      %dma_wait3A_1840 = tpu.memref_slice %arg4[%add3A_1246] : memref<524288xf32, #tpu.memory_space<hbm>> -> memref<8192xf32, #tpu.memory_space<hbm>>
      tpu.wait_dma2 semaphore(%run_scoped3A : memref<!tpu.dma_semaphore, #tpu.memory_space<semaphore_mem>>) src(%dma_wait3A_1840 : memref<8192xf32, #tpu.memory_space<hbm>>) dst(%arg14 : memref<8192xf32, #tpu.memory_space<vmem>>)
      tpu.yield
    }) : () -> ()
    %scan3A_1247 = arith.constant 0 : i32
    %scan3A_1248 = arith.constant 64 : i32
    %scan3A_1249 = arith.addi %scan3A_1247, %scan3A_1248 : i32
    %scan3A_1250 = arith.constant 1 : i32
    scf.for %scan3A_1837 = %scan3A_1247 to %scan3A_1249 step %scan3A_1250  : i32 {
      %mul3A_1838 = arith.constant 128 : i32
      %mul3A_1839 = arith.muli %scan3A_1837, %mul3A_1838 : i32
      %add3A_1840 = arith.constant 0 : i32
      %add3A_1841 = arith.addi %mul3A_1839, %add3A_1840 : i32
      %get3A_1842 = arith.index_cast %add3A_1841 : i32 to index
      %get3A_1843 = tpu.vector_load %arg12[%get3A_1842] {strides = array<i32>} : memref<8192xi32, #tpu.memory_space<vmem>>, vector<16xi32>,
      %get3A_1844 = vector.shape_cast %get3A_1843 : vector<16xi32> to vector<16xi32>
      %get3A_1845 = arith.index_cast %add3A_1841 : i32 to index
      %get3A_1846 = tpu.vector_load %arg13[%get3A_1845] {strides = array<i32>} : memref<8192xi32, #tpu.memory_space<vmem>>, vector<16xi32>,
      %get3A_1847 = vector.shape_cast %get3A_1846 : vector<16xi32> to vector<16xi32>
      %get3A_1848 = arith.index_cast %add3A_1841 : i32 to index
      %get3A_1849 = tpu.vector_load %arg14[%get3A_1848] {strides = array<i32>} : memref<8192xf32, #tpu.memory_space<vmem>>, vector<16xf32>,
      %get3A_1850 = vector.shape_cast %get3A_1849 : vector<16xf32> to vector<16xf32>
      %mul3A_1851 = arith.constant 4096 : i32
      %mul3A_1852 = vector.broadcast %mul3A_1851 : i32 to vector<16xi32>
      %mul3A_1853 = arith.muli %get3A_1844, %mul3A_1852 : vector<16xi32>
      %add3A_1854 = arith.addi %mul3A_1853, %get3A_1847 : vector<16xi32>
      %gt3A = arith.constant 3.000000e-01 : f32
      %gt3A_1855 = vector.broadcast %gt3A : f32 to vector<16xf32>
      %gt3A_1856 = arith.cmpf ogt, %get3A_1850, %gt3A_1855 : vector<16xf32>
      %jit3A = arith.constant -1 : i32
      %broadcast_in_dim3A_1857 = vector.broadcast %jit3A : i32 to vector<16xi32>
      %select_n3A = arith.select %gt3A_1856, %add3A_1854, %broadcast_in_dim3A_1857 : vector<16xi1>, vector<16xi32>
      %swap3A_1858 = arith.index_cast %scan3A_1837 : i32 to index
      %swap3A_1859 = arith.constant 0 : index
      %swap3A_1860 = tpu.vector_load %arg15[%swap3A_1858, %swap3A_1859] {strides = array<i32>} : memref<64x128xi32, #tpu.memory_space<vmem>>, vector<1x16xi32>,
      %swap3A_1861 = vector.shape_cast %swap3A_1860 : vector<1x16xi32> to vector<16xi32>
      %swap3A_1862 = vector.shape_cast %select_n3A : vector<16xi32> to vector<1x16xi32>
      tpu.vector_store %arg15[%swap3A_1858, %swap3A_1859], %swap3A_1862 {strides = array<i32>} : memref<64x128xi32, #tpu.memory_space<vmem>>, vector<1x16xi32>,
      %mul3A_1863 = arith.constant 128 : i32
      %mul3A_1864 = arith.muli %scan3A_1837, %mul3A_1863 : i32
      %add3A_1865 = arith.constant 16 : i32
      %add3A_1866 = arith.addi %mul3A_1864, %add3A_1865 : i32
      %get3A_1867 = arith.index_cast %add3A_1866 : i32 to index
      %get3A_1868 = tpu.vector_load %arg12[%get3A_1867] {strides = array<i32>} : memref<8192xi32, #tpu.memory_space<vmem>>, vector<16xi32>,
      %get3A_1869 = vector.shape_cast %get3A_1868 : vector<16xi32> to vector<16xi32>
      %get3A_1870 = arith.index_cast %add3A_1866 : i32 to index
      %get3A_1871 = tpu.vector_load %arg13[%get3A_1870] {strides = array<i32>} : memref<8192xi32, #tpu.memory_space<vmem>>, vector<16xi32>,
      %get3A_1872 = vector.shape_cast %get3A_1871 : vector<16xi32> to vector<16xi32>
      %get3A_1873 = arith.index_cast %add3A_1866 : i32 to index
      %get3A_1874 = tpu.vector_load %arg14[%get3A_1873] {strides = array<i32>} : memref<8192xf32, #tpu.memory_space<vmem>>, vector<16xf32>,
      %get3A_1875 = vector.shape_cast %get3A_1874 : vector<16xf32> to vector<16xf32>
      %mul3A_1876 = arith.constant 4096 : i32
      %mul3A_1877 = vector.broadcast %mul3A_1876 : i32 to vector<16xi32>
      %mul3A_1878 = arith.muli %get3A_1869, %mul3A_1877 : vector<16xi32>
      %add3A_1879 = arith.addi %mul3A_1878, %get3A_1872 : vector<16xi32>
      %gt3A_1880 = arith.constant 3.000000e-01 : f32
      %gt3A_1881 = vector.broadcast %gt3A_1880 : f32 to vector<16xf32>
      %gt3A_1882 = arith.cmpf ogt, %get3A_1875, %gt3A_1881 : vector<16xf32>
      %jit3A_1883 = arith.constant -1 : i32
      %broadcast_in_dim3A_1884 = vector.broadcast %jit3A_1883 : i32 to vector<16xi32>
      %select_n3A_1885 = arith.select %gt3A_1882, %add3A_1879, %broadcast_in_dim3A_1884 : vector<16xi1>, vector<16xi32>
      %swap3A_1886 = arith.index_cast %scan3A_1837 : i32 to index
      %swap3A_1887 = arith.constant 16 : index
      %swap3A_1888 = tpu.vector_load %arg15[%swap3A_1886, %swap3A_1887] {strides = array<i32>} : memref<64x128xi32, #tpu.memory_space<vmem>>, vector<1x16xi32>,
      %swap3A_1889 = vector.shape_cast %swap3A_1888 : vector<1x16xi32> to vector<16xi32>
      %swap3A_1890 = vector.shape_cast %select_n3A_1885 : vector<16xi32> to vector<1x16xi32>
      tpu.vector_store %arg15[%swap3A_1886, %swap3A_1887], %swap3A_1890 {strides = array<i32>} : memref<64x128xi32, #tpu.memory_space<vmem>>, vector<1x16xi32>,
      %mul3A_1891 = arith.constant 128 : i32
      %mul3A_1892 = arith.muli %scan3A_1837, %mul3A_1891 : i32
      %add3A_1893 = arith.constant 32 : i32
      %add3A_1894 = arith.addi %mul3A_1892, %add3A_1893 : i32
      %get3A_1895 = arith.index_cast %add3A_1894 : i32 to index
      %get3A_1896 = tpu.vector_load %arg12[%get3A_1895] {strides = array<i32>} : memref<8192xi32, #tpu.memory_space<vmem>>, vector<16xi32>,
      %get3A_1897 = vector.shape_cast %get3A_1896 : vector<16xi32> to vector<16xi32>
      %get3A_1898 = arith.index_cast %add3A_1894 : i32 to index
      %get3A_1899 = tpu.vector_load %arg13[%get3A_1898] {strides = array<i32>} : memref<8192xi32, #tpu.memory_space<vmem>>, vector<16xi32>,
      %get3A_1900 = vector.shape_cast %get3A_1899 : vector<16xi32> to vector<16xi32>
      %get3A_1901 = arith.index_cast %add3A_1894 : i32 to index
      %get3A_1902 = tpu.vector_load %arg14[%get3A_1901] {strides = array<i32>} : memref<8192xf32, #tpu.memory_space<vmem>>, vector<16xf32>,
      %get3A_1903 = vector.shape_cast %get3A_1902 : vector<16xf32> to vector<16xf32>
      %mul3A_1904 = arith.constant 4096 : i32
      %mul3A_1905 = vector.broadcast %mul3A_1904 : i32 to vector<16xi32>
      %mul3A_1906 = arith.muli %get3A_1897, %mul3A_1905 : vector<16xi32>
      %add3A_1907 = arith.addi %mul3A_1906, %get3A_1900 : vector<16xi32>
      %gt3A_1908 = arith.constant 3.000000e-01 : f32
      %gt3A_1909 = vector.broadcast %gt3A_1908 : f32 to vector<16xf32>
      %gt3A_1910 = arith.cmpf ogt, %get3A_1903, %gt3A_1909 : vector<16xf32>
      %jit3A_1911 = arith.constant -1 : i32
      %broadcast_in_dim3A_1912 = vector.broadcast %jit3A_1911 : i32 to vector<16xi32>
      %select_n3A_1913 = arith.select %gt3A_1910, %add3A_1907, %broadcast_in_dim3A_1912 : vector<16xi1>, vector<16xi32>
      %swap3A_1914 = arith.index_cast %scan3A_1837 : i32 to index
      %swap3A_1915 = arith.constant 32 : index
      %swap3A_1916 = tpu.vector_load %arg15[%swap3A_1914, %swap3A_1915] {strides = array<i32>} : memref<64x128xi32, #tpu.memory_space<vmem>>, vector<1x16xi32>,
      %swap3A_1917 = vector.shape_cast %swap3A_1916 : vector<1x16xi32> to vector<16xi32>
      %swap3A_1918 = vector.shape_cast %select_n3A_1913 : vector<16xi32> to vector<1x16xi32>
      tpu.vector_store %arg15[%swap3A_1914, %swap3A_1915], %swap3A_1918 {strides = array<i32>} : memref<64x128xi32, #tpu.memory_space<vmem>>, vector<1x16xi32>,
      %mul3A_1919 = arith.constant 128 : i32
      %mul3A_1920 = arith.muli %scan3A_1837, %mul3A_1919 : i32
      %add3A_1921 = arith.constant 48 : i32
      %add3A_1922 = arith.addi %mul3A_1920, %add3A_1921 : i32
      %get3A_1923 = arith.index_cast %add3A_1922 : i32 to index
      %get3A_1924 = tpu.vector_load %arg12[%get3A_1923] {strides = array<i32>} : memref<8192xi32, #tpu.memory_space<vmem>>, vector<16xi32>,
      %get3A_1925 = vector.shape_cast %get3A_1924 : vector<16xi32> to vector<16xi32>
      %get3A_1926 = arith.index_cast %add3A_1922 : i32 to index
      %get3A_1927 = tpu.vector_load %arg13[%get3A_1926] {strides = array<i32>} : memref<8192xi32, #tpu.memory_space<vmem>>, vector<16xi32>,
      %get3A_1928 = vector.shape_cast %get3A_1927 : vector<16xi32> to vector<16xi32>
      %get3A_1929 = arith.index_cast %add3A_1922 : i32 to index
      %get3A_1930 = tpu.vector_load %arg14[%get3A_1929] {strides = array<i32>} : memref<8192xf32, #tpu.memory_space<vmem>>, vector<16xf32>,
      %get3A_1931 = vector.shape_cast %get3A_1930 : vector<16xf32> to vector<16xf32>
      %mul3A_1932 = arith.constant 4096 : i32
      %mul3A_1933 = vector.broadcast %mul3A_1932 : i32 to vector<16xi32>
      %mul3A_1934 = arith.muli %get3A_1925, %mul3A_1933 : vector<16xi32>
      %add3A_1935 = arith.addi %mul3A_1934, %get3A_1928 : vector<16xi32>
      %gt3A_1936 = arith.constant 3.000000e-01 : f32
      %gt3A_1937 = vector.broadcast %gt3A_1936 : f32 to vector<16xf32>
      %gt3A_1938 = arith.cmpf ogt, %get3A_1931, %gt3A_1937 : vector<16xf32>
      %jit3A_1939 = arith.constant -1 : i32
      %broadcast_in_dim3A_1940 = vector.broadcast %jit3A_1939 : i32 to vector<16xi32>
      %select_n3A_1941 = arith.select %gt3A_1938, %add3A_1935, %broadcast_in_dim3A_1940 : vector<16xi1>, vector<16xi32>
      %swap3A_1942 = arith.index_cast %scan3A_1837 : i32 to index
      %swap3A_1943 = arith.constant 48 : index
      %swap3A_1944 = tpu.vector_load %arg15[%swap3A_1942, %swap3A_1943] {strides = array<i32>} : memref<64x128xi32, #tpu.memory_space<vmem>>, vector<1x16xi32>,
      %swap3A_1945 = vector.shape_cast %swap3A_1944 : vector<1x16xi32> to vector<16xi32>
      %swap3A_1946 = vector.shape_cast %select_n3A_1941 : vector<16xi32> to vector<1x16xi32>
      tpu.vector_store %arg15[%swap3A_1942, %swap3A_1943], %swap3A_1946 {strides = array<i32>} : memref<64x128xi32, #tpu.memory_space<vmem>>, vector<1x16xi32>,
      %mul3A_1947 = arith.constant 128 : i32
      %mul3A_1948 = arith.muli %scan3A_1837, %mul3A_1947 : i32
      %add3A_1949 = arith.constant 64 : i32
      %add3A_1950 = arith.addi %mul3A_1948, %add3A_1949 : i32
      %get3A_1951 = arith.index_cast %add3A_1950 : i32 to index
      %get3A_1952 = tpu.vector_load %arg12[%get3A_1951] {strides = array<i32>} : memref<8192xi32, #tpu.memory_space<vmem>>, vector<16xi32>,
      %get3A_1953 = vector.shape_cast %get3A_1952 : vector<16xi32> to vector<16xi32>
      %get3A_1954 = arith.index_cast %add3A_1950 : i32 to index
      %get3A_1955 = tpu.vector_load %arg13[%get3A_1954] {strides = array<i32>} : memref<8192xi32, #tpu.memory_space<vmem>>, vector<16xi32>,
      %get3A_1956 = vector.shape_cast %get3A_1955 : vector<16xi32> to vector<16xi32>
      %get3A_1957 = arith.index_cast %add3A_1950 : i32 to index
      %get3A_1958 = tpu.vector_load %arg14[%get3A_1957] {strides = array<i32>} : memref<8192xf32, #tpu.memory_space<vmem>>, vector<16xf32>,
      %get3A_1959 = vector.shape_cast %get3A_1958 : vector<16xf32> to vector<16xf32>
      %mul3A_1960 = arith.constant 4096 : i32
      %mul3A_1961 = vector.broadcast %mul3A_1960 : i32 to vector<16xi32>
      %mul3A_1962 = arith.muli %get3A_1953, %mul3A_1961 : vector<16xi32>
      %add3A_1963 = arith.addi %mul3A_1962, %get3A_1956 : vector<16xi32>
      %gt3A_1964 = arith.constant 3.000000e-01 : f32
      %gt3A_1965 = vector.broadcast %gt3A_1964 : f32 to vector<16xf32>
      %gt3A_1966 = arith.cmpf ogt, %get3A_1959, %gt3A_1965 : vector<16xf32>
      %jit3A_1967 = arith.constant -1 : i32
      %broadcast_in_dim3A_1968 = vector.broadcast %jit3A_1967 : i32 to vector<16xi32>
      %select_n3A_1969 = arith.select %gt3A_1966, %add3A_1963, %broadcast_in_dim3A_1968 : vector<16xi1>, vector<16xi32>
      %swap3A_1970 = arith.index_cast %scan3A_1837 : i32 to index
      %swap3A_1971 = arith.constant 64 : index
      %swap3A_1972 = tpu.vector_load %arg15[%swap3A_1970, %swap3A_1971] {strides = array<i32>} : memref<64x128xi32, #tpu.memory_space<vmem>>, vector<1x16xi32>,
      %swap3A_1973 = vector.shape_cast %swap3A_1972 : vector<1x16xi32> to vector<16xi32>
      %swap3A_1974 = vector.shape_cast %select_n3A_1969 : vector<16xi32> to vector<1x16xi32>
      tpu.vector_store %arg15[%swap3A_1970, %swap3A_1971], %swap3A_1974 {strides = array<i32>} : memref<64x128xi32, #tpu.memory_space<vmem>>, vector<1x16xi32>,
      %mul3A_1975 = arith.constant 128 : i32
      %mul3A_1976 = arith.muli %scan3A_1837, %mul3A_1975 : i32
      %add3A_1977 = arith.constant 80 : i32
      %add3A_1978 = arith.addi %mul3A_1976, %add3A_1977 : i32
      %get3A_1979 = arith.index_cast %add3A_1978 : i32 to index
      %get3A_1980 = tpu.vector_load %arg12[%get3A_1979] {strides = array<i32>} : memref<8192xi32, #tpu.memory_space<vmem>>, vector<16xi32>,
      %get3A_1981 = vector.shape_cast %get3A_1980 : vector<16xi32> to vector<16xi32>
      %get3A_1982 = arith.index_cast %add3A_1978 : i32 to index
      %get3A_1983 = tpu.vector_load %arg13[%get3A_1982] {strides = array<i32>} : memref<8192xi32, #tpu.memory_space<vmem>>, vector<16xi32>,
      %get3A_1984 = vector.shape_cast %get3A_1983 : vector<16xi32> to vector<16xi32>
      %get3A_1985 = arith.index_cast %add3A_1978 : i32 to index
      %get3A_1986 = tpu.vector_load %arg14[%get3A_1985] {strides = array<i32>} : memref<8192xf32, #tpu.memory_space<vmem>>, vector<16xf32>,
      %get3A_1987 = vector.shape_cast %get3A_1986 : vector<16xf32> to vector<16xf32>
      %mul3A_1988 = arith.constant 4096 : i32
      %mul3A_1989 = vector.broadcast %mul3A_1988 : i32 to vector<16xi32>
      %mul3A_1990 = arith.muli %get3A_1981, %mul3A_1989 : vector<16xi32>
      %add3A_1991 = arith.addi %mul3A_1990, %get3A_1984 : vector<16xi32>
      %gt3A_1992 = arith.constant 3.000000e-01 : f32
      %gt3A_1993 = vector.broadcast %gt3A_1992 : f32 to vector<16xf32>
      %gt3A_1994 = arith.cmpf ogt, %get3A_1987, %gt3A_1993 : vector<16xf32>
      %jit3A_1995 = arith.constant -1 : i32
      %broadcast_in_dim3A_1996 = vector.broadcast %jit3A_1995 : i32 to vector<16xi32>
      %select_n3A_1997 = arith.select %gt3A_1994, %add3A_1991, %broadcast_in_dim3A_1996 : vector<16xi1>, vector<16xi32>
      %swap3A_1998 = arith.index_cast %scan3A_1837 : i32 to index
      %swap3A_1999 = arith.constant 80 : index
      %swap3A_2000 = tpu.vector_load %arg15[%swap3A_1998, %swap3A_1999] {strides = array<i32>} : memref<64x128xi32, #tpu.memory_space<vmem>>, vector<1x16xi32>,
      %swap3A_2001 = vector.shape_cast %swap3A_2000 : vector<1x16xi32> to vector<16xi32>
      %swap3A_2002 = vector.shape_cast %select_n3A_1997 : vector<16xi32> to vector<1x16xi32>
      tpu.vector_store %arg15[%swap3A_1998, %swap3A_1999], %swap3A_2002 {strides = array<i32>} : memref<64x128xi32, #tpu.memory_space<vmem>>, vector<1x16xi32>,
      %mul3A_2003 = arith.constant 128 : i32
      %mul3A_2004 = arith.muli %scan3A_1837, %mul3A_2003 : i32
      %add3A_2005 = arith.constant 96 : i32
      %add3A_2006 = arith.addi %mul3A_2004, %add3A_2005 : i32
      %get3A_2007 = arith.index_cast %add3A_2006 : i32 to index
      %get3A_2008 = tpu.vector_load %arg12[%get3A_2007] {strides = array<i32>} : memref<8192xi32, #tpu.memory_space<vmem>>, vector<16xi32>,
      %get3A_2009 = vector.shape_cast %get3A_2008 : vector<16xi32> to vector<16xi32>
      %get3A_2010 = arith.index_cast %add3A_2006 : i32 to index
      %get3A_2011 = tpu.vector_load %arg13[%get3A_2010] {strides = array<i32>} : memref<8192xi32, #tpu.memory_space<vmem>>, vector<16xi32>,
      %get3A_2012 = vector.shape_cast %get3A_2011 : vector<16xi32> to vector<16xi32>
      %get3A_2013 = arith.index_cast %add3A_2006 : i32 to index
      %get3A_2014 = tpu.vector_load %arg14[%get3A_2013] {strides = array<i32>} : memref<8192xf32, #tpu.memory_space<vmem>>, vector<16xf32>,
      %get3A_2015 = vector.shape_cast %get3A_2014 : vector<16xf32> to vector<16xf32>
      %mul3A_2016 = arith.constant 4096 : i32
      %mul3A_2017 = vector.broadcast %mul3A_2016 : i32 to vector<16xi32>
      %mul3A_2018 = arith.muli %get3A_2009, %mul3A_2017 : vector<16xi32>
      %add3A_2019 = arith.addi %mul3A_2018, %get3A_2012 : vector<16xi32>
      %gt3A_2020 = arith.constant 3.000000e-01 : f32
      %gt3A_2021 = vector.broadcast %gt3A_2020 : f32 to vector<16xf32>
      %gt3A_2022 = arith.cmpf ogt, %get3A_2015, %gt3A_2021 : vector<16xf32>
      %jit3A_2023 = arith.constant -1 : i32
      %broadcast_in_dim3A_2024 = vector.broadcast %jit3A_2023 : i32 to vector<16xi32>
      %select_n3A_2025 = arith.select %gt3A_2022, %add3A_2019, %broadcast_in_dim3A_2024 : vector<16xi1>, vector<16xi32>
      %swap3A_2026 = arith.index_cast %scan3A_1837 : i32 to index
      %swap3A_2027 = arith.constant 96 : index
      %swap3A_2028 = tpu.vector_load %arg15[%swap3A_2026, %swap3A_2027] {strides = array<i32>} : memref<64x128xi32, #tpu.memory_space<vmem>>, vector<1x16xi32>,
      %swap3A_2029 = vector.shape_cast %swap3A_2028 : vector<1x16xi32> to vector<16xi32>
      %swap3A_2030 = vector.shape_cast %select_n3A_2025 : vector<16xi32> to vector<1x16xi32>
      tpu.vector_store %arg15[%swap3A_2026, %swap3A_2027], %swap3A_2030 {strides = array<i32>} : memref<64x128xi32, #tpu.memory_space<vmem>>, vector<1x16xi32>,
      %mul3A_2031 = arith.constant 128 : i32
      %mul3A_2032 = arith.muli %scan3A_1837, %mul3A_2031 : i32
      %add3A_2033 = arith.constant 112 : i32
      %add3A_2034 = arith.addi %mul3A_2032, %add3A_2033 : i32
      %get3A_2035 = arith.index_cast %add3A_2034 : i32 to index
      %get3A_2036 = tpu.vector_load %arg12[%get3A_2035] {strides = array<i32>} : memref<8192xi32, #tpu.memory_space<vmem>>, vector<16xi32>,
      %get3A_2037 = vector.shape_cast %get3A_2036 : vector<16xi32> to vector<16xi32>
      %get3A_2038 = arith.index_cast %add3A_2034 : i32 to index
      %get3A_2039 = tpu.vector_load %arg13[%get3A_2038] {strides = array<i32>} : memref<8192xi32, #tpu.memory_space<vmem>>, vector<16xi32>,
      %get3A_2040 = vector.shape_cast %get3A_2039 : vector<16xi32> to vector<16xi32>
      %get3A_2041 = arith.index_cast %add3A_2034 : i32 to index
      %get3A_2042 = tpu.vector_load %arg14[%get3A_2041] {strides = array<i32>} : memref<8192xf32, #tpu.memory_space<vmem>>, vector<16xf32>,
      %get3A_2043 = vector.shape_cast %get3A_2042 : vector<16xf32> to vector<16xf32>
      %mul3A_2044 = arith.constant 4096 : i32
      %mul3A_2045 = vector.broadcast %mul3A_2044 : i32 to vector<16xi32>
      %mul3A_2046 = arith.muli %get3A_2037, %mul3A_2045 : vector<16xi32>
      %add3A_2047 = arith.addi %mul3A_2046, %get3A_2040 : vector<16xi32>
      %gt3A_2048 = arith.constant 3.000000e-01 : f32
      %gt3A_2049 = vector.broadcast %gt3A_2048 : f32 to vector<16xf32>
      %gt3A_2050 = arith.cmpf ogt, %get3A_2043, %gt3A_2049 : vector<16xf32>
      %jit3A_2051 = arith.constant -1 : i32
      %broadcast_in_dim3A_2052 = vector.broadcast %jit3A_2051 : i32 to vector<16xi32>
      %select_n3A_2053 = arith.select %gt3A_2050, %add3A_2047, %broadcast_in_dim3A_2052 : vector<16xi1>, vector<16xi32>
      %swap3A_2054 = arith.index_cast %scan3A_1837 : i32 to index
      %swap3A_2055 = arith.constant 112 : index
      %swap3A_2056 = tpu.vector_load %arg15[%swap3A_2054, %swap3A_2055] {strides = array<i32>} : memref<64x128xi32, #tpu.memory_space<vmem>>, vector<1x16xi32>,
      %swap3A_2057 = vector.shape_cast %swap3A_2056 : vector<1x16xi32> to vector<16xi32>
      %swap3A_2058 = vector.shape_cast %select_n3A_2053 : vector<16xi32> to vector<1x16xi32>
      tpu.vector_store %arg15[%swap3A_2054, %swap3A_2055], %swap3A_2058 {strides = array<i32>} : memref<64x128xi32, #tpu.memory_space<vmem>>, vector<1x16xi32>,
    }
    %scan3A_1251 = arith.constant 64 : i32
    %scan3A_1252 = arith.constant 0 : i32
    %scan3A_1253 = arith.constant 64 : i32
    %scan3A_1254 = arith.addi %scan3A_1252, %scan3A_1253 : i32
    %scan3A_1255 = arith.constant 1 : i32
    scf.for %scan3A_1837 = %scan3A_1252 to %scan3A_1254 step %scan3A_1255  : i32 {
      %dma_wait3A_1838 = arith.constant 0 : i32
      %dma_wait3A_1839 = tpu.memref_slice %arg16[%scan3A_1837, %dma_wait3A_1838] : memref<64x128xi32, #tpu.memory_space<vmem>> -> memref<1x128xi32, #tpu.memory_space<vmem>>
      %dma_wait3A_1840 = tpu.memref_squeeze %dma_wait3A_1839 : memref<1x128xi32, #tpu.memory_space<vmem>> -> memref<128xi32, #tpu.memory_space<vmem>>
      %dma_wait3A_1841 = arith.constant 0 : i32
      %dma_wait3A_1842 = tpu.memref_slice %arg20[%dma_wait3A_1841] : memref<16908288xf32, #tpu.memory_space<hbm>> -> memref<16908288xf32, #tpu.memory_space<hbm>>
      tpu.wait_indirect_dma semaphore(%arg21 : memref<!tpu.dma_semaphore, #tpu.memory_space<semaphore_mem>>) src(%arg17 : memref<128xf32, #tpu.memory_space<vmem>>) dst(%dma_wait3A_1842 : memref<16908288xf32, #tpu.memory_space<hbm>>)
    }
    %scan3A_1256 = arith.constant 64 : i32
    %scan3A_1257 = arith.constant 0 : i32
    %scan3A_1258 = arith.constant 64 : i32
    %scan3A_1259 = arith.addi %scan3A_1257, %scan3A_1258 : i32
    %scan3A_1260 = arith.constant 1 : i32
    scf.for %scan3A_1837 = %scan3A_1257 to %scan3A_1259 step %scan3A_1260  : i32 {
      %dma_start3A_1838 = arith.constant 0 : i32
      %dma_start3A_1839 = tpu.memref_slice %arg15[%scan3A_1837, %dma_start3A_1838] : memref<64x128xi32, #tpu.memory_space<vmem>> -> memref<1x128xi32, #tpu.memory_space<vmem>>
      %dma_start3A_1840 = tpu.memref_squeeze %dma_start3A_1839 : memref<1x128xi32, #tpu.memory_space<vmem>> -> memref<128xi32, #tpu.memory_space<vmem>>
      %dma_start3A_1841 = arith.constant 0 : i32
      %dma_start3A_1842 = tpu.memref_slice %arg20[%dma_start3A_1841] : memref<16908288xf32, #tpu.memory_space<hbm>> -> memref<16908288xf32, #tpu.memory_space<hbm>>
      %dma_start3A_1843 = arith.constant -1 : i32
      tpu.enqueue_indirect_dma source(%arg17 : memref<128xf32, #tpu.memory_space<vmem>>) target(%dma_start3A_1842 : memref<16908288xf32, #tpu.memory_space<hbm>>) offsets(%dma_start3A_1840 : memref<128xi32, #tpu.memory_space<vmem>>) offset_filter(%dma_start3A_1843) semaphore(%arg21 : memref<!tpu.dma_semaphore, #tpu.memory_space<semaphore_mem>>)
    }
    %scan3A_1261 = arith.constant 64 : i32
    %mul3A_1262 = arith.constant 32768 : i32
    %mul3A_1263 = arith.muli %arg1, %mul3A_1262 : i32
    %add3A_1264 = arith.constant 24576 : i32
    %add3A_1265 = arith.addi %mul3A_1263, %add3A_1264 : i32
    "tpu.region"() ({
      %run_scoped3A = tpu.sem_alloc : memref<!tpu.dma_semaphore, #tpu.memory_space<semaphore_mem>>
      %dma_start3A_1837 = tpu.memref_slice %arg2[%add3A_1265] : memref<524288xi32, #tpu.memory_space<hbm>> -> memref<8192xi32, #tpu.memory_space<hbm>>
      %dma_start3A_1838 = tpu.memref_slice %arg2[%add3A_1265] : memref<524288xi32, #tpu.memory_space<hbm>> -> memref<8192xi32, #tpu.memory_space<hbm>>
      tpu.enqueue_dma source(%dma_start3A_1838 : memref<8192xi32, #tpu.memory_space<hbm>>) target(%arg12 : memref<8192xi32, #tpu.memory_space<vmem>>) target_semaphore(%run_scoped3A : memref<!tpu.dma_semaphore, #tpu.memory_space<semaphore_mem>>)
      %dma_wait3A_1839 = tpu.memref_slice %arg2[%add3A_1265] : memref<524288xi32, #tpu.memory_space<hbm>> -> memref<8192xi32, #tpu.memory_space<hbm>>
      %dma_wait3A_1840 = tpu.memref_slice %arg2[%add3A_1265] : memref<524288xi32, #tpu.memory_space<hbm>> -> memref<8192xi32, #tpu.memory_space<hbm>>
      tpu.wait_dma2 semaphore(%run_scoped3A : memref<!tpu.dma_semaphore, #tpu.memory_space<semaphore_mem>>) src(%dma_wait3A_1840 : memref<8192xi32, #tpu.memory_space<hbm>>) dst(%arg12 : memref<8192xi32, #tpu.memory_space<vmem>>)
      tpu.yield
    }) : () -> ()
    "tpu.region"() ({
      %run_scoped3A = tpu.sem_alloc : memref<!tpu.dma_semaphore, #tpu.memory_space<semaphore_mem>>
      %dma_start3A_1837 = tpu.memref_slice %arg3[%add3A_1265] : memref<524288xi32, #tpu.memory_space<hbm>> -> memref<8192xi32, #tpu.memory_space<hbm>>
      %dma_start3A_1838 = tpu.memref_slice %arg3[%add3A_1265] : memref<524288xi32, #tpu.memory_space<hbm>> -> memref<8192xi32, #tpu.memory_space<hbm>>
      tpu.enqueue_dma source(%dma_start3A_1838 : memref<8192xi32, #tpu.memory_space<hbm>>) target(%arg13 : memref<8192xi32, #tpu.memory_space<vmem>>) target_semaphore(%run_scoped3A : memref<!tpu.dma_semaphore, #tpu.memory_space<semaphore_mem>>)
      %dma_wait3A_1839 = tpu.memref_slice %arg3[%add3A_1265] : memref<524288xi32, #tpu.memory_space<hbm>> -> memref<8192xi32, #tpu.memory_space<hbm>>
      %dma_wait3A_1840 = tpu.memref_slice %arg3[%add3A_1265] : memref<524288xi32, #tpu.memory_space<hbm>> -> memref<8192xi32, #tpu.memory_space<hbm>>
      tpu.wait_dma2 semaphore(%run_scoped3A : memref<!tpu.dma_semaphore, #tpu.memory_space<semaphore_mem>>) src(%dma_wait3A_1840 : memref<8192xi32, #tpu.memory_space<hbm>>) dst(%arg13 : memref<8192xi32, #tpu.memory_space<vmem>>)
      tpu.yield
    }) : () -> ()
    "tpu.region"() ({
      %run_scoped3A = tpu.sem_alloc : memref<!tpu.dma_semaphore, #tpu.memory_space<semaphore_mem>>
      %dma_start3A_1837 = tpu.memref_slice %arg4[%add3A_1265] : memref<524288xf32, #tpu.memory_space<hbm>> -> memref<8192xf32, #tpu.memory_space<hbm>>
      %dma_start3A_1838 = tpu.memref_slice %arg4[%add3A_1265] : memref<524288xf32, #tpu.memory_space<hbm>> -> memref<8192xf32, #tpu.memory_space<hbm>>
      tpu.enqueue_dma source(%dma_start3A_1838 : memref<8192xf32, #tpu.memory_space<hbm>>) target(%arg14 : memref<8192xf32, #tpu.memory_space<vmem>>) target_semaphore(%run_scoped3A : memref<!tpu.dma_semaphore, #tpu.memory_space<semaphore_mem>>)
      %dma_wait3A_1839 = tpu.memref_slice %arg4[%add3A_1265] : memref<524288xf32, #tpu.memory_space<hbm>> -> memref<8192xf32, #tpu.memory_space<hbm>>
      %dma_wait3A_1840 = tpu.memref_slice %arg4[%add3A_1265] : memref<524288xf32, #tpu.memory_space<hbm>> -> memref<8192xf32, #tpu.memory_space<hbm>>
      tpu.wait_dma2 semaphore(%run_scoped3A : memref<!tpu.dma_semaphore, #tpu.memory_space<semaphore_mem>>) src(%dma_wait3A_1840 : memref<8192xf32, #tpu.memory_space<hbm>>) dst(%arg14 : memref<8192xf32, #tpu.memory_space<vmem>>)
      tpu.yield
    }) : () -> ()
    %scan3A_1266 = arith.constant 0 : i32
    %scan3A_1267 = arith.constant 64 : i32
    %scan3A_1268 = arith.addi %scan3A_1266, %scan3A_1267 : i32
    %scan3A_1269 = arith.constant 1 : i32
    scf.for %scan3A_1837 = %scan3A_1266 to %scan3A_1268 step %scan3A_1269  : i32 {
      %mul3A_1838 = arith.constant 128 : i32
      %mul3A_1839 = arith.muli %scan3A_1837, %mul3A_1838 : i32
      %add3A_1840 = arith.constant 0 : i32
      %add3A_1841 = arith.addi %mul3A_1839, %add3A_1840 : i32
      %get3A_1842 = arith.index_cast %add3A_1841 : i32 to index
      %get3A_1843 = tpu.vector_load %arg12[%get3A_1842] {strides = array<i32>} : memref<8192xi32, #tpu.memory_space<vmem>>, vector<16xi32>,
      %get3A_1844 = vector.shape_cast %get3A_1843 : vector<16xi32> to vector<16xi32>
      %get3A_1845 = arith.index_cast %add3A_1841 : i32 to index
      %get3A_1846 = tpu.vector_load %arg13[%get3A_1845] {strides = array<i32>} : memref<8192xi32, #tpu.memory_space<vmem>>, vector<16xi32>,
      %get3A_1847 = vector.shape_cast %get3A_1846 : vector<16xi32> to vector<16xi32>
      %get3A_1848 = arith.index_cast %add3A_1841 : i32 to index
      %get3A_1849 = tpu.vector_load %arg14[%get3A_1848] {strides = array<i32>} : memref<8192xf32, #tpu.memory_space<vmem>>, vector<16xf32>,
      %get3A_1850 = vector.shape_cast %get3A_1849 : vector<16xf32> to vector<16xf32>
      %mul3A_1851 = arith.constant 4096 : i32
      %mul3A_1852 = vector.broadcast %mul3A_1851 : i32 to vector<16xi32>
      %mul3A_1853 = arith.muli %get3A_1844, %mul3A_1852 : vector<16xi32>
      %add3A_1854 = arith.addi %mul3A_1853, %get3A_1847 : vector<16xi32>
      %gt3A = arith.constant 3.000000e-01 : f32
      %gt3A_1855 = vector.broadcast %gt3A : f32 to vector<16xf32>
      %gt3A_1856 = arith.cmpf ogt, %get3A_1850, %gt3A_1855 : vector<16xf32>
      %jit3A = arith.constant -1 : i32
      %broadcast_in_dim3A_1857 = vector.broadcast %jit3A : i32 to vector<16xi32>
      %select_n3A = arith.select %gt3A_1856, %add3A_1854, %broadcast_in_dim3A_1857 : vector<16xi1>, vector<16xi32>
      %swap3A_1858 = arith.index_cast %scan3A_1837 : i32 to index
      %swap3A_1859 = arith.constant 0 : index
      %swap3A_1860 = tpu.vector_load %arg16[%swap3A_1858, %swap3A_1859] {strides = array<i32>} : memref<64x128xi32, #tpu.memory_space<vmem>>, vector<1x16xi32>,
      %swap3A_1861 = vector.shape_cast %swap3A_1860 : vector<1x16xi32> to vector<16xi32>
      %swap3A_1862 = vector.shape_cast %select_n3A : vector<16xi32> to vector<1x16xi32>
      tpu.vector_store %arg16[%swap3A_1858, %swap3A_1859], %swap3A_1862 {strides = array<i32>} : memref<64x128xi32, #tpu.memory_space<vmem>>, vector<1x16xi32>,
      %mul3A_1863 = arith.constant 128 : i32
      %mul3A_1864 = arith.muli %scan3A_1837, %mul3A_1863 : i32
      %add3A_1865 = arith.constant 16 : i32
      %add3A_1866 = arith.addi %mul3A_1864, %add3A_1865 : i32
      %get3A_1867 = arith.index_cast %add3A_1866 : i32 to index
      %get3A_1868 = tpu.vector_load %arg12[%get3A_1867] {strides = array<i32>} : memref<8192xi32, #tpu.memory_space<vmem>>, vector<16xi32>,
      %get3A_1869 = vector.shape_cast %get3A_1868 : vector<16xi32> to vector<16xi32>
      %get3A_1870 = arith.index_cast %add3A_1866 : i32 to index
      %get3A_1871 = tpu.vector_load %arg13[%get3A_1870] {strides = array<i32>} : memref<8192xi32, #tpu.memory_space<vmem>>, vector<16xi32>,
      %get3A_1872 = vector.shape_cast %get3A_1871 : vector<16xi32> to vector<16xi32>
      %get3A_1873 = arith.index_cast %add3A_1866 : i32 to index
      %get3A_1874 = tpu.vector_load %arg14[%get3A_1873] {strides = array<i32>} : memref<8192xf32, #tpu.memory_space<vmem>>, vector<16xf32>,
      %get3A_1875 = vector.shape_cast %get3A_1874 : vector<16xf32> to vector<16xf32>
      %mul3A_1876 = arith.constant 4096 : i32
      %mul3A_1877 = vector.broadcast %mul3A_1876 : i32 to vector<16xi32>
      %mul3A_1878 = arith.muli %get3A_1869, %mul3A_1877 : vector<16xi32>
      %add3A_1879 = arith.addi %mul3A_1878, %get3A_1872 : vector<16xi32>
      %gt3A_1880 = arith.constant 3.000000e-01 : f32
      %gt3A_1881 = vector.broadcast %gt3A_1880 : f32 to vector<16xf32>
      %gt3A_1882 = arith.cmpf ogt, %get3A_1875, %gt3A_1881 : vector<16xf32>
      %jit3A_1883 = arith.constant -1 : i32
      %broadcast_in_dim3A_1884 = vector.broadcast %jit3A_1883 : i32 to vector<16xi32>
      %select_n3A_1885 = arith.select %gt3A_1882, %add3A_1879, %broadcast_in_dim3A_1884 : vector<16xi1>, vector<16xi32>
      %swap3A_1886 = arith.index_cast %scan3A_1837 : i32 to index
      %swap3A_1887 = arith.constant 16 : index
      %swap3A_1888 = tpu.vector_load %arg16[%swap3A_1886, %swap3A_1887] {strides = array<i32>} : memref<64x128xi32, #tpu.memory_space<vmem>>, vector<1x16xi32>,
      %swap3A_1889 = vector.shape_cast %swap3A_1888 : vector<1x16xi32> to vector<16xi32>
      %swap3A_1890 = vector.shape_cast %select_n3A_1885 : vector<16xi32> to vector<1x16xi32>
      tpu.vector_store %arg16[%swap3A_1886, %swap3A_1887], %swap3A_1890 {strides = array<i32>} : memref<64x128xi32, #tpu.memory_space<vmem>>, vector<1x16xi32>,
      %mul3A_1891 = arith.constant 128 : i32
      %mul3A_1892 = arith.muli %scan3A_1837, %mul3A_1891 : i32
      %add3A_1893 = arith.constant 32 : i32
      %add3A_1894 = arith.addi %mul3A_1892, %add3A_1893 : i32
      %get3A_1895 = arith.index_cast %add3A_1894 : i32 to index
      %get3A_1896 = tpu.vector_load %arg12[%get3A_1895] {strides = array<i32>} : memref<8192xi32, #tpu.memory_space<vmem>>, vector<16xi32>,
      %get3A_1897 = vector.shape_cast %get3A_1896 : vector<16xi32> to vector<16xi32>
      %get3A_1898 = arith.index_cast %add3A_1894 : i32 to index
      %get3A_1899 = tpu.vector_load %arg13[%get3A_1898] {strides = array<i32>} : memref<8192xi32, #tpu.memory_space<vmem>>, vector<16xi32>,
      %get3A_1900 = vector.shape_cast %get3A_1899 : vector<16xi32> to vector<16xi32>
      %get3A_1901 = arith.index_cast %add3A_1894 : i32 to index
      %get3A_1902 = tpu.vector_load %arg14[%get3A_1901] {strides = array<i32>} : memref<8192xf32, #tpu.memory_space<vmem>>, vector<16xf32>,
      %get3A_1903 = vector.shape_cast %get3A_1902 : vector<16xf32> to vector<16xf32>
      %mul3A_1904 = arith.constant 4096 : i32
      %mul3A_1905 = vector.broadcast %mul3A_1904 : i32 to vector<16xi32>
      %mul3A_1906 = arith.muli %get3A_1897, %mul3A_1905 : vector<16xi32>
      %add3A_1907 = arith.addi %mul3A_1906, %get3A_1900 : vector<16xi32>
      %gt3A_1908 = arith.constant 3.000000e-01 : f32
      %gt3A_1909 = vector.broadcast %gt3A_1908 : f32 to vector<16xf32>
      %gt3A_1910 = arith.cmpf ogt, %get3A_1903, %gt3A_1909 : vector<16xf32>
      %jit3A_1911 = arith.constant -1 : i32
      %broadcast_in_dim3A_1912 = vector.broadcast %jit3A_1911 : i32 to vector<16xi32>
      %select_n3A_1913 = arith.select %gt3A_1910, %add3A_1907, %broadcast_in_dim3A_1912 : vector<16xi1>, vector<16xi32>
      %swap3A_1914 = arith.index_cast %scan3A_1837 : i32 to index
      %swap3A_1915 = arith.constant 32 : index
      %swap3A_1916 = tpu.vector_load %arg16[%swap3A_1914, %swap3A_1915] {strides = array<i32>} : memref<64x128xi32, #tpu.memory_space<vmem>>, vector<1x16xi32>,
      %swap3A_1917 = vector.shape_cast %swap3A_1916 : vector<1x16xi32> to vector<16xi32>
      %swap3A_1918 = vector.shape_cast %select_n3A_1913 : vector<16xi32> to vector<1x16xi32>
      tpu.vector_store %arg16[%swap3A_1914, %swap3A_1915], %swap3A_1918 {strides = array<i32>} : memref<64x128xi32, #tpu.memory_space<vmem>>, vector<1x16xi32>,
      %mul3A_1919 = arith.constant 128 : i32
      %mul3A_1920 = arith.muli %scan3A_1837, %mul3A_1919 : i32
      %add3A_1921 = arith.constant 48 : i32
      %add3A_1922 = arith.addi %mul3A_1920, %add3A_1921 : i32
      %get3A_1923 = arith.index_cast %add3A_1922 : i32 to index
      %get3A_1924 = tpu.vector_load %arg12[%get3A_1923] {strides = array<i32>} : memref<8192xi32, #tpu.memory_space<vmem>>, vector<16xi32>,
      %get3A_1925 = vector.shape_cast %get3A_1924 : vector<16xi32> to vector<16xi32>
      %get3A_1926 = arith.index_cast %add3A_1922 : i32 to index
      %get3A_1927 = tpu.vector_load %arg13[%get3A_1926] {strides = array<i32>} : memref<8192xi32, #tpu.memory_space<vmem>>, vector<16xi32>,
      %get3A_1928 = vector.shape_cast %get3A_1927 : vector<16xi32> to vector<16xi32>
      %get3A_1929 = arith.index_cast %add3A_1922 : i32 to index
      %get3A_1930 = tpu.vector_load %arg14[%get3A_1929] {strides = array<i32>} : memref<8192xf32, #tpu.memory_space<vmem>>, vector<16xf32>,
      %get3A_1931 = vector.shape_cast %get3A_1930 : vector<16xf32> to vector<16xf32>
      %mul3A_1932 = arith.constant 4096 : i32
      %mul3A_1933 = vector.broadcast %mul3A_1932 : i32 to vector<16xi32>
      %mul3A_1934 = arith.muli %get3A_1925, %mul3A_1933 : vector<16xi32>
      %add3A_1935 = arith.addi %mul3A_1934, %get3A_1928 : vector<16xi32>
      %gt3A_1936 = arith.constant 3.000000e-01 : f32
      %gt3A_1937 = vector.broadcast %gt3A_1936 : f32 to vector<16xf32>
      %gt3A_1938 = arith.cmpf ogt, %get3A_1931, %gt3A_1937 : vector<16xf32>
      %jit3A_1939 = arith.constant -1 : i32
      %broadcast_in_dim3A_1940 = vector.broadcast %jit3A_1939 : i32 to vector<16xi32>
      %select_n3A_1941 = arith.select %gt3A_1938, %add3A_1935, %broadcast_in_dim3A_1940 : vector<16xi1>, vector<16xi32>
      %swap3A_1942 = arith.index_cast %scan3A_1837 : i32 to index
      %swap3A_1943 = arith.constant 48 : index
      %swap3A_1944 = tpu.vector_load %arg16[%swap3A_1942, %swap3A_1943] {strides = array<i32>} : memref<64x128xi32, #tpu.memory_space<vmem>>, vector<1x16xi32>,
      %swap3A_1945 = vector.shape_cast %swap3A_1944 : vector<1x16xi32> to vector<16xi32>
      %swap3A_1946 = vector.shape_cast %select_n3A_1941 : vector<16xi32> to vector<1x16xi32>
      tpu.vector_store %arg16[%swap3A_1942, %swap3A_1943], %swap3A_1946 {strides = array<i32>} : memref<64x128xi32, #tpu.memory_space<vmem>>, vector<1x16xi32>,
      %mul3A_1947 = arith.constant 128 : i32
      %mul3A_1948 = arith.muli %scan3A_1837, %mul3A_1947 : i32
      %add3A_1949 = arith.constant 64 : i32
      %add3A_1950 = arith.addi %mul3A_1948, %add3A_1949 : i32
      %get3A_1951 = arith.index_cast %add3A_1950 : i32 to index
      %get3A_1952 = tpu.vector_load %arg12[%get3A_1951] {strides = array<i32>} : memref<8192xi32, #tpu.memory_space<vmem>>, vector<16xi32>,
      %get3A_1953 = vector.shape_cast %get3A_1952 : vector<16xi32> to vector<16xi32>
      %get3A_1954 = arith.index_cast %add3A_1950 : i32 to index
      %get3A_1955 = tpu.vector_load %arg13[%get3A_1954] {strides = array<i32>} : memref<8192xi32, #tpu.memory_space<vmem>>, vector<16xi32>,
      %get3A_1956 = vector.shape_cast %get3A_1955 : vector<16xi32> to vector<16xi32>
      %get3A_1957 = arith.index_cast %add3A_1950 : i32 to index
      %get3A_1958 = tpu.vector_load %arg14[%get3A_1957] {strides = array<i32>} : memref<8192xf32, #tpu.memory_space<vmem>>, vector<16xf32>,
      %get3A_1959 = vector.shape_cast %get3A_1958 : vector<16xf32> to vector<16xf32>
      %mul3A_1960 = arith.constant 4096 : i32
      %mul3A_1961 = vector.broadcast %mul3A_1960 : i32 to vector<16xi32>
      %mul3A_1962 = arith.muli %get3A_1953, %mul3A_1961 : vector<16xi32>
      %add3A_1963 = arith.addi %mul3A_1962, %get3A_1956 : vector<16xi32>
      %gt3A_1964 = arith.constant 3.000000e-01 : f32
      %gt3A_1965 = vector.broadcast %gt3A_1964 : f32 to vector<16xf32>
      %gt3A_1966 = arith.cmpf ogt, %get3A_1959, %gt3A_1965 : vector<16xf32>
      %jit3A_1967 = arith.constant -1 : i32
      %broadcast_in_dim3A_1968 = vector.broadcast %jit3A_1967 : i32 to vector<16xi32>
      %select_n3A_1969 = arith.select %gt3A_1966, %add3A_1963, %broadcast_in_dim3A_1968 : vector<16xi1>, vector<16xi32>
      %swap3A_1970 = arith.index_cast %scan3A_1837 : i32 to index
      %swap3A_1971 = arith.constant 64 : index
      %swap3A_1972 = tpu.vector_load %arg16[%swap3A_1970, %swap3A_1971] {strides = array<i32>} : memref<64x128xi32, #tpu.memory_space<vmem>>, vector<1x16xi32>,
      %swap3A_1973 = vector.shape_cast %swap3A_1972 : vector<1x16xi32> to vector<16xi32>
      %swap3A_1974 = vector.shape_cast %select_n3A_1969 : vector<16xi32> to vector<1x16xi32>
      tpu.vector_store %arg16[%swap3A_1970, %swap3A_1971], %swap3A_1974 {strides = array<i32>} : memref<64x128xi32, #tpu.memory_space<vmem>>, vector<1x16xi32>,
      %mul3A_1975 = arith.constant 128 : i32
      %mul3A_1976 = arith.muli %scan3A_1837, %mul3A_1975 : i32
      %add3A_1977 = arith.constant 80 : i32
      %add3A_1978 = arith.addi %mul3A_1976, %add3A_1977 : i32
      %get3A_1979 = arith.index_cast %add3A_1978 : i32 to index
      %get3A_1980 = tpu.vector_load %arg12[%get3A_1979] {strides = array<i32>} : memref<8192xi32, #tpu.memory_space<vmem>>, vector<16xi32>,
      %get3A_1981 = vector.shape_cast %get3A_1980 : vector<16xi32> to vector<16xi32>
      %get3A_1982 = arith.index_cast %add3A_1978 : i32 to index
      %get3A_1983 = tpu.vector_load %arg13[%get3A_1982] {strides = array<i32>} : memref<8192xi32, #tpu.memory_space<vmem>>, vector<16xi32>,
      %get3A_1984 = vector.shape_cast %get3A_1983 : vector<16xi32> to vector<16xi32>
      %get3A_1985 = arith.index_cast %add3A_1978 : i32 to index
      %get3A_1986 = tpu.vector_load %arg14[%get3A_1985] {strides = array<i32>} : memref<8192xf32, #tpu.memory_space<vmem>>, vector<16xf32>,
      %get3A_1987 = vector.shape_cast %get3A_1986 : vector<16xf32> to vector<16xf32>
      %mul3A_1988 = arith.constant 4096 : i32
      %mul3A_1989 = vector.broadcast %mul3A_1988 : i32 to vector<16xi32>
      %mul3A_1990 = arith.muli %get3A_1981, %mul3A_1989 : vector<16xi32>
      %add3A_1991 = arith.addi %mul3A_1990, %get3A_1984 : vector<16xi32>
      %gt3A_1992 = arith.constant 3.000000e-01 : f32
      %gt3A_1993 = vector.broadcast %gt3A_1992 : f32 to vector<16xf32>
      %gt3A_1994 = arith.cmpf ogt, %get3A_1987, %gt3A_1993 : vector<16xf32>
      %jit3A_1995 = arith.constant -1 : i32
      %broadcast_in_dim3A_1996 = vector.broadcast %jit3A_1995 : i32 to vector<16xi32>
      %select_n3A_1997 = arith.select %gt3A_1994, %add3A_1991, %broadcast_in_dim3A_1996 : vector<16xi1>, vector<16xi32>
      %swap3A_1998 = arith.index_cast %scan3A_1837 : i32 to index
      %swap3A_1999 = arith.constant 80 : index
      %swap3A_2000 = tpu.vector_load %arg16[%swap3A_1998, %swap3A_1999] {strides = array<i32>} : memref<64x128xi32, #tpu.memory_space<vmem>>, vector<1x16xi32>,
      %swap3A_2001 = vector.shape_cast %swap3A_2000 : vector<1x16xi32> to vector<16xi32>
      %swap3A_2002 = vector.shape_cast %select_n3A_1997 : vector<16xi32> to vector<1x16xi32>
      tpu.vector_store %arg16[%swap3A_1998, %swap3A_1999], %swap3A_2002 {strides = array<i32>} : memref<64x128xi32, #tpu.memory_space<vmem>>, vector<1x16xi32>,
      %mul3A_2003 = arith.constant 128 : i32
      %mul3A_2004 = arith.muli %scan3A_1837, %mul3A_2003 : i32
      %add3A_2005 = arith.constant 96 : i32
      %add3A_2006 = arith.addi %mul3A_2004, %add3A_2005 : i32
      %get3A_2007 = arith.index_cast %add3A_2006 : i32 to index
      %get3A_2008 = tpu.vector_load %arg12[%get3A_2007] {strides = array<i32>} : memref<8192xi32, #tpu.memory_space<vmem>>, vector<16xi32>,
      %get3A_2009 = vector.shape_cast %get3A_2008 : vector<16xi32> to vector<16xi32>
      %get3A_2010 = arith.index_cast %add3A_2006 : i32 to index
      %get3A_2011 = tpu.vector_load %arg13[%get3A_2010] {strides = array<i32>} : memref<8192xi32, #tpu.memory_space<vmem>>, vector<16xi32>,
      %get3A_2012 = vector.shape_cast %get3A_2011 : vector<16xi32> to vector<16xi32>
      %get3A_2013 = arith.index_cast %add3A_2006 : i32 to index
      %get3A_2014 = tpu.vector_load %arg14[%get3A_2013] {strides = array<i32>} : memref<8192xf32, #tpu.memory_space<vmem>>, vector<16xf32>,
      %get3A_2015 = vector.shape_cast %get3A_2014 : vector<16xf32> to vector<16xf32>
      %mul3A_2016 = arith.constant 4096 : i32
      %mul3A_2017 = vector.broadcast %mul3A_2016 : i32 to vector<16xi32>
      %mul3A_2018 = arith.muli %get3A_2009, %mul3A_2017 : vector<16xi32>
      %add3A_2019 = arith.addi %mul3A_2018, %get3A_2012 : vector<16xi32>
      %gt3A_2020 = arith.constant 3.000000e-01 : f32
      %gt3A_2021 = vector.broadcast %gt3A_2020 : f32 to vector<16xf32>
      %gt3A_2022 = arith.cmpf ogt, %get3A_2015, %gt3A_2021 : vector<16xf32>
      %jit3A_2023 = arith.constant -1 : i32
      %broadcast_in_dim3A_2024 = vector.broadcast %jit3A_2023 : i32 to vector<16xi32>
      %select_n3A_2025 = arith.select %gt3A_2022, %add3A_2019, %broadcast_in_dim3A_2024 : vector<16xi1>, vector<16xi32>
      %swap3A_2026 = arith.index_cast %scan3A_1837 : i32 to index
      %swap3A_2027 = arith.constant 96 : index
      %swap3A_2028 = tpu.vector_load %arg16[%swap3A_2026, %swap3A_2027] {strides = array<i32>} : memref<64x128xi32, #tpu.memory_space<vmem>>, vector<1x16xi32>,
      %swap3A_2029 = vector.shape_cast %swap3A_2028 : vector<1x16xi32> to vector<16xi32>
      %swap3A_2030 = vector.shape_cast %select_n3A_2025 : vector<16xi32> to vector<1x16xi32>
      tpu.vector_store %arg16[%swap3A_2026, %swap3A_2027], %swap3A_2030 {strides = array<i32>} : memref<64x128xi32, #tpu.memory_space<vmem>>, vector<1x16xi32>,
      %mul3A_2031 = arith.constant 128 : i32
      %mul3A_2032 = arith.muli %scan3A_1837, %mul3A_2031 : i32
      %add3A_2033 = arith.constant 112 : i32
      %add3A_2034 = arith.addi %mul3A_2032, %add3A_2033 : i32
      %get3A_2035 = arith.index_cast %add3A_2034 : i32 to index
      %get3A_2036 = tpu.vector_load %arg12[%get3A_2035] {strides = array<i32>} : memref<8192xi32, #tpu.memory_space<vmem>>, vector<16xi32>,
      %get3A_2037 = vector.shape_cast %get3A_2036 : vector<16xi32> to vector<16xi32>
      %get3A_2038 = arith.index_cast %add3A_2034 : i32 to index
      %get3A_2039 = tpu.vector_load %arg13[%get3A_2038] {strides = array<i32>} : memref<8192xi32, #tpu.memory_space<vmem>>, vector<16xi32>,
      %get3A_2040 = vector.shape_cast %get3A_2039 : vector<16xi32> to vector<16xi32>
      %get3A_2041 = arith.index_cast %add3A_2034 : i32 to index
      %get3A_2042 = tpu.vector_load %arg14[%get3A_2041] {strides = array<i32>} : memref<8192xf32, #tpu.memory_space<vmem>>, vector<16xf32>,
      %get3A_2043 = vector.shape_cast %get3A_2042 : vector<16xf32> to vector<16xf32>
      %mul3A_2044 = arith.constant 4096 : i32
      %mul3A_2045 = vector.broadcast %mul3A_2044 : i32 to vector<16xi32>
      %mul3A_2046 = arith.muli %get3A_2037, %mul3A_2045 : vector<16xi32>
      %add3A_2047 = arith.addi %mul3A_2046, %get3A_2040 : vector<16xi32>
      %gt3A_2048 = arith.constant 3.000000e-01 : f32
      %gt3A_2049 = vector.broadcast %gt3A_2048 : f32 to vector<16xf32>
      %gt3A_2050 = arith.cmpf ogt, %get3A_2043, %gt3A_2049 : vector<16xf32>
      %jit3A_2051 = arith.constant -1 : i32
      %broadcast_in_dim3A_2052 = vector.broadcast %jit3A_2051 : i32 to vector<16xi32>
      %select_n3A_2053 = arith.select %gt3A_2050, %add3A_2047, %broadcast_in_dim3A_2052 : vector<16xi1>, vector<16xi32>
      %swap3A_2054 = arith.index_cast %scan3A_1837 : i32 to index
      %swap3A_2055 = arith.constant 112 : index
      %swap3A_2056 = tpu.vector_load %arg16[%swap3A_2054, %swap3A_2055] {strides = array<i32>} : memref<64x128xi32, #tpu.memory_space<vmem>>, vector<1x16xi32>,
      %swap3A_2057 = vector.shape_cast %swap3A_2056 : vector<1x16xi32> to vector<16xi32>
      %swap3A_2058 = vector.shape_cast %select_n3A_2053 : vector<16xi32> to vector<1x16xi32>
      tpu.vector_store %arg16[%swap3A_2054, %swap3A_2055], %swap3A_2058 {strides = array<i32>} : memref<64x128xi32, #tpu.memory_space<vmem>>, vector<1x16xi32>,
    }
    %scan3A_1270 = arith.constant 64 : i32
    %scan3A_1271 = arith.constant 0 : i32
    %scan3A_1272 = arith.constant 64 : i32
    %scan3A_1273 = arith.addi %scan3A_1271, %scan3A_1272 : i32
    %scan3A_1274 = arith.constant 1 : i32
    scf.for %scan3A_1837 = %scan3A_1271 to %scan3A_1273 step %scan3A_1274  : i32 {
      %dma_wait3A_1838 = arith.constant 0 : i32
      %dma_wait3A_1839 = tpu.memref_slice %arg15[%scan3A_1837, %dma_wait3A_1838] : memref<64x128xi32, #tpu.memory_space<vmem>> -> memref<1x128xi32, #tpu.memory_space<vmem>>
      %dma_wait3A_1840 = tpu.memref_squeeze %dma_wait3A_1839 : memref<1x128xi32, #tpu.memory_space<vmem>> -> memref<128xi32, #tpu.memory_space<vmem>>
      %dma_wait3A_1841 = arith.constant 0 : i32
      %dma_wait3A_1842 = tpu.memref_slice %arg20[%dma_wait3A_1841] : memref<16908288xf32, #tpu.memory_space<hbm>> -> memref<16908288xf32, #tpu.memory_space<hbm>>
      tpu.wait_indirect_dma semaphore(%arg21 : memref<!tpu.dma_semaphore, #tpu.memory_space<semaphore_mem>>) src(%arg17 : memref<128xf32, #tpu.memory_space<vmem>>) dst(%dma_wait3A_1842 : memref<16908288xf32, #tpu.memory_space<hbm>>)
    }
    %scan3A_1275 = arith.constant 64 : i32
    %scan3A_1276 = arith.constant 0 : i32
    %scan3A_1277 = arith.constant 64 : i32
    %scan3A_1278 = arith.addi %scan3A_1276, %scan3A_1277 : i32
    %scan3A_1279 = arith.constant 1 : i32
    scf.for %scan3A_1837 = %scan3A_1276 to %scan3A_1278 step %scan3A_1279  : i32 {
      %dma_start3A_1838 = arith.constant 0 : i32
      %dma_start3A_1839 = tpu.memref_slice %arg16[%scan3A_1837, %dma_start3A_1838] : memref<64x128xi32, #tpu.memory_space<vmem>> -> memref<1x128xi32, #tpu.memory_space<vmem>>
      %dma_start3A_1840 = tpu.memref_squeeze %dma_start3A_1839 : memref<1x128xi32, #tpu.memory_space<vmem>> -> memref<128xi32, #tpu.memory_space<vmem>>
      %dma_start3A_1841 = arith.constant 0 : i32
      %dma_start3A_1842 = tpu.memref_slice %arg20[%dma_start3A_1841] : memref<16908288xf32, #tpu.memory_space<hbm>> -> memref<16908288xf32, #tpu.memory_space<hbm>>
      %dma_start3A_1843 = arith.constant -1 : i32
      tpu.enqueue_indirect_dma source(%arg17 : memref<128xf32, #tpu.memory_space<vmem>>) target(%dma_start3A_1842 : memref<16908288xf32, #tpu.memory_space<hbm>>) offsets(%dma_start3A_1840 : memref<128xi32, #tpu.memory_space<vmem>>) offset_filter(%dma_start3A_1843) semaphore(%arg21 : memref<!tpu.dma_semaphore, #tpu.memory_space<semaphore_mem>>)
    }
    %scan3A_1280 = arith.constant 64 : i32
    %scan3A_1281 = arith.constant 0 : i32
    %scan3A_1282 = arith.constant 64 : i32
    %scan3A_1283 = arith.addi %scan3A_1281, %scan3A_1282 : i32
    %scan3A_1284 = arith.constant 1 : i32
    scf.for %scan3A_1837 = %scan3A_1281 to %scan3A_1283 step %scan3A_1284  : i32 {
      %dma_wait3A_1838 = arith.constant 0 : i32
      %dma_wait3A_1839 = tpu.memref_slice %arg16[%scan3A_1837, %dma_wait3A_1838] : memref<64x128xi32, #tpu.memory_space<vmem>> -> memref<1x128xi32, #tpu.memory_space<vmem>>
      %dma_wait3A_1840 = tpu.memref_squeeze %dma_wait3A_1839 : memref<1x128xi32, #tpu.memory_space<vmem>> -> memref<128xi32, #tpu.memory_space<vmem>>
      %dma_wait3A_1841 = arith.constant 0 : i32
      %dma_wait3A_1842 = tpu.memref_slice %arg20[%dma_wait3A_1841] : memref<16908288xf32, #tpu.memory_space<hbm>> -> memref<16908288xf32, #tpu.memory_space<hbm>>
      tpu.wait_indirect_dma semaphore(%arg21 : memref<!tpu.dma_semaphore, #tpu.memory_space<semaphore_mem>>) src(%arg17 : memref<128xf32, #tpu.memory_space<vmem>>) dst(%dma_wait3A_1842 : memref<16908288xf32, #tpu.memory_space<hbm>>)
    }
    %scan3A_1285 = arith.constant 64 : i32
    %barrier3A_1286 = arith.constant 0 : index
    tpu.barrier barrier_id(%barrier3A_1286)
    %dma_start3A_1287 = arith.constant 0 : i32
    %dma_start3A_1288 = arith.constant 0 : i32
    %dma_start3A_1289 = arith.constant 0 : i32
    %dma_start3A_1290 = tpu.memref_slice %arg11[%dma_start3A_1288, %dma_start3A_1289] : memref<8x128xf32, #tpu.memory_space<vmem>> -> memref<1x128xf32, #tpu.memory_space<vmem>>
    %dma_start3A_1291 = tpu.memref_squeeze %dma_start3A_1290 : memref<1x128xf32, #tpu.memory_space<vmem>> -> memref<128xf32, #tpu.memory_space<vmem>>
    %dma_start3A_1292 = arith.constant 0 : i32
    %dma_start3A_1293 = tpu.memref_slice %arg10[%dma_start3A_1287, %dma_start3A_1292] : memref<8x128xi32, #tpu.memory_space<vmem>> -> memref<1x128xi32, #tpu.memory_space<vmem>>
    %dma_start3A_1294 = tpu.memref_squeeze %dma_start3A_1293 : memref<1x128xi32, #tpu.memory_space<vmem>> -> memref<128xi32, #tpu.memory_space<vmem>>
    %dma_start3A_1295 = arith.constant 0 : i32
    %dma_start3A_1296 = tpu.memref_slice %arg20[%dma_start3A_1295] : memref<16908288xf32, #tpu.memory_space<hbm>> -> memref<16908288xf32, #tpu.memory_space<hbm>>
    tpu.enqueue_indirect_dma source(%dma_start3A_1296 : memref<16908288xf32, #tpu.memory_space<hbm>>) target(%dma_start3A_1291 : memref<128xf32, #tpu.memory_space<vmem>>) offsets(%dma_start3A_1294 : memref<128xi32, #tpu.memory_space<vmem>>) semaphore(%arg21 : memref<!tpu.dma_semaphore, #tpu.memory_space<semaphore_mem>>)
    %dma_start3A_1297 = arith.constant 1 : i32
    %dma_start3A_1298 = arith.constant 1 : i32
    %dma_start3A_1299 = arith.constant 0 : i32
    %dma_start3A_1300 = tpu.memref_slice %arg11[%dma_start3A_1298, %dma_start3A_1299] : memref<8x128xf32, #tpu.memory_space<vmem>> -> memref<1x128xf32, #tpu.memory_space<vmem>>
    %dma_start3A_1301 = tpu.memref_squeeze %dma_start3A_1300 : memref<1x128xf32, #tpu.memory_space<vmem>> -> memref<128xf32, #tpu.memory_space<vmem>>
    %dma_start3A_1302 = arith.constant 0 : i32
    %dma_start3A_1303 = tpu.memref_slice %arg10[%dma_start3A_1297, %dma_start3A_1302] : memref<8x128xi32, #tpu.memory_space<vmem>> -> memref<1x128xi32, #tpu.memory_space<vmem>>
    %dma_start3A_1304 = tpu.memref_squeeze %dma_start3A_1303 : memref<1x128xi32, #tpu.memory_space<vmem>> -> memref<128xi32, #tpu.memory_space<vmem>>
    %dma_start3A_1305 = arith.constant 0 : i32
    %dma_start3A_1306 = tpu.memref_slice %arg20[%dma_start3A_1305] : memref<16908288xf32, #tpu.memory_space<hbm>> -> memref<16908288xf32, #tpu.memory_space<hbm>>
    tpu.enqueue_indirect_dma source(%dma_start3A_1306 : memref<16908288xf32, #tpu.memory_space<hbm>>) target(%dma_start3A_1301 : memref<128xf32, #tpu.memory_space<vmem>>) offsets(%dma_start3A_1304 : memref<128xi32, #tpu.memory_space<vmem>>) semaphore(%arg21 : memref<!tpu.dma_semaphore, #tpu.memory_space<semaphore_mem>>)
    %dma_start3A_1307 = arith.constant 2 : i32
    %dma_start3A_1308 = arith.constant 2 : i32
    %dma_start3A_1309 = arith.constant 0 : i32
    %dma_start3A_1310 = tpu.memref_slice %arg11[%dma_start3A_1308, %dma_start3A_1309] : memref<8x128xf32, #tpu.memory_space<vmem>> -> memref<1x128xf32, #tpu.memory_space<vmem>>
    %dma_start3A_1311 = tpu.memref_squeeze %dma_start3A_1310 : memref<1x128xf32, #tpu.memory_space<vmem>> -> memref<128xf32, #tpu.memory_space<vmem>>
    %dma_start3A_1312 = arith.constant 0 : i32
    %dma_start3A_1313 = tpu.memref_slice %arg10[%dma_start3A_1307, %dma_start3A_1312] : memref<8x128xi32, #tpu.memory_space<vmem>> -> memref<1x128xi32, #tpu.memory_space<vmem>>
    %dma_start3A_1314 = tpu.memref_squeeze %dma_start3A_1313 : memref<1x128xi32, #tpu.memory_space<vmem>> -> memref<128xi32, #tpu.memory_space<vmem>>
    %dma_start3A_1315 = arith.constant 0 : i32
    %dma_start3A_1316 = tpu.memref_slice %arg20[%dma_start3A_1315] : memref<16908288xf32, #tpu.memory_space<hbm>> -> memref<16908288xf32, #tpu.memory_space<hbm>>
    tpu.enqueue_indirect_dma source(%dma_start3A_1316 : memref<16908288xf32, #tpu.memory_space<hbm>>) target(%dma_start3A_1311 : memref<128xf32, #tpu.memory_space<vmem>>) offsets(%dma_start3A_1314 : memref<128xi32, #tpu.memory_space<vmem>>) semaphore(%arg21 : memref<!tpu.dma_semaphore, #tpu.memory_space<semaphore_mem>>)
    %dma_start3A_1317 = arith.constant 3 : i32
    %dma_start3A_1318 = arith.constant 3 : i32
    %dma_start3A_1319 = arith.constant 0 : i32
    %dma_start3A_1320 = tpu.memref_slice %arg11[%dma_start3A_1318, %dma_start3A_1319] : memref<8x128xf32, #tpu.memory_space<vmem>> -> memref<1x128xf32, #tpu.memory_space<vmem>>
    %dma_start3A_1321 = tpu.memref_squeeze %dma_start3A_1320 : memref<1x128xf32, #tpu.memory_space<vmem>> -> memref<128xf32, #tpu.memory_space<vmem>>
    %dma_start3A_1322 = arith.constant 0 : i32
    %dma_start3A_1323 = tpu.memref_slice %arg10[%dma_start3A_1317, %dma_start3A_1322] : memref<8x128xi32, #tpu.memory_space<vmem>> -> memref<1x128xi32, #tpu.memory_space<vmem>>
    %dma_start3A_1324 = tpu.memref_squeeze %dma_start3A_1323 : memref<1x128xi32, #tpu.memory_space<vmem>> -> memref<128xi32, #tpu.memory_space<vmem>>
    %dma_start3A_1325 = arith.constant 0 : i32
    %dma_start3A_1326 = tpu.memref_slice %arg20[%dma_start3A_1325] : memref<16908288xf32, #tpu.memory_space<hbm>> -> memref<16908288xf32, #tpu.memory_space<hbm>>
    tpu.enqueue_indirect_dma source(%dma_start3A_1326 : memref<16908288xf32, #tpu.memory_space<hbm>>) target(%dma_start3A_1321 : memref<128xf32, #tpu.memory_space<vmem>>) offsets(%dma_start3A_1324 : memref<128xi32, #tpu.memory_space<vmem>>) semaphore(%arg21 : memref<!tpu.dma_semaphore, #tpu.memory_space<semaphore_mem>>)
    %dma_start3A_1327 = arith.constant 4 : i32
    %dma_start3A_1328 = arith.constant 4 : i32
    %dma_start3A_1329 = arith.constant 0 : i32
    %dma_start3A_1330 = tpu.memref_slice %arg11[%dma_start3A_1328, %dma_start3A_1329] : memref<8x128xf32, #tpu.memory_space<vmem>> -> memref<1x128xf32, #tpu.memory_space<vmem>>
    %dma_start3A_1331 = tpu.memref_squeeze %dma_start3A_1330 : memref<1x128xf32, #tpu.memory_space<vmem>> -> memref<128xf32, #tpu.memory_space<vmem>>
    %dma_start3A_1332 = arith.constant 0 : i32
    %dma_start3A_1333 = tpu.memref_slice %arg10[%dma_start3A_1327, %dma_start3A_1332] : memref<8x128xi32, #tpu.memory_space<vmem>> -> memref<1x128xi32, #tpu.memory_space<vmem>>
    %dma_start3A_1334 = tpu.memref_squeeze %dma_start3A_1333 : memref<1x128xi32, #tpu.memory_space<vmem>> -> memref<128xi32, #tpu.memory_space<vmem>>
    %dma_start3A_1335 = arith.constant 0 : i32
    %dma_start3A_1336 = tpu.memref_slice %arg20[%dma_start3A_1335] : memref<16908288xf32, #tpu.memory_space<hbm>> -> memref<16908288xf32, #tpu.memory_space<hbm>>
    tpu.enqueue_indirect_dma source(%dma_start3A_1336 : memref<16908288xf32, #tpu.memory_space<hbm>>) target(%dma_start3A_1331 : memref<128xf32, #tpu.memory_space<vmem>>) offsets(%dma_start3A_1334 : memref<128xi32, #tpu.memory_space<vmem>>) semaphore(%arg21 : memref<!tpu.dma_semaphore, #tpu.memory_space<semaphore_mem>>)
    %dma_start3A_1337 = arith.constant 5 : i32
    %dma_start3A_1338 = arith.constant 5 : i32
    %dma_start3A_1339 = arith.constant 0 : i32
    %dma_start3A_1340 = tpu.memref_slice %arg11[%dma_start3A_1338, %dma_start3A_1339] : memref<8x128xf32, #tpu.memory_space<vmem>> -> memref<1x128xf32, #tpu.memory_space<vmem>>
    %dma_start3A_1341 = tpu.memref_squeeze %dma_start3A_1340 : memref<1x128xf32, #tpu.memory_space<vmem>> -> memref<128xf32, #tpu.memory_space<vmem>>
    %dma_start3A_1342 = arith.constant 0 : i32
    %dma_start3A_1343 = tpu.memref_slice %arg10[%dma_start3A_1337, %dma_start3A_1342] : memref<8x128xi32, #tpu.memory_space<vmem>> -> memref<1x128xi32, #tpu.memory_space<vmem>>
    %dma_start3A_1344 = tpu.memref_squeeze %dma_start3A_1343 : memref<1x128xi32, #tpu.memory_space<vmem>> -> memref<128xi32, #tpu.memory_space<vmem>>
    %dma_start3A_1345 = arith.constant 0 : i32
    %dma_start3A_1346 = tpu.memref_slice %arg20[%dma_start3A_1345] : memref<16908288xf32, #tpu.memory_space<hbm>> -> memref<16908288xf32, #tpu.memory_space<hbm>>
    tpu.enqueue_indirect_dma source(%dma_start3A_1346 : memref<16908288xf32, #tpu.memory_space<hbm>>) target(%dma_start3A_1341 : memref<128xf32, #tpu.memory_space<vmem>>) offsets(%dma_start3A_1344 : memref<128xi32, #tpu.memory_space<vmem>>) semaphore(%arg21 : memref<!tpu.dma_semaphore, #tpu.memory_space<semaphore_mem>>)
    %dma_start3A_1347 = arith.constant 6 : i32
    %dma_start3A_1348 = arith.constant 6 : i32
    %dma_start3A_1349 = arith.constant 0 : i32
    %dma_start3A_1350 = tpu.memref_slice %arg11[%dma_start3A_1348, %dma_start3A_1349] : memref<8x128xf32, #tpu.memory_space<vmem>> -> memref<1x128xf32, #tpu.memory_space<vmem>>
    %dma_start3A_1351 = tpu.memref_squeeze %dma_start3A_1350 : memref<1x128xf32, #tpu.memory_space<vmem>> -> memref<128xf32, #tpu.memory_space<vmem>>
    %dma_start3A_1352 = arith.constant 0 : i32
    %dma_start3A_1353 = tpu.memref_slice %arg10[%dma_start3A_1347, %dma_start3A_1352] : memref<8x128xi32, #tpu.memory_space<vmem>> -> memref<1x128xi32, #tpu.memory_space<vmem>>
    %dma_start3A_1354 = tpu.memref_squeeze %dma_start3A_1353 : memref<1x128xi32, #tpu.memory_space<vmem>> -> memref<128xi32, #tpu.memory_space<vmem>>
    %dma_start3A_1355 = arith.constant 0 : i32
    %dma_start3A_1356 = tpu.memref_slice %arg20[%dma_start3A_1355] : memref<16908288xf32, #tpu.memory_space<hbm>> -> memref<16908288xf32, #tpu.memory_space<hbm>>
    tpu.enqueue_indirect_dma source(%dma_start3A_1356 : memref<16908288xf32, #tpu.memory_space<hbm>>) target(%dma_start3A_1351 : memref<128xf32, #tpu.memory_space<vmem>>) offsets(%dma_start3A_1354 : memref<128xi32, #tpu.memory_space<vmem>>) semaphore(%arg21 : memref<!tpu.dma_semaphore, #tpu.memory_space<semaphore_mem>>)
    %dma_start3A_1357 = arith.constant 7 : i32
    %dma_start3A_1358 = arith.constant 7 : i32
    %dma_start3A_1359 = arith.constant 0 : i32
    %dma_start3A_1360 = tpu.memref_slice %arg11[%dma_start3A_1358, %dma_start3A_1359] : memref<8x128xf32, #tpu.memory_space<vmem>> -> memref<1x128xf32, #tpu.memory_space<vmem>>
    %dma_start3A_1361 = tpu.memref_squeeze %dma_start3A_1360 : memref<1x128xf32, #tpu.memory_space<vmem>> -> memref<128xf32, #tpu.memory_space<vmem>>
    %dma_start3A_1362 = arith.constant 0 : i32
    %dma_start3A_1363 = tpu.memref_slice %arg10[%dma_start3A_1357, %dma_start3A_1362] : memref<8x128xi32, #tpu.memory_space<vmem>> -> memref<1x128xi32, #tpu.memory_space<vmem>>
    %dma_start3A_1364 = tpu.memref_squeeze %dma_start3A_1363 : memref<1x128xi32, #tpu.memory_space<vmem>> -> memref<128xi32, #tpu.memory_space<vmem>>
    %dma_start3A_1365 = arith.constant 0 : i32
    %dma_start3A_1366 = tpu.memref_slice %arg20[%dma_start3A_1365] : memref<16908288xf32, #tpu.memory_space<hbm>> -> memref<16908288xf32, #tpu.memory_space<hbm>>
    tpu.enqueue_indirect_dma source(%dma_start3A_1366 : memref<16908288xf32, #tpu.memory_space<hbm>>) target(%dma_start3A_1361 : memref<128xf32, #tpu.memory_space<vmem>>) offsets(%dma_start3A_1364 : memref<128xi32, #tpu.memory_space<vmem>>) semaphore(%arg21 : memref<!tpu.dma_semaphore, #tpu.memory_space<semaphore_mem>>)
    %dma_wait3A_1367 = arith.constant 0 : i32
    %dma_wait3A_1368 = arith.constant 0 : i32
    %dma_wait3A_1369 = arith.constant 0 : i32
    %dma_wait3A_1370 = tpu.memref_slice %arg11[%dma_wait3A_1368, %dma_wait3A_1369] : memref<8x128xf32, #tpu.memory_space<vmem>> -> memref<1x128xf32, #tpu.memory_space<vmem>>
    %dma_wait3A_1371 = tpu.memref_squeeze %dma_wait3A_1370 : memref<1x128xf32, #tpu.memory_space<vmem>> -> memref<128xf32, #tpu.memory_space<vmem>>
    %dma_wait3A_1372 = arith.constant 0 : i32
    %dma_wait3A_1373 = tpu.memref_slice %arg10[%dma_wait3A_1367, %dma_wait3A_1372] : memref<8x128xi32, #tpu.memory_space<vmem>> -> memref<1x128xi32, #tpu.memory_space<vmem>>
    %dma_wait3A_1374 = tpu.memref_squeeze %dma_wait3A_1373 : memref<1x128xi32, #tpu.memory_space<vmem>> -> memref<128xi32, #tpu.memory_space<vmem>>
    %dma_wait3A_1375 = arith.constant 0 : i32
    %dma_wait3A_1376 = tpu.memref_slice %arg20[%dma_wait3A_1375] : memref<16908288xf32, #tpu.memory_space<hbm>> -> memref<16908288xf32, #tpu.memory_space<hbm>>
    tpu.wait_indirect_dma semaphore(%arg21 : memref<!tpu.dma_semaphore, #tpu.memory_space<semaphore_mem>>) src(%dma_wait3A_1376 : memref<16908288xf32, #tpu.memory_space<hbm>>) dst(%dma_wait3A_1371 : memref<128xf32, #tpu.memory_space<vmem>>)
    %dma_wait3A_1377 = arith.constant 1 : i32
    %dma_wait3A_1378 = arith.constant 1 : i32
    %dma_wait3A_1379 = arith.constant 0 : i32
    %dma_wait3A_1380 = tpu.memref_slice %arg11[%dma_wait3A_1378, %dma_wait3A_1379] : memref<8x128xf32, #tpu.memory_space<vmem>> -> memref<1x128xf32, #tpu.memory_space<vmem>>
    %dma_wait3A_1381 = tpu.memref_squeeze %dma_wait3A_1380 : memref<1x128xf32, #tpu.memory_space<vmem>> -> memref<128xf32, #tpu.memory_space<vmem>>
    %dma_wait3A_1382 = arith.constant 0 : i32
    %dma_wait3A_1383 = tpu.memref_slice %arg10[%dma_wait3A_1377, %dma_wait3A_1382] : memref<8x128xi32, #tpu.memory_space<vmem>> -> memref<1x128xi32, #tpu.memory_space<vmem>>
    %dma_wait3A_1384 = tpu.memref_squeeze %dma_wait3A_1383 : memref<1x128xi32, #tpu.memory_space<vmem>> -> memref<128xi32, #tpu.memory_space<vmem>>
    %dma_wait3A_1385 = arith.constant 0 : i32
    %dma_wait3A_1386 = tpu.memref_slice %arg20[%dma_wait3A_1385] : memref<16908288xf32, #tpu.memory_space<hbm>> -> memref<16908288xf32, #tpu.memory_space<hbm>>
    tpu.wait_indirect_dma semaphore(%arg21 : memref<!tpu.dma_semaphore, #tpu.memory_space<semaphore_mem>>) src(%dma_wait3A_1386 : memref<16908288xf32, #tpu.memory_space<hbm>>) dst(%dma_wait3A_1381 : memref<128xf32, #tpu.memory_space<vmem>>)
    %dma_wait3A_1387 = arith.constant 2 : i32
    %dma_wait3A_1388 = arith.constant 2 : i32
    %dma_wait3A_1389 = arith.constant 0 : i32
    %dma_wait3A_1390 = tpu.memref_slice %arg11[%dma_wait3A_1388, %dma_wait3A_1389] : memref<8x128xf32, #tpu.memory_space<vmem>> -> memref<1x128xf32, #tpu.memory_space<vmem>>
    %dma_wait3A_1391 = tpu.memref_squeeze %dma_wait3A_1390 : memref<1x128xf32, #tpu.memory_space<vmem>> -> memref<128xf32, #tpu.memory_space<vmem>>
    %dma_wait3A_1392 = arith.constant 0 : i32
    %dma_wait3A_1393 = tpu.memref_slice %arg10[%dma_wait3A_1387, %dma_wait3A_1392] : memref<8x128xi32, #tpu.memory_space<vmem>> -> memref<1x128xi32, #tpu.memory_space<vmem>>
    %dma_wait3A_1394 = tpu.memref_squeeze %dma_wait3A_1393 : memref<1x128xi32, #tpu.memory_space<vmem>> -> memref<128xi32, #tpu.memory_space<vmem>>
    %dma_wait3A_1395 = arith.constant 0 : i32
    %dma_wait3A_1396 = tpu.memref_slice %arg20[%dma_wait3A_1395] : memref<16908288xf32, #tpu.memory_space<hbm>> -> memref<16908288xf32, #tpu.memory_space<hbm>>
    tpu.wait_indirect_dma semaphore(%arg21 : memref<!tpu.dma_semaphore, #tpu.memory_space<semaphore_mem>>) src(%dma_wait3A_1396 : memref<16908288xf32, #tpu.memory_space<hbm>>) dst(%dma_wait3A_1391 : memref<128xf32, #tpu.memory_space<vmem>>)
    %dma_wait3A_1397 = arith.constant 3 : i32
    %dma_wait3A_1398 = arith.constant 3 : i32
    %dma_wait3A_1399 = arith.constant 0 : i32
    %dma_wait3A_1400 = tpu.memref_slice %arg11[%dma_wait3A_1398, %dma_wait3A_1399] : memref<8x128xf32, #tpu.memory_space<vmem>> -> memref<1x128xf32, #tpu.memory_space<vmem>>
    %dma_wait3A_1401 = tpu.memref_squeeze %dma_wait3A_1400 : memref<1x128xf32, #tpu.memory_space<vmem>> -> memref<128xf32, #tpu.memory_space<vmem>>
    %dma_wait3A_1402 = arith.constant 0 : i32
    %dma_wait3A_1403 = tpu.memref_slice %arg10[%dma_wait3A_1397, %dma_wait3A_1402] : memref<8x128xi32, #tpu.memory_space<vmem>> -> memref<1x128xi32, #tpu.memory_space<vmem>>
    %dma_wait3A_1404 = tpu.memref_squeeze %dma_wait3A_1403 : memref<1x128xi32, #tpu.memory_space<vmem>> -> memref<128xi32, #tpu.memory_space<vmem>>
    %dma_wait3A_1405 = arith.constant 0 : i32
    %dma_wait3A_1406 = tpu.memref_slice %arg20[%dma_wait3A_1405] : memref<16908288xf32, #tpu.memory_space<hbm>> -> memref<16908288xf32, #tpu.memory_space<hbm>>
    tpu.wait_indirect_dma semaphore(%arg21 : memref<!tpu.dma_semaphore, #tpu.memory_space<semaphore_mem>>) src(%dma_wait3A_1406 : memref<16908288xf32, #tpu.memory_space<hbm>>) dst(%dma_wait3A_1401 : memref<128xf32, #tpu.memory_space<vmem>>)
    %dma_wait3A_1407 = arith.constant 4 : i32
    %dma_wait3A_1408 = arith.constant 4 : i32
    %dma_wait3A_1409 = arith.constant 0 : i32
    %dma_wait3A_1410 = tpu.memref_slice %arg11[%dma_wait3A_1408, %dma_wait3A_1409] : memref<8x128xf32, #tpu.memory_space<vmem>> -> memref<1x128xf32, #tpu.memory_space<vmem>>
    %dma_wait3A_1411 = tpu.memref_squeeze %dma_wait3A_1410 : memref<1x128xf32, #tpu.memory_space<vmem>> -> memref<128xf32, #tpu.memory_space<vmem>>
    %dma_wait3A_1412 = arith.constant 0 : i32
    %dma_wait3A_1413 = tpu.memref_slice %arg10[%dma_wait3A_1407, %dma_wait3A_1412] : memref<8x128xi32, #tpu.memory_space<vmem>> -> memref<1x128xi32, #tpu.memory_space<vmem>>
    %dma_wait3A_1414 = tpu.memref_squeeze %dma_wait3A_1413 : memref<1x128xi32, #tpu.memory_space<vmem>> -> memref<128xi32, #tpu.memory_space<vmem>>
    %dma_wait3A_1415 = arith.constant 0 : i32
    %dma_wait3A_1416 = tpu.memref_slice %arg20[%dma_wait3A_1415] : memref<16908288xf32, #tpu.memory_space<hbm>> -> memref<16908288xf32, #tpu.memory_space<hbm>>
    tpu.wait_indirect_dma semaphore(%arg21 : memref<!tpu.dma_semaphore, #tpu.memory_space<semaphore_mem>>) src(%dma_wait3A_1416 : memref<16908288xf32, #tpu.memory_space<hbm>>) dst(%dma_wait3A_1411 : memref<128xf32, #tpu.memory_space<vmem>>)
    %dma_wait3A_1417 = arith.constant 5 : i32
    %dma_wait3A_1418 = arith.constant 5 : i32
    %dma_wait3A_1419 = arith.constant 0 : i32
    %dma_wait3A_1420 = tpu.memref_slice %arg11[%dma_wait3A_1418, %dma_wait3A_1419] : memref<8x128xf32, #tpu.memory_space<vmem>> -> memref<1x128xf32, #tpu.memory_space<vmem>>
    %dma_wait3A_1421 = tpu.memref_squeeze %dma_wait3A_1420 : memref<1x128xf32, #tpu.memory_space<vmem>> -> memref<128xf32, #tpu.memory_space<vmem>>
    %dma_wait3A_1422 = arith.constant 0 : i32
    %dma_wait3A_1423 = tpu.memref_slice %arg10[%dma_wait3A_1417, %dma_wait3A_1422] : memref<8x128xi32, #tpu.memory_space<vmem>> -> memref<1x128xi32, #tpu.memory_space<vmem>>
    %dma_wait3A_1424 = tpu.memref_squeeze %dma_wait3A_1423 : memref<1x128xi32, #tpu.memory_space<vmem>> -> memref<128xi32, #tpu.memory_space<vmem>>
    %dma_wait3A_1425 = arith.constant 0 : i32
    %dma_wait3A_1426 = tpu.memref_slice %arg20[%dma_wait3A_1425] : memref<16908288xf32, #tpu.memory_space<hbm>> -> memref<16908288xf32, #tpu.memory_space<hbm>>
    tpu.wait_indirect_dma semaphore(%arg21 : memref<!tpu.dma_semaphore, #tpu.memory_space<semaphore_mem>>) src(%dma_wait3A_1426 : memref<16908288xf32, #tpu.memory_space<hbm>>) dst(%dma_wait3A_1421 : memref<128xf32, #tpu.memory_space<vmem>>)
    %dma_wait3A_1427 = arith.constant 6 : i32
    %dma_wait3A_1428 = arith.constant 6 : i32
    %dma_wait3A_1429 = arith.constant 0 : i32
    %dma_wait3A_1430 = tpu.memref_slice %arg11[%dma_wait3A_1428, %dma_wait3A_1429] : memref<8x128xf32, #tpu.memory_space<vmem>> -> memref<1x128xf32, #tpu.memory_space<vmem>>
    %dma_wait3A_1431 = tpu.memref_squeeze %dma_wait3A_1430 : memref<1x128xf32, #tpu.memory_space<vmem>> -> memref<128xf32, #tpu.memory_space<vmem>>
    %dma_wait3A_1432 = arith.constant 0 : i32
    %dma_wait3A_1433 = tpu.memref_slice %arg10[%dma_wait3A_1427, %dma_wait3A_1432] : memref<8x128xi32, #tpu.memory_space<vmem>> -> memref<1x128xi32, #tpu.memory_space<vmem>>
    %dma_wait3A_1434 = tpu.memref_squeeze %dma_wait3A_1433 : memref<1x128xi32, #tpu.memory_space<vmem>> -> memref<128xi32, #tpu.memory_space<vmem>>
    %dma_wait3A_1435 = arith.constant 0 : i32
    %dma_wait3A_1436 = tpu.memref_slice %arg20[%dma_wait3A_1435] : memref<16908288xf32, #tpu.memory_space<hbm>> -> memref<16908288xf32, #tpu.memory_space<hbm>>
    tpu.wait_indirect_dma semaphore(%arg21 : memref<!tpu.dma_semaphore, #tpu.memory_space<semaphore_mem>>) src(%dma_wait3A_1436 : memref<16908288xf32, #tpu.memory_space<hbm>>) dst(%dma_wait3A_1431 : memref<128xf32, #tpu.memory_space<vmem>>)
    %dma_wait3A_1437 = arith.constant 7 : i32
    %dma_wait3A_1438 = arith.constant 7 : i32
    %dma_wait3A_1439 = arith.constant 0 : i32
    %dma_wait3A_1440 = tpu.memref_slice %arg11[%dma_wait3A_1438, %dma_wait3A_1439] : memref<8x128xf32, #tpu.memory_space<vmem>> -> memref<1x128xf32, #tpu.memory_space<vmem>>
    %dma_wait3A_1441 = tpu.memref_squeeze %dma_wait3A_1440 : memref<1x128xf32, #tpu.memory_space<vmem>> -> memref<128xf32, #tpu.memory_space<vmem>>
    %dma_wait3A_1442 = arith.constant 0 : i32
    %dma_wait3A_1443 = tpu.memref_slice %arg10[%dma_wait3A_1437, %dma_wait3A_1442] : memref<8x128xi32, #tpu.memory_space<vmem>> -> memref<1x128xi32, #tpu.memory_space<vmem>>
    %dma_wait3A_1444 = tpu.memref_squeeze %dma_wait3A_1443 : memref<1x128xi32, #tpu.memory_space<vmem>> -> memref<128xi32, #tpu.memory_space<vmem>>
    %dma_wait3A_1445 = arith.constant 0 : i32
    %dma_wait3A_1446 = tpu.memref_slice %arg20[%dma_wait3A_1445] : memref<16908288xf32, #tpu.memory_space<hbm>> -> memref<16908288xf32, #tpu.memory_space<hbm>>
    tpu.wait_indirect_dma semaphore(%arg21 : memref<!tpu.dma_semaphore, #tpu.memory_space<semaphore_mem>>) src(%dma_wait3A_1446 : memref<16908288xf32, #tpu.memory_space<hbm>>) dst(%dma_wait3A_1441 : memref<128xf32, #tpu.memory_space<vmem>>)
    %broadcast_in_dim3A_1447 = arith.constant 0.000000e+00 : f32
    %broadcast_in_dim3A_1448 = vector.broadcast %broadcast_in_dim3A_1447 : f32 to vector<16xf32>
    %get3A_1449 = arith.constant 0 : i32
    %get3A_1450 = arith.index_cast %get3A_1449 : i32 to index
    %get3A_1451 = arith.constant 0 : index
    %get3A_1452 = tpu.vector_load %arg11[%get3A_1450, %get3A_1451] {strides = array<i32>} : memref<8x128xf32, #tpu.memory_space<vmem>>, vector<1x16xf32>,
    %get3A_1453 = vector.shape_cast %get3A_1452 : vector<1x16xf32> to vector<16xf32>
    %add3A_1454 = arith.addf %broadcast_in_dim3A_1448, %get3A_1453 : vector<16xf32>
    %get3A_1455 = arith.constant 0 : i32
    %get3A_1456 = arith.index_cast %get3A_1455 : i32 to index
    %get3A_1457 = arith.constant 16 : index
    %get3A_1458 = tpu.vector_load %arg11[%get3A_1456, %get3A_1457] {strides = array<i32>} : memref<8x128xf32, #tpu.memory_space<vmem>>, vector<1x16xf32>,
    %get3A_1459 = vector.shape_cast %get3A_1458 : vector<1x16xf32> to vector<16xf32>
    %add3A_1460 = arith.addf %add3A_1454, %get3A_1459 : vector<16xf32>
    %get3A_1461 = arith.constant 0 : i32
    %get3A_1462 = arith.index_cast %get3A_1461 : i32 to index
    %get3A_1463 = arith.constant 32 : index
    %get3A_1464 = tpu.vector_load %arg11[%get3A_1462, %get3A_1463] {strides = array<i32>} : memref<8x128xf32, #tpu.memory_space<vmem>>, vector<1x16xf32>,
    %get3A_1465 = vector.shape_cast %get3A_1464 : vector<1x16xf32> to vector<16xf32>
    %add3A_1466 = arith.addf %add3A_1460, %get3A_1465 : vector<16xf32>
    %get3A_1467 = arith.constant 0 : i32
    %get3A_1468 = arith.index_cast %get3A_1467 : i32 to index
    %get3A_1469 = arith.constant 48 : index
    %get3A_1470 = tpu.vector_load %arg11[%get3A_1468, %get3A_1469] {strides = array<i32>} : memref<8x128xf32, #tpu.memory_space<vmem>>, vector<1x16xf32>,
    %get3A_1471 = vector.shape_cast %get3A_1470 : vector<1x16xf32> to vector<16xf32>
    %add3A_1472 = arith.addf %add3A_1466, %get3A_1471 : vector<16xf32>
    %get3A_1473 = arith.constant 0 : i32
    %get3A_1474 = arith.index_cast %get3A_1473 : i32 to index
    %get3A_1475 = arith.constant 64 : index
    %get3A_1476 = tpu.vector_load %arg11[%get3A_1474, %get3A_1475] {strides = array<i32>} : memref<8x128xf32, #tpu.memory_space<vmem>>, vector<1x16xf32>,
    %get3A_1477 = vector.shape_cast %get3A_1476 : vector<1x16xf32> to vector<16xf32>
    %add3A_1478 = arith.addf %add3A_1472, %get3A_1477 : vector<16xf32>
    %get3A_1479 = arith.constant 0 : i32
    %get3A_1480 = arith.index_cast %get3A_1479 : i32 to index
    %get3A_1481 = arith.constant 80 : index
    %get3A_1482 = tpu.vector_load %arg11[%get3A_1480, %get3A_1481] {strides = array<i32>} : memref<8x128xf32, #tpu.memory_space<vmem>>, vector<1x16xf32>,
    %get3A_1483 = vector.shape_cast %get3A_1482 : vector<1x16xf32> to vector<16xf32>
    %add3A_1484 = arith.addf %add3A_1478, %get3A_1483 : vector<16xf32>
    %get3A_1485 = arith.constant 0 : i32
    %get3A_1486 = arith.index_cast %get3A_1485 : i32 to index
    %get3A_1487 = arith.constant 96 : index
    %get3A_1488 = tpu.vector_load %arg11[%get3A_1486, %get3A_1487] {strides = array<i32>} : memref<8x128xf32, #tpu.memory_space<vmem>>, vector<1x16xf32>,
    %get3A_1489 = vector.shape_cast %get3A_1488 : vector<1x16xf32> to vector<16xf32>
    %add3A_1490 = arith.addf %add3A_1484, %get3A_1489 : vector<16xf32>
    %get3A_1491 = arith.constant 0 : i32
    %get3A_1492 = arith.index_cast %get3A_1491 : i32 to index
    %get3A_1493 = arith.constant 112 : index
    %get3A_1494 = tpu.vector_load %arg11[%get3A_1492, %get3A_1493] {strides = array<i32>} : memref<8x128xf32, #tpu.memory_space<vmem>>, vector<1x16xf32>,
    %get3A_1495 = vector.shape_cast %get3A_1494 : vector<1x16xf32> to vector<16xf32>
    %add3A_1496 = arith.addf %add3A_1490, %get3A_1495 : vector<16xf32>
    %get3A_1497 = arith.constant 1 : i32
    %get3A_1498 = arith.index_cast %get3A_1497 : i32 to index
    %get3A_1499 = arith.constant 0 : index
    %get3A_1500 = tpu.vector_load %arg11[%get3A_1498, %get3A_1499] {strides = array<i32>} : memref<8x128xf32, #tpu.memory_space<vmem>>, vector<1x16xf32>,
    %get3A_1501 = vector.shape_cast %get3A_1500 : vector<1x16xf32> to vector<16xf32>
    %add3A_1502 = arith.addf %add3A_1496, %get3A_1501 : vector<16xf32>
    %get3A_1503 = arith.constant 1 : i32
    %get3A_1504 = arith.index_cast %get3A_1503 : i32 to index
    %get3A_1505 = arith.constant 16 : index
    %get3A_1506 = tpu.vector_load %arg11[%get3A_1504, %get3A_1505] {strides = array<i32>} : memref<8x128xf32, #tpu.memory_space<vmem>>, vector<1x16xf32>,
    %get3A_1507 = vector.shape_cast %get3A_1506 : vector<1x16xf32> to vector<16xf32>
    %add3A_1508 = arith.addf %add3A_1502, %get3A_1507 : vector<16xf32>
    %get3A_1509 = arith.constant 1 : i32
    %get3A_1510 = arith.index_cast %get3A_1509 : i32 to index
    %get3A_1511 = arith.constant 32 : index
    %get3A_1512 = tpu.vector_load %arg11[%get3A_1510, %get3A_1511] {strides = array<i32>} : memref<8x128xf32, #tpu.memory_space<vmem>>, vector<1x16xf32>,
    %get3A_1513 = vector.shape_cast %get3A_1512 : vector<1x16xf32> to vector<16xf32>
    %add3A_1514 = arith.addf %add3A_1508, %get3A_1513 : vector<16xf32>
    %get3A_1515 = arith.constant 1 : i32
    %get3A_1516 = arith.index_cast %get3A_1515 : i32 to index
    %get3A_1517 = arith.constant 48 : index
    %get3A_1518 = tpu.vector_load %arg11[%get3A_1516, %get3A_1517] {strides = array<i32>} : memref<8x128xf32, #tpu.memory_space<vmem>>, vector<1x16xf32>,
    %get3A_1519 = vector.shape_cast %get3A_1518 : vector<1x16xf32> to vector<16xf32>
    %add3A_1520 = arith.addf %add3A_1514, %get3A_1519 : vector<16xf32>
    %get3A_1521 = arith.constant 1 : i32
    %get3A_1522 = arith.index_cast %get3A_1521 : i32 to index
    %get3A_1523 = arith.constant 64 : index
    %get3A_1524 = tpu.vector_load %arg11[%get3A_1522, %get3A_1523] {strides = array<i32>} : memref<8x128xf32, #tpu.memory_space<vmem>>, vector<1x16xf32>,
    %get3A_1525 = vector.shape_cast %get3A_1524 : vector<1x16xf32> to vector<16xf32>
    %add3A_1526 = arith.addf %add3A_1520, %get3A_1525 : vector<16xf32>
    %get3A_1527 = arith.constant 1 : i32
    %get3A_1528 = arith.index_cast %get3A_1527 : i32 to index
    %get3A_1529 = arith.constant 80 : index
    %get3A_1530 = tpu.vector_load %arg11[%get3A_1528, %get3A_1529] {strides = array<i32>} : memref<8x128xf32, #tpu.memory_space<vmem>>, vector<1x16xf32>,
    %get3A_1531 = vector.shape_cast %get3A_1530 : vector<1x16xf32> to vector<16xf32>
    %add3A_1532 = arith.addf %add3A_1526, %get3A_1531 : vector<16xf32>
    %get3A_1533 = arith.constant 1 : i32
    %get3A_1534 = arith.index_cast %get3A_1533 : i32 to index
    %get3A_1535 = arith.constant 96 : index
    %get3A_1536 = tpu.vector_load %arg11[%get3A_1534, %get3A_1535] {strides = array<i32>} : memref<8x128xf32, #tpu.memory_space<vmem>>, vector<1x16xf32>,
    %get3A_1537 = vector.shape_cast %get3A_1536 : vector<1x16xf32> to vector<16xf32>
    %add3A_1538 = arith.addf %add3A_1532, %get3A_1537 : vector<16xf32>
    %get3A_1539 = arith.constant 1 : i32
    %get3A_1540 = arith.index_cast %get3A_1539 : i32 to index
    %get3A_1541 = arith.constant 112 : index
    %get3A_1542 = tpu.vector_load %arg11[%get3A_1540, %get3A_1541] {strides = array<i32>} : memref<8x128xf32, #tpu.memory_space<vmem>>, vector<1x16xf32>,
    %get3A_1543 = vector.shape_cast %get3A_1542 : vector<1x16xf32> to vector<16xf32>
    %add3A_1544 = arith.addf %add3A_1538, %get3A_1543 : vector<16xf32>
    %get3A_1545 = arith.constant 2 : i32
    %get3A_1546 = arith.index_cast %get3A_1545 : i32 to index
    %get3A_1547 = arith.constant 0 : index
    %get3A_1548 = tpu.vector_load %arg11[%get3A_1546, %get3A_1547] {strides = array<i32>} : memref<8x128xf32, #tpu.memory_space<vmem>>, vector<1x16xf32>,
    %get3A_1549 = vector.shape_cast %get3A_1548 : vector<1x16xf32> to vector<16xf32>
    %add3A_1550 = arith.addf %add3A_1544, %get3A_1549 : vector<16xf32>
    %get3A_1551 = arith.constant 2 : i32
    %get3A_1552 = arith.index_cast %get3A_1551 : i32 to index
    %get3A_1553 = arith.constant 16 : index
    %get3A_1554 = tpu.vector_load %arg11[%get3A_1552, %get3A_1553] {strides = array<i32>} : memref<8x128xf32, #tpu.memory_space<vmem>>, vector<1x16xf32>,
    %get3A_1555 = vector.shape_cast %get3A_1554 : vector<1x16xf32> to vector<16xf32>
    %add3A_1556 = arith.addf %add3A_1550, %get3A_1555 : vector<16xf32>
    %get3A_1557 = arith.constant 2 : i32
    %get3A_1558 = arith.index_cast %get3A_1557 : i32 to index
    %get3A_1559 = arith.constant 32 : index
    %get3A_1560 = tpu.vector_load %arg11[%get3A_1558, %get3A_1559] {strides = array<i32>} : memref<8x128xf32, #tpu.memory_space<vmem>>, vector<1x16xf32>,
    %get3A_1561 = vector.shape_cast %get3A_1560 : vector<1x16xf32> to vector<16xf32>
    %add3A_1562 = arith.addf %add3A_1556, %get3A_1561 : vector<16xf32>
    %get3A_1563 = arith.constant 2 : i32
    %get3A_1564 = arith.index_cast %get3A_1563 : i32 to index
    %get3A_1565 = arith.constant 48 : index
    %get3A_1566 = tpu.vector_load %arg11[%get3A_1564, %get3A_1565] {strides = array<i32>} : memref<8x128xf32, #tpu.memory_space<vmem>>, vector<1x16xf32>,
    %get3A_1567 = vector.shape_cast %get3A_1566 : vector<1x16xf32> to vector<16xf32>
    %add3A_1568 = arith.addf %add3A_1562, %get3A_1567 : vector<16xf32>
    %get3A_1569 = arith.constant 2 : i32
    %get3A_1570 = arith.index_cast %get3A_1569 : i32 to index
    %get3A_1571 = arith.constant 64 : index
    %get3A_1572 = tpu.vector_load %arg11[%get3A_1570, %get3A_1571] {strides = array<i32>} : memref<8x128xf32, #tpu.memory_space<vmem>>, vector<1x16xf32>,
    %get3A_1573 = vector.shape_cast %get3A_1572 : vector<1x16xf32> to vector<16xf32>
    %add3A_1574 = arith.addf %add3A_1568, %get3A_1573 : vector<16xf32>
    %get3A_1575 = arith.constant 2 : i32
    %get3A_1576 = arith.index_cast %get3A_1575 : i32 to index
    %get3A_1577 = arith.constant 80 : index
    %get3A_1578 = tpu.vector_load %arg11[%get3A_1576, %get3A_1577] {strides = array<i32>} : memref<8x128xf32, #tpu.memory_space<vmem>>, vector<1x16xf32>,
    %get3A_1579 = vector.shape_cast %get3A_1578 : vector<1x16xf32> to vector<16xf32>
    %add3A_1580 = arith.addf %add3A_1574, %get3A_1579 : vector<16xf32>
    %get3A_1581 = arith.constant 2 : i32
    %get3A_1582 = arith.index_cast %get3A_1581 : i32 to index
    %get3A_1583 = arith.constant 96 : index
    %get3A_1584 = tpu.vector_load %arg11[%get3A_1582, %get3A_1583] {strides = array<i32>} : memref<8x128xf32, #tpu.memory_space<vmem>>, vector<1x16xf32>,
    %get3A_1585 = vector.shape_cast %get3A_1584 : vector<1x16xf32> to vector<16xf32>
    %add3A_1586 = arith.addf %add3A_1580, %get3A_1585 : vector<16xf32>
    %get3A_1587 = arith.constant 2 : i32
    %get3A_1588 = arith.index_cast %get3A_1587 : i32 to index
    %get3A_1589 = arith.constant 112 : index
    %get3A_1590 = tpu.vector_load %arg11[%get3A_1588, %get3A_1589] {strides = array<i32>} : memref<8x128xf32, #tpu.memory_space<vmem>>, vector<1x16xf32>,
    %get3A_1591 = vector.shape_cast %get3A_1590 : vector<1x16xf32> to vector<16xf32>
    %add3A_1592 = arith.addf %add3A_1586, %get3A_1591 : vector<16xf32>
    %get3A_1593 = arith.constant 3 : i32
    %get3A_1594 = arith.index_cast %get3A_1593 : i32 to index
    %get3A_1595 = arith.constant 0 : index
    %get3A_1596 = tpu.vector_load %arg11[%get3A_1594, %get3A_1595] {strides = array<i32>} : memref<8x128xf32, #tpu.memory_space<vmem>>, vector<1x16xf32>,
    %get3A_1597 = vector.shape_cast %get3A_1596 : vector<1x16xf32> to vector<16xf32>
    %add3A_1598 = arith.addf %add3A_1592, %get3A_1597 : vector<16xf32>
    %get3A_1599 = arith.constant 3 : i32
    %get3A_1600 = arith.index_cast %get3A_1599 : i32 to index
    %get3A_1601 = arith.constant 16 : index
    %get3A_1602 = tpu.vector_load %arg11[%get3A_1600, %get3A_1601] {strides = array<i32>} : memref<8x128xf32, #tpu.memory_space<vmem>>, vector<1x16xf32>,
    %get3A_1603 = vector.shape_cast %get3A_1602 : vector<1x16xf32> to vector<16xf32>
    %add3A_1604 = arith.addf %add3A_1598, %get3A_1603 : vector<16xf32>
    %get3A_1605 = arith.constant 3 : i32
    %get3A_1606 = arith.index_cast %get3A_1605 : i32 to index
    %get3A_1607 = arith.constant 32 : index
    %get3A_1608 = tpu.vector_load %arg11[%get3A_1606, %get3A_1607] {strides = array<i32>} : memref<8x128xf32, #tpu.memory_space<vmem>>, vector<1x16xf32>,
    %get3A_1609 = vector.shape_cast %get3A_1608 : vector<1x16xf32> to vector<16xf32>
    %add3A_1610 = arith.addf %add3A_1604, %get3A_1609 : vector<16xf32>
    %get3A_1611 = arith.constant 3 : i32
    %get3A_1612 = arith.index_cast %get3A_1611 : i32 to index
    %get3A_1613 = arith.constant 48 : index
    %get3A_1614 = tpu.vector_load %arg11[%get3A_1612, %get3A_1613] {strides = array<i32>} : memref<8x128xf32, #tpu.memory_space<vmem>>, vector<1x16xf32>,
    %get3A_1615 = vector.shape_cast %get3A_1614 : vector<1x16xf32> to vector<16xf32>
    %add3A_1616 = arith.addf %add3A_1610, %get3A_1615 : vector<16xf32>
    %get3A_1617 = arith.constant 3 : i32
    %get3A_1618 = arith.index_cast %get3A_1617 : i32 to index
    %get3A_1619 = arith.constant 64 : index
    %get3A_1620 = tpu.vector_load %arg11[%get3A_1618, %get3A_1619] {strides = array<i32>} : memref<8x128xf32, #tpu.memory_space<vmem>>, vector<1x16xf32>,
    %get3A_1621 = vector.shape_cast %get3A_1620 : vector<1x16xf32> to vector<16xf32>
    %add3A_1622 = arith.addf %add3A_1616, %get3A_1621 : vector<16xf32>
    %get3A_1623 = arith.constant 3 : i32
    %get3A_1624 = arith.index_cast %get3A_1623 : i32 to index
    %get3A_1625 = arith.constant 80 : index
    %get3A_1626 = tpu.vector_load %arg11[%get3A_1624, %get3A_1625] {strides = array<i32>} : memref<8x128xf32, #tpu.memory_space<vmem>>, vector<1x16xf32>,
    %get3A_1627 = vector.shape_cast %get3A_1626 : vector<1x16xf32> to vector<16xf32>
    %add3A_1628 = arith.addf %add3A_1622, %get3A_1627 : vector<16xf32>
    %get3A_1629 = arith.constant 3 : i32
    %get3A_1630 = arith.index_cast %get3A_1629 : i32 to index
    %get3A_1631 = arith.constant 96 : index
    %get3A_1632 = tpu.vector_load %arg11[%get3A_1630, %get3A_1631] {strides = array<i32>} : memref<8x128xf32, #tpu.memory_space<vmem>>, vector<1x16xf32>,
    %get3A_1633 = vector.shape_cast %get3A_1632 : vector<1x16xf32> to vector<16xf32>
    %add3A_1634 = arith.addf %add3A_1628, %get3A_1633 : vector<16xf32>
    %get3A_1635 = arith.constant 3 : i32
    %get3A_1636 = arith.index_cast %get3A_1635 : i32 to index
    %get3A_1637 = arith.constant 112 : index
    %get3A_1638 = tpu.vector_load %arg11[%get3A_1636, %get3A_1637] {strides = array<i32>} : memref<8x128xf32, #tpu.memory_space<vmem>>, vector<1x16xf32>,
    %get3A_1639 = vector.shape_cast %get3A_1638 : vector<1x16xf32> to vector<16xf32>
    %add3A_1640 = arith.addf %add3A_1634, %get3A_1639 : vector<16xf32>
    %get3A_1641 = arith.constant 4 : i32
    %get3A_1642 = arith.index_cast %get3A_1641 : i32 to index
    %get3A_1643 = arith.constant 0 : index
    %get3A_1644 = tpu.vector_load %arg11[%get3A_1642, %get3A_1643] {strides = array<i32>} : memref<8x128xf32, #tpu.memory_space<vmem>>, vector<1x16xf32>,
    %get3A_1645 = vector.shape_cast %get3A_1644 : vector<1x16xf32> to vector<16xf32>
    %add3A_1646 = arith.addf %add3A_1640, %get3A_1645 : vector<16xf32>
    %get3A_1647 = arith.constant 4 : i32
    %get3A_1648 = arith.index_cast %get3A_1647 : i32 to index
    %get3A_1649 = arith.constant 16 : index
    %get3A_1650 = tpu.vector_load %arg11[%get3A_1648, %get3A_1649] {strides = array<i32>} : memref<8x128xf32, #tpu.memory_space<vmem>>, vector<1x16xf32>,
    %get3A_1651 = vector.shape_cast %get3A_1650 : vector<1x16xf32> to vector<16xf32>
    %add3A_1652 = arith.addf %add3A_1646, %get3A_1651 : vector<16xf32>
    %get3A_1653 = arith.constant 4 : i32
    %get3A_1654 = arith.index_cast %get3A_1653 : i32 to index
    %get3A_1655 = arith.constant 32 : index
    %get3A_1656 = tpu.vector_load %arg11[%get3A_1654, %get3A_1655] {strides = array<i32>} : memref<8x128xf32, #tpu.memory_space<vmem>>, vector<1x16xf32>,
    %get3A_1657 = vector.shape_cast %get3A_1656 : vector<1x16xf32> to vector<16xf32>
    %add3A_1658 = arith.addf %add3A_1652, %get3A_1657 : vector<16xf32>
    %get3A_1659 = arith.constant 4 : i32
    %get3A_1660 = arith.index_cast %get3A_1659 : i32 to index
    %get3A_1661 = arith.constant 48 : index
    %get3A_1662 = tpu.vector_load %arg11[%get3A_1660, %get3A_1661] {strides = array<i32>} : memref<8x128xf32, #tpu.memory_space<vmem>>, vector<1x16xf32>,
    %get3A_1663 = vector.shape_cast %get3A_1662 : vector<1x16xf32> to vector<16xf32>
    %add3A_1664 = arith.addf %add3A_1658, %get3A_1663 : vector<16xf32>
    %get3A_1665 = arith.constant 4 : i32
    %get3A_1666 = arith.index_cast %get3A_1665 : i32 to index
    %get3A_1667 = arith.constant 64 : index
    %get3A_1668 = tpu.vector_load %arg11[%get3A_1666, %get3A_1667] {strides = array<i32>} : memref<8x128xf32, #tpu.memory_space<vmem>>, vector<1x16xf32>,
    %get3A_1669 = vector.shape_cast %get3A_1668 : vector<1x16xf32> to vector<16xf32>
    %add3A_1670 = arith.addf %add3A_1664, %get3A_1669 : vector<16xf32>
    %get3A_1671 = arith.constant 4 : i32
    %get3A_1672 = arith.index_cast %get3A_1671 : i32 to index
    %get3A_1673 = arith.constant 80 : index
    %get3A_1674 = tpu.vector_load %arg11[%get3A_1672, %get3A_1673] {strides = array<i32>} : memref<8x128xf32, #tpu.memory_space<vmem>>, vector<1x16xf32>,
    %get3A_1675 = vector.shape_cast %get3A_1674 : vector<1x16xf32> to vector<16xf32>
    %add3A_1676 = arith.addf %add3A_1670, %get3A_1675 : vector<16xf32>
    %get3A_1677 = arith.constant 4 : i32
    %get3A_1678 = arith.index_cast %get3A_1677 : i32 to index
    %get3A_1679 = arith.constant 96 : index
    %get3A_1680 = tpu.vector_load %arg11[%get3A_1678, %get3A_1679] {strides = array<i32>} : memref<8x128xf32, #tpu.memory_space<vmem>>, vector<1x16xf32>,
    %get3A_1681 = vector.shape_cast %get3A_1680 : vector<1x16xf32> to vector<16xf32>
    %add3A_1682 = arith.addf %add3A_1676, %get3A_1681 : vector<16xf32>
    %get3A_1683 = arith.constant 4 : i32
    %get3A_1684 = arith.index_cast %get3A_1683 : i32 to index
    %get3A_1685 = arith.constant 112 : index
    %get3A_1686 = tpu.vector_load %arg11[%get3A_1684, %get3A_1685] {strides = array<i32>} : memref<8x128xf32, #tpu.memory_space<vmem>>, vector<1x16xf32>,
    %get3A_1687 = vector.shape_cast %get3A_1686 : vector<1x16xf32> to vector<16xf32>
    %add3A_1688 = arith.addf %add3A_1682, %get3A_1687 : vector<16xf32>
    %get3A_1689 = arith.constant 5 : i32
    %get3A_1690 = arith.index_cast %get3A_1689 : i32 to index
    %get3A_1691 = arith.constant 0 : index
    %get3A_1692 = tpu.vector_load %arg11[%get3A_1690, %get3A_1691] {strides = array<i32>} : memref<8x128xf32, #tpu.memory_space<vmem>>, vector<1x16xf32>,
    %get3A_1693 = vector.shape_cast %get3A_1692 : vector<1x16xf32> to vector<16xf32>
    %add3A_1694 = arith.addf %add3A_1688, %get3A_1693 : vector<16xf32>
    %get3A_1695 = arith.constant 5 : i32
    %get3A_1696 = arith.index_cast %get3A_1695 : i32 to index
    %get3A_1697 = arith.constant 16 : index
    %get3A_1698 = tpu.vector_load %arg11[%get3A_1696, %get3A_1697] {strides = array<i32>} : memref<8x128xf32, #tpu.memory_space<vmem>>, vector<1x16xf32>,
    %get3A_1699 = vector.shape_cast %get3A_1698 : vector<1x16xf32> to vector<16xf32>
    %add3A_1700 = arith.addf %add3A_1694, %get3A_1699 : vector<16xf32>
    %get3A_1701 = arith.constant 5 : i32
    %get3A_1702 = arith.index_cast %get3A_1701 : i32 to index
    %get3A_1703 = arith.constant 32 : index
    %get3A_1704 = tpu.vector_load %arg11[%get3A_1702, %get3A_1703] {strides = array<i32>} : memref<8x128xf32, #tpu.memory_space<vmem>>, vector<1x16xf32>,
    %get3A_1705 = vector.shape_cast %get3A_1704 : vector<1x16xf32> to vector<16xf32>
    %add3A_1706 = arith.addf %add3A_1700, %get3A_1705 : vector<16xf32>
    %get3A_1707 = arith.constant 5 : i32
    %get3A_1708 = arith.index_cast %get3A_1707 : i32 to index
    %get3A_1709 = arith.constant 48 : index
    %get3A_1710 = tpu.vector_load %arg11[%get3A_1708, %get3A_1709] {strides = array<i32>} : memref<8x128xf32, #tpu.memory_space<vmem>>, vector<1x16xf32>,
    %get3A_1711 = vector.shape_cast %get3A_1710 : vector<1x16xf32> to vector<16xf32>
    %add3A_1712 = arith.addf %add3A_1706, %get3A_1711 : vector<16xf32>
    %get3A_1713 = arith.constant 5 : i32
    %get3A_1714 = arith.index_cast %get3A_1713 : i32 to index
    %get3A_1715 = arith.constant 64 : index
    %get3A_1716 = tpu.vector_load %arg11[%get3A_1714, %get3A_1715] {strides = array<i32>} : memref<8x128xf32, #tpu.memory_space<vmem>>, vector<1x16xf32>,
    %get3A_1717 = vector.shape_cast %get3A_1716 : vector<1x16xf32> to vector<16xf32>
    %add3A_1718 = arith.addf %add3A_1712, %get3A_1717 : vector<16xf32>
    %get3A_1719 = arith.constant 5 : i32
    %get3A_1720 = arith.index_cast %get3A_1719 : i32 to index
    %get3A_1721 = arith.constant 80 : index
    %get3A_1722 = tpu.vector_load %arg11[%get3A_1720, %get3A_1721] {strides = array<i32>} : memref<8x128xf32, #tpu.memory_space<vmem>>, vector<1x16xf32>,
    %get3A_1723 = vector.shape_cast %get3A_1722 : vector<1x16xf32> to vector<16xf32>
    %add3A_1724 = arith.addf %add3A_1718, %get3A_1723 : vector<16xf32>
    %get3A_1725 = arith.constant 5 : i32
    %get3A_1726 = arith.index_cast %get3A_1725 : i32 to index
    %get3A_1727 = arith.constant 96 : index
    %get3A_1728 = tpu.vector_load %arg11[%get3A_1726, %get3A_1727] {strides = array<i32>} : memref<8x128xf32, #tpu.memory_space<vmem>>, vector<1x16xf32>,
    %get3A_1729 = vector.shape_cast %get3A_1728 : vector<1x16xf32> to vector<16xf32>
    %add3A_1730 = arith.addf %add3A_1724, %get3A_1729 : vector<16xf32>
    %get3A_1731 = arith.constant 5 : i32
    %get3A_1732 = arith.index_cast %get3A_1731 : i32 to index
    %get3A_1733 = arith.constant 112 : index
    %get3A_1734 = tpu.vector_load %arg11[%get3A_1732, %get3A_1733] {strides = array<i32>} : memref<8x128xf32, #tpu.memory_space<vmem>>, vector<1x16xf32>,
    %get3A_1735 = vector.shape_cast %get3A_1734 : vector<1x16xf32> to vector<16xf32>
    %add3A_1736 = arith.addf %add3A_1730, %get3A_1735 : vector<16xf32>
    %get3A_1737 = arith.constant 6 : i32
    %get3A_1738 = arith.index_cast %get3A_1737 : i32 to index
    %get3A_1739 = arith.constant 0 : index
    %get3A_1740 = tpu.vector_load %arg11[%get3A_1738, %get3A_1739] {strides = array<i32>} : memref<8x128xf32, #tpu.memory_space<vmem>>, vector<1x16xf32>,
    %get3A_1741 = vector.shape_cast %get3A_1740 : vector<1x16xf32> to vector<16xf32>
    %add3A_1742 = arith.addf %add3A_1736, %get3A_1741 : vector<16xf32>
    %get3A_1743 = arith.constant 6 : i32
    %get3A_1744 = arith.index_cast %get3A_1743 : i32 to index
    %get3A_1745 = arith.constant 16 : index
    %get3A_1746 = tpu.vector_load %arg11[%get3A_1744, %get3A_1745] {strides = array<i32>} : memref<8x128xf32, #tpu.memory_space<vmem>>, vector<1x16xf32>,
    %get3A_1747 = vector.shape_cast %get3A_1746 : vector<1x16xf32> to vector<16xf32>
    %add3A_1748 = arith.addf %add3A_1742, %get3A_1747 : vector<16xf32>
    %get3A_1749 = arith.constant 6 : i32
    %get3A_1750 = arith.index_cast %get3A_1749 : i32 to index
    %get3A_1751 = arith.constant 32 : index
    %get3A_1752 = tpu.vector_load %arg11[%get3A_1750, %get3A_1751] {strides = array<i32>} : memref<8x128xf32, #tpu.memory_space<vmem>>, vector<1x16xf32>,
    %get3A_1753 = vector.shape_cast %get3A_1752 : vector<1x16xf32> to vector<16xf32>
    %add3A_1754 = arith.addf %add3A_1748, %get3A_1753 : vector<16xf32>
    %get3A_1755 = arith.constant 6 : i32
    %get3A_1756 = arith.index_cast %get3A_1755 : i32 to index
    %get3A_1757 = arith.constant 48 : index
    %get3A_1758 = tpu.vector_load %arg11[%get3A_1756, %get3A_1757] {strides = array<i32>} : memref<8x128xf32, #tpu.memory_space<vmem>>, vector<1x16xf32>,
    %get3A_1759 = vector.shape_cast %get3A_1758 : vector<1x16xf32> to vector<16xf32>
    %add3A_1760 = arith.addf %add3A_1754, %get3A_1759 : vector<16xf32>
    %get3A_1761 = arith.constant 6 : i32
    %get3A_1762 = arith.index_cast %get3A_1761 : i32 to index
    %get3A_1763 = arith.constant 64 : index
    %get3A_1764 = tpu.vector_load %arg11[%get3A_1762, %get3A_1763] {strides = array<i32>} : memref<8x128xf32, #tpu.memory_space<vmem>>, vector<1x16xf32>,
    %get3A_1765 = vector.shape_cast %get3A_1764 : vector<1x16xf32> to vector<16xf32>
    %add3A_1766 = arith.addf %add3A_1760, %get3A_1765 : vector<16xf32>
    %get3A_1767 = arith.constant 6 : i32
    %get3A_1768 = arith.index_cast %get3A_1767 : i32 to index
    %get3A_1769 = arith.constant 80 : index
    %get3A_1770 = tpu.vector_load %arg11[%get3A_1768, %get3A_1769] {strides = array<i32>} : memref<8x128xf32, #tpu.memory_space<vmem>>, vector<1x16xf32>,
    %get3A_1771 = vector.shape_cast %get3A_1770 : vector<1x16xf32> to vector<16xf32>
    %add3A_1772 = arith.addf %add3A_1766, %get3A_1771 : vector<16xf32>
    %get3A_1773 = arith.constant 6 : i32
    %get3A_1774 = arith.index_cast %get3A_1773 : i32 to index
    %get3A_1775 = arith.constant 96 : index
    %get3A_1776 = tpu.vector_load %arg11[%get3A_1774, %get3A_1775] {strides = array<i32>} : memref<8x128xf32, #tpu.memory_space<vmem>>, vector<1x16xf32>,
    %get3A_1777 = vector.shape_cast %get3A_1776 : vector<1x16xf32> to vector<16xf32>
    %add3A_1778 = arith.addf %add3A_1772, %get3A_1777 : vector<16xf32>
    %get3A_1779 = arith.constant 6 : i32
    %get3A_1780 = arith.index_cast %get3A_1779 : i32 to index
    %get3A_1781 = arith.constant 112 : index
    %get3A_1782 = tpu.vector_load %arg11[%get3A_1780, %get3A_1781] {strides = array<i32>} : memref<8x128xf32, #tpu.memory_space<vmem>>, vector<1x16xf32>,
    %get3A_1783 = vector.shape_cast %get3A_1782 : vector<1x16xf32> to vector<16xf32>
    %add3A_1784 = arith.addf %add3A_1778, %get3A_1783 : vector<16xf32>
    %get3A_1785 = arith.constant 7 : i32
    %get3A_1786 = arith.index_cast %get3A_1785 : i32 to index
    %get3A_1787 = arith.constant 0 : index
    %get3A_1788 = tpu.vector_load %arg11[%get3A_1786, %get3A_1787] {strides = array<i32>} : memref<8x128xf32, #tpu.memory_space<vmem>>, vector<1x16xf32>,
    %get3A_1789 = vector.shape_cast %get3A_1788 : vector<1x16xf32> to vector<16xf32>
    %add3A_1790 = arith.addf %add3A_1784, %get3A_1789 : vector<16xf32>
    %get3A_1791 = arith.constant 7 : i32
    %get3A_1792 = arith.index_cast %get3A_1791 : i32 to index
    %get3A_1793 = arith.constant 16 : index
    %get3A_1794 = tpu.vector_load %arg11[%get3A_1792, %get3A_1793] {strides = array<i32>} : memref<8x128xf32, #tpu.memory_space<vmem>>, vector<1x16xf32>,
    %get3A_1795 = vector.shape_cast %get3A_1794 : vector<1x16xf32> to vector<16xf32>
    %add3A_1796 = arith.addf %add3A_1790, %get3A_1795 : vector<16xf32>
    %get3A_1797 = arith.constant 7 : i32
    %get3A_1798 = arith.index_cast %get3A_1797 : i32 to index
    %get3A_1799 = arith.constant 32 : index
    %get3A_1800 = tpu.vector_load %arg11[%get3A_1798, %get3A_1799] {strides = array<i32>} : memref<8x128xf32, #tpu.memory_space<vmem>>, vector<1x16xf32>,
    %get3A_1801 = vector.shape_cast %get3A_1800 : vector<1x16xf32> to vector<16xf32>
    %add3A_1802 = arith.addf %add3A_1796, %get3A_1801 : vector<16xf32>
    %get3A_1803 = arith.constant 7 : i32
    %get3A_1804 = arith.index_cast %get3A_1803 : i32 to index
    %get3A_1805 = arith.constant 48 : index
    %get3A_1806 = tpu.vector_load %arg11[%get3A_1804, %get3A_1805] {strides = array<i32>} : memref<8x128xf32, #tpu.memory_space<vmem>>, vector<1x16xf32>,
    %get3A_1807 = vector.shape_cast %get3A_1806 : vector<1x16xf32> to vector<16xf32>
    %add3A_1808 = arith.addf %add3A_1802, %get3A_1807 : vector<16xf32>
    %get3A_1809 = arith.constant 7 : i32
    %get3A_1810 = arith.index_cast %get3A_1809 : i32 to index
    %get3A_1811 = arith.constant 64 : index
    %get3A_1812 = tpu.vector_load %arg11[%get3A_1810, %get3A_1811] {strides = array<i32>} : memref<8x128xf32, #tpu.memory_space<vmem>>, vector<1x16xf32>,
    %get3A_1813 = vector.shape_cast %get3A_1812 : vector<1x16xf32> to vector<16xf32>
    %add3A_1814 = arith.addf %add3A_1808, %get3A_1813 : vector<16xf32>
    %get3A_1815 = arith.constant 7 : i32
    %get3A_1816 = arith.index_cast %get3A_1815 : i32 to index
    %get3A_1817 = arith.constant 80 : index
    %get3A_1818 = tpu.vector_load %arg11[%get3A_1816, %get3A_1817] {strides = array<i32>} : memref<8x128xf32, #tpu.memory_space<vmem>>, vector<1x16xf32>,
    %get3A_1819 = vector.shape_cast %get3A_1818 : vector<1x16xf32> to vector<16xf32>
    %add3A_1820 = arith.addf %add3A_1814, %get3A_1819 : vector<16xf32>
    %get3A_1821 = arith.constant 7 : i32
    %get3A_1822 = arith.index_cast %get3A_1821 : i32 to index
    %get3A_1823 = arith.constant 96 : index
    %get3A_1824 = tpu.vector_load %arg11[%get3A_1822, %get3A_1823] {strides = array<i32>} : memref<8x128xf32, #tpu.memory_space<vmem>>, vector<1x16xf32>,
    %get3A_1825 = vector.shape_cast %get3A_1824 : vector<1x16xf32> to vector<16xf32>
    %add3A_1826 = arith.addf %add3A_1820, %get3A_1825 : vector<16xf32>
    %get3A_1827 = arith.constant 7 : i32
    %get3A_1828 = arith.index_cast %get3A_1827 : i32 to index
    %get3A_1829 = arith.constant 112 : index
    %get3A_1830 = tpu.vector_load %arg11[%get3A_1828, %get3A_1829] {strides = array<i32>} : memref<8x128xf32, #tpu.memory_space<vmem>>, vector<1x16xf32>,
    %get3A_1831 = vector.shape_cast %get3A_1830 : vector<1x16xf32> to vector<16xf32>
    %add3A_1832 = arith.addf %add3A_1826, %get3A_1831 : vector<16xf32>
    %swap3A_1833 = arith.constant 0 : index
    %swap3A_1834 = tpu.vector_load %arg19[%swap3A_1833] {strides = array<i32>} : memref<16xf32, #tpu.memory_space<vmem>>, vector<16xf32>,
    %swap3A_1835 = vector.shape_cast %swap3A_1834 : vector<16xf32> to vector<16xf32>
    %swap3A_1836 = vector.shape_cast %add3A_1832 : vector<16xf32> to vector<16xf32>
    tpu.vector_store %arg19[%swap3A_1833], %swap3A_1836 {strides = array<i32>} : memref<16xf32, #tpu.memory_space<vmem>>, vector<16xf32>,
    "tpu.region"() ({
      %run_scoped3A = tpu.sem_alloc : memref<!tpu.dma_semaphore, #tpu.memory_space<semaphore_mem>>
      %dma_start3A_1837 = arith.constant 0 : i32
      %dma_start3A_1838 = tpu.memref_slice %arg7[%arg1, %dma_start3A_1837] : memref<16x16xf32, #tpu.memory_space<hbm>> -> memref<1x16xf32, #tpu.memory_space<hbm>>
      %dma_start3A_1839 = tpu.memref_squeeze %dma_start3A_1838 : memref<1x16xf32, #tpu.memory_space<hbm>> -> memref<16xf32, #tpu.memory_space<hbm>>
      %dma_start3A_1840 = arith.constant 0 : i32
      %dma_start3A_1841 = tpu.memref_slice %arg7[%arg1, %dma_start3A_1840] : memref<16x16xf32, #tpu.memory_space<hbm>> -> memref<1x16xf32, #tpu.memory_space<hbm>>
      %dma_start3A_1842 = tpu.memref_squeeze %dma_start3A_1841 : memref<1x16xf32, #tpu.memory_space<hbm>> -> memref<16xf32, #tpu.memory_space<hbm>>
      tpu.enqueue_dma source(%arg19 : memref<16xf32, #tpu.memory_space<vmem>>) target(%dma_start3A_1842 : memref<16xf32, #tpu.memory_space<hbm>>) target_semaphore(%run_scoped3A : memref<!tpu.dma_semaphore, #tpu.memory_space<semaphore_mem>>)
      %dma_wait3A_1843 = arith.constant 0 : i32
      %dma_wait3A_1844 = tpu.memref_slice %arg7[%arg1, %dma_wait3A_1843] : memref<16x16xf32, #tpu.memory_space<hbm>> -> memref<1x16xf32, #tpu.memory_space<hbm>>
      %dma_wait3A_1845 = tpu.memref_squeeze %dma_wait3A_1844 : memref<1x16xf32, #tpu.memory_space<hbm>> -> memref<16xf32, #tpu.memory_space<hbm>>
      %dma_wait3A_1846 = arith.constant 0 : i32
      %dma_wait3A_1847 = tpu.memref_slice %arg7[%arg1, %dma_wait3A_1846] : memref<16x16xf32, #tpu.memory_space<hbm>> -> memref<1x16xf32, #tpu.memory_space<hbm>>
      %dma_wait3A_1848 = tpu.memref_squeeze %dma_wait3A_1847 : memref<1x16xf32, #tpu.memory_space<hbm>> -> memref<16xf32, #tpu.memory_space<hbm>>
      tpu.wait_dma2 semaphore(%run_scoped3A : memref<!tpu.dma_semaphore, #tpu.memory_space<semaphore_mem>>) src(%arg19 : memref<16xf32, #tpu.memory_space<vmem>>) dst(%dma_wait3A_1848 : memref<16xf32, #tpu.memory_space<hbm>>)
      tpu.yield
    }) : () -> ()
    return
  }
}

</mosaic_0001>

<sc_bundles>
// kernel: _sc_scatter_gather.3.cloned.1.call-start
scs
__scs_entry_jumppad:
0x0: {  	(pc) =	sbr.rel $0x88, $3  }
0x1: {  	(tag) =	ssettag $0x0;
	lr =	simm.s32 $0x1  }
0x2: {  	[smem:$0x3F9C] =	sst lr;
	_ =	strace $0xD0000000  }
0x3: {  	_ = 	snop  }
0x4: {  	_ = 	snop  }
0x5: {  	_ = 	snop  }
0x6: {  	_ = 	snop  }
0x7: {  	_ = 	snop  }
__scs_overlays_trampoline_lowered:
0x8: {  	[smem:$0x3FAB] =	sst s0  }
0x9: {  	[smem:$0x3FAC] =	sst s1  }
0xa: {  	[smem:$0x3FAD] =	sst s2  }
0xb: {  	[smem:$0x3FAE] =	sst s3  }
0xc: {  	[smem:$0x3FAF] =	sst s4  }
0xd: {  	[smem:$0x3FB0] =	sst s5  }
0xe: {  	[smem:$0x3FB1] =	sst s6  }
0xf: {  	[smem:$0x3FB2] =	sst s7  }
0x10: {  	[smem:$0x3FB3] =	sst s8  }
0x11: {  	[smem:$0x3FB4] =	sst s9;
	s0 =	simm.s32 @!p0 $0x0  }
0x12: {  	s1 =	sld [smem:$0x3F9A];
	s0 =	simm.s32 @p0 $0x1  }
0x13: {  	[smem:$0x3FB5] =	sst s0;
	s0 =	simm.s32 @!p1 $0x0  }
0x14: {  	s2 =	sld [smem:$0x3F99];
	s0 =	simm.s32 @p1 $0x1  }
0x15: {  	[smem:$0x3FB6] =	sst s0;
	s0 =	simm.s32 @!p2 $0x0  }
0x16: {  	s3 =	sld [smem:$0x3FDB];
	s0 =	simm.s32 @p2 $0x1  }
0x17: {  	s4 =	simm.s32 $0x1BF5;
	[smem:$0x3FB8] =	sst s0  }
0x18: {  	s0 =	sld [smem:$0x3F9B];
	_ =	swait.ge [sflag:s4], $0x0  }
0x19: {  	s7 =	sld [smem:$0x3F9C]  }
0x1a: {  	s8 =	sadd.s32 $0xFFFFE003, lr  }
0x1b: {  	s9 =	sadd.s32 $0xFFFFFEF7, lr;
	s5 =	simm.s32 $0xFFFFFFFF;
	p2 =	slt.u32 s8, $0xFFFFF086  }
0x1c: {  	p1 =	slt.u32 s9, $0xF7A;
	s5 =	simm.s32 @!p2 $0x0  }
0x1d: {  	s5 =	simm.s32 @p1 $0x1;
	p0 =	seq.s32 s7, s2  }
0x1e: {  	s7 =	smul.u32 @!p0 $0xF7A, s2;
	p2 =	seq.s32 @!p0 s5, $0x0  }
0x1f: {  	s9 =	smul.u32 $0xF7A, s1;
	s8 =	simm.s32 @!p0 $0x1BF5;
	p2 =	por !p2, p0  }
0x20: {  	[sflag:s8] =	ssyncset.s32 @!p0 $0xFFFFF086;
	s6 =	sadd.s32 @!p0 s3, s7;
	s7 =	simm.s32 @!p0 $0x108  }
0x21: {  	s3 =	sadd.s32 s3, s9;
	s6 =	sadd.s32 @!p0 $0x88, s6;
	s7 =	simm.s32 @p2 $0x1082  }
0x22: {  	[simem:s7], [sflag:s8] =	dma.local @!p0 [hbm:s6], $0xF7A  }
0x23: {  	s9 =	sor.u32 $0xD0000000, s2;
	s6 =	simm.s32 $0x108;
	_ =	swait.ge @!p0 [sflag:s8], $0x0  }
0x24: {  	s3 =	sadd.s32 $0x88, s3;
	s6 =	simm.s32 @!p1 $0x1082;
	[sflag:s4] =	ssyncset.s32 $0xFFFFF086  }
0x25: {  	[simem:s6], [sflag:s4] =	dma.local [hbm:s3], $0xF7A  }
0x26: {  	[smem:$0x3F9C] =	sst s1;
	(tag) =	ssettag s2;
	_ =	strace s9  }
0x27: {  	s1 =	sld [smem:$0x3FAC]  }
0x28: {  	s2 =	sld [smem:$0x3FAD]  }
0x29: {  	s4 =	sld [smem:$0x3FAF]  }
0x2a: {  	p0 =	seq.s32 s5, $0x0;
	s5 =	sld [smem:$0x3FB0]  }
0x2b: {  	s6 =	sld [smem:$0x3FB1]  }
0x2c: {  	s7 =	sld [smem:$0x3FB2]  }
0x2d: {  	s3 =	simm.s32 $0x108;
	s8 =	sld [smem:$0x3FB3]  }
0x2e: {  	s3 =	simm.s32 @!p0 $0x1082;
	s9 =	sld [smem:$0x3FB4]  }
0x2f: {  	lr =	sadd.s32 s0, s3;
	s0 =	sld [smem:$0x3FAB]  }
0x30: {  	s3 =	sld [smem:$0x3FAE]  }
0x31: {  	[smem:$0x3FB7] =	sst s10  }
0x32: {  	s10 =	sld [smem:$0x3FB5];
	_ =	sdelay $0x3  }
0x33: {  	p0 =	seq.s32 s10, $0x1;
	s10 =	sld [smem:$0x3FB7];
	_ =	sdelay $0x3  }
0x34: {  	[smem:$0x3FB7] =	sst s10  }
0x35: {  	s10 =	sld [smem:$0x3FB6];
	_ =	sdelay $0x3  }
0x36: {  	p1 =	seq.s32 s10, $0x1;
	s10 =	sld [smem:$0x3FB7];
	_ =	sdelay $0x3  }
0x37: {  	[smem:$0x3FB7] =	sst s10  }
0x38: {  	s10 =	sld [smem:$0x3FB8]  }
0x39: {  	_ = 	snop;
	(pc) =	sbr.ind lr, $3  }
0x3a: {  	_ = 	snop  }
0x3b: {  	_ = 	snop  }
0x3c: {  	p2 =	seq.s32 s10, $0x1;
	s10 =	sld [smem:$0x3FB7]  }
0x3d: {  	_ =	shalt  }
0x3e: {  	_ =	shalt  }
0x3f: {  	_ =	shalt  }
0x40: {  	_ =	shalt  }
0x41: {  	_ =	shalt  }
0x42: {  	_ =	shalt  }
0x43: {  	_ =	shalt  }
0x44: {  	_ =	shalt  }
0x45: {  	_ =	shalt  }
0x46: {  	_ =	shalt  }
0x47: {  	_ =	shalt  }
0x48: {  	_ =	shalt  }
0x49: {  	_ =	shalt  }
0x4a: {  	_ =	shalt  }
0x4b: {  	_ =	shalt  }
0x4c: {  	_ =	shalt  }
0x4d: {  	_ =	shalt  }
0x4e: {  	_ =	shalt  }
0x4f: {  	_ =	shalt  }
0x50: {  	_ =	shalt  }
0x51: {  	_ =	shalt  }
0x52: {  	_ =	shalt  }
0x53: {  	_ =	shalt  }
0x54: {  	_ =	shalt  }
0x55: {  	_ =	shalt  }
0x56: {  	_ =	shalt  }
0x57: {  	_ =	shalt  }
0x58: {  	_ =	shalt  }
0x59: {  	_ =	shalt  }
0x5a: {  	_ =	shalt  }
0x5b: {  	_ =	shalt  }
0x5c: {  	_ =	shalt  }
0x5d: {  	_ =	shalt  }
0x5e: {  	_ =	shalt  }
0x5f: {  	_ =	shalt  }
0x60: {  	_ =	shalt  }
0x61: {  	_ =	shalt  }
0x62: {  	_ =	shalt  }
0x63: {  	_ =	shalt  }
0x64: {  	_ =	shalt  }
0x65: {  	_ =	shalt  }
0x66: {  	_ =	shalt  }
0x67: {  	_ =	shalt  }
0x68: {  	_ =	shalt  }
0x69: {  	_ =	shalt  }
0x6a: {  	_ =	shalt  }
0x6b: {  	_ =	shalt  }
0x6c: {  	_ =	shalt  }
0x6d: {  	_ =	shalt  }
0x6e: {  	_ =	shalt  }
0x6f: {  	_ =	shalt  }
0x70: {  	_ =	shalt  }
0x71: {  	_ =	shalt  }
0x72: {  	_ =	shalt  }
0x73: {  	_ =	shalt  }
0x74: {  	_ =	shalt  }
0x75: {  	_ =	shalt  }
0x76: {  	_ =	shalt  }
0x77: {  	_ =	shalt  }
0x78: {  	_ =	shalt  }
0x79: {  	_ =	shalt  }
0x7a: {  	_ =	shalt  }
0x7b: {  	_ =	shalt  }
0x7c: {  	_ =	shalt  }
0x7d: {  	_ =	shalt  }
0x7e: {  	_ =	shalt  }
0x7f: {  	_ =	shalt  }
0x80: {  	_ =	shalt  }
0x81: {  	_ =	shalt  }
0x82: {  	_ =	shalt  }
0x83: {  	_ =	shalt  }
0x84: {  	_ =	shalt  }
0x85: {  	_ =	shalt  }
0x86: {  	_ =	shalt  }
0x87: {  	_ =	shalt  }
.Lfunc_end0:
.L_simem_size_0:
called_computation_lowered:
.L_overlay_start_0:
0x88: {  	s0 =	sld [smem:$0x3FD9]  }
0x89: {  	s1 =	sld [smem:$0x3FFE];
	_ =	sdelay $0x3  }
0x8a: {  	s0 =	sadd.s32 s1, s0  }
0x8b: {  	[smem:$0x3FC3] =	sst s0  }
0x8c: {  	_ = 	snop  }
0x8d: {  	s17 =	sld [smem:$0x3FC9]  }
0x8e: {  	s2 =	sld [smem:$0x3FC8]  }
0x8f: {  	s3 =	sld [smem:$0x3FC7]  }
0x90: {  	s4 =	sld [smem:$0x3FC6]  }
0x91: {  	s5 =	sld [smem:$0x3FC5]  }
0x92: {  	s6 =	sld [smem:$0x3FD0];
	(tm) =	ssettm $0x1  }
0x93: {  	s7 =	sld [smem:$0x3FFB];
	_ =	sdelay $0x3  }
0x94: {  	_ =	strace s7  }
0x95: {  	s7 =	sld [smem:$0x3FFC];
	_ =	sdelay $0x3  }
0x96: {  	_ =	strace s7  }
0x97: {  	s7 =	sld [smem:$0x3FFD];
	_ =	sdelay $0x3  }
0x98: {  	_ =	strace s7  }
0x99: {  	_ =	strace $0x8FFFFFFF  }
0x9a: {  	s18 =	sld [smem:$0x3FDB];
	_ =	sdelay $0x1  }
0x9b: {  	s8 =	simm.s32 $_scs_section_size  }
0x9c: {  	s9 =	simm.s32 $_size__tile_overlayer_lowered;
	s10 =	simm.s32 $_tile_overlayer_lowered  }
0x9d: {  	s21 =	simm.s32 $0x1BFF;
	s20 =	sshll.u32 s10, $0x1;
	s7 =	sadd.s32 s8, s18  }
0x9e: {  	s11 =	simm.s32 $0x0;
	s19 =	sshll.u32 s9, $0x1;
	s9 =	sadd.s32 s20, s7  }
0x9f: {  	[timem:s11], [sflag:s21] =	dma.local [hbm:s9], s19  }
0xa0: {  	_ =	swait.ge [sflag:s21], s19  }
0xa1: {  	s8 =	ssub.s32 $0x0, s19;
	[sflag:s21] =	ssyncset.done $0x0  }
0xa2: {  	[sflag:s21] =	ssyncadd.s32 s8;
	_ =	sdelay $0x1  }
0xa3: {  	s22 =	simm.s32 $0x1B8B  }
0xa4: {  	_ =	swait.ge [sflag:s22], $0x1  }
0xa5: {  	[sflag:s22] =	ssyncset.done $0x0  }
0xa6: {  	s23 =	simm.s32 $0x1B8E;
	[sflag:s22] =	ssyncadd.s32 $0xFFFFFFFF  }
0xa7: {  	s24 =	simm.s32 $execute0_lowered;
	[smem:$0x3FD2] =	sst s23  }
0xa8: {  	s8 =	sshll.u32 s24, $0x1;
	_ =	strace $0x80000046;
	[dreg:$0x1] =	wrdreg $0xFFFFFFFF  }
0xa9: {  	s25 =	simm.s32 $_size_execute0_lowered;
	s7 =	sadd.s32 s7, s8;
	[dreg:$0x0] =	wrdreg $0x0  }
0xaa: {  	s8 =	sshll.u32 s25, $0x1;
	[dreg:$0x2] =	wrdreg s7  }
0xab: {  	[dreg:$0x3] =	wrdreg s8  }
0xac: {  	[dreg:$0x4] =	wrdreg $0xC0  }
0xad: {  	_ =	task [dreg:s11], $0x5FFFF  }
0xae: {  	[dreg:$0x1] =	wrdreg $0xFFFFFFFF  }
0xaf: {  	[dreg:$0x0] =	wrdreg $0x60  }
0xb0: {  	[dreg:$0x2] =	wrdreg s17  }
0xb1: {  	[dreg:$0x3] =	wrdreg s2  }
0xb2: {  	[dreg:$0x4] =	wrdreg s3  }
0xb3: {  	[dreg:$0x5] =	wrdreg s4  }
0xb4: {  	[dreg:$0x6] =	wrdreg s5  }
0xb5: {  	s0 =	sadd.s32 $0x400, s0;
	[dreg:$0x7] =	wrdreg s6  }
0xb6: {  	[dreg:$0x8] =	wrdreg s0  }
0xb7: {  	[dreg:$0x9] =	wrdreg $0x9  }
0xb8: {  	_ =	task.clear_ibuf [dreg:s11], $0xAFFFF;
	_ =	strace $0x90000046  }
0xb9: {  	s26 =	simm.s32 $0x9;
	_ =	strace $0x80000048  }
0xba: {  	_ =	swait.ge [sflag:s26], $0x1  }
0xbb: {  	[sflag:s26] =	ssyncadd.s32 $0xFFFFFFFF  }
0xbc: {  	_ =	strace $0x90000048  }
0xbd: {  	_ =	sfence  }
0xbe: {  	s28 =	sld [smem:$0x0];
	_ =	sdelay $0x1  }
0xbf: {  	s29 =	srdreg.scid  }
0xc0: {  	s30 =	sshll.u32 s29, $0xD;
	s31 =	sshrl.u32 s29, $0x2  }
0xc1: {  	s1 =	sand.u32 $0x1, s29;
	s2 =	sand.u32 $0x4000, s30;
	s0 =	sadd.s32 s31, s28  }
0xc2: {  	s1 =	sor.u32 s2, s1;
	s0 =	sshll.u32 s0, $0x11  }
0xc3: {  	s0 =	sor.u32 s0, s1  }
0xc4: {  	s0 =	sadd.s32 $0x8F2B, s0  }
0xc5: {  	[sflag:s0] =	ssyncadd.remote.s32 $0x1  }
0xc6: {  	_ =	sfence.sel $0xFFFF  }
0xc7: {  	[dreg:$0x0] =	wrdreg $0xFFFFFFFF;
	(pc) =	sbr.abs _section_cstart, $3  }
0xc8: {  	[dreg:$0x1] =	wrdreg $0xFFFFFFFF  }
0xc9: {  	_ =	task.clear_ibuf [dreg:s11], $0x2FFFF;
	_ =	strace $0x9FFFFFFF  }
0xca: {  	(tm) =	ssettm $0x7FFFFFFF  }
0xcb: {  	_ =	shalt  }
tec
execute0_lowered:
.L_overlay_start_1:
0x0: {  	(tag) =	ssettag $0x1  }
0x1: {  	s6 =	rddreg [dreg:$0x0]  }
0x2: {  	s5 =	rddreg [dreg:$0x1]  }
0x3: {  	s4 =	rddreg [dreg:$0x2]  }
0x4: {  	s7 =	rddreg [dreg:$0x3]  }
0x5: {  	s10 =	rddreg [dreg:$0x4]  }
0x6: {  	s1 =	rddreg [dreg:$0x5]  }
0x7: {  	s3 =	rddreg [dreg:$0x6];
	s8 =	simm.s32 $0x0  }
0x8: {  	v0 =	vimm.f32 $0.0e+00;
	[smem:$0x7FF] =	sst s8  }
0x9: {  	s0 =	rddreg [dreg:$0x7];
	v1 =	vimm.f32 $1.000000000e+00;
	_ =	strace $0x80000047;
	[tilespmem:$0xB080] =	vst v0  }
0xa: {  	[tilespmem:$0xB000] =	vst v1  }
0xb: {  	[tilespmem:$0xB090] =	vst v0  }
0xc: {  	[tilespmem:$0xB010] =	vst v1  }
0xd: {  	[tilespmem:$0xB0A0] =	vst v0  }
0xe: {  	[tilespmem:$0xB020] =	vst v1  }
0xf: {  	[tilespmem:$0xB0B0] =	vst v0  }
0x10: {  	[tilespmem:$0xB030] =	vst v1  }
0x11: {  	[tilespmem:$0xB0C0] =	vst v0  }
0x12: {  	[tilespmem:$0xB040] =	vst v1  }
0x13: {  	[tilespmem:$0xB0D0] =	vst v0  }
0x14: {  	[tilespmem:$0xB050] =	vst v1  }
0x15: {  	[tilespmem:$0xB0E0] =	vst v0  }
0x16: {  	s2 =	stileid.u32;
	[tilespmem:$0xB060] =	vst v1  }
0x17: {  	s11 =	sshll.u32 s2, $0x7;
	[tilespmem:$0xB0F0] =	vst v0  }
0x18: {  	s9 =	simm.s32 $0x2;
	s7 =	sadd.s32 s7, s11;
	[tilespmem:$0xB070] =	vst v1  }
0x19: {  	[tilespmem:s8], [sflag:$0x2] =	stream.linear.gather [hbm4b:s7+s8], $0x400, $0x38;
	[tilespmem:$0xB180] =	vst v63  }
0x1a: {  	_ =	swait.ge [sflag:s9], $0x400  }
0x1b: {  	[sflag:s9] =	ssyncset.done $0x0  }
0x1c: {  	s13 =	simm.s32 $0x400;
	s12 =	sadd.s32 s10, s11;
	[sflag:s9] =	ssyncadd.s32 $0xFFFFFC00  }
0x1d: {  	[tilespmem:s13], [sflag:$0x2] =	stream.linear.gather [hbm4b:s12+s8], $0x400, $0x38;
	[tilespmem:$0xB180] =	vst v63  }
0x1e: {  	_ =	swait.ge [sflag:s9], $0x400  }
0x1f: {  	[sflag:s9] =	ssyncset.done $0x0  }
0x20: {  	[sflag:s9] =	ssyncadd.s32 $0xFFFFFC00  }
0x21: {  	v1 =	vld [tilespmem:$0x0]  }
0x22: {  	v2 =	vld [tilespmem:$0x400]  }
0x23: {  	v7 =	vld [tilespmem:$0x10]  }
0x24: {  	v8 =	vld [tilespmem:$0x410]  }
0x25: {  	v11 =	vld [tilespmem:$0x20]  }
0x26: {  	v12 =	vld [tilespmem:$0x420]  }
0x27: {  	v13 =	vld [tilespmem:$0x30]  }
0x28: {  	v14 =	vld [tilespmem:$0x430]  }
0x29: {  	v15 =	vld [tilespmem:$0x40]  }
0x2a: {  	v16 =	vld [tilespmem:$0x440]  }
0x2b: {  	v17 =	vld [tilespmem:$0x50]  }
0x2c: {  	v18 =	vld [tilespmem:$0x450]  }
0x2d: {  	v19 =	vld [tilespmem:$0x60]  }
0x2e: {  	v20 =	vld [tilespmem:$0x460]  }
0x2f: {  	v21 =	vld [tilespmem:$0x70]  }
0x30: {  	v22 =	vld [tilespmem:$0x470]  }
0x31: {  	v23 =	vld [tilespmem:$0x80]  }
0x32: {  	v24 =	vld [tilespmem:$0x480]  }
0x33: {  	v25 =	vld [tilespmem:$0x90]  }
0x34: {  	v26 =	vld [tilespmem:$0x490]  }
0x35: {  	v27 =	vld [tilespmem:$0xA0]  }
0x36: {  	v28 =	vld [tilespmem:$0x4A0]  }
0x37: {  	v29 =	vld [tilespmem:$0xB0]  }
0x38: {  	v30 =	vld [tilespmem:$0x4B0]  }
0x39: {  	v31 =	vld [tilespmem:$0xC0]  }
0x3a: {  	v32 =	vld [tilespmem:$0x4C0]  }
0x3b: {  	v33 =	vld [tilespmem:$0xD0]  }
0x3c: {  	v34 =	vld [tilespmem:$0x4D0]  }
0x3d: {  	v35 =	vld [tilespmem:$0xE0]  }
0x3e: {  	v36 =	vld [tilespmem:$0x4E0]  }
0x3f: {  	v37 =	vld [tilespmem:$0xF0]  }
0x40: {  	v38 =	vld [tilespmem:$0x4F0]  }
0x41: {  	v39 =	vld [tilespmem:$0x100]  }
0x42: {  	v0 =	vld [tilespmem:$0x5F0]  }
0x43: {  	v40 =	vld [tilespmem:$0x500]  }
0x44: {  	v41 =	vld [tilespmem:$0x110]  }
0x45: {  	v42 =	vld [tilespmem:$0x510]  }
0x46: {  	v43 =	vld [tilespmem:$0x120]  }
0x47: {  	[tilespmem:$0x1FFB0] =	vst v0;
	v0 =	vld [tilespmem:$0x200]  }
0x48: {  	v44 =	vld [tilespmem:$0x520]  }
0x49: {  	v45 =	vld [tilespmem:$0x130]  }
0x4a: {  	v46 =	vld [tilespmem:$0x530]  }
0x4b: {  	v47 =	vld [tilespmem:$0x140]  }
0x4c: {  	[tilespmem:$0x1FFC0] =	vst v0;
	v0 =	vld [tilespmem:$0x600]  }
0x4d: {  	v48 =	vld [tilespmem:$0x540]  }
0x4e: {  	v49 =	vld [tilespmem:$0x150]  }
0x4f: {  	v50 =	vld [tilespmem:$0x550]  }
0x50: {  	v51 =	vld [tilespmem:$0x160]  }
0x51: {  	[tilespmem:$0x1FFD0] =	vst v0;
	v0 =	vld [tilespmem:$0x210]  }
0x52: {  	v52 =	vld [tilespmem:$0x560]  }
0x53: {  	v53 =	vld [tilespmem:$0x170]  }
0x54: {  	v54 =	vld [tilespmem:$0x570]  }
0x55: {  	v55 =	vld [tilespmem:$0x180]  }
0x56: {  	[tilespmem:$0x1FFE0] =	vst v0;
	v0 =	vld [tilespmem:$0x610]  }
0x57: {  	v56 =	vld [tilespmem:$0x580]  }
0x58: {  	v57 =	vld [tilespmem:$0x190]  }
0x59: {  	v58 =	vld [tilespmem:$0x590]  }
0x5a: {  	v59 =	vld [tilespmem:$0x1A0]  }
0x5b: {  	v60 =	vld [tilespmem:$0x5A0];
	[tilespmem:$0x1FFF0] =	vst v0;
	v0 =	vshll.u32 v1, $0xC  }
0x5c: {  	v61 =	vld [tilespmem:$0x1B0];
	v7 =	vshll.u32 v7, $0xC;
	v0 =	vadd.s32 v2, v0  }
0x5d: {  	v62 =	vld [tilespmem:$0x5B0];
	[tilespmem:$0x800] =	vst v0;
	v0 =	vadd.s32 v8, v7;
	v8 =	vshll.u32 v11, $0xC  }
0x5e: {  	v63 =	vld [tilespmem:$0x1C0];
	v13 =	vshll.u32 v13, $0xC;
	[tilespmem:$0x810] =	vst v0;
	v0 =	vadd.s32 v12, v8  }
0x5f: {  	v4 =	vld [tilespmem:$0x5C0];
	v11 =	vshll.u32 v15, $0xC;
	[tilespmem:$0x820] =	vst v0;
	v0 =	vadd.s32 v14, v13  }
0x60: {  	v3 =	vld [tilespmem:$0x1D0];
	v17 =	vshll.u32 v17, $0xC;
	[tilespmem:$0x830] =	vst v0;
	v0 =	vadd.s32 v16, v11  }
0x61: {  	v6 =	vld [tilespmem:$0x5D0];
	v19 =	vshll.u32 v19, $0xC;
	[tilespmem:$0x840] =	vst v0;
	v0 =	vadd.s32 v18, v17  }
0x62: {  	v5 =	vld [tilespmem:$0x1E0];
	v21 =	vshll.u32 v21, $0xC;
	[tilespmem:$0x850] =	vst v0;
	v0 =	vadd.s32 v20, v19  }
0x63: {  	v9 =	vld [tilespmem:$0x5E0];
	v23 =	vshll.u32 v23, $0xC;
	[tilespmem:$0x860] =	vst v0;
	v0 =	vadd.s32 v22, v21  }
0x64: {  	v10 =	vld [tilespmem:$0x1F0];
	v25 =	vshll.u32 v25, $0xC;
	[tilespmem:$0x870] =	vst v0;
	v0 =	vadd.s32 v24, v23  }
0x65: {  	v27 =	vshll.u32 v27, $0xC;
	v1 =	vld [tilespmem:$0x220];
	[tilespmem:$0x880] =	vst v0;
	v0 =	vadd.s32 v26, v25  }
0x66: {  	v29 =	vshll.u32 v29, $0xC;
	v2 =	vld [tilespmem:$0x620];
	[tilespmem:$0x890] =	vst v0;
	v0 =	vadd.s32 v28, v27  }
0x67: {  	v31 =	vshll.u32 v31, $0xC;
	v7 =	vld [tilespmem:$0x230];
	[tilespmem:$0x8A0] =	vst v0;
	v0 =	vadd.s32 v30, v29  }
0x68: {  	v33 =	vshll.u32 v33, $0xC;
	v15 =	vld [tilespmem:$0x650];
	[tilespmem:$0x8B0] =	vst v0;
	v0 =	vadd.s32 v32, v31  }
0x69: {  	v35 =	vshll.u32 v35, $0xC;
	v8 =	vld [tilespmem:$0x630];
	[tilespmem:$0x8C0] =	vst v0;
	v0 =	vadd.s32 v34, v33  }
0x6a: {  	v37 =	vshll.u32 v37, $0xC;
	v12 =	vld [tilespmem:$0x240];
	[tilespmem:$0x8D0] =	vst v0;
	v0 =	vadd.s32 v36, v35  }
0x6b: {  	v39 =	vshll.u32 v39, $0xC;
	v13 =	vld [tilespmem:$0x640];
	[tilespmem:$0x8E0] =	vst v0;
	v0 =	vadd.s32 v38, v37  }
0x6c: {  	v41 =	vshll.u32 v41, $0xC;
	v14 =	vld [tilespmem:$0x250];
	[tilespmem:$0x8F0] =	vst v0;
	v0 =	vadd.s32 v40, v39  }
0x6d: {  	v43 =	vshll.u32 v43, $0xC;
	v16 =	vld [tilespmem:$0x260];
	[tilespmem:$0x900] =	vst v0;
	v0 =	vadd.s32 v42, v41  }
0x6e: {  	v45 =	vshll.u32 v45, $0xC;
	v17 =	vld [tilespmem:$0x660];
	[tilespmem:$0x910] =	vst v0;
	v0 =	vadd.s32 v44, v43  }
0x6f: {  	v47 =	vshll.u32 v47, $0xC;
	v18 =	vld [tilespmem:$0x270];
	[tilespmem:$0x920] =	vst v0;
	v0 =	vadd.s32 v46, v45  }
0x70: {  	v19 =	vld [tilespmem:$0x670];
	[tilespmem:$0x930] =	vst v0;
	v0 =	vadd.s32 v48, v47;
	v48 =	vshll.u32 v49, $0xC  }
0x71: {  	v20 =	vld [tilespmem:$0x280];
	[tilespmem:$0x940] =	vst v0;
	v0 =	vadd.s32 v50, v48;
	v50 =	vshll.u32 v51, $0xC  }
0x72: {  	v21 =	vld [tilespmem:$0x680];
	[tilespmem:$0x950] =	vst v0;
	v0 =	vadd.s32 v52, v50;
	v52 =	vshll.u32 v53, $0xC  }
0x73: {  	v22 =	vld [tilespmem:$0x290];
	[tilespmem:$0x960] =	vst v0;
	v0 =	vadd.s32 v54, v52;
	v54 =	vshll.u32 v55, $0xC  }
0x74: {  	v23 =	vld [tilespmem:$0x690];
	[tilespmem:$0x970] =	vst v0;
	v0 =	vadd.s32 v56, v54;
	v56 =	vshll.u32 v57, $0xC  }
0x75: {  	v24 =	vld [tilespmem:$0x2A0];
	[tilespmem:$0x980] =	vst v0;
	v0 =	vadd.s32 v58, v56;
	v58 =	vshll.u32 v59, $0xC  }
0x76: {  	v25 =	vld [tilespmem:$0x6A0];
	[tilespmem:$0x990] =	vst v0;
	v0 =	vadd.s32 v60, v58;
	v60 =	vshll.u32 v61, $0xC  }
0x77: {  	v26 =	vld [tilespmem:$0x2B0];
	[tilespmem:$0x9A0] =	vst v0;
	v0 =	vadd.s32 v62, v60;
	v62 =	vshll.u32 v63, $0xC  }
0x78: {  	v3 =	vshll.u32 v3, $0xC;
	v27 =	vld [tilespmem:$0x6B0];
	[tilespmem:$0x9B0] =	vst v0;
	v0 =	vadd.s32 v4, v62  }
0x79: {  	v28 =	vld [tilespmem:$0x2C0];
	[tilespmem:$0x9C0] =	vst v0;
	v0 =	vadd.s32 v6, v3;
	v3 =	vshll.u32 v5, $0xC  }
0x7a: {  	v40 =	vld [tilespmem:$0x320];
	[tilespmem:$0x9D0] =	vst v0;
	v0 =	vadd.s32 v9, v3  }
0x7b: {  	[tilespmem:$0x9E0] =	vst v0;
	v0 =	vld [tilespmem:$0x1FFB0]  }
0x7c: {  	v41 =	vld [tilespmem:$0x720]  }
0x7d: {  	v42 =	vld [tilespmem:$0x350]  }
0x7e: {  	v43 =	vld [tilespmem:$0x750]  }
0x7f: {  	v44 =	vld [tilespmem:$0x360];
	v3 =	vshll.u32 v10, $0xC  }
0x80: {  	v0 =	vadd.s32 v0, v3;
	v3 =	vld [tilespmem:$0x1FFC0]  }
0x81: {  	[tilespmem:$0x9F0] =	vst v0;
	v0 =	vld [tilespmem:$0x1FFD0]  }
0x82: {  	v45 =	vld [tilespmem:$0x760]  }
0x83: {  	v46 =	vld [tilespmem:$0x370]  }
0x84: {  	v49 =	vld [tilespmem:$0x6C0]  }
0x85: {  	v47 =	vld [tilespmem:$0x770];
	v3 =	vshll.u32 v3, $0xC  }
0x86: {  	v0 =	vadd.s32 v0, v3;
	v3 =	vld [tilespmem:$0x1FFE0]  }
0x87: {  	[tilespmem:$0xA00] =	vst v0;
	v0 =	vld [tilespmem:$0x1FFF0]  }
0x88: {  	v51 =	vld [tilespmem:$0x2D0]  }
0x89: {  	v48 =	vld [tilespmem:$0x380]  }
0x8a: {  	v53 =	vld [tilespmem:$0x6D0]  }
0x8b: {  	v50 =	vld [tilespmem:$0x390];
	v3 =	vshll.u32 v3, $0xC  }
0x8c: {  	v1 =	vshll.u32 v1, $0xC;
	v55 =	vld [tilespmem:$0x2E0];
	v0 =	vadd.s32 v0, v3  }
0x8d: {  	v52 =	vld [tilespmem:$0x3A0];
	[tilespmem:$0xA10] =	vst v0;
	v0 =	vadd.s32 v2, v1;
	v1 =	vshll.u32 v7, $0xC  }
0x8e: {  	v57 =	vld [tilespmem:$0x6E0];
	[tilespmem:$0xA20] =	vst v0;
	v0 =	vadd.s32 v8, v1;
	v1 =	vshll.u32 v12, $0xC  }
0x8f: {  	v54 =	vld [tilespmem:$0x7E0];
	[tilespmem:$0xA30] =	vst v0;
	v0 =	vadd.s32 v13, v1;
	v1 =	vshll.u32 v14, $0xC  }
0x90: {  	v59 =	vld [tilespmem:$0x2F0];
	[tilespmem:$0xA40] =	vst v0;
	v0 =	vadd.s32 v15, v1;
	v1 =	vshll.u32 v16, $0xC  }
0x91: {  	v61 =	vld [tilespmem:$0x6F0];
	[tilespmem:$0xA50] =	vst v0;
	v0 =	vadd.s32 v17, v1;
	v1 =	vshll.u32 v18, $0xC  }
0x92: {  	v63 =	vld [tilespmem:$0x300];
	[tilespmem:$0xA60] =	vst v0;
	v0 =	vadd.s32 v19, v1;
	v1 =	vshll.u32 v20, $0xC  }
0x93: {  	v4 =	vld [tilespmem:$0x700];
	[tilespmem:$0xA70] =	vst v0;
	v0 =	vadd.s32 v21, v1;
	v1 =	vshll.u32 v22, $0xC  }
0x94: {  	v5 =	vld [tilespmem:$0x310];
	[tilespmem:$0xA80] =	vst v0;
	v0 =	vadd.s32 v23, v1;
	v1 =	vshll.u32 v24, $0xC  }
0x95: {  	v6 =	vld [tilespmem:$0x710];
	[tilespmem:$0xA90] =	vst v0;
	v0 =	vadd.s32 v25, v1;
	v1 =	vshll.u32 v26, $0xC  }
0x96: {  	v3 =	vld [tilespmem:$0x330];
	[tilespmem:$0xAA0] =	vst v0;
	v0 =	vadd.s32 v27, v1;
	v1 =	vshll.u32 v28, $0xC  }
0x97: {  	v2 =	vld [tilespmem:$0x730];
	[tilespmem:$0xAB0] =	vst v0;
	v0 =	vadd.s32 v49, v1;
	v1 =	vshll.u32 v51, $0xC  }
0x98: {  	v7 =	vld [tilespmem:$0x340];
	[tilespmem:$0xAC0] =	vst v0;
	v0 =	vadd.s32 v53, v1;
	v1 =	vshll.u32 v55, $0xC  }
0x99: {  	v8 =	vld [tilespmem:$0x740];
	[tilespmem:$0xAD0] =	vst v0;
	v0 =	vadd.s32 v57, v1;
	v1 =	vshll.u32 v59, $0xC  }
0x9a: {  	v49 =	vld [tilespmem:$0x780];
	[tilespmem:$0xAE0] =	vst v0;
	v0 =	vadd.s32 v61, v1;
	v1 =	vshll.u32 v63, $0xC  }
0x9b: {  	v51 =	vld [tilespmem:$0x790];
	[tilespmem:$0xAF0] =	vst v0;
	v0 =	vadd.s32 v4, v1;
	v1 =	vshll.u32 v5, $0xC  }
0x9c: {  	v53 =	vld [tilespmem:$0x3E0];
	[tilespmem:$0xB00] =	vst v0;
	v0 =	vadd.s32 v6, v1;
	v1 =	vshll.u32 v40, $0xC  }
0x9d: {  	v4 =	vld [tilespmem:$0x7A0];
	[tilespmem:$0xB10] =	vst v0;
	v0 =	vadd.s32 v41, v1;
	v1 =	vshll.u32 v3, $0xC  }
0x9e: {  	v5 =	vld [tilespmem:$0x3B0];
	[tilespmem:$0xB20] =	vst v0;
	v0 =	vadd.s32 v2, v1;
	v1 =	vshll.u32 v7, $0xC  }
0x9f: {  	v6 =	vld [tilespmem:$0x7C0];
	[tilespmem:$0xB30] =	vst v0;
	v0 =	vadd.s32 v8, v1;
	v1 =	vshll.u32 v42, $0xC  }
0xa0: {  	v3 =	vld [tilespmem:$0x7B0];
	[tilespmem:$0xB40] =	vst v0;
	v0 =	vadd.s32 v43, v1;
	v1 =	vshll.u32 v44, $0xC  }
0xa1: {  	v2 =	vld [tilespmem:$0x3C0];
	[tilespmem:$0xB50] =	vst v0;
	v0 =	vadd.s32 v45, v1;
	v1 =	vshll.u32 v46, $0xC  }
0xa2: {  	v7 =	vld [tilespmem:$0x3D0];
	[tilespmem:$0xB60] =	vst v0;
	v0 =	vadd.s32 v47, v1;
	v1 =	vshll.u32 v48, $0xC  }
0xa3: {  	v8 =	vld [tilespmem:$0x7D0];
	[tilespmem:$0xB70] =	vst v0;
	v0 =	vadd.s32 v49, v1;
	v1 =	vshll.u32 v50, $0xC  }
0xa4: {  	v55 =	vld [tilespmem:$0x3F0];
	[tilespmem:$0xB80] =	vst v0;
	v0 =	vadd.s32 v51, v1;
	v1 =	vshll.u32 v52, $0xC  }
0xa5: {  	[tilespmem:$0xB90] =	vst v0;
	v0 =	vadd.s32 v4, v1;
	v1 =	vshll.u32 v5, $0xC;
	v4 =	vld [tilespmem:$0x7F0]  }
0xa6: {  	[tilespmem:$0xBA0] =	vst v0;
	v0 =	vadd.s32 v3, v1;
	v1 =	vshll.u32 v2, $0xC  }
0xa7: {  	[tilespmem:$0xBB0] =	vst v0;
	v0 =	vadd.s32 v6, v1;
	v1 =	vshll.u32 v7, $0xC  }
0xa8: {  	[tilespmem:$0xBC0] =	vst v0;
	v0 =	vadd.s32 v8, v1;
	v1 =	vshll.u32 v53, $0xC  }
0xa9: {  	[tilespmem:$0xBD0] =	vst v0;
	v0 =	vadd.s32 v54, v1;
	v1 =	vshll.u32 v55, $0xC  }
0xaa: {  	[tilespmem:$0xBE0] =	vst v0;
	v0 =	vadd.s32 v4, v1  }
0xab: {  	s14 =	simm.s32 $0x80;
	s15 =	simm.s32 $0x800;
	s16 =	simm.s32 $0xB080;
	[tilespmem:$0xBF0] =	vst v0  }
0xac: {  	[hbm4b:s3+s14] =	stream.indirect.scatter [tilespmem:s16], [sflag:$0x1], $0x1, s15, s14, $0xb8;
	[tilespmem:$0xB180] =	vst v63  }
0xad: {  	s17 =	simm.s32 $0x880  }
0xae: {  	[hbm4b:s3+s14] =	stream.indirect.scatter [tilespmem:s16], [sflag:$0x1], $0x1, s17, s14, $0xb8;
	[tilespmem:$0xB180] =	vst v63  }
0xaf: {  	s18 =	simm.s32 $0x900  }
0xb0: {  	[hbm4b:s3+s14] =	stream.indirect.scatter [tilespmem:s16], [sflag:$0x1], $0x1, s18, s14, $0xb8;
	[tilespmem:$0xB180] =	vst v63  }
0xb1: {  	s19 =	simm.s32 $0x980  }
0xb2: {  	[hbm4b:s3+s14] =	stream.indirect.scatter [tilespmem:s16], [sflag:$0x1], $0x1, s19, s14, $0xb8;
	[tilespmem:$0xB180] =	vst v63  }
0xb3: {  	s20 =	simm.s32 $0xA00  }
0xb4: {  	[hbm4b:s3+s14] =	stream.indirect.scatter [tilespmem:s16], [sflag:$0x1], $0x1, s20, s14, $0xb8;
	[tilespmem:$0xB180] =	vst v63  }
0xb5: {  	s21 =	simm.s32 $0xA80  }
0xb6: {  	[hbm4b:s3+s14] =	stream.indirect.scatter [tilespmem:s16], [sflag:$0x1], $0x1, s21, s14, $0xb8;
	[tilespmem:$0xB180] =	vst v63  }
0xb7: {  	s22 =	simm.s32 $0xB00  }
0xb8: {  	[hbm4b:s3+s14] =	stream.indirect.scatter [tilespmem:s16], [sflag:$0x1], $0x1, s22, s14, $0xb8;
	[tilespmem:$0xB180] =	vst v63  }
0xb9: {  	s23 =	simm.s32 $0xB80;
	s24 =	simm.s32 $0x1  }
0xba: {  	[hbm4b:s3+s14] =	stream.indirect.scatter [tilespmem:s16], [sflag:$0x1], $0x1, s23, s14, $0xb8;
	[tilespmem:$0xB180] =	vst v63  }
0xbb: {  	_ =	swait.ge [sflag:s24], $0x80  }
0xbc: {  	[sflag:s24] =	ssyncset.done $0x0  }
0xbd: {  	[sflag:s24] =	ssyncadd.s32 $0xFFFFFF80  }
0xbe: {  	_ =	swait.ge [sflag:s24], $0x80  }
0xbf: {  	[sflag:s24] =	ssyncset.done $0x0  }
0xc0: {  	[sflag:s24] =	ssyncadd.s32 $0xFFFFFF80  }
0xc1: {  	_ =	swait.ge [sflag:s24], $0x80  }
0xc2: {  	[sflag:s24] =	ssyncset.done $0x0  }
0xc3: {  	[sflag:s24] =	ssyncadd.s32 $0xFFFFFF80  }
0xc4: {  	_ =	swait.ge [sflag:s24], $0x80  }
0xc5: {  	[sflag:s24] =	ssyncset.done $0x0  }
0xc6: {  	[sflag:s24] =	ssyncadd.s32 $0xFFFFFF80  }
0xc7: {  	_ =	swait.ge [sflag:s24], $0x80  }
0xc8: {  	[sflag:s24] =	ssyncset.done $0x0  }
0xc9: {  	[sflag:s24] =	ssyncadd.s32 $0xFFFFFF80  }
0xca: {  	_ =	swait.ge [sflag:s24], $0x80  }
0xcb: {  	[sflag:s24] =	ssyncset.done $0x0  }
0xcc: {  	[sflag:s24] =	ssyncadd.s32 $0xFFFFFF80  }
0xcd: {  	_ =	swait.ge [sflag:s24], $0x80  }
0xce: {  	[sflag:s24] =	ssyncset.done $0x0  }
0xcf: {  	[sflag:s24] =	ssyncadd.s32 $0xFFFFFF80  }
0xd0: {  	_ =	swait.ge [sflag:s24], $0x80  }
0xd1: {  	[sflag:s24] =	ssyncset.done $0x0  }
0xd2: {  	s7 =	sshll.u32 s2, $0xC;
	[sflag:s24] =	ssyncadd.s32 $0xFFFFFF80  }
0xd3: {  	s26 =	simm.s32 $0x1000;
	s25 =	sadd.s32 s6, s7;
	[bflag:$0x0] =	sbarrier.arrive $0xFFFF  }
0xd4: {  	[tilespmem:s26], [sflag:$0x2] =	stream.linear.gather [hbm4b:s25+s8], $0x2000, $0x38;
	[tilespmem:$0xB180] =	vst v63  }
0xd5: {  	_ =	swait.ge [sflag:s9], $0x2000  }
0xd6: {  	[sflag:s9] =	ssyncset.done $0x0  }
0xd7: {  	s29 =	simm.s32 $0x3000;
	s28 =	sadd.s32 s5, s7;
	[sflag:s9] =	ssyncadd.s32 $0xFFFFE000  }
0xd8: {  	[tilespmem:s29], [sflag:$0x2] =	stream.linear.gather [hbm4b:s28+s8], $0x2000, $0x38;
	[tilespmem:$0xB180] =	vst v63  }
0xd9: {  	_ =	swait.ge [sflag:s9], $0x2000  }
0xda: {  	[sflag:s9] =	ssyncset.done $0x0  }
0xdb: {  	s31 =	simm.s32 $0x5000;
	s30 =	sadd.s32 s4, s7;
	[sflag:s9] =	ssyncadd.s32 $0xFFFFE000  }
0xdc: {  	[tilespmem:s31], [sflag:$0x2] =	stream.linear.gather [hbm4b:s30+s8], $0x2000, $0x38;
	[tilespmem:$0xB180] =	vst v63  }
0xdd: {  	_ =	swait.ge [sflag:s9], $0x2000  }
0xde: {  	[sflag:s9] =	ssyncset.done $0x0  }
0xdf: {  	[sflag:s9] =	ssyncadd.s32 $0xFFFFE000;
	s9 =	simm.s32 $0x0  }
0xe0: {  	v0 =	vld [tilespmem:s9+$0x3070]  }
0xe1: {  	v1 =	vld [tilespmem:s9+$0x1070]  }
0xe2: {  	v2 =	vld [tilespmem:s9+$0x5070]  }
0xe3: {  	v3 =	vld [tilespmem:s9+$0x1000]  }
0xe4: {  	v4 =	vld [tilespmem:s9+$0x1010]  }
0xe5: {  	v5 =	vld [tilespmem:s9+$0x1020]  }
0xe6: {  	v6 =	vld [tilespmem:s9+$0x1030];
	v1 =	vshll.u32 v1, $0xC  }
0xe7: {  	v7 =	vld [tilespmem:s9+$0x1040];
	vm0 =	vgt.f32 v2, $3.000000120e-01;
	v0 =	vadd.s32 v0, v1  }
0xe8: {  	v2 =	vld [tilespmem:s9+$0x5000];
	v0 =	vnsel vm0, $0xFFFFFFFF, v0  }
0xe9: {  	[tilespmem:s9+$0x7070] =	vst v0;
	v0 =	vld [tilespmem:s9+$0x3000]  }
0xea: {  	v8 =	vld [tilespmem:s9+$0x1060]  }
0xeb: {  	v56 =	vld [tilespmem:s9+$0x3010]  }
0xec: {  	v57 =	vld [tilespmem:s9+$0x5010]  }
0xed: {  	v58 =	vld [tilespmem:s9+$0x3020];
	v3 =	vshll.u32 v3, $0xC  }
0xee: {  	v59 =	vld [tilespmem:s9+$0x5020];
	vm0 =	vgt.f32 v2, $3.000000120e-01;
	v0 =	vadd.s32 v0, v3  }
0xef: {  	v60 =	vld [tilespmem:s9+$0x5030];
	v0 =	vnsel vm0, $0xFFFFFFFF, v0  }
0xf0: {  	v61 =	vld [tilespmem:s9+$0x3040];
	[tilespmem:s9+$0x7000] =	vst v0;
	v0 =	vshll.u32 v4, $0xC  }
0xf1: {  	v2 =	vld [tilespmem:s9+$0x3030];
	vm0 =	vgt.f32 v57, $3.000000120e-01;
	v0 =	vadd.s32 v56, v0  }
0xf2: {  	v62 =	vld [tilespmem:s9+$0x5040];
	v3 =	vshll.u32 v5, $0xC;
	v0 =	vnsel vm0, $0xFFFFFFFF, v0  }
0xf3: {  	v1 =	vld [tilespmem:s9+$0x1050];
	vm0 =	vgt.f32 v59, $3.000000120e-01;
	[tilespmem:s9+$0x7010] =	vst v0;
	v0 =	vadd.s32 v58, v3  }
0xf4: {  	v4 =	vld [tilespmem:s9+$0x3050];
	v0 =	vnsel vm0, $0xFFFFFFFF, v0  }
0xf5: {  	v5 =	vld [tilespmem:s9+$0x5050];
	[tilespmem:s9+$0x7020] =	vst v0;
	v0 =	vshll.u32 v6, $0xC  }
0xf6: {  	v7 =	vshll.u32 v7, $0xC;
	v3 =	vld [tilespmem:s9+$0x3060];
	vm0 =	vgt.f32 v60, $3.000000120e-01;
	v0 =	vadd.s32 v2, v0  }
0xf7: {  	s10 =	simm.s32 $0x80;
	s11 =	simm.s32 $0x400;
	v7 =	vadd.s32 v61, v7;
	v6 =	vld [tilespmem:s9+$0x5060];
	v63 =	vnsel vm0, $0xFFFFFFFF, v0  }
0xf8: {  	s8 =	simm.s32 $0x200;
	v1 =	vshll.u32 v1, $0xC;
	v2 =	vld [tilespmem:s10+$0x3070];
	v0 =	vshll.u32 v8, $0xC;
	vm0 =	vgt.f32 v62, $3.000000120e-01;
	[tilespmem:s9+$0x7030] =	vst v63  }
.LBB2_1:
0xf9: {  	p0 =	sne.s32 s11, $0x7E00;
	v8 =	vld [tilespmem:s10+$0x1070];
	v7 =	vnsel vm0, $0xFFFFFFFF, v7;
	v1 =	vadd.s32 v4, v1  }
0xfa: {  	v4 =	vld [tilespmem:s10+$0x5070];
	[tilespmem:s9+$0x7040] =	vst v7;
	vm0 =	vgt.f32 v5, $3.000000120e-01  }
0xfb: {  	v5 =	vld [tilespmem:s10+$0x1000];
	v1 =	vnsel vm0, $0xFFFFFFFF, v1;
	v0 =	vadd.s32 v3, v0  }
0xfc: {  	v3 =	vld [tilespmem:s10+$0x1010];
	[tilespmem:s9+$0x7050] =	vst v1;
	vm0 =	vgt.f32 v6, $3.000000120e-01  }
0xfd: {  	v1 =	vld [tilespmem:s10+$0x1020];
	v0 =	vnsel vm0, $0xFFFFFFFF, v0  }
0xfe: {  	v6 =	vld [tilespmem:s10+$0x1030];
	v7 =	vshll.u32 v8, $0xC;
	[tilespmem:s9+$0x7060] =	vst v0;
	s9 =	smov.u32 s10  }
0xff: {  	v0 =	vld [tilespmem:s9+$0x1040];
	v2 =	vadd.s32 v2, v7;
	vm0 =	vgt.f32 v4, $3.000000120e-01  }
0x100: {  	v4 =	vshll.u32 v5, $0xC;
	v5 =	vld [tilespmem:s9+$0x1050];
	v2 =	vnsel vm0, $0xFFFFFFFF, v2  }
0x101: {  	v3 =	vshll.u32 v3, $0xC;
	v7 =	vld [tilespmem:s9+$0x1060];
	[tilespmem:s9+$0x7070] =	vst v2  }
0x102: {  	v2 =	vld [tilespmem:s9+$0x3000];
	v8 =	vshll.u32 v1, $0xC  }
0x103: {  	v9 =	vld [tilespmem:s9+$0x5000];
	v6 =	vshll.u32 v6, $0xC  }
0x104: {  	v10 =	vld [tilespmem:s9+$0x3010];
	v11 =	vshll.u32 v0, $0xC  }
0x105: {  	v12 =	vld [tilespmem:s9+$0x5010];
	v1 =	vshll.u32 v5, $0xC  }
0x106: {  	v5 =	vld [tilespmem:s9+$0x3020];
	v0 =	vshll.u32 v7, $0xC  }
0x107: {  	v2 =	vadd.s32 v2, v4;
	v4 =	vld [tilespmem:s9+$0x5020]  }
0x108: {  	vm0 =	vgt.f32 v9, $3.000000120e-01;
	v7 =	vld [tilespmem:s9+$0x3030]  }
0x109: {  	v2 =	vnsel vm0, $0xFFFFFFFF, v2;
	v3 =	vadd.s32 v10, v3;
	v9 =	vld [tilespmem:s9+$0x5030]  }
0x10a: {  	[tilespmem:s9+$0x7000] =	vst v2;
	vm0 =	vgt.f32 v12, $3.000000120e-01;
	v2 =	vld [tilespmem:s9+$0x3040]  }
0x10b: {  	v3 =	vnsel vm0, $0xFFFFFFFF, v3;
	v5 =	vadd.s32 v5, v8;
	v8 =	vld [tilespmem:s9+$0x5040]  }
.Ltmp0:
0x10c: {  	[tilespmem:s9+$0x7010] =	vst v3;
	vm0 =	vgt.f32 v4, $3.000000120e-01;
	v4 =	vld [tilespmem:s9+$0x3050];
	(pc) =	sbr.rel @p0 .LBB2_1-.Ltmp0, $4  }
0x10d: {  	v3 =	vnsel vm0, $0xFFFFFFFF, v5;
	v6 =	vadd.s32 v7, v6;
	v5 =	vld [tilespmem:s9+$0x5050]  }
0x10e: {  	[tilespmem:s9+$0x7020] =	vst v3;
	vm0 =	vgt.f32 v9, $3.000000120e-01;
	v3 =	vld [tilespmem:s9+$0x3060]  }
0x10f: {  	s10 =	sshra.s32 s11, $0x2;
	v9 =	vnsel vm0, $0xFFFFFFFF, v6;
	v7 =	vadd.s32 v2, v11;
	v6 =	vld [tilespmem:s9+$0x5060]  }
0x110: {  	s11 =	sadd.s32 $0x200, s11;
	v2 =	vld [tilespmem:s10+$0x3070];
	[tilespmem:s9+$0x7030] =	vst v9;
	vm0 =	vgt.f32 v8, $3.000000120e-01  }
0x111: {  	v8 =	vld [tilespmem:s10+$0x1070];
	v7 =	vnsel vm0, $0xFFFFFFFF, v7  }
0x112: {  	v9 =	vld [tilespmem:s10+$0x5070];
	v1 =	vadd.s32 v4, v1;
	[tilespmem:s9+$0x7040] =	vst v7;
	vm6 =	vgt.f32 v5, $3.000000120e-01  }
0x113: {  	v43 =	vld [tilespmem:s10+$0x1000];
	v1 =	vnsel vm6, $0xFFFFFFFF, v1  }
0x114: {  	v44 =	vld [tilespmem:s10+$0x1010];
	v0 =	vadd.s32 v3, v0;
	[tilespmem:s9+$0x7050] =	vst v1;
	vm7 =	vgt.f32 v6, $3.000000120e-01  }
0x115: {  	v1 =	vld [tilespmem:s10+$0x1020];
	v0 =	vnsel vm7, $0xFFFFFFFF, v0  }
0x116: {  	v45 =	vld [tilespmem:s10+$0x1030];
	[tilespmem:s9+$0x7060] =	vst v0  }
0x117: {  	v47 =	vld [tilespmem:s10+$0x1040]  }
0x118: {  	v48 =	vld [tilespmem:s10+$0x1050]  }
0x119: {  	v7 =	vld [tilespmem:s10+$0x1060]  }
0x11a: {  	v49 =	vld [tilespmem:s10+$0x3000]  }
0x11b: {  	v50 =	vld [tilespmem:s10+$0x5000]  }
0x11c: {  	v51 =	vld [tilespmem:s10+$0x3010]  }
0x11d: {  	v10 =	vld [tilespmem:s10+$0x5010]  }
0x11e: {  	v11 =	vld [tilespmem:s10+$0x3020]  }
0x11f: {  	v12 =	vld [tilespmem:s10+$0x5020]  }
0x120: {  	v52 =	vld [tilespmem:s10+$0x3030]  }
0x121: {  	v46 =	vshll.u32 v8, $0xC;
	v53 =	vld [tilespmem:s10+$0x5030]  }
0x122: {  	vm8 =	vgt.f32 v9, $3.000000120e-01;
	v0 =	vadd.s32 v2, v46;
	v55 =	vld [tilespmem:s10+$0x3040]  }
0x123: {  	v56 =	vld [tilespmem:s10+$0x5040];
	v0 =	vnsel vm8, $0xFFFFFFFF, v0  }
0x124: {  	v58 =	vld [tilespmem:s10+$0x3050];
	v4 =	vshll.u32 v43, $0xC;
	v54 =	vshll.u32 v44, $0xC;
	v1 =	vshll.u32 v1, $0xC  }
0x125: {  	v59 =	vld [tilespmem:s10+$0x5050];
	[tilespmem:s10+$0x7070] =	vst v0;
	v3 =	vshll.u32 v45, $0xC;
	v0 =	vadd.s32 v49, v4;
	vm9 =	vgt.f32 v50, $3.000000120e-01  }
0x126: {  	v60 =	vld [tilespmem:s10+$0x3060];
	vm10 =	vgt.f32 v10, $3.000000120e-01;
	v57 =	vadd.s32 v11, v1;
	v6 =	vshll.u32 v47, $0xC  }
0x127: {  	v61 =	vld [tilespmem:s10+$0x5060];
	v3 =	vadd.s32 v52, v3;
	vm12 =	vgt.f32 v53, $3.000000120e-01;
	v0 =	vnsel vm9, $0xFFFFFFFF, v0  }
0x128: {  	vm13 =	vgt.f32 v56, $3.000000120e-01;
	v3 =	vnsel vm12, $0xFFFFFFFF, v3;
	v62 =	vadd.s32 v55, v6;
	[tilespmem:s10+$0x7000] =	vst v0  }
0x129: {  	vm11 =	vgt.f32 v12, $3.000000120e-01;
	v0 =	vadd.s32 v51, v54;
	[tilespmem:s10+$0x7030] =	vst v3;
	v63 =	vnsel vm13, $0xFFFFFFFF, v62  }
0x12a: {  	v2 =	vshll.u32 v48, $0xC;
	v7 =	vshll.u32 v7, $0xC;
	v0 =	vnsel vm10, $0xFFFFFFFF, v0;
	[tilespmem:s10+$0x7040] =	vst v63  }
0x12b: {  	vm14 =	vgt.f32 v59, $3.000000120e-01;
	v1 =	vadd.s32 v58, v2;
	[tilespmem:s10+$0x7010] =	vst v0;
	v0 =	vnsel vm11, $0xFFFFFFFF, v57  }
0x12c: {  	vm15 =	vgt.f32 v61, $3.000000120e-01;
	v1 =	vnsel vm14, $0xFFFFFFFF, v1;
	[tilespmem:s10+$0x7020] =	vst v0;
	v0 =	vadd.s32 v60, v7  }
0x12d: {  	[tilespmem:s10+$0x7050] =	vst v1;
	v0 =	vnsel vm15, $0xFFFFFFFF, v0  }
0x12e: {  	s11 =	simm.s32 $0x7000;
	[tilespmem:s10+$0x7060] =	vst v0;
	(ifvalue) =	ssetifvalue $0xFFFFFFFF  }
0x12f: {  	s9 =	simm.s32 $0x80;
	s10 =	simm.s32 $0xB000;
	(ifvalue) =	ssetifvalue $0xFFFFFFFF  }
.LBB2_3:
0x130: {  	[hbm4b:s3+s9] =	stream.indirect.scatter [tilespmem:s10], [sflag:$0x1], $0x1, s11, s9, $0x40b8;
	[tilespmem:$0xB180] =	vst v63  }
0x131: {  	s11 =	smov.u32 s8;
	p0 =	sne.s32 s8, $0x7E00  }
.Ltmp1:
0x132: {  	s8 =	sadd.s32 $0x200, s8;
	(pc) =	sbr.rel @p0 .LBB2_3-.Ltmp1, $3  }
0x133: {  	_ =	sdelay $0x1  }
0x134: {  	s11 =	sshra.s32 s11, $0x2;
	(ifvalue) =	ssetifvalue $0xFFFFFFFF  }
0x135: {  	s11 =	sadd.s32 $0x7000, s11;
	(ifvalue) =	ssetifvalue $0xFFFFFFFF  }
0x136: {  	[hbm4b:s3+s9] =	stream.indirect.scatter [tilespmem:s10], [sflag:$0x1], $0x1, s11, s9, $0x40b8;
	[tilespmem:$0xB180] =	vst v63  }
0x137: {  	s8 =	sor.u32 $0x400, s7;
	s26 =	simm.s32 $0x0  }
0x138: {  	s28 =	simm.s32 $0x1000;
	s29 =	simm.s32 $0x2;
	s25 =	sadd.s32 s6, s8  }
0x139: {  	[tilespmem:s28], [sflag:$0x2] =	stream.linear.gather [hbm4b:s25+s26], $0x2000, $0x38;
	[tilespmem:$0xB180] =	vst v63  }
0x13a: {  	_ =	swait.ge [sflag:s29], $0x2000  }
0x13b: {  	[sflag:s29] =	ssyncset.done $0x0  }
0x13c: {  	s12 =	simm.s32 $0x3000;
	s30 =	sadd.s32 s5, s8;
	[sflag:s29] =	ssyncadd.s32 $0xFFFFE000  }
0x13d: {  	[tilespmem:s12], [sflag:$0x2] =	stream.linear.gather [hbm4b:s30+s26], $0x2000, $0x38;
	[tilespmem:$0xB180] =	vst v63  }
0x13e: {  	_ =	swait.ge [sflag:s29], $0x2000  }
0x13f: {  	[sflag:s29] =	ssyncset.done $0x0  }
0x140: {  	s31 =	simm.s32 $0x5000;
	s8 =	sadd.s32 s4, s8;
	[sflag:s29] =	ssyncadd.s32 $0xFFFFE000  }
0x141: {  	[tilespmem:s31], [sflag:$0x2] =	stream.linear.gather [hbm4b:s8+s26], $0x2000, $0x38;
	[tilespmem:$0xB180] =	vst v63  }
0x142: {  	_ =	swait.ge [sflag:s29], $0x2000  }
0x143: {  	[sflag:s29] =	ssyncset.done $0x0  }
0x144: {  	s8 =	simm.s32 $0x0;
	[sflag:s29] =	ssyncadd.s32 $0xFFFFE000  }
0x145: {  	v0 =	vld [tilespmem:s8+$0x3070]  }
0x146: {  	v1 =	vld [tilespmem:s8+$0x1070]  }
0x147: {  	v2 =	vld [tilespmem:s8+$0x5070]  }
0x148: {  	v3 =	vld [tilespmem:s8+$0x1000]  }
0x149: {  	v4 =	vld [tilespmem:s8+$0x1010]  }
0x14a: {  	v5 =	vld [tilespmem:s8+$0x1020]  }
0x14b: {  	v6 =	vld [tilespmem:s8+$0x1030];
	v1 =	vshll.u32 v1, $0xC  }
0x14c: {  	v7 =	vld [tilespmem:s8+$0x1040];
	vm0 =	vgt.f32 v2, $3.000000120e-01;
	v0 =	vadd.s32 v0, v1  }
0x14d: {  	v2 =	vld [tilespmem:s8+$0x5000];
	v0 =	vnsel vm0, $0xFFFFFFFF, v0  }
0x14e: {  	[tilespmem:s8+$0x9070] =	vst v0;
	v0 =	vld [tilespmem:s8+$0x3000]  }
0x14f: {  	v8 =	vld [tilespmem:s8+$0x1060]  }
0x150: {  	v9 =	vld [tilespmem:s8+$0x3010]  }
0x151: {  	v10 =	vld [tilespmem:s8+$0x5010]  }
0x152: {  	v11 =	vld [tilespmem:s8+$0x3020];
	v3 =	vshll.u32 v3, $0xC  }
0x153: {  	v12 =	vld [tilespmem:s8+$0x5020];
	vm0 =	vgt.f32 v2, $3.000000120e-01;
	v0 =	vadd.s32 v0, v3  }
0x154: {  	v13 =	vld [tilespmem:s8+$0x5030];
	v0 =	vnsel vm0, $0xFFFFFFFF, v0  }
0x155: {  	v61 =	vld [tilespmem:s8+$0x3040];
	[tilespmem:s8+$0x9000] =	vst v0;
	v0 =	vshll.u32 v4, $0xC  }
0x156: {  	v2 =	vld [tilespmem:s8+$0x3030];
	vm0 =	vgt.f32 v10, $3.000000120e-01;
	v0 =	vadd.s32 v9, v0  }
0x157: {  	v62 =	vld [tilespmem:s8+$0x5040];
	v3 =	vshll.u32 v5, $0xC;
	v0 =	vnsel vm0, $0xFFFFFFFF, v0  }
0x158: {  	v1 =	vld [tilespmem:s8+$0x1050];
	vm0 =	vgt.f32 v12, $3.000000120e-01;
	[tilespmem:s8+$0x9010] =	vst v0;
	v0 =	vadd.s32 v11, v3  }
0x159: {  	v4 =	vld [tilespmem:s8+$0x3050];
	v0 =	vnsel vm0, $0xFFFFFFFF, v0  }
0x15a: {  	v5 =	vld [tilespmem:s8+$0x5050];
	[tilespmem:s8+$0x9020] =	vst v0;
	v0 =	vshll.u32 v6, $0xC  }
0x15b: {  	v7 =	vshll.u32 v7, $0xC;
	v3 =	vld [tilespmem:s8+$0x3060];
	vm0 =	vgt.f32 v13, $3.000000120e-01;
	v0 =	vadd.s32 v2, v0  }
0x15c: {  	s9 =	simm.s32 $0x80;
	v7 =	vadd.s32 v61, v7;
	v6 =	vld [tilespmem:s8+$0x5060];
	v63 =	vnsel vm0, $0xFFFFFFFF, v0  }
0x15d: {  	s10 =	simm.s32 $0x400;
	v1 =	vshll.u32 v1, $0xC;
	v2 =	vld [tilespmem:s9+$0x3070];
	v0 =	vshll.u32 v8, $0xC;
	vm0 =	vgt.f32 v62, $3.000000120e-01;
	[tilespmem:s8+$0x9030] =	vst v63  }
.LBB2_5:
0x15e: {  	p0 =	sne.s32 s10, $0x7E00;
	v8 =	vld [tilespmem:s9+$0x1070];
	v7 =	vnsel vm0, $0xFFFFFFFF, v7;
	v1 =	vadd.s32 v4, v1  }
0x15f: {  	v4 =	vld [tilespmem:s9+$0x5070];
	[tilespmem:s8+$0x9040] =	vst v7;
	vm0 =	vgt.f32 v5, $3.000000120e-01  }
0x160: {  	v5 =	vld [tilespmem:s9+$0x1000];
	v1 =	vnsel vm0, $0xFFFFFFFF, v1;
	v0 =	vadd.s32 v3, v0  }
0x161: {  	v3 =	vld [tilespmem:s9+$0x1010];
	[tilespmem:s8+$0x9050] =	vst v1;
	vm0 =	vgt.f32 v6, $3.000000120e-01  }
0x162: {  	v1 =	vld [tilespmem:s9+$0x1020];
	v0 =	vnsel vm0, $0xFFFFFFFF, v0  }
0x163: {  	v6 =	vld [tilespmem:s9+$0x1030];
	v7 =	vshll.u32 v8, $0xC;
	[tilespmem:s8+$0x9060] =	vst v0;
	s8 =	smov.u32 s9  }
0x164: {  	v0 =	vld [tilespmem:s8+$0x1040];
	v2 =	vadd.s32 v2, v7;
	vm0 =	vgt.f32 v4, $3.000000120e-01  }
0x165: {  	v4 =	vshll.u32 v5, $0xC;
	v5 =	vld [tilespmem:s8+$0x1050];
	v2 =	vnsel vm0, $0xFFFFFFFF, v2  }
0x166: {  	v3 =	vshll.u32 v3, $0xC;
	v7 =	vld [tilespmem:s8+$0x1060];
	[tilespmem:s8+$0x9070] =	vst v2  }
0x167: {  	v2 =	vld [tilespmem:s8+$0x3000];
	v8 =	vshll.u32 v1, $0xC  }
0x168: {  	v9 =	vld [tilespmem:s8+$0x5000];
	v6 =	vshll.u32 v6, $0xC  }
0x169: {  	v10 =	vld [tilespmem:s8+$0x3010];
	v11 =	vshll.u32 v0, $0xC  }
0x16a: {  	v12 =	vld [tilespmem:s8+$0x5010];
	v1 =	vshll.u32 v5, $0xC  }
0x16b: {  	v5 =	vld [tilespmem:s8+$0x3020];
	v0 =	vshll.u32 v7, $0xC  }
0x16c: {  	v2 =	vadd.s32 v2, v4;
	v4 =	vld [tilespmem:s8+$0x5020]  }
0x16d: {  	vm0 =	vgt.f32 v9, $3.000000120e-01;
	v7 =	vld [tilespmem:s8+$0x3030]  }
0x16e: {  	v2 =	vnsel vm0, $0xFFFFFFFF, v2;
	v3 =	vadd.s32 v10, v3;
	v9 =	vld [tilespmem:s8+$0x5030]  }
0x16f: {  	[tilespmem:s8+$0x9000] =	vst v2;
	vm0 =	vgt.f32 v12, $3.000000120e-01;
	v2 =	vld [tilespmem:s8+$0x3040]  }
0x170: {  	v3 =	vnsel vm0, $0xFFFFFFFF, v3;
	v5 =	vadd.s32 v5, v8;
	v8 =	vld [tilespmem:s8+$0x5040]  }
.Ltmp2:
0x171: {  	[tilespmem:s8+$0x9010] =	vst v3;
	vm0 =	vgt.f32 v4, $3.000000120e-01;
	v4 =	vld [tilespmem:s8+$0x3050];
	(pc) =	sbr.rel @p0 .LBB2_5-.Ltmp2, $4  }
0x172: {  	v3 =	vnsel vm0, $0xFFFFFFFF, v5;
	v6 =	vadd.s32 v7, v6;
	v5 =	vld [tilespmem:s8+$0x5050]  }
0x173: {  	[tilespmem:s8+$0x9020] =	vst v3;
	vm0 =	vgt.f32 v9, $3.000000120e-01;
	v3 =	vld [tilespmem:s8+$0x3060]  }
0x174: {  	s9 =	sshra.s32 s10, $0x2;
	v9 =	vnsel vm0, $0xFFFFFFFF, v6;
	v7 =	vadd.s32 v2, v11;
	v6 =	vld [tilespmem:s8+$0x5060]  }
0x175: {  	s10 =	sadd.s32 $0x200, s10;
	v2 =	vld [tilespmem:s9+$0x3070];
	[tilespmem:s8+$0x9030] =	vst v9;
	vm0 =	vgt.f32 v8, $3.000000120e-01  }
0x176: {  	v8 =	vld [tilespmem:s9+$0x1070];
	v7 =	vnsel vm0, $0xFFFFFFFF, v7  }
0x177: {  	v9 =	vld [tilespmem:s9+$0x5070];
	v1 =	vadd.s32 v4, v1;
	[tilespmem:s8+$0x9040] =	vst v7;
	vm6 =	vgt.f32 v5, $3.000000120e-01  }
0x178: {  	v43 =	vld [tilespmem:s9+$0x1000];
	v1 =	vnsel vm6, $0xFFFFFFFF, v1  }
0x179: {  	v44 =	vld [tilespmem:s9+$0x1010];
	v0 =	vadd.s32 v3, v0;
	[tilespmem:s8+$0x9050] =	vst v1;
	vm7 =	vgt.f32 v6, $3.000000120e-01  }
0x17a: {  	v1 =	vld [tilespmem:s9+$0x1020];
	v0 =	vnsel vm7, $0xFFFFFFFF, v0  }
0x17b: {  	v45 =	vld [tilespmem:s9+$0x1030];
	[tilespmem:s8+$0x9060] =	vst v0  }
0x17c: {  	v47 =	vld [tilespmem:s9+$0x1040]  }
0x17d: {  	v48 =	vld [tilespmem:s9+$0x1050]  }
0x17e: {  	v7 =	vld [tilespmem:s9+$0x1060]  }
0x17f: {  	v49 =	vld [tilespmem:s9+$0x3000]  }
0x180: {  	v50 =	vld [tilespmem:s9+$0x5000]  }
0x181: {  	v51 =	vld [tilespmem:s9+$0x3010]  }
0x182: {  	v10 =	vld [tilespmem:s9+$0x5010]  }
0x183: {  	v11 =	vld [tilespmem:s9+$0x3020]  }
0x184: {  	v12 =	vld [tilespmem:s9+$0x5020]  }
0x185: {  	v52 =	vld [tilespmem:s9+$0x3030]  }
0x186: {  	v46 =	vshll.u32 v8, $0xC;
	v53 =	vld [tilespmem:s9+$0x5030]  }
0x187: {  	vm8 =	vgt.f32 v9, $3.000000120e-01;
	v0 =	vadd.s32 v2, v46;
	v55 =	vld [tilespmem:s9+$0x3040]  }
0x188: {  	v56 =	vld [tilespmem:s9+$0x5040];
	v0 =	vnsel vm8, $0xFFFFFFFF, v0  }
0x189: {  	v58 =	vld [tilespmem:s9+$0x3050];
	v4 =	vshll.u32 v43, $0xC;
	v54 =	vshll.u32 v44, $0xC;
	v1 =	vshll.u32 v1, $0xC  }
0x18a: {  	v59 =	vld [tilespmem:s9+$0x5050];
	[tilespmem:s9+$0x9070] =	vst v0;
	v3 =	vshll.u32 v45, $0xC;
	v0 =	vadd.s32 v49, v4;
	vm9 =	vgt.f32 v50, $3.000000120e-01  }
0x18b: {  	v60 =	vld [tilespmem:s9+$0x3060];
	vm10 =	vgt.f32 v10, $3.000000120e-01;
	v57 =	vadd.s32 v11, v1;
	v6 =	vshll.u32 v47, $0xC  }
0x18c: {  	v61 =	vld [tilespmem:s9+$0x5060];
	v3 =	vadd.s32 v52, v3;
	vm12 =	vgt.f32 v53, $3.000000120e-01;
	v0 =	vnsel vm9, $0xFFFFFFFF, v0  }
0x18d: {  	vm13 =	vgt.f32 v56, $3.000000120e-01;
	v3 =	vnsel vm12, $0xFFFFFFFF, v3;
	v62 =	vadd.s32 v55, v6;
	[tilespmem:s9+$0x9000] =	vst v0  }
0x18e: {  	vm11 =	vgt.f32 v12, $3.000000120e-01;
	v0 =	vadd.s32 v51, v54;
	[tilespmem:s9+$0x9030] =	vst v3;
	v63 =	vnsel vm13, $0xFFFFFFFF, v62  }
0x18f: {  	v2 =	vshll.u32 v48, $0xC;
	v7 =	vshll.u32 v7, $0xC;
	v0 =	vnsel vm10, $0xFFFFFFFF, v0;
	[tilespmem:s9+$0x9040] =	vst v63  }
0x190: {  	vm14 =	vgt.f32 v59, $3.000000120e-01;
	v1 =	vadd.s32 v58, v2;
	[tilespmem:s9+$0x9010] =	vst v0;
	v0 =	vnsel vm11, $0xFFFFFFFF, v57  }
0x191: {  	vm15 =	vgt.f32 v61, $3.000000120e-01;
	v1 =	vnsel vm14, $0xFFFFFFFF, v1;
	[tilespmem:s9+$0x9020] =	vst v0;
	v0 =	vadd.s32 v60, v7  }
0x192: {  	[tilespmem:s9+$0x9050] =	vst v1;
	v0 =	vnsel vm15, $0xFFFFFFFF, v0  }
0x193: {  	s8 =	simm.s32 $0x40;
	[tilespmem:s9+$0x9060] =	vst v0;
	s9 =	simm.s32 $0x1  }
.LBB2_7:
0x194: {  	p0 =	sne.s32 s8, $0x1  }
.Ltmp3:
0x195: {  	_ = 	snop;
	(pc) =	sbr.rel @p0 .LBB2_7-.Ltmp3, $4  }
0x196: {  	_ = 	snop  }
0x197: {  	_ =	swait.ge [sflag:s9], $0x80  }
0x198: {  	[sflag:s9] =	ssyncset.done $0x0  }
0x199: {  	s8 =	sadd.s32 $0xFFFFFFFF, s8;
	[sflag:s9] =	ssyncadd.s32 $0xFFFFFF80  }
0x19a: {  	s8 =	simm.s32 $0x80;
	s9 =	simm.s32 $0xB000;
	(ifvalue) =	ssetifvalue $0xFFFFFFFF  }
0x19b: {  	s10 =	simm.s32 $0x200;
	s11 =	simm.s32 $0x9000;
	(ifvalue) =	ssetifvalue $0xFFFFFFFF  }
.LBB2_9:
0x19c: {  	[hbm4b:s3+s8] =	stream.indirect.scatter [tilespmem:s9], [sflag:$0x1], $0x1, s11, s8, $0x40b8;
	[tilespmem:$0xB180] =	vst v63  }
0x19d: {  	s11 =	smov.u32 s10;
	p0 =	sne.s32 s10, $0x7E00  }
.Ltmp4:
0x19e: {  	s10 =	sadd.s32 $0x200, s10;
	(pc) =	sbr.rel @p0 .LBB2_9-.Ltmp4, $3  }
0x19f: {  	_ =	sdelay $0x1  }
0x1a0: {  	s11 =	sshra.s32 s11, $0x2;
	(ifvalue) =	ssetifvalue $0xFFFFFFFF  }
0x1a1: {  	s11 =	sadd.s32 $0x9000, s11;
	(ifvalue) =	ssetifvalue $0xFFFFFFFF  }
0x1a2: {  	[hbm4b:s3+s8] =	stream.indirect.scatter [tilespmem:s9], [sflag:$0x1], $0x1, s11, s8, $0x40b8;
	[tilespmem:$0xB180] =	vst v63  }
0x1a3: {  	s25 =	sor.u32 $0x800, s7;
	s10 =	simm.s32 $0x0  }
0x1a4: {  	s28 =	simm.s32 $0x1000;
	s29 =	simm.s32 $0x2;
	s26 =	sadd.s32 s6, s25  }
0x1a5: {  	[tilespmem:s28], [sflag:$0x2] =	stream.linear.gather [hbm4b:s26+s10], $0x2000, $0x38;
	[tilespmem:$0xB180] =	vst v63  }
0x1a6: {  	_ =	swait.ge [sflag:s29], $0x2000  }
0x1a7: {  	[sflag:s29] =	ssyncset.done $0x0  }
0x1a8: {  	s12 =	simm.s32 $0x3000;
	s30 =	sadd.s32 s5, s25;
	[sflag:s29] =	ssyncadd.s32 $0xFFFFE000  }
0x1a9: {  	[tilespmem:s12], [sflag:$0x2] =	stream.linear.gather [hbm4b:s30+s10], $0x2000, $0x38;
	[tilespmem:$0xB180] =	vst v63  }
0x1aa: {  	_ =	swait.ge [sflag:s29], $0x2000  }
0x1ab: {  	[sflag:s29] =	ssyncset.done $0x0  }
0x1ac: {  	s31 =	simm.s32 $0x5000;
	s8 =	sadd.s32 s4, s25;
	[sflag:s29] =	ssyncadd.s32 $0xFFFFE000  }
0x1ad: {  	[tilespmem:s31], [sflag:$0x2] =	stream.linear.gather [hbm4b:s8+s10], $0x2000, $0x38;
	[tilespmem:$0xB180] =	vst v63  }
0x1ae: {  	_ =	swait.ge [sflag:s29], $0x2000  }
0x1af: {  	[sflag:s29] =	ssyncset.done $0x0  }
0x1b0: {  	s8 =	simm.s32 $0x0;
	[sflag:s29] =	ssyncadd.s32 $0xFFFFE000  }
0x1b1: {  	v0 =	vld [tilespmem:s8+$0x3070]  }
0x1b2: {  	v1 =	vld [tilespmem:s8+$0x1070]  }
0x1b3: {  	v2 =	vld [tilespmem:s8+$0x5070]  }
0x1b4: {  	v3 =	vld [tilespmem:s8+$0x1000]  }
0x1b5: {  	v4 =	vld [tilespmem:s8+$0x1010]  }
0x1b6: {  	v5 =	vld [tilespmem:s8+$0x1020]  }
0x1b7: {  	v6 =	vld [tilespmem:s8+$0x1030];
	v1 =	vshll.u32 v1, $0xC  }
0x1b8: {  	v7 =	vld [tilespmem:s8+$0x1040];
	vm0 =	vgt.f32 v2, $3.000000120e-01;
	v0 =	vadd.s32 v0, v1  }
0x1b9: {  	v2 =	vld [tilespmem:s8+$0x5000];
	v0 =	vnsel vm0, $0xFFFFFFFF, v0  }
0x1ba: {  	[tilespmem:s8+$0x7070] =	vst v0;
	v0 =	vld [tilespmem:s8+$0x3000]  }
0x1bb: {  	v8 =	vld [tilespmem:s8+$0x1060]  }
0x1bc: {  	v9 =	vld [tilespmem:s8+$0x3010]  }
0x1bd: {  	v10 =	vld [tilespmem:s8+$0x5010]  }
0x1be: {  	v11 =	vld [tilespmem:s8+$0x3020];
	v3 =	vshll.u32 v3, $0xC  }
0x1bf: {  	v12 =	vld [tilespmem:s8+$0x5020];
	vm0 =	vgt.f32 v2, $3.000000120e-01;
	v0 =	vadd.s32 v0, v3  }
0x1c0: {  	v13 =	vld [tilespmem:s8+$0x5030];
	v0 =	vnsel vm0, $0xFFFFFFFF, v0  }
0x1c1: {  	v61 =	vld [tilespmem:s8+$0x3040];
	[tilespmem:s8+$0x7000] =	vst v0;
	v0 =	vshll.u32 v4, $0xC  }
0x1c2: {  	v2 =	vld [tilespmem:s8+$0x3030];
	vm0 =	vgt.f32 v10, $3.000000120e-01;
	v0 =	vadd.s32 v9, v0  }
0x1c3: {  	v62 =	vld [tilespmem:s8+$0x5040];
	v3 =	vshll.u32 v5, $0xC;
	v0 =	vnsel vm0, $0xFFFFFFFF, v0  }
0x1c4: {  	v1 =	vld [tilespmem:s8+$0x1050];
	vm0 =	vgt.f32 v12, $3.000000120e-01;
	[tilespmem:s8+$0x7010] =	vst v0;
	v0 =	vadd.s32 v11, v3  }
0x1c5: {  	v4 =	vld [tilespmem:s8+$0x3050];
	v0 =	vnsel vm0, $0xFFFFFFFF, v0  }
0x1c6: {  	v5 =	vld [tilespmem:s8+$0x5050];
	[tilespmem:s8+$0x7020] =	vst v0;
	v0 =	vshll.u32 v6, $0xC  }
0x1c7: {  	v7 =	vshll.u32 v7, $0xC;
	v3 =	vld [tilespmem:s8+$0x3060];
	vm0 =	vgt.f32 v13, $3.000000120e-01;
	v0 =	vadd.s32 v2, v0  }
0x1c8: {  	s9 =	simm.s32 $0x80;
	v7 =	vadd.s32 v61, v7;
	v6 =	vld [tilespmem:s8+$0x5060];
	v63 =	vnsel vm0, $0xFFFFFFFF, v0  }
0x1c9: {  	s10 =	simm.s32 $0x400;
	v1 =	vshll.u32 v1, $0xC;
	v2 =	vld [tilespmem:s9+$0x3070];
	v0 =	vshll.u32 v8, $0xC;
	vm0 =	vgt.f32 v62, $3.000000120e-01;
	[tilespmem:s8+$0x7030] =	vst v63  }
.LBB2_11:
0x1ca: {  	p0 =	sne.s32 s10, $0x7E00;
	v8 =	vld [tilespmem:s9+$0x1070];
	v7 =	vnsel vm0, $0xFFFFFFFF, v7;
	v1 =	vadd.s32 v4, v1  }
0x1cb: {  	v4 =	vld [tilespmem:s9+$0x5070];
	[tilespmem:s8+$0x7040] =	vst v7;
	vm0 =	vgt.f32 v5, $3.000000120e-01  }
0x1cc: {  	v5 =	vld [tilespmem:s9+$0x1000];
	v1 =	vnsel vm0, $0xFFFFFFFF, v1;
	v0 =	vadd.s32 v3, v0  }
0x1cd: {  	v3 =	vld [tilespmem:s9+$0x1010];
	[tilespmem:s8+$0x7050] =	vst v1;
	vm0 =	vgt.f32 v6, $3.000000120e-01  }
0x1ce: {  	v1 =	vld [tilespmem:s9+$0x1020];
	v0 =	vnsel vm0, $0xFFFFFFFF, v0  }
0x1cf: {  	v6 =	vld [tilespmem:s9+$0x1030];
	v7 =	vshll.u32 v8, $0xC;
	[tilespmem:s8+$0x7060] =	vst v0;
	s8 =	smov.u32 s9  }
0x1d0: {  	v0 =	vld [tilespmem:s8+$0x1040];
	v2 =	vadd.s32 v2, v7;
	vm0 =	vgt.f32 v4, $3.000000120e-01  }
0x1d1: {  	v4 =	vshll.u32 v5, $0xC;
	v5 =	vld [tilespmem:s8+$0x1050];
	v2 =	vnsel vm0, $0xFFFFFFFF, v2  }
0x1d2: {  	v3 =	vshll.u32 v3, $0xC;
	v7 =	vld [tilespmem:s8+$0x1060];
	[tilespmem:s8+$0x7070] =	vst v2  }
0x1d3: {  	v2 =	vld [tilespmem:s8+$0x3000];
	v8 =	vshll.u32 v1, $0xC  }
0x1d4: {  	v9 =	vld [tilespmem:s8+$0x5000];
	v6 =	vshll.u32 v6, $0xC  }
0x1d5: {  	v10 =	vld [tilespmem:s8+$0x3010];
	v11 =	vshll.u32 v0, $0xC  }
0x1d6: {  	v12 =	vld [tilespmem:s8+$0x5010];
	v1 =	vshll.u32 v5, $0xC  }
0x1d7: {  	v5 =	vld [tilespmem:s8+$0x3020];
	v0 =	vshll.u32 v7, $0xC  }
0x1d8: {  	v2 =	vadd.s32 v2, v4;
	v4 =	vld [tilespmem:s8+$0x5020]  }
0x1d9: {  	vm0 =	vgt.f32 v9, $3.000000120e-01;
	v7 =	vld [tilespmem:s8+$0x3030]  }
0x1da: {  	v2 =	vnsel vm0, $0xFFFFFFFF, v2;
	v3 =	vadd.s32 v10, v3;
	v9 =	vld [tilespmem:s8+$0x5030]  }
0x1db: {  	[tilespmem:s8+$0x7000] =	vst v2;
	vm0 =	vgt.f32 v12, $3.000000120e-01;
	v2 =	vld [tilespmem:s8+$0x3040]  }
0x1dc: {  	v3 =	vnsel vm0, $0xFFFFFFFF, v3;
	v5 =	vadd.s32 v5, v8;
	v8 =	vld [tilespmem:s8+$0x5040]  }
.Ltmp5:
0x1dd: {  	[tilespmem:s8+$0x7010] =	vst v3;
	vm0 =	vgt.f32 v4, $3.000000120e-01;
	v4 =	vld [tilespmem:s8+$0x3050];
	(pc) =	sbr.rel @p0 .LBB2_11-.Ltmp5, $4  }
0x1de: {  	v3 =	vnsel vm0, $0xFFFFFFFF, v5;
	v6 =	vadd.s32 v7, v6;
	v5 =	vld [tilespmem:s8+$0x5050]  }
0x1df: {  	[tilespmem:s8+$0x7020] =	vst v3;
	vm0 =	vgt.f32 v9, $3.000000120e-01;
	v3 =	vld [tilespmem:s8+$0x3060]  }
0x1e0: {  	s9 =	sshra.s32 s10, $0x2;
	v9 =	vnsel vm0, $0xFFFFFFFF, v6;
	v7 =	vadd.s32 v2, v11;
	v6 =	vld [tilespmem:s8+$0x5060]  }
0x1e1: {  	s10 =	sadd.s32 $0x200, s10;
	v2 =	vld [tilespmem:s9+$0x3070];
	[tilespmem:s8+$0x7030] =	vst v9;
	vm0 =	vgt.f32 v8, $3.000000120e-01  }
0x1e2: {  	v8 =	vld [tilespmem:s9+$0x1070];
	v7 =	vnsel vm0, $0xFFFFFFFF, v7  }
0x1e3: {  	v9 =	vld [tilespmem:s9+$0x5070];
	v1 =	vadd.s32 v4, v1;
	[tilespmem:s8+$0x7040] =	vst v7;
	vm6 =	vgt.f32 v5, $3.000000120e-01  }
0x1e4: {  	v43 =	vld [tilespmem:s9+$0x1000];
	v1 =	vnsel vm6, $0xFFFFFFFF, v1  }
0x1e5: {  	v44 =	vld [tilespmem:s9+$0x1010];
	v0 =	vadd.s32 v3, v0;
	[tilespmem:s8+$0x7050] =	vst v1;
	vm7 =	vgt.f32 v6, $3.000000120e-01  }
0x1e6: {  	v1 =	vld [tilespmem:s9+$0x1020];
	v0 =	vnsel vm7, $0xFFFFFFFF, v0  }
0x1e7: {  	v45 =	vld [tilespmem:s9+$0x1030];
	[tilespmem:s8+$0x7060] =	vst v0  }
0x1e8: {  	v47 =	vld [tilespmem:s9+$0x1040]  }
0x1e9: {  	v48 =	vld [tilespmem:s9+$0x1050]  }
0x1ea: {  	v7 =	vld [tilespmem:s9+$0x1060]  }
0x1eb: {  	v49 =	vld [tilespmem:s9+$0x3000]  }
0x1ec: {  	v50 =	vld [tilespmem:s9+$0x5000]  }
0x1ed: {  	v51 =	vld [tilespmem:s9+$0x3010]  }
0x1ee: {  	v10 =	vld [tilespmem:s9+$0x5010]  }
0x1ef: {  	v11 =	vld [tilespmem:s9+$0x3020]  }
0x1f0: {  	v12 =	vld [tilespmem:s9+$0x5020]  }
0x1f1: {  	v52 =	vld [tilespmem:s9+$0x3030]  }
0x1f2: {  	v46 =	vshll.u32 v8, $0xC;
	v53 =	vld [tilespmem:s9+$0x5030]  }
0x1f3: {  	vm8 =	vgt.f32 v9, $3.000000120e-01;
	v0 =	vadd.s32 v2, v46;
	v55 =	vld [tilespmem:s9+$0x3040]  }
0x1f4: {  	v56 =	vld [tilespmem:s9+$0x5040];
	v0 =	vnsel vm8, $0xFFFFFFFF, v0  }
0x1f5: {  	v58 =	vld [tilespmem:s9+$0x3050];
	v4 =	vshll.u32 v43, $0xC;
	v54 =	vshll.u32 v44, $0xC;
	v1 =	vshll.u32 v1, $0xC  }
0x1f6: {  	v59 =	vld [tilespmem:s9+$0x5050];
	[tilespmem:s9+$0x7070] =	vst v0;
	v3 =	vshll.u32 v45, $0xC;
	v0 =	vadd.s32 v49, v4;
	vm9 =	vgt.f32 v50, $3.000000120e-01  }
0x1f7: {  	v60 =	vld [tilespmem:s9+$0x3060];
	vm10 =	vgt.f32 v10, $3.000000120e-01;
	v57 =	vadd.s32 v11, v1;
	v6 =	vshll.u32 v47, $0xC  }
0x1f8: {  	v61 =	vld [tilespmem:s9+$0x5060];
	v3 =	vadd.s32 v52, v3;
	vm12 =	vgt.f32 v53, $3.000000120e-01;
	v0 =	vnsel vm9, $0xFFFFFFFF, v0  }
0x1f9: {  	vm13 =	vgt.f32 v56, $3.000000120e-01;
	v3 =	vnsel vm12, $0xFFFFFFFF, v3;
	v62 =	vadd.s32 v55, v6;
	[tilespmem:s9+$0x7000] =	vst v0  }
0x1fa: {  	vm11 =	vgt.f32 v12, $3.000000120e-01;
	v0 =	vadd.s32 v51, v54;
	[tilespmem:s9+$0x7030] =	vst v3;
	v63 =	vnsel vm13, $0xFFFFFFFF, v62  }
0x1fb: {  	v2 =	vshll.u32 v48, $0xC;
	v7 =	vshll.u32 v7, $0xC;
	v0 =	vnsel vm10, $0xFFFFFFFF, v0;
	[tilespmem:s9+$0x7040] =	vst v63  }
0x1fc: {  	vm14 =	vgt.f32 v59, $3.000000120e-01;
	v1 =	vadd.s32 v58, v2;
	[tilespmem:s9+$0x7010] =	vst v0;
	v0 =	vnsel vm11, $0xFFFFFFFF, v57  }
0x1fd: {  	vm15 =	vgt.f32 v61, $3.000000120e-01;
	v1 =	vnsel vm14, $0xFFFFFFFF, v1;
	[tilespmem:s9+$0x7020] =	vst v0;
	v0 =	vadd.s32 v60, v7  }
0x1fe: {  	[tilespmem:s9+$0x7050] =	vst v1;
	v0 =	vnsel vm15, $0xFFFFFFFF, v0  }
0x1ff: {  	s8 =	simm.s32 $0x40;
	[tilespmem:s9+$0x7060] =	vst v0;
	s9 =	simm.s32 $0x1  }
.LBB2_13:
0x200: {  	p0 =	sne.s32 s8, $0x1  }
.Ltmp6:
0x201: {  	_ = 	snop;
	(pc) =	sbr.rel @p0 .LBB2_13-.Ltmp6, $4  }
0x202: {  	_ = 	snop  }
0x203: {  	_ =	swait.ge [sflag:s9], $0x80  }
0x204: {  	[sflag:s9] =	ssyncset.done $0x0  }
0x205: {  	s8 =	sadd.s32 $0xFFFFFFFF, s8;
	[sflag:s9] =	ssyncadd.s32 $0xFFFFFF80  }
0x206: {  	s8 =	simm.s32 $0x80;
	s9 =	simm.s32 $0xB000;
	(ifvalue) =	ssetifvalue $0xFFFFFFFF  }
0x207: {  	s10 =	simm.s32 $0x200;
	s11 =	simm.s32 $0x7000;
	(ifvalue) =	ssetifvalue $0xFFFFFFFF  }
.LBB2_15:
0x208: {  	[hbm4b:s3+s8] =	stream.indirect.scatter [tilespmem:s9], [sflag:$0x1], $0x1, s11, s8, $0x40b8;
	[tilespmem:$0xB180] =	vst v63  }
0x209: {  	s11 =	smov.u32 s10;
	p0 =	sne.s32 s10, $0x7E00  }
.Ltmp7:
0x20a: {  	s10 =	sadd.s32 $0x200, s10;
	(pc) =	sbr.rel @p0 .LBB2_15-.Ltmp7, $3  }
0x20b: {  	_ =	sdelay $0x1  }
0x20c: {  	s11 =	sshra.s32 s11, $0x2;
	(ifvalue) =	ssetifvalue $0xFFFFFFFF  }
0x20d: {  	s11 =	sadd.s32 $0x7000, s11;
	(ifvalue) =	ssetifvalue $0xFFFFFFFF  }
0x20e: {  	[hbm4b:s3+s8] =	stream.indirect.scatter [tilespmem:s9], [sflag:$0x1], $0x1, s11, s8, $0x40b8;
	[tilespmem:$0xB180] =	vst v63  }
0x20f: {  	s7 =	sor.u32 $0xC00, s7;
	s26 =	simm.s32 $0x0  }
0x210: {  	s28 =	simm.s32 $0x1000;
	s29 =	simm.s32 $0x2;
	s6 =	sadd.s32 s6, s7  }
0x211: {  	[tilespmem:s28], [sflag:$0x2] =	stream.linear.gather [hbm4b:s6+s26], $0x2000, $0x38;
	[tilespmem:$0xB180] =	vst v63  }
0x212: {  	_ =	swait.ge [sflag:s29], $0x2000  }
0x213: {  	[sflag:s29] =	ssyncset.done $0x0  }
0x214: {  	s30 =	simm.s32 $0x3000;
	s5 =	sadd.s32 s5, s7;
	[sflag:s29] =	ssyncadd.s32 $0xFFFFE000  }
0x215: {  	[tilespmem:s30], [sflag:$0x2] =	stream.linear.gather [hbm4b:s5+s26], $0x2000, $0x38;
	[tilespmem:$0xB180] =	vst v63  }
0x216: {  	_ =	swait.ge [sflag:s29], $0x2000  }
0x217: {  	[sflag:s29] =	ssyncset.done $0x0  }
0x218: {  	s31 =	simm.s32 $0x5000;
	s4 =	sadd.s32 s4, s7;
	[sflag:s29] =	ssyncadd.s32 $0xFFFFE000  }
0x219: {  	[tilespmem:s31], [sflag:$0x2] =	stream.linear.gather [hbm4b:s4+s26], $0x2000, $0x38;
	[tilespmem:$0xB180] =	vst v63  }
0x21a: {  	_ =	swait.ge [sflag:s29], $0x2000  }
0x21b: {  	[sflag:s29] =	ssyncset.done $0x0  }
0x21c: {  	s4 =	simm.s32 $0x0;
	[sflag:s29] =	ssyncadd.s32 $0xFFFFE000  }
0x21d: {  	v0 =	vld [tilespmem:s4+$0x3070]  }
0x21e: {  	v1 =	vld [tilespmem:s4+$0x1070]  }
0x21f: {  	v2 =	vld [tilespmem:s4+$0x5070]  }
0x220: {  	v3 =	vld [tilespmem:s4+$0x1000]  }
0x221: {  	v4 =	vld [tilespmem:s4+$0x1010]  }
0x222: {  	v5 =	vld [tilespmem:s4+$0x1020]  }
0x223: {  	v6 =	vld [tilespmem:s4+$0x1030];
	v1 =	vshll.u32 v1, $0xC  }
0x224: {  	v7 =	vld [tilespmem:s4+$0x1040];
	vm0 =	vgt.f32 v2, $3.000000120e-01;
	v0 =	vadd.s32 v0, v1  }
0x225: {  	v2 =	vld [tilespmem:s4+$0x5000];
	v0 =	vnsel vm0, $0xFFFFFFFF, v0  }
0x226: {  	[tilespmem:s4+$0x9070] =	vst v0;
	v0 =	vld [tilespmem:s4+$0x3000]  }
0x227: {  	v8 =	vld [tilespmem:s4+$0x1060]  }
0x228: {  	v9 =	vld [tilespmem:s4+$0x3010]  }
0x229: {  	v10 =	vld [tilespmem:s4+$0x5010]  }
0x22a: {  	v11 =	vld [tilespmem:s4+$0x3020];
	v3 =	vshll.u32 v3, $0xC  }
0x22b: {  	v12 =	vld [tilespmem:s4+$0x5020];
	vm0 =	vgt.f32 v2, $3.000000120e-01;
	v0 =	vadd.s32 v0, v3  }
0x22c: {  	v13 =	vld [tilespmem:s4+$0x5030];
	v0 =	vnsel vm0, $0xFFFFFFFF, v0  }
0x22d: {  	v61 =	vld [tilespmem:s4+$0x3040];
	[tilespmem:s4+$0x9000] =	vst v0;
	v0 =	vshll.u32 v4, $0xC  }
0x22e: {  	v2 =	vld [tilespmem:s4+$0x3030];
	vm0 =	vgt.f32 v10, $3.000000120e-01;
	v0 =	vadd.s32 v9, v0  }
0x22f: {  	v62 =	vld [tilespmem:s4+$0x5040];
	v3 =	vshll.u32 v5, $0xC;
	v0 =	vnsel vm0, $0xFFFFFFFF, v0  }
0x230: {  	v1 =	vld [tilespmem:s4+$0x1050];
	vm0 =	vgt.f32 v12, $3.000000120e-01;
	[tilespmem:s4+$0x9010] =	vst v0;
	v0 =	vadd.s32 v11, v3  }
0x231: {  	v4 =	vld [tilespmem:s4+$0x3050];
	v0 =	vnsel vm0, $0xFFFFFFFF, v0  }
0x232: {  	v5 =	vld [tilespmem:s4+$0x5050];
	[tilespmem:s4+$0x9020] =	vst v0;
	v0 =	vshll.u32 v6, $0xC  }
0x233: {  	v7 =	vshll.u32 v7, $0xC;
	v3 =	vld [tilespmem:s4+$0x3060];
	vm0 =	vgt.f32 v13, $3.000000120e-01;
	v0 =	vadd.s32 v2, v0  }
0x234: {  	s5 =	simm.s32 $0x80;
	v7 =	vadd.s32 v61, v7;
	v6 =	vld [tilespmem:s4+$0x5060];
	v63 =	vnsel vm0, $0xFFFFFFFF, v0  }
0x235: {  	s6 =	simm.s32 $0x400;
	v1 =	vshll.u32 v1, $0xC;
	v2 =	vld [tilespmem:s5+$0x3070];
	v0 =	vshll.u32 v8, $0xC;
	vm0 =	vgt.f32 v62, $3.000000120e-01;
	[tilespmem:s4+$0x9030] =	vst v63  }
.LBB2_17:
0x236: {  	p0 =	sne.s32 s6, $0x7E00;
	v8 =	vld [tilespmem:s5+$0x1070];
	v7 =	vnsel vm0, $0xFFFFFFFF, v7;
	v1 =	vadd.s32 v4, v1  }
0x237: {  	v4 =	vld [tilespmem:s5+$0x5070];
	[tilespmem:s4+$0x9040] =	vst v7;
	vm0 =	vgt.f32 v5, $3.000000120e-01  }
0x238: {  	v5 =	vld [tilespmem:s5+$0x1000];
	v1 =	vnsel vm0, $0xFFFFFFFF, v1;
	v0 =	vadd.s32 v3, v0  }
0x239: {  	v3 =	vld [tilespmem:s5+$0x1010];
	[tilespmem:s4+$0x9050] =	vst v1;
	vm0 =	vgt.f32 v6, $3.000000120e-01  }
0x23a: {  	v1 =	vld [tilespmem:s5+$0x1020];
	v0 =	vnsel vm0, $0xFFFFFFFF, v0  }
0x23b: {  	v6 =	vld [tilespmem:s5+$0x1030];
	v7 =	vshll.u32 v8, $0xC;
	[tilespmem:s4+$0x9060] =	vst v0;
	s4 =	smov.u32 s5  }
0x23c: {  	v0 =	vld [tilespmem:s4+$0x1040];
	v2 =	vadd.s32 v2, v7;
	vm0 =	vgt.f32 v4, $3.000000120e-01  }
0x23d: {  	v4 =	vshll.u32 v5, $0xC;
	v5 =	vld [tilespmem:s4+$0x1050];
	v2 =	vnsel vm0, $0xFFFFFFFF, v2  }
0x23e: {  	v3 =	vshll.u32 v3, $0xC;
	v7 =	vld [tilespmem:s4+$0x1060];
	[tilespmem:s4+$0x9070] =	vst v2  }
0x23f: {  	v2 =	vld [tilespmem:s4+$0x3000];
	v8 =	vshll.u32 v1, $0xC  }
0x240: {  	v9 =	vld [tilespmem:s4+$0x5000];
	v6 =	vshll.u32 v6, $0xC  }
0x241: {  	v10 =	vld [tilespmem:s4+$0x3010];
	v11 =	vshll.u32 v0, $0xC  }
0x242: {  	v12 =	vld [tilespmem:s4+$0x5010];
	v1 =	vshll.u32 v5, $0xC  }
0x243: {  	v5 =	vld [tilespmem:s4+$0x3020];
	v0 =	vshll.u32 v7, $0xC  }
0x244: {  	v2 =	vadd.s32 v2, v4;
	v4 =	vld [tilespmem:s4+$0x5020]  }
0x245: {  	vm0 =	vgt.f32 v9, $3.000000120e-01;
	v7 =	vld [tilespmem:s4+$0x3030]  }
0x246: {  	v2 =	vnsel vm0, $0xFFFFFFFF, v2;
	v3 =	vadd.s32 v10, v3;
	v9 =	vld [tilespmem:s4+$0x5030]  }
0x247: {  	[tilespmem:s4+$0x9000] =	vst v2;
	vm0 =	vgt.f32 v12, $3.000000120e-01;
	v2 =	vld [tilespmem:s4+$0x3040]  }
0x248: {  	v3 =	vnsel vm0, $0xFFFFFFFF, v3;
	v5 =	vadd.s32 v5, v8;
	v8 =	vld [tilespmem:s4+$0x5040]  }
.Ltmp8:
0x249: {  	[tilespmem:s4+$0x9010] =	vst v3;
	vm0 =	vgt.f32 v4, $3.000000120e-01;
	v4 =	vld [tilespmem:s4+$0x3050];
	(pc) =	sbr.rel @p0 .LBB2_17-.Ltmp8, $4  }
0x24a: {  	v3 =	vnsel vm0, $0xFFFFFFFF, v5;
	v6 =	vadd.s32 v7, v6;
	v5 =	vld [tilespmem:s4+$0x5050]  }
0x24b: {  	[tilespmem:s4+$0x9020] =	vst v3;
	vm0 =	vgt.f32 v9, $3.000000120e-01;
	v3 =	vld [tilespmem:s4+$0x3060]  }
0x24c: {  	s5 =	sshra.s32 s6, $0x2;
	v9 =	vnsel vm0, $0xFFFFFFFF, v6;
	v7 =	vadd.s32 v2, v11;
	v6 =	vld [tilespmem:s4+$0x5060]  }
0x24d: {  	s6 =	sadd.s32 $0x200, s6;
	v2 =	vld [tilespmem:s5+$0x3070];
	[tilespmem:s4+$0x9030] =	vst v9;
	vm0 =	vgt.f32 v8, $3.000000120e-01  }
0x24e: {  	v8 =	vld [tilespmem:s5+$0x1070];
	v7 =	vnsel vm0, $0xFFFFFFFF, v7  }
0x24f: {  	v9 =	vld [tilespmem:s5+$0x5070];
	v1 =	vadd.s32 v4, v1;
	[tilespmem:s4+$0x9040] =	vst v7;
	vm6 =	vgt.f32 v5, $3.000000120e-01  }
0x250: {  	v43 =	vld [tilespmem:s5+$0x1000];
	v1 =	vnsel vm6, $0xFFFFFFFF, v1  }
0x251: {  	v44 =	vld [tilespmem:s5+$0x1010];
	v0 =	vadd.s32 v3, v0;
	[tilespmem:s4+$0x9050] =	vst v1;
	vm7 =	vgt.f32 v6, $3.000000120e-01  }
0x252: {  	v1 =	vld [tilespmem:s5+$0x1020];
	v0 =	vnsel vm7, $0xFFFFFFFF, v0  }
0x253: {  	v45 =	vld [tilespmem:s5+$0x1030];
	[tilespmem:s4+$0x9060] =	vst v0  }
0x254: {  	v47 =	vld [tilespmem:s5+$0x1040]  }
0x255: {  	v48 =	vld [tilespmem:s5+$0x1050]  }
0x256: {  	v7 =	vld [tilespmem:s5+$0x1060]  }
0x257: {  	v49 =	vld [tilespmem:s5+$0x3000]  }
0x258: {  	v50 =	vld [tilespmem:s5+$0x5000]  }
0x259: {  	v51 =	vld [tilespmem:s5+$0x3010]  }
0x25a: {  	v10 =	vld [tilespmem:s5+$0x5010]  }
0x25b: {  	v11 =	vld [tilespmem:s5+$0x3020]  }
0x25c: {  	v12 =	vld [tilespmem:s5+$0x5020]  }
0x25d: {  	v52 =	vld [tilespmem:s5+$0x3030]  }
0x25e: {  	v46 =	vshll.u32 v8, $0xC;
	v53 =	vld [tilespmem:s5+$0x5030]  }
0x25f: {  	vm8 =	vgt.f32 v9, $3.000000120e-01;
	v0 =	vadd.s32 v2, v46;
	v55 =	vld [tilespmem:s5+$0x3040]  }
0x260: {  	v56 =	vld [tilespmem:s5+$0x5040];
	v0 =	vnsel vm8, $0xFFFFFFFF, v0  }
0x261: {  	v58 =	vld [tilespmem:s5+$0x3050];
	v4 =	vshll.u32 v43, $0xC;
	v54 =	vshll.u32 v44, $0xC;
	v1 =	vshll.u32 v1, $0xC  }
0x262: {  	v59 =	vld [tilespmem:s5+$0x5050];
	[tilespmem:s5+$0x9070] =	vst v0;
	v3 =	vshll.u32 v45, $0xC;
	v0 =	vadd.s32 v49, v4;
	vm9 =	vgt.f32 v50, $3.000000120e-01  }
0x263: {  	v60 =	vld [tilespmem:s5+$0x3060];
	vm10 =	vgt.f32 v10, $3.000000120e-01;
	v57 =	vadd.s32 v11, v1;
	v6 =	vshll.u32 v47, $0xC  }
0x264: {  	v61 =	vld [tilespmem:s5+$0x5060];
	v3 =	vadd.s32 v52, v3;
	vm12 =	vgt.f32 v53, $3.000000120e-01;
	v0 =	vnsel vm9, $0xFFFFFFFF, v0  }
0x265: {  	vm13 =	vgt.f32 v56, $3.000000120e-01;
	v3 =	vnsel vm12, $0xFFFFFFFF, v3;
	v62 =	vadd.s32 v55, v6;
	[tilespmem:s5+$0x9000] =	vst v0  }
0x266: {  	vm11 =	vgt.f32 v12, $3.000000120e-01;
	v0 =	vadd.s32 v51, v54;
	[tilespmem:s5+$0x9030] =	vst v3;
	v63 =	vnsel vm13, $0xFFFFFFFF, v62  }
0x267: {  	v2 =	vshll.u32 v48, $0xC;
	v7 =	vshll.u32 v7, $0xC;
	v0 =	vnsel vm10, $0xFFFFFFFF, v0;
	[tilespmem:s5+$0x9040] =	vst v63  }
0x268: {  	vm14 =	vgt.f32 v59, $3.000000120e-01;
	v1 =	vadd.s32 v58, v2;
	[tilespmem:s5+$0x9010] =	vst v0;
	v0 =	vnsel vm11, $0xFFFFFFFF, v57  }
0x269: {  	vm15 =	vgt.f32 v61, $3.000000120e-01;
	v1 =	vnsel vm14, $0xFFFFFFFF, v1;
	[tilespmem:s5+$0x9020] =	vst v0;
	v0 =	vadd.s32 v60, v7  }
0x26a: {  	[tilespmem:s5+$0x9050] =	vst v1;
	v0 =	vnsel vm15, $0xFFFFFFFF, v0  }
0x26b: {  	s4 =	simm.s32 $0x40;
	[tilespmem:s5+$0x9060] =	vst v0;
	s5 =	simm.s32 $0x1  }
.LBB2_19:
0x26c: {  	p0 =	sne.s32 s4, $0x1  }
.Ltmp9:
0x26d: {  	_ = 	snop;
	(pc) =	sbr.rel @p0 .LBB2_19-.Ltmp9, $4  }
0x26e: {  	_ = 	snop  }
0x26f: {  	_ =	swait.ge [sflag:s5], $0x80  }
0x270: {  	[sflag:s5] =	ssyncset.done $0x0  }
0x271: {  	s4 =	sadd.s32 $0xFFFFFFFF, s4;
	[sflag:s5] =	ssyncadd.s32 $0xFFFFFF80  }
0x272: {  	s4 =	simm.s32 $0x0;
	s5 =	simm.s32 $0x80;
	s6 =	simm.s32 $0xB000  }
.LBB2_21:
0x273: {  	p0 =	sne.s32 s4, $0x7E00  }
.Ltmp10:
0x274: {  	_ = 	snop;
	(pc) =	sbr.rel @p0 .LBB2_21-.Ltmp10, $4  }
0x275: {  	_ = 	snop  }
0x276: {  	s7 =	sshra.s32 s4, $0x2;
	(ifvalue) =	ssetifvalue $0xFFFFFFFF  }
0x277: {  	s4 =	sadd.s32 $0x200, s4;
	s7 =	sadd.s32 $0x9000, s7;
	(ifvalue) =	ssetifvalue $0xFFFFFFFF  }
0x278: {  	[hbm4b:s3+s5] =	stream.indirect.scatter [tilespmem:s6], [sflag:$0x1], $0x1, s7, s5, $0x40b8;
	[tilespmem:$0xB180] =	vst v63  }
0x279: {  	s4 =	simm.s32 $0x1  }
0x27a: {  	_ =	swait.ge [sflag:s4], $0x80  }
0x27b: {  	s5 =	simm.s32 $0x3F;
	[sflag:s4] =	ssyncset.done $0x0  }
.LBB2_23:
0x27c: {  	p0 =	sne.s32 s5, $0x1;
	s5 =	sadd.s32 $0xFFFFFFFF, s5;
	[sflag:s4] =	ssyncadd.s32 $0xFFFFFF80  }
.Ltmp11:
0x27d: {  	(pc) =	sbr.rel @p0 .LBB2_23-.Ltmp11, $3  }
0x27e: {  	_ =	sdelay $0x1  }
0x27f: {  	_ =	swait.ge [sflag:s4], $0x80  }
0x280: {  	[sflag:s4] =	ssyncset.done $0x0  }
0x281: {  	[sflag:s4] =	ssyncadd.s32 $0xFFFFFF80;
	s11 =	simm.s32 $0x80  }
0x282: {  	s5 =	simm.s32 $0x800;
	s6 =	simm.s32 $0xC00;
	[bflag:$0x0] =	sbarrier.arrive $0xFFFF  }
0x283: {  	[tilespmem:s6], [sflag:$0x1] =	stream.indirect.gather [hbm4b:s3+s11], $0x1, s5, s11, $0xb8;
	[tilespmem:$0xB180] =	vst v63  }
0x284: {  	s12 =	simm.s32 $0x880;
	s13 =	simm.s32 $0xC80  }
0x285: {  	[tilespmem:s13], [sflag:$0x1] =	stream.indirect.gather [hbm4b:s3+s11], $0x1, s12, s11, $0xb8;
	[tilespmem:$0xB180] =	vst v63  }
0x286: {  	s14 =	simm.s32 $0x900;
	s15 =	simm.s32 $0xD00  }
0x287: {  	[tilespmem:s15], [sflag:$0x1] =	stream.indirect.gather [hbm4b:s3+s11], $0x1, s14, s11, $0xb8;
	[tilespmem:$0xB180] =	vst v63  }
0x288: {  	s16 =	simm.s32 $0x980;
	s17 =	simm.s32 $0xD80  }
0x289: {  	[tilespmem:s17], [sflag:$0x1] =	stream.indirect.gather [hbm4b:s3+s11], $0x1, s16, s11, $0xb8;
	[tilespmem:$0xB180] =	vst v63  }
0x28a: {  	s18 =	simm.s32 $0xA00;
	s19 =	simm.s32 $0xE00  }
0x28b: {  	[tilespmem:s19], [sflag:$0x1] =	stream.indirect.gather [hbm4b:s3+s11], $0x1, s18, s11, $0xb8;
	[tilespmem:$0xB180] =	vst v63  }
0x28c: {  	s20 =	simm.s32 $0xA80;
	s21 =	simm.s32 $0xE80  }
0x28d: {  	[tilespmem:s21], [sflag:$0x1] =	stream.indirect.gather [hbm4b:s3+s11], $0x1, s20, s11, $0xb8;
	[tilespmem:$0xB180] =	vst v63  }
0x28e: {  	s22 =	simm.s32 $0xB00;
	s23 =	simm.s32 $0xF00  }
0x28f: {  	[tilespmem:s23], [sflag:$0x1] =	stream.indirect.gather [hbm4b:s3+s11], $0x1, s22, s11, $0xb8;
	[tilespmem:$0xB180] =	vst v63  }
0x290: {  	s24 =	simm.s32 $0xB80;
	s25 =	simm.s32 $0xF80;
	s26 =	simm.s32 $0x1  }
0x291: {  	[tilespmem:s25], [sflag:$0x1] =	stream.indirect.gather [hbm4b:s3+s11], $0x1, s24, s11, $0xb8;
	[tilespmem:$0xB180] =	vst v63  }
0x292: {  	_ =	swait.ge [sflag:s26], $0x80  }
0x293: {  	[sflag:s26] =	ssyncset.done $0x0  }
0x294: {  	[sflag:s26] =	ssyncadd.s32 $0xFFFFFF80  }
0x295: {  	_ =	swait.ge [sflag:s26], $0x80  }
0x296: {  	[sflag:s26] =	ssyncset.done $0x0  }
0x297: {  	[sflag:s26] =	ssyncadd.s32 $0xFFFFFF80  }
0x298: {  	_ =	swait.ge [sflag:s26], $0x80  }
0x299: {  	[sflag:s26] =	ssyncset.done $0x0  }
0x29a: {  	[sflag:s26] =	ssyncadd.s32 $0xFFFFFF80  }
0x29b: {  	_ =	swait.ge [sflag:s26], $0x80  }
0x29c: {  	[sflag:s26] =	ssyncset.done $0x0  }
0x29d: {  	[sflag:s26] =	ssyncadd.s32 $0xFFFFFF80  }
0x29e: {  	_ =	swait.ge [sflag:s26], $0x80  }
0x29f: {  	[sflag:s26] =	ssyncset.done $0x0  }
0x2a0: {  	[sflag:s26] =	ssyncadd.s32 $0xFFFFFF80  }
0x2a1: {  	_ =	swait.ge [sflag:s26], $0x80  }
0x2a2: {  	[sflag:s26] =	ssyncset.done $0x0  }
0x2a3: {  	[sflag:s26] =	ssyncadd.s32 $0xFFFFFF80  }
0x2a4: {  	_ =	swait.ge [sflag:s26], $0x80  }
0x2a5: {  	[sflag:s26] =	ssyncset.done $0x0  }
0x2a6: {  	[sflag:s26] =	ssyncadd.s32 $0xFFFFFF80  }
0x2a7: {  	_ =	swait.ge [sflag:s26], $0x80  }
0x2a8: {  	[sflag:s26] =	ssyncset.done $0x0  }
0x2a9: {  	[sflag:s26] =	ssyncadd.s32 $0xFFFFFF80  }
0x2aa: {  	v0 =	vld [tilespmem:$0xC00];
	_ =	sdelay $0x1  }
0x2ab: {  	v1 =	vld [tilespmem:$0xC10];
	_ =	sdelay $0x1  }
0x2ac: {  	v2 =	vld [tilespmem:$0xC20]  }
0x2ad: {  	v0 =	vadd.f32 $0.0e+00, v0  }
0x2ae: {  	v3 =	vld [tilespmem:$0xC30]  }
0x2af: {  	v0 =	vadd.f32 v1, v0  }
0x2b0: {  	v62 =	vld [tilespmem:$0xC40]  }
0x2b1: {  	v0 =	vadd.f32 v2, v0  }
0x2b2: {  	v63 =	vld [tilespmem:$0xC50]  }
0x2b3: {  	v0 =	vadd.f32 v3, v0  }
0x2b4: {  	v6 =	vld [tilespmem:$0xC60]  }
0x2b5: {  	v0 =	vadd.f32 v62, v0  }
0x2b6: {  	v7 =	vld [tilespmem:$0xC70]  }
0x2b7: {  	v0 =	vadd.f32 v63, v0  }
0x2b8: {  	v8 =	vld [tilespmem:$0xC80]  }
0x2b9: {  	v0 =	vadd.f32 v6, v0  }
0x2ba: {  	v9 =	vld [tilespmem:$0xC90]  }
0x2bb: {  	v0 =	vadd.f32 v7, v0  }
0x2bc: {  	v10 =	vld [tilespmem:$0xCA0]  }
0x2bd: {  	v0 =	vadd.f32 v8, v0  }
0x2be: {  	v11 =	vld [tilespmem:$0xCB0]  }
0x2bf: {  	v0 =	vadd.f32 v9, v0  }
0x2c0: {  	v12 =	vld [tilespmem:$0xCC0]  }
0x2c1: {  	v0 =	vadd.f32 v10, v0  }
0x2c2: {  	v13 =	vld [tilespmem:$0xCD0]  }
0x2c3: {  	v0 =	vadd.f32 v11, v0  }
0x2c4: {  	v14 =	vld [tilespmem:$0xCE0]  }
0x2c5: {  	v0 =	vadd.f32 v12, v0  }
0x2c6: {  	v15 =	vld [tilespmem:$0xCF0]  }
0x2c7: {  	v0 =	vadd.f32 v13, v0  }
0x2c8: {  	v16 =	vld [tilespmem:$0xD00]  }
0x2c9: {  	v0 =	vadd.f32 v14, v0  }
0x2ca: {  	v17 =	vld [tilespmem:$0xD10]  }
0x2cb: {  	v0 =	vadd.f32 v15, v0  }
0x2cc: {  	v18 =	vld [tilespmem:$0xD20]  }
0x2cd: {  	v0 =	vadd.f32 v16, v0  }
0x2ce: {  	v19 =	vld [tilespmem:$0xD30]  }
0x2cf: {  	v0 =	vadd.f32 v17, v0  }
0x2d0: {  	v20 =	vld [tilespmem:$0xD40]  }
0x2d1: {  	v0 =	vadd.f32 v18, v0  }
0x2d2: {  	v21 =	vld [tilespmem:$0xD50]  }
0x2d3: {  	v0 =	vadd.f32 v19, v0  }
0x2d4: {  	v22 =	vld [tilespmem:$0xD60]  }
0x2d5: {  	v0 =	vadd.f32 v20, v0  }
0x2d6: {  	v23 =	vld [tilespmem:$0xD70]  }
0x2d7: {  	v0 =	vadd.f32 v21, v0  }
0x2d8: {  	v24 =	vld [tilespmem:$0xD80]  }
0x2d9: {  	v0 =	vadd.f32 v22, v0  }
0x2da: {  	v25 =	vld [tilespmem:$0xD90]  }
0x2db: {  	v0 =	vadd.f32 v23, v0  }
0x2dc: {  	v26 =	vld [tilespmem:$0xDA0]  }
0x2dd: {  	v0 =	vadd.f32 v24, v0  }
0x2de: {  	v27 =	vld [tilespmem:$0xDB0]  }
0x2df: {  	v0 =	vadd.f32 v25, v0  }
0x2e0: {  	v28 =	vld [tilespmem:$0xDC0]  }
0x2e1: {  	v0 =	vadd.f32 v26, v0  }
0x2e2: {  	v29 =	vld [tilespmem:$0xDD0]  }
0x2e3: {  	v0 =	vadd.f32 v27, v0  }
0x2e4: {  	v30 =	vld [tilespmem:$0xDE0]  }
0x2e5: {  	v0 =	vadd.f32 v28, v0  }
0x2e6: {  	v31 =	vld [tilespmem:$0xDF0]  }
0x2e7: {  	v0 =	vadd.f32 v29, v0  }
0x2e8: {  	v32 =	vld [tilespmem:$0xE00]  }
0x2e9: {  	v0 =	vadd.f32 v30, v0  }
0x2ea: {  	v33 =	vld [tilespmem:$0xE10]  }
0x2eb: {  	v0 =	vadd.f32 v31, v0  }
0x2ec: {  	v34 =	vld [tilespmem:$0xE20]  }
0x2ed: {  	v0 =	vadd.f32 v32, v0  }
0x2ee: {  	v35 =	vld [tilespmem:$0xE30]  }
0x2ef: {  	v0 =	vadd.f32 v33, v0  }
0x2f0: {  	v36 =	vld [tilespmem:$0xE40]  }
0x2f1: {  	v0 =	vadd.f32 v34, v0  }
0x2f2: {  	v37 =	vld [tilespmem:$0xE50]  }
0x2f3: {  	v0 =	vadd.f32 v35, v0  }
0x2f4: {  	v38 =	vld [tilespmem:$0xE60]  }
0x2f5: {  	v0 =	vadd.f32 v36, v0  }
0x2f6: {  	v39 =	vld [tilespmem:$0xE70]  }
0x2f7: {  	v0 =	vadd.f32 v37, v0  }
0x2f8: {  	v40 =	vld [tilespmem:$0xE80]  }
0x2f9: {  	v0 =	vadd.f32 v38, v0  }
0x2fa: {  	v41 =	vld [tilespmem:$0xE90]  }
0x2fb: {  	v0 =	vadd.f32 v39, v0  }
0x2fc: {  	v42 =	vld [tilespmem:$0xEA0]  }
0x2fd: {  	v0 =	vadd.f32 v40, v0  }
0x2fe: {  	v43 =	vld [tilespmem:$0xEB0]  }
0x2ff: {  	v0 =	vadd.f32 v41, v0  }
0x300: {  	v44 =	vld [tilespmem:$0xEC0]  }
0x301: {  	v0 =	vadd.f32 v42, v0  }
0x302: {  	v45 =	vld [tilespmem:$0xED0]  }
0x303: {  	v0 =	vadd.f32 v43, v0  }
0x304: {  	v46 =	vld [tilespmem:$0xEE0]  }
0x305: {  	v0 =	vadd.f32 v44, v0  }
0x306: {  	v47 =	vld [tilespmem:$0xEF0]  }
0x307: {  	v0 =	vadd.f32 v45, v0  }
0x308: {  	v48 =	vld [tilespmem:$0xF00]  }
0x309: {  	v0 =	vadd.f32 v46, v0  }
0x30a: {  	v49 =	vld [tilespmem:$0xF10]  }
0x30b: {  	v0 =	vadd.f32 v47, v0  }
0x30c: {  	v50 =	vld [tilespmem:$0xF20]  }
0x30d: {  	v0 =	vadd.f32 v48, v0  }
0x30e: {  	v51 =	vld [tilespmem:$0xF30]  }
0x30f: {  	v0 =	vadd.f32 v49, v0  }
0x310: {  	v52 =	vld [tilespmem:$0xF40]  }
0x311: {  	v0 =	vadd.f32 v50, v0  }
0x312: {  	v53 =	vld [tilespmem:$0xF50]  }
0x313: {  	v0 =	vadd.f32 v51, v0  }
0x314: {  	v54 =	vld [tilespmem:$0xF60]  }
0x315: {  	v0 =	vadd.f32 v52, v0  }
0x316: {  	v55 =	vld [tilespmem:$0xF70]  }
0x317: {  	v0 =	vadd.f32 v53, v0  }
0x318: {  	v56 =	vld [tilespmem:$0xF80]  }
0x319: {  	v0 =	vadd.f32 v54, v0  }
0x31a: {  	v57 =	vld [tilespmem:$0xF90]  }
0x31b: {  	v0 =	vadd.f32 v55, v0  }
0x31c: {  	v58 =	vld [tilespmem:$0xFA0]  }
0x31d: {  	v0 =	vadd.f32 v56, v0  }
0x31e: {  	v59 =	vld [tilespmem:$0xFB0]  }
0x31f: {  	v0 =	vadd.f32 v57, v0  }
0x320: {  	v60 =	vld [tilespmem:$0xFC0]  }
0x321: {  	v0 =	vadd.f32 v58, v0  }
0x322: {  	v61 =	vld [tilespmem:$0xFD0]  }
0x323: {  	v0 =	vadd.f32 v59, v0  }
0x324: {  	v62 =	vld [tilespmem:$0xFE0]  }
0x325: {  	v0 =	vadd.f32 v60, v0  }
0x326: {  	v63 =	vld [tilespmem:$0xFF0]  }
0x327: {  	v0 =	vadd.f32 v61, v0;
	_ =	sdelay $0x1  }
0x328: {  	v0 =	vadd.f32 v62, v0;
	_ =	sdelay $0x1  }
0x329: {  	v0 =	vadd.f32 v63, v0  }
0x32a: {  	s28 =	sshll.u32 s2, $0x4;
	s29 =	simm.s32 $0x0  }
0x32b: {  	s30 =	simm.s32 $0xB100;
	s31 =	simm.s32 $0x2;
	s1 =	sadd.s32 s1, s28;
	[tilespmem:$0xB100] =	vst v0  }
0x32c: {  	[hbm4b:s1+s29] =	stream.linear.scatter [tilespmem:s30], [sflag:$0x2], $0x80, $0x38;
	[tilespmem:$0xB180] =	vst v63  }
0x32d: {  	_ =	swait.ge [sflag:s31], $0x80  }
0x32e: {  	[sflag:s31] =	ssyncset.done $0x0  }
0x32f: {  	[sflag:s31] =	ssyncadd.s32 $0xFFFFFF80  }
0x330: {  	_ =	sfence.sel $0x180000  }
0x331: {  	[bflag:$0x0] =	sbarrier.arrive $0xFFFF  }
0x332: {  	p0 =	sne.s32 s2, $0x0;
	_ =	strace $0x90000047  }
0x333: {  	s0 =	sadd.s32 @!p0 $0x100000, s0;
	[bflag:$0x2] =	sbarrier.arrive $0xFFFF  }
0x334: {  	[sflag:s0] =	ssyncadd.tile.s32 @!p0 $0x1;
	_ =	shalt  }
.Lfunc_end2:
_tile_overlayer_lowered:
.L_overlay_start_2:
0x335: {  	(tag) =	ssettag $0x2  }
0x336: {  	s0 =	rddreg [dreg:$0x0];
	s2 =	stileid.u32  }
0x337: {  	s1 =	rddreg [dreg:$0x1];
	p0 =	sne.s32 s2, $0x0  }
0x338: {  	s3 =	rddreg [dreg:$0x2];
	[bflag:$0x3] =	sbarrier.arrive $0xFFFF;
	s2 =	simm.s32 @!p0 $0x1C02  }
0x339: {  	[timem:s3], [sflag:s2] =	dma.local @!p0 [hbm:s0], s1  }
0x33a: {  	s0 =	simm.s32 @!p0 $0x2  }
0x33b: {  	_ =	swait.ge @!p0 [sflag:s0], s1  }
0x33c: {  	s1 =	ssub.s32 @!p0 $0x0, s1;
	[sflag:s0] =	ssyncset.done @!p0 $0x0  }
0x33d: {  	[sflag:s0] =	ssyncadd.s32 @!p0 s1  }
0x33e: {  	[bflag:$0x3] =	sbarrier.arrive $0xFFFF  }
0x33f: {  	_ =	shalt  }

</sc_bundles>
